<compile_context>
chip_gen: v7x
topology: tpu7x:2x2x1
jax: 0.10.2.dev20260603
libtpu: 0.0.44.dev20260713+nightly
codegen_flags: <defaults>
</compile_context>

<pallas_src>
import functools

import jax
import jax.numpy as jnp
from jax import lax
from jax.experimental import pallas as pl
from jax.experimental.pallas import tpu as pltpu
from jax.experimental.pallas import tpu_sc as plsc

_NR = 4


def _gather_mean(x, table):
    B, S = x.shape
    V, E = table.shape
    NC, NS = 2, 16
    NW = NC * NS
    rows_per_w = B // NW
    nvec = E // 16
    splits = ((0, 128), (128, S - 128))
    mesh = plsc.VectorSubcoreMesh(core_axis_name="c", subcore_axis_name="s")

    @functools.partial(
        pl.kernel,
        mesh=mesh,
        out_type=jax.ShapeDtypeStruct((B, E), jnp.float32),
        compiler_params=pltpu.CompilerParams(use_tc_tiling_on_sc=False),
        scratch_types=[
            pltpu.VMEM((rows_per_w, S), jnp.int32),
            pltpu.VMEM((_NR, S, E), jnp.float32),
            pltpu.VMEM((rows_per_w, E), jnp.float32),
        ]
        + [pltpu.SemaphoreType.DMA] * _NR,
    )
    def k(x_hbm, tab_hbm, out_hbm, idx_v, bufs, out_v, *sems):
        wid = lax.axis_index("s") * NC + lax.axis_index("c")
        rbase = wid * rows_per_w
        pltpu.sync_copy(x_hbm.at[pl.ds(rbase, rows_per_w)], idx_v)

        def fire(r, n):
            for lo, ln in splits:
                pltpu.make_async_copy(
                    tab_hbm.at[idx_v.at[r, pl.ds(lo, ln)]],
                    bufs.at[n, pl.ds(lo, ln)],
                    sems[n],
                ).start()

        def drain(n):
            for lo, ln in splits:
                pltpu.make_async_copy(
                    tab_hbm.at[idx_v.at[0, pl.ds(lo, ln)]],
                    bufs.at[n, pl.ds(lo, ln)],
                    sems[n],
                ).wait()

        def accum(n):
            buf = bufs.at[n]
            unroll = 8
            zero = jnp.zeros((16,), jnp.float32)

            def body(t, a):
                base = t * unroll
                for i in range(unroll):
                    a = tuple(
                        a[q] + buf[base + i, pl.ds(16 * q, 16)]
                        for q in range(nvec)
                    )
                return a

            return lax.fori_loop(0, S // unroll, body, (zero,) * nvec)

        scale = jnp.float32(1.0 / S)

        def do_row(r, n, do_fire):
            drain(n)
            accs = accum(n)
            if do_fire:
                fire(r + _NR, n)
            for q in range(nvec):
                out_v[r, pl.ds(16 * q, 16)] = accs[q] * scale

        for n in range(_NR):
            fire(n, n)

        def loop_body(g, _):
            for n in range(_NR):
                do_row(_NR * g + n, n, True)
            return 0

        lax.fori_loop(0, rows_per_w // _NR - 1, loop_body, 0)
        for n in range(_NR):
            do_row(rows_per_w - _NR + n, n, False)

        pltpu.sync_copy(out_v, out_hbm.at[pl.ds(rbase, rows_per_w)])

    return k(x, table)


def kernel(x, embedding_weight):
    return _gather_mean(x, embedding_weight)

# --- scband reference (transcript-rebuilt; emitter-appended) ---
"""Pipeline reference for scband-dan-model-13297218748819 (READ-ONLY COPY).

The authoritative reference and input builder live on the scoring server;
editing this copy changes nothing except your own understanding.
"""

import jax, jax.numpy as jnp
import numpy as np

VOCAB = 1000000
EMB = 64
BATCH = 4096
SEQ = 200

def setup_inputs(seed: int = 0) -> dict:
    key = jax.random.key(seed)
    k1, k2 = jax.random.split(key)
    x = jax.random.randint(k1, (BATCH, SEQ), 0, VOCAB, dtype=jnp.int32)
    # nn.Embedding default init: N(0, 1); self.layers is empty so only the table is learned
    embedding_weight = jax.random.normal(k2, (VOCAB, EMB), dtype=jnp.float32)
    return {"x": x, "embedding_weight": embedding_weight}

def reference(x, embedding_weight):
    # forward: x = embedding(x); x = mean(x, dim=1); layers is empty ModuleList
    h = jnp.take(embedding_weight, x, axis=0)   # [B, S, E] gather
    out = jnp.mean(h, axis=1)                    # [B, E]
    return out

if __name__ == "__main__":
    import jax
    _d = setup_inputs()
    print(jax.jit(kernel)(*tuple(_d.values())))

</pallas_src>

<mosaic_0001>
#map = affine_map<(d0, d1) -> (0, 0)>
module attributes {stable_mosaic.version = 14 : i64} {
  func.func @k(%arg0: i32, %arg1: i32, %arg2: memref<4096x200xi32, #tpu.memory_space<hbm>>, %arg3: memref<1000000x64xf32, #tpu.memory_space<hbm>>, %arg4: memref<4096x64xf32, #tpu.memory_space<hbm>>, %arg5: memref<128x200xi32, #tpu.memory_space<vmem>>, %arg6: memref<4x200x64xf32, #tpu.memory_space<vmem>>, %arg7: memref<128x64xf32, #tpu.memory_space<vmem>>, %arg8: memref<!tpu.dma_semaphore, #tpu.memory_space<semaphore_mem>>, %arg9: memref<!tpu.dma_semaphore, #tpu.memory_space<semaphore_mem>>, %arg10: memref<!tpu.dma_semaphore, #tpu.memory_space<semaphore_mem>>, %arg11: memref<!tpu.dma_semaphore, #tpu.memory_space<semaphore_mem>>) attributes {dimension_semantics = [#tpu.dimension_semantics<core_parallel>, #tpu.dimension_semantics<subcore_parallel>], iteration_bounds = array<i64: 2, 16>, scalar_prefetch = 0 : i64, scratch_operands = 7 : i64, tpu.core_type = #tpu.core_type<sc_vector_subcore>, window_params = [{transform_indices = #map}, {transform_indices = #map}, {transform_indices = #map}]} {
    %mul3A = arith.constant 2 : i32
    %mul3A_0 = arith.muli %arg1, %mul3A : i32
    %add3A = arith.addi %mul3A_0, %arg0 : i32
    %mul3A_1 = arith.constant 128 : i32
    %mul3A_2 = arith.muli %add3A, %mul3A_1 : i32
    "tpu.region"() ({
      %run_scoped3A = tpu.sem_alloc : memref<!tpu.dma_semaphore, #tpu.memory_space<semaphore_mem>>
      %dma_start3A_378 = arith.constant 0 : i32
      %dma_start3A_379 = tpu.memref_slice %arg2[%mul3A_2, %dma_start3A_378] : memref<4096x200xi32, #tpu.memory_space<hbm>> -> memref<128x200xi32, #tpu.memory_space<hbm>>
      %dma_start3A_380 = arith.constant 0 : i32
      %dma_start3A_381 = tpu.memref_slice %arg2[%mul3A_2, %dma_start3A_380] : memref<4096x200xi32, #tpu.memory_space<hbm>> -> memref<128x200xi32, #tpu.memory_space<hbm>>
      tpu.enqueue_dma source(%dma_start3A_381 : memref<128x200xi32, #tpu.memory_space<hbm>>) target(%arg5 : memref<128x200xi32, #tpu.memory_space<vmem>>) target_semaphore(%run_scoped3A : memref<!tpu.dma_semaphore, #tpu.memory_space<semaphore_mem>>)
      %dma_wait3A_382 = arith.constant 0 : i32
      %dma_wait3A_383 = tpu.memref_slice %arg2[%mul3A_2, %dma_wait3A_382] : memref<4096x200xi32, #tpu.memory_space<hbm>> -> memref<128x200xi32, #tpu.memory_space<hbm>>
      %dma_wait3A_384 = arith.constant 0 : i32
      %dma_wait3A_385 = tpu.memref_slice %arg2[%mul3A_2, %dma_wait3A_384] : memref<4096x200xi32, #tpu.memory_space<hbm>> -> memref<128x200xi32, #tpu.memory_space<hbm>>
      tpu.wait_dma2 semaphore(%run_scoped3A : memref<!tpu.dma_semaphore, #tpu.memory_space<semaphore_mem>>) src(%dma_wait3A_385 : memref<128x200xi32, #tpu.memory_space<hbm>>) dst(%arg5 : memref<128x200xi32, #tpu.memory_space<vmem>>)
      tpu.yield
    }) : () -> ()
    %dma_start3A = arith.constant 0 : i32
    %dma_start3A_3 = arith.constant 0 : i32
    %dma_start3A_4 = arith.constant 0 : i32
    %dma_start3A_5 = arith.constant 0 : i32
    %dma_start3A_6 = tpu.memref_slice %arg6[%dma_start3A_3, %dma_start3A_4, %dma_start3A_5] : memref<4x200x64xf32, #tpu.memory_space<vmem>> -> memref<1x128x64xf32, #tpu.memory_space<vmem>>
    %dma_start3A_7 = tpu.memref_squeeze %dma_start3A_6 : memref<1x128x64xf32, #tpu.memory_space<vmem>> -> memref<128x64xf32, #tpu.memory_space<vmem>>
    %dma_start3A_8 = arith.constant 0 : i32
    %dma_start3A_9 = tpu.memref_slice %arg5[%dma_start3A, %dma_start3A_8] : memref<128x200xi32, #tpu.memory_space<vmem>> -> memref<1x128xi32, #tpu.memory_space<vmem>>
    %dma_start3A_10 = tpu.memref_squeeze %dma_start3A_9 : memref<1x128xi32, #tpu.memory_space<vmem>> -> memref<128xi32, #tpu.memory_space<vmem>>
    %dma_start3A_11 = arith.constant 0 : i32
    %dma_start3A_12 = arith.constant 0 : i32
    %dma_start3A_13 = tpu.memref_slice %arg3[%dma_start3A_11, %dma_start3A_12] : memref<1000000x64xf32, #tpu.memory_space<hbm>> -> memref<1000000x64xf32, #tpu.memory_space<hbm>>
    tpu.enqueue_indirect_dma source(%dma_start3A_13 : memref<1000000x64xf32, #tpu.memory_space<hbm>>) target(%dma_start3A_7 : memref<128x64xf32, #tpu.memory_space<vmem>>) offsets(%dma_start3A_10 : memref<128xi32, #tpu.memory_space<vmem>>) semaphore(%arg8 : memref<!tpu.dma_semaphore, #tpu.memory_space<semaphore_mem>>)
    %dma_start3A_14 = arith.constant 0 : i32
    %dma_start3A_15 = arith.constant 0 : i32
    %dma_start3A_16 = arith.constant 128 : i32
    %dma_start3A_17 = arith.constant 0 : i32
    %dma_start3A_18 = tpu.memref_slice %arg6[%dma_start3A_15, %dma_start3A_16, %dma_start3A_17] : memref<4x200x64xf32, #tpu.memory_space<vmem>> -> memref<1x72x64xf32, #tpu.memory_space<vmem>>
    %dma_start3A_19 = tpu.memref_squeeze %dma_start3A_18 : memref<1x72x64xf32, #tpu.memory_space<vmem>> -> memref<72x64xf32, #tpu.memory_space<vmem>>
    %dma_start3A_20 = arith.constant 128 : i32
    %dma_start3A_21 = tpu.memref_slice %arg5[%dma_start3A_14, %dma_start3A_20] : memref<128x200xi32, #tpu.memory_space<vmem>> -> memref<1x72xi32, #tpu.memory_space<vmem>>
    %dma_start3A_22 = tpu.memref_squeeze %dma_start3A_21 : memref<1x72xi32, #tpu.memory_space<vmem>> -> memref<72xi32, #tpu.memory_space<vmem>>
    %dma_start3A_23 = arith.constant 0 : i32
    %dma_start3A_24 = arith.constant 0 : i32
    %dma_start3A_25 = tpu.memref_slice %arg3[%dma_start3A_23, %dma_start3A_24] : memref<1000000x64xf32, #tpu.memory_space<hbm>> -> memref<1000000x64xf32, #tpu.memory_space<hbm>>
    tpu.enqueue_indirect_dma source(%dma_start3A_25 : memref<1000000x64xf32, #tpu.memory_space<hbm>>) target(%dma_start3A_19 : memref<72x64xf32, #tpu.memory_space<vmem>>) offsets(%dma_start3A_22 : memref<72xi32, #tpu.memory_space<vmem>>) semaphore(%arg8 : memref<!tpu.dma_semaphore, #tpu.memory_space<semaphore_mem>>)
    %dma_start3A_26 = arith.constant 1 : i32
    %dma_start3A_27 = arith.constant 1 : i32
    %dma_start3A_28 = arith.constant 0 : i32
    %dma_start3A_29 = arith.constant 0 : i32
    %dma_start3A_30 = tpu.memref_slice %arg6[%dma_start3A_27, %dma_start3A_28, %dma_start3A_29] : memref<4x200x64xf32, #tpu.memory_space<vmem>> -> memref<1x128x64xf32, #tpu.memory_space<vmem>>
    %dma_start3A_31 = tpu.memref_squeeze %dma_start3A_30 : memref<1x128x64xf32, #tpu.memory_space<vmem>> -> memref<128x64xf32, #tpu.memory_space<vmem>>
    %dma_start3A_32 = arith.constant 0 : i32
    %dma_start3A_33 = tpu.memref_slice %arg5[%dma_start3A_26, %dma_start3A_32] : memref<128x200xi32, #tpu.memory_space<vmem>> -> memref<1x128xi32, #tpu.memory_space<vmem>>
    %dma_start3A_34 = tpu.memref_squeeze %dma_start3A_33 : memref<1x128xi32, #tpu.memory_space<vmem>> -> memref<128xi32, #tpu.memory_space<vmem>>
    %dma_start3A_35 = arith.constant 0 : i32
    %dma_start3A_36 = arith.constant 0 : i32
    %dma_start3A_37 = tpu.memref_slice %arg3[%dma_start3A_35, %dma_start3A_36] : memref<1000000x64xf32, #tpu.memory_space<hbm>> -> memref<1000000x64xf32, #tpu.memory_space<hbm>>
    tpu.enqueue_indirect_dma source(%dma_start3A_37 : memref<1000000x64xf32, #tpu.memory_space<hbm>>) target(%dma_start3A_31 : memref<128x64xf32, #tpu.memory_space<vmem>>) offsets(%dma_start3A_34 : memref<128xi32, #tpu.memory_space<vmem>>) semaphore(%arg9 : memref<!tpu.dma_semaphore, #tpu.memory_space<semaphore_mem>>)
    %dma_start3A_38 = arith.constant 1 : i32
    %dma_start3A_39 = arith.constant 1 : i32
    %dma_start3A_40 = arith.constant 128 : i32
    %dma_start3A_41 = arith.constant 0 : i32
    %dma_start3A_42 = tpu.memref_slice %arg6[%dma_start3A_39, %dma_start3A_40, %dma_start3A_41] : memref<4x200x64xf32, #tpu.memory_space<vmem>> -> memref<1x72x64xf32, #tpu.memory_space<vmem>>
    %dma_start3A_43 = tpu.memref_squeeze %dma_start3A_42 : memref<1x72x64xf32, #tpu.memory_space<vmem>> -> memref<72x64xf32, #tpu.memory_space<vmem>>
    %dma_start3A_44 = arith.constant 128 : i32
    %dma_start3A_45 = tpu.memref_slice %arg5[%dma_start3A_38, %dma_start3A_44] : memref<128x200xi32, #tpu.memory_space<vmem>> -> memref<1x72xi32, #tpu.memory_space<vmem>>
    %dma_start3A_46 = tpu.memref_squeeze %dma_start3A_45 : memref<1x72xi32, #tpu.memory_space<vmem>> -> memref<72xi32, #tpu.memory_space<vmem>>
    %dma_start3A_47 = arith.constant 0 : i32
    %dma_start3A_48 = arith.constant 0 : i32
    %dma_start3A_49 = tpu.memref_slice %arg3[%dma_start3A_47, %dma_start3A_48] : memref<1000000x64xf32, #tpu.memory_space<hbm>> -> memref<1000000x64xf32, #tpu.memory_space<hbm>>
    tpu.enqueue_indirect_dma source(%dma_start3A_49 : memref<1000000x64xf32, #tpu.memory_space<hbm>>) target(%dma_start3A_43 : memref<72x64xf32, #tpu.memory_space<vmem>>) offsets(%dma_start3A_46 : memref<72xi32, #tpu.memory_space<vmem>>) semaphore(%arg9 : memref<!tpu.dma_semaphore, #tpu.memory_space<semaphore_mem>>)
    %dma_start3A_50 = arith.constant 2 : i32
    %dma_start3A_51 = arith.constant 2 : i32
    %dma_start3A_52 = arith.constant 0 : i32
    %dma_start3A_53 = arith.constant 0 : i32
    %dma_start3A_54 = tpu.memref_slice %arg6[%dma_start3A_51, %dma_start3A_52, %dma_start3A_53] : memref<4x200x64xf32, #tpu.memory_space<vmem>> -> memref<1x128x64xf32, #tpu.memory_space<vmem>>
    %dma_start3A_55 = tpu.memref_squeeze %dma_start3A_54 : memref<1x128x64xf32, #tpu.memory_space<vmem>> -> memref<128x64xf32, #tpu.memory_space<vmem>>
    %dma_start3A_56 = arith.constant 0 : i32
    %dma_start3A_57 = tpu.memref_slice %arg5[%dma_start3A_50, %dma_start3A_56] : memref<128x200xi32, #tpu.memory_space<vmem>> -> memref<1x128xi32, #tpu.memory_space<vmem>>
    %dma_start3A_58 = tpu.memref_squeeze %dma_start3A_57 : memref<1x128xi32, #tpu.memory_space<vmem>> -> memref<128xi32, #tpu.memory_space<vmem>>
    %dma_start3A_59 = arith.constant 0 : i32
    %dma_start3A_60 = arith.constant 0 : i32
    %dma_start3A_61 = tpu.memref_slice %arg3[%dma_start3A_59, %dma_start3A_60] : memref<1000000x64xf32, #tpu.memory_space<hbm>> -> memref<1000000x64xf32, #tpu.memory_space<hbm>>
    tpu.enqueue_indirect_dma source(%dma_start3A_61 : memref<1000000x64xf32, #tpu.memory_space<hbm>>) target(%dma_start3A_55 : memref<128x64xf32, #tpu.memory_space<vmem>>) offsets(%dma_start3A_58 : memref<128xi32, #tpu.memory_space<vmem>>) semaphore(%arg10 : memref<!tpu.dma_semaphore, #tpu.memory_space<semaphore_mem>>)
    %dma_start3A_62 = arith.constant 2 : i32
    %dma_start3A_63 = arith.constant 2 : i32
    %dma_start3A_64 = arith.constant 128 : i32
    %dma_start3A_65 = arith.constant 0 : i32
    %dma_start3A_66 = tpu.memref_slice %arg6[%dma_start3A_63, %dma_start3A_64, %dma_start3A_65] : memref<4x200x64xf32, #tpu.memory_space<vmem>> -> memref<1x72x64xf32, #tpu.memory_space<vmem>>
    %dma_start3A_67 = tpu.memref_squeeze %dma_start3A_66 : memref<1x72x64xf32, #tpu.memory_space<vmem>> -> memref<72x64xf32, #tpu.memory_space<vmem>>
    %dma_start3A_68 = arith.constant 128 : i32
    %dma_start3A_69 = tpu.memref_slice %arg5[%dma_start3A_62, %dma_start3A_68] : memref<128x200xi32, #tpu.memory_space<vmem>> -> memref<1x72xi32, #tpu.memory_space<vmem>>
    %dma_start3A_70 = tpu.memref_squeeze %dma_start3A_69 : memref<1x72xi32, #tpu.memory_space<vmem>> -> memref<72xi32, #tpu.memory_space<vmem>>
    %dma_start3A_71 = arith.constant 0 : i32
    %dma_start3A_72 = arith.constant 0 : i32
    %dma_start3A_73 = tpu.memref_slice %arg3[%dma_start3A_71, %dma_start3A_72] : memref<1000000x64xf32, #tpu.memory_space<hbm>> -> memref<1000000x64xf32, #tpu.memory_space<hbm>>
    tpu.enqueue_indirect_dma source(%dma_start3A_73 : memref<1000000x64xf32, #tpu.memory_space<hbm>>) target(%dma_start3A_67 : memref<72x64xf32, #tpu.memory_space<vmem>>) offsets(%dma_start3A_70 : memref<72xi32, #tpu.memory_space<vmem>>) semaphore(%arg10 : memref<!tpu.dma_semaphore, #tpu.memory_space<semaphore_mem>>)
    %dma_start3A_74 = arith.constant 3 : i32
    %dma_start3A_75 = arith.constant 3 : i32
    %dma_start3A_76 = arith.constant 0 : i32
    %dma_start3A_77 = arith.constant 0 : i32
    %dma_start3A_78 = tpu.memref_slice %arg6[%dma_start3A_75, %dma_start3A_76, %dma_start3A_77] : memref<4x200x64xf32, #tpu.memory_space<vmem>> -> memref<1x128x64xf32, #tpu.memory_space<vmem>>
    %dma_start3A_79 = tpu.memref_squeeze %dma_start3A_78 : memref<1x128x64xf32, #tpu.memory_space<vmem>> -> memref<128x64xf32, #tpu.memory_space<vmem>>
    %dma_start3A_80 = arith.constant 0 : i32
    %dma_start3A_81 = tpu.memref_slice %arg5[%dma_start3A_74, %dma_start3A_80] : memref<128x200xi32, #tpu.memory_space<vmem>> -> memref<1x128xi32, #tpu.memory_space<vmem>>
    %dma_start3A_82 = tpu.memref_squeeze %dma_start3A_81 : memref<1x128xi32, #tpu.memory_space<vmem>> -> memref<128xi32, #tpu.memory_space<vmem>>
    %dma_start3A_83 = arith.constant 0 : i32
    %dma_start3A_84 = arith.constant 0 : i32
    %dma_start3A_85 = tpu.memref_slice %arg3[%dma_start3A_83, %dma_start3A_84] : memref<1000000x64xf32, #tpu.memory_space<hbm>> -> memref<1000000x64xf32, #tpu.memory_space<hbm>>
    tpu.enqueue_indirect_dma source(%dma_start3A_85 : memref<1000000x64xf32, #tpu.memory_space<hbm>>) target(%dma_start3A_79 : memref<128x64xf32, #tpu.memory_space<vmem>>) offsets(%dma_start3A_82 : memref<128xi32, #tpu.memory_space<vmem>>) semaphore(%arg11 : memref<!tpu.dma_semaphore, #tpu.memory_space<semaphore_mem>>)
    %dma_start3A_86 = arith.constant 3 : i32
    %dma_start3A_87 = arith.constant 3 : i32
    %dma_start3A_88 = arith.constant 128 : i32
    %dma_start3A_89 = arith.constant 0 : i32
    %dma_start3A_90 = tpu.memref_slice %arg6[%dma_start3A_87, %dma_start3A_88, %dma_start3A_89] : memref<4x200x64xf32, #tpu.memory_space<vmem>> -> memref<1x72x64xf32, #tpu.memory_space<vmem>>
    %dma_start3A_91 = tpu.memref_squeeze %dma_start3A_90 : memref<1x72x64xf32, #tpu.memory_space<vmem>> -> memref<72x64xf32, #tpu.memory_space<vmem>>
    %dma_start3A_92 = arith.constant 128 : i32
    %dma_start3A_93 = tpu.memref_slice %arg5[%dma_start3A_86, %dma_start3A_92] : memref<128x200xi32, #tpu.memory_space<vmem>> -> memref<1x72xi32, #tpu.memory_space<vmem>>
    %dma_start3A_94 = tpu.memref_squeeze %dma_start3A_93 : memref<1x72xi32, #tpu.memory_space<vmem>> -> memref<72xi32, #tpu.memory_space<vmem>>
    %dma_start3A_95 = arith.constant 0 : i32
    %dma_start3A_96 = arith.constant 0 : i32
    %dma_start3A_97 = tpu.memref_slice %arg3[%dma_start3A_95, %dma_start3A_96] : memref<1000000x64xf32, #tpu.memory_space<hbm>> -> memref<1000000x64xf32, #tpu.memory_space<hbm>>
    tpu.enqueue_indirect_dma source(%dma_start3A_97 : memref<1000000x64xf32, #tpu.memory_space<hbm>>) target(%dma_start3A_91 : memref<72x64xf32, #tpu.memory_space<vmem>>) offsets(%dma_start3A_94 : memref<72xi32, #tpu.memory_space<vmem>>) semaphore(%arg11 : memref<!tpu.dma_semaphore, #tpu.memory_space<semaphore_mem>>)
    %scan3A = arith.constant 5.000000e-03 : f32
    %scan3A_98 = arith.constant 0 : i32
    %scan3A_99 = arith.constant 0 : i32
    %scan3A_100 = arith.constant 31 : i32
    %scan3A_101 = arith.addi %scan3A_99, %scan3A_100 : i32
    %scan3A_102 = arith.constant 1 : i32
    %scan3A_103 = scf.for %scan3A_378 = %scan3A_99 to %scan3A_101 step %scan3A_102 iter_args(%scan3A_379 = %scan3A_98) -> (i32)  : i32 {
      %mul3A_380 = arith.constant 4 : i32
      %mul3A_381 = arith.muli %mul3A_380, %scan3A_378 : i32
      %add3A_382 = arith.constant 0 : i32
      %add3A_383 = arith.addi %mul3A_381, %add3A_382 : i32
      %dma_wait3A_384 = arith.constant 0 : i32
      %dma_wait3A_385 = arith.constant 0 : i32
      %dma_wait3A_386 = arith.constant 0 : i32
      %dma_wait3A_387 = arith.constant 0 : i32
      %dma_wait3A_388 = tpu.memref_slice %arg6[%dma_wait3A_385, %dma_wait3A_386, %dma_wait3A_387] : memref<4x200x64xf32, #tpu.memory_space<vmem>> -> memref<1x128x64xf32, #tpu.memory_space<vmem>>
      %dma_wait3A_389 = tpu.memref_squeeze %dma_wait3A_388 : memref<1x128x64xf32, #tpu.memory_space<vmem>> -> memref<128x64xf32, #tpu.memory_space<vmem>>
      %dma_wait3A_390 = arith.constant 0 : i32
      %dma_wait3A_391 = tpu.memref_slice %arg5[%dma_wait3A_384, %dma_wait3A_390] : memref<128x200xi32, #tpu.memory_space<vmem>> -> memref<1x128xi32, #tpu.memory_space<vmem>>
      %dma_wait3A_392 = tpu.memref_squeeze %dma_wait3A_391 : memref<1x128xi32, #tpu.memory_space<vmem>> -> memref<128xi32, #tpu.memory_space<vmem>>
      %dma_wait3A_393 = arith.constant 0 : i32
      %dma_wait3A_394 = arith.constant 0 : i32
      %dma_wait3A_395 = tpu.memref_slice %arg3[%dma_wait3A_393, %dma_wait3A_394] : memref<1000000x64xf32, #tpu.memory_space<hbm>> -> memref<1000000x64xf32, #tpu.memory_space<hbm>>
      tpu.wait_indirect_dma semaphore(%arg8 : memref<!tpu.dma_semaphore, #tpu.memory_space<semaphore_mem>>) src(%dma_wait3A_395 : memref<1000000x64xf32, #tpu.memory_space<hbm>>) dst(%dma_wait3A_389 : memref<128x64xf32, #tpu.memory_space<vmem>>)
      %dma_wait3A_396 = arith.constant 0 : i32
      %dma_wait3A_397 = arith.constant 0 : i32
      %dma_wait3A_398 = arith.constant 128 : i32
      %dma_wait3A_399 = arith.constant 0 : i32
      %dma_wait3A_400 = tpu.memref_slice %arg6[%dma_wait3A_397, %dma_wait3A_398, %dma_wait3A_399] : memref<4x200x64xf32, #tpu.memory_space<vmem>> -> memref<1x72x64xf32, #tpu.memory_space<vmem>>
      %dma_wait3A_401 = tpu.memref_squeeze %dma_wait3A_400 : memref<1x72x64xf32, #tpu.memory_space<vmem>> -> memref<72x64xf32, #tpu.memory_space<vmem>>
      %dma_wait3A_402 = arith.constant 128 : i32
      %dma_wait3A_403 = tpu.memref_slice %arg5[%dma_wait3A_396, %dma_wait3A_402] : memref<128x200xi32, #tpu.memory_space<vmem>> -> memref<1x72xi32, #tpu.memory_space<vmem>>
      %dma_wait3A_404 = tpu.memref_squeeze %dma_wait3A_403 : memref<1x72xi32, #tpu.memory_space<vmem>> -> memref<72xi32, #tpu.memory_space<vmem>>
      %dma_wait3A_405 = arith.constant 0 : i32
      %dma_wait3A_406 = arith.constant 0 : i32
      %dma_wait3A_407 = tpu.memref_slice %arg3[%dma_wait3A_405, %dma_wait3A_406] : memref<1000000x64xf32, #tpu.memory_space<hbm>> -> memref<1000000x64xf32, #tpu.memory_space<hbm>>
      tpu.wait_indirect_dma semaphore(%arg8 : memref<!tpu.dma_semaphore, #tpu.memory_space<semaphore_mem>>) src(%dma_wait3A_407 : memref<1000000x64xf32, #tpu.memory_space<hbm>>) dst(%dma_wait3A_401 : memref<72x64xf32, #tpu.memory_space<vmem>>)
      %broadcast_in_dim3A_408 = arith.constant 0.000000e+00 : f32
      %broadcast_in_dim3A_409 = vector.broadcast %broadcast_in_dim3A_408 : f32 to vector<16xf32>
      %scan3A_410 = arith.constant 0 : i32
      %scan3A_411 = arith.constant 0 : i32
      %scan3A_412 = arith.constant 25 : i32
      %scan3A_413 = arith.addi %scan3A_411, %scan3A_412 : i32
      %scan3A_414 = arith.constant 1 : i32
      %scan3A_415:4 = scf.for %scan3A_737 = %scan3A_411 to %scan3A_413 step %scan3A_414 iter_args(%scan3A_738 = %broadcast_in_dim3A_409, %scan3A_739 = %broadcast_in_dim3A_409, %scan3A_740 = %broadcast_in_dim3A_409, %scan3A_741 = %broadcast_in_dim3A_409) -> (vector<16xf32>, vector<16xf32>, vector<16xf32>, vector<16xf32>)  : i32 {
        %mul3A_742 = arith.constant 8 : i32
        %mul3A_743 = arith.muli %scan3A_737, %mul3A_742 : i32
        %add3A_744 = arith.constant 0 : i32
        %add3A_745 = arith.addi %mul3A_743, %add3A_744 : i32
        %get3A = arith.constant 0 : i32
        %get3A_746 = arith.constant 0 : i32
        %get3A_747 = tpu.memref_slice %arg6[%scan3A_410, %get3A, %get3A_746] : memref<4x200x64xf32, #tpu.memory_space<vmem>> -> memref<1x200x64xf32, #tpu.memory_space<vmem>>
        %get3A_748 = tpu.memref_squeeze %get3A_747 : memref<1x200x64xf32, #tpu.memory_space<vmem>> -> memref<200x64xf32, #tpu.memory_space<vmem>>
        %get3A_749 = arith.index_cast %add3A_745 : i32 to index
        %get3A_750 = arith.constant 0 : index
        %get3A_751 = tpu.vector_load %get3A_748[%get3A_749, %get3A_750] {strides = array<i32>} : memref<200x64xf32, #tpu.memory_space<vmem>>, vector<1x16xf32>,
        %get3A_752 = vector.shape_cast %get3A_751 : vector<1x16xf32> to vector<16xf32>
        %add3A_753 = arith.addf %scan3A_738, %get3A_752 : vector<16xf32>
        %add3A_754 = arith.constant 0 : i32
        %add3A_755 = arith.addi %mul3A_743, %add3A_754 : i32
        %get3A_756 = arith.constant 0 : i32
        %get3A_757 = arith.constant 0 : i32
        %get3A_758 = tpu.memref_slice %arg6[%scan3A_410, %get3A_756, %get3A_757] : memref<4x200x64xf32, #tpu.memory_space<vmem>> -> memref<1x200x64xf32, #tpu.memory_space<vmem>>
        %get3A_759 = tpu.memref_squeeze %get3A_758 : memref<1x200x64xf32, #tpu.memory_space<vmem>> -> memref<200x64xf32, #tpu.memory_space<vmem>>
        %get3A_760 = arith.index_cast %add3A_755 : i32 to index
        %get3A_761 = arith.constant 16 : index
        %get3A_762 = tpu.vector_load %get3A_759[%get3A_760, %get3A_761] {strides = array<i32>} : memref<200x64xf32, #tpu.memory_space<vmem>>, vector<1x16xf32>,
        %get3A_763 = vector.shape_cast %get3A_762 : vector<1x16xf32> to vector<16xf32>
        %add3A_764 = arith.addf %scan3A_739, %get3A_763 : vector<16xf32>
        %add3A_765 = arith.constant 0 : i32
        %add3A_766 = arith.addi %mul3A_743, %add3A_765 : i32
        %get3A_767 = arith.constant 0 : i32
        %get3A_768 = arith.constant 0 : i32
        %get3A_769 = tpu.memref_slice %arg6[%scan3A_410, %get3A_767, %get3A_768] : memref<4x200x64xf32, #tpu.memory_space<vmem>> -> memref<1x200x64xf32, #tpu.memory_space<vmem>>
        %get3A_770 = tpu.memref_squeeze %get3A_769 : memref<1x200x64xf32, #tpu.memory_space<vmem>> -> memref<200x64xf32, #tpu.memory_space<vmem>>
        %get3A_771 = arith.index_cast %add3A_766 : i32 to index
        %get3A_772 = arith.constant 32 : index
        %get3A_773 = tpu.vector_load %get3A_770[%get3A_771, %get3A_772] {strides = array<i32>} : memref<200x64xf32, #tpu.memory_space<vmem>>, vector<1x16xf32>,
        %get3A_774 = vector.shape_cast %get3A_773 : vector<1x16xf32> to vector<16xf32>
        %add3A_775 = arith.addf %scan3A_740, %get3A_774 : vector<16xf32>
        %add3A_776 = arith.constant 0 : i32
        %add3A_777 = arith.addi %mul3A_743, %add3A_776 : i32
        %get3A_778 = arith.constant 0 : i32
        %get3A_779 = arith.constant 0 : i32
        %get3A_780 = tpu.memref_slice %arg6[%scan3A_410, %get3A_778, %get3A_779] : memref<4x200x64xf32, #tpu.memory_space<vmem>> -> memref<1x200x64xf32, #tpu.memory_space<vmem>>
        %get3A_781 = tpu.memref_squeeze %get3A_780 : memref<1x200x64xf32, #tpu.memory_space<vmem>> -> memref<200x64xf32, #tpu.memory_space<vmem>>
        %get3A_782 = arith.index_cast %add3A_777 : i32 to index
        %get3A_783 = arith.constant 48 : index
        %get3A_784 = tpu.vector_load %get3A_781[%get3A_782, %get3A_783] {strides = array<i32>} : memref<200x64xf32, #tpu.memory_space<vmem>>, vector<1x16xf32>,
        %get3A_785 = vector.shape_cast %get3A_784 : vector<1x16xf32> to vector<16xf32>
        %add3A_786 = arith.addf %scan3A_741, %get3A_785 : vector<16xf32>
        %add3A_787 = arith.constant 1 : i32
        %add3A_788 = arith.addi %mul3A_743, %add3A_787 : i32
        %get3A_789 = arith.constant 0 : i32
        %get3A_790 = arith.constant 0 : i32
        %get3A_791 = tpu.memref_slice %arg6[%scan3A_410, %get3A_789, %get3A_790] : memref<4x200x64xf32, #tpu.memory_space<vmem>> -> memref<1x200x64xf32, #tpu.memory_space<vmem>>
        %get3A_792 = tpu.memref_squeeze %get3A_791 : memref<1x200x64xf32, #tpu.memory_space<vmem>> -> memref<200x64xf32, #tpu.memory_space<vmem>>
        %get3A_793 = arith.index_cast %add3A_788 : i32 to index
        %get3A_794 = arith.constant 0 : index
        %get3A_795 = tpu.vector_load %get3A_792[%get3A_793, %get3A_794] {strides = array<i32>} : memref<200x64xf32, #tpu.memory_space<vmem>>, vector<1x16xf32>,
        %get3A_796 = vector.shape_cast %get3A_795 : vector<1x16xf32> to vector<16xf32>
        %add3A_797 = arith.addf %add3A_753, %get3A_796 : vector<16xf32>
        %add3A_798 = arith.constant 1 : i32
        %add3A_799 = arith.addi %mul3A_743, %add3A_798 : i32
        %get3A_800 = arith.constant 0 : i32
        %get3A_801 = arith.constant 0 : i32
        %get3A_802 = tpu.memref_slice %arg6[%scan3A_410, %get3A_800, %get3A_801] : memref<4x200x64xf32, #tpu.memory_space<vmem>> -> memref<1x200x64xf32, #tpu.memory_space<vmem>>
        %get3A_803 = tpu.memref_squeeze %get3A_802 : memref<1x200x64xf32, #tpu.memory_space<vmem>> -> memref<200x64xf32, #tpu.memory_space<vmem>>
        %get3A_804 = arith.index_cast %add3A_799 : i32 to index
        %get3A_805 = arith.constant 16 : index
        %get3A_806 = tpu.vector_load %get3A_803[%get3A_804, %get3A_805] {strides = array<i32>} : memref<200x64xf32, #tpu.memory_space<vmem>>, vector<1x16xf32>,
        %get3A_807 = vector.shape_cast %get3A_806 : vector<1x16xf32> to vector<16xf32>
        %add3A_808 = arith.addf %add3A_764, %get3A_807 : vector<16xf32>
        %add3A_809 = arith.constant 1 : i32
        %add3A_810 = arith.addi %mul3A_743, %add3A_809 : i32
        %get3A_811 = arith.constant 0 : i32
        %get3A_812 = arith.constant 0 : i32
        %get3A_813 = tpu.memref_slice %arg6[%scan3A_410, %get3A_811, %get3A_812] : memref<4x200x64xf32, #tpu.memory_space<vmem>> -> memref<1x200x64xf32, #tpu.memory_space<vmem>>
        %get3A_814 = tpu.memref_squeeze %get3A_813 : memref<1x200x64xf32, #tpu.memory_space<vmem>> -> memref<200x64xf32, #tpu.memory_space<vmem>>
        %get3A_815 = arith.index_cast %add3A_810 : i32 to index
        %get3A_816 = arith.constant 32 : index
        %get3A_817 = tpu.vector_load %get3A_814[%get3A_815, %get3A_816] {strides = array<i32>} : memref<200x64xf32, #tpu.memory_space<vmem>>, vector<1x16xf32>,
        %get3A_818 = vector.shape_cast %get3A_817 : vector<1x16xf32> to vector<16xf32>
        %add3A_819 = arith.addf %add3A_775, %get3A_818 : vector<16xf32>
        %add3A_820 = arith.constant 1 : i32
        %add3A_821 = arith.addi %mul3A_743, %add3A_820 : i32
        %get3A_822 = arith.constant 0 : i32
        %get3A_823 = arith.constant 0 : i32
        %get3A_824 = tpu.memref_slice %arg6[%scan3A_410, %get3A_822, %get3A_823] : memref<4x200x64xf32, #tpu.memory_space<vmem>> -> memref<1x200x64xf32, #tpu.memory_space<vmem>>
        %get3A_825 = tpu.memref_squeeze %get3A_824 : memref<1x200x64xf32, #tpu.memory_space<vmem>> -> memref<200x64xf32, #tpu.memory_space<vmem>>
        %get3A_826 = arith.index_cast %add3A_821 : i32 to index
        %get3A_827 = arith.constant 48 : index
        %get3A_828 = tpu.vector_load %get3A_825[%get3A_826, %get3A_827] {strides = array<i32>} : memref<200x64xf32, #tpu.memory_space<vmem>>, vector<1x16xf32>,
        %get3A_829 = vector.shape_cast %get3A_828 : vector<1x16xf32> to vector<16xf32>
        %add3A_830 = arith.addf %add3A_786, %get3A_829 : vector<16xf32>
        %add3A_831 = arith.constant 2 : i32
        %add3A_832 = arith.addi %mul3A_743, %add3A_831 : i32
        %get3A_833 = arith.constant 0 : i32
        %get3A_834 = arith.constant 0 : i32
        %get3A_835 = tpu.memref_slice %arg6[%scan3A_410, %get3A_833, %get3A_834] : memref<4x200x64xf32, #tpu.memory_space<vmem>> -> memref<1x200x64xf32, #tpu.memory_space<vmem>>
        %get3A_836 = tpu.memref_squeeze %get3A_835 : memref<1x200x64xf32, #tpu.memory_space<vmem>> -> memref<200x64xf32, #tpu.memory_space<vmem>>
        %get3A_837 = arith.index_cast %add3A_832 : i32 to index
        %get3A_838 = arith.constant 0 : index
        %get3A_839 = tpu.vector_load %get3A_836[%get3A_837, %get3A_838] {strides = array<i32>} : memref<200x64xf32, #tpu.memory_space<vmem>>, vector<1x16xf32>,
        %get3A_840 = vector.shape_cast %get3A_839 : vector<1x16xf32> to vector<16xf32>
        %add3A_841 = arith.addf %add3A_797, %get3A_840 : vector<16xf32>
        %add3A_842 = arith.constant 2 : i32
        %add3A_843 = arith.addi %mul3A_743, %add3A_842 : i32
        %get3A_844 = arith.constant 0 : i32
        %get3A_845 = arith.constant 0 : i32
        %get3A_846 = tpu.memref_slice %arg6[%scan3A_410, %get3A_844, %get3A_845] : memref<4x200x64xf32, #tpu.memory_space<vmem>> -> memref<1x200x64xf32, #tpu.memory_space<vmem>>
        %get3A_847 = tpu.memref_squeeze %get3A_846 : memref<1x200x64xf32, #tpu.memory_space<vmem>> -> memref<200x64xf32, #tpu.memory_space<vmem>>
        %get3A_848 = arith.index_cast %add3A_843 : i32 to index
        %get3A_849 = arith.constant 16 : index
        %get3A_850 = tpu.vector_load %get3A_847[%get3A_848, %get3A_849] {strides = array<i32>} : memref<200x64xf32, #tpu.memory_space<vmem>>, vector<1x16xf32>,
        %get3A_851 = vector.shape_cast %get3A_850 : vector<1x16xf32> to vector<16xf32>
        %add3A_852 = arith.addf %add3A_808, %get3A_851 : vector<16xf32>
        %add3A_853 = arith.constant 2 : i32
        %add3A_854 = arith.addi %mul3A_743, %add3A_853 : i32
        %get3A_855 = arith.constant 0 : i32
        %get3A_856 = arith.constant 0 : i32
        %get3A_857 = tpu.memref_slice %arg6[%scan3A_410, %get3A_855, %get3A_856] : memref<4x200x64xf32, #tpu.memory_space<vmem>> -> memref<1x200x64xf32, #tpu.memory_space<vmem>>
        %get3A_858 = tpu.memref_squeeze %get3A_857 : memref<1x200x64xf32, #tpu.memory_space<vmem>> -> memref<200x64xf32, #tpu.memory_space<vmem>>
        %get3A_859 = arith.index_cast %add3A_854 : i32 to index
        %get3A_860 = arith.constant 32 : index
        %get3A_861 = tpu.vector_load %get3A_858[%get3A_859, %get3A_860] {strides = array<i32>} : memref<200x64xf32, #tpu.memory_space<vmem>>, vector<1x16xf32>,
        %get3A_862 = vector.shape_cast %get3A_861 : vector<1x16xf32> to vector<16xf32>
        %add3A_863 = arith.addf %add3A_819, %get3A_862 : vector<16xf32>
        %add3A_864 = arith.constant 2 : i32
        %add3A_865 = arith.addi %mul3A_743, %add3A_864 : i32
        %get3A_866 = arith.constant 0 : i32
        %get3A_867 = arith.constant 0 : i32
        %get3A_868 = tpu.memref_slice %arg6[%scan3A_410, %get3A_866, %get3A_867] : memref<4x200x64xf32, #tpu.memory_space<vmem>> -> memref<1x200x64xf32, #tpu.memory_space<vmem>>
        %get3A_869 = tpu.memref_squeeze %get3A_868 : memref<1x200x64xf32, #tpu.memory_space<vmem>> -> memref<200x64xf32, #tpu.memory_space<vmem>>
        %get3A_870 = arith.index_cast %add3A_865 : i32 to index
        %get3A_871 = arith.constant 48 : index
        %get3A_872 = tpu.vector_load %get3A_869[%get3A_870, %get3A_871] {strides = array<i32>} : memref<200x64xf32, #tpu.memory_space<vmem>>, vector<1x16xf32>,
        %get3A_873 = vector.shape_cast %get3A_872 : vector<1x16xf32> to vector<16xf32>
        %add3A_874 = arith.addf %add3A_830, %get3A_873 : vector<16xf32>
        %add3A_875 = arith.constant 3 : i32
        %add3A_876 = arith.addi %mul3A_743, %add3A_875 : i32
        %get3A_877 = arith.constant 0 : i32
        %get3A_878 = arith.constant 0 : i32
        %get3A_879 = tpu.memref_slice %arg6[%scan3A_410, %get3A_877, %get3A_878] : memref<4x200x64xf32, #tpu.memory_space<vmem>> -> memref<1x200x64xf32, #tpu.memory_space<vmem>>
        %get3A_880 = tpu.memref_squeeze %get3A_879 : memref<1x200x64xf32, #tpu.memory_space<vmem>> -> memref<200x64xf32, #tpu.memory_space<vmem>>
        %get3A_881 = arith.index_cast %add3A_876 : i32 to index
        %get3A_882 = arith.constant 0 : index
        %get3A_883 = tpu.vector_load %get3A_880[%get3A_881, %get3A_882] {strides = array<i32>} : memref<200x64xf32, #tpu.memory_space<vmem>>, vector<1x16xf32>,
        %get3A_884 = vector.shape_cast %get3A_883 : vector<1x16xf32> to vector<16xf32>
        %add3A_885 = arith.addf %add3A_841, %get3A_884 : vector<16xf32>
        %add3A_886 = arith.constant 3 : i32
        %add3A_887 = arith.addi %mul3A_743, %add3A_886 : i32
        %get3A_888 = arith.constant 0 : i32
        %get3A_889 = arith.constant 0 : i32
        %get3A_890 = tpu.memref_slice %arg6[%scan3A_410, %get3A_888, %get3A_889] : memref<4x200x64xf32, #tpu.memory_space<vmem>> -> memref<1x200x64xf32, #tpu.memory_space<vmem>>
        %get3A_891 = tpu.memref_squeeze %get3A_890 : memref<1x200x64xf32, #tpu.memory_space<vmem>> -> memref<200x64xf32, #tpu.memory_space<vmem>>
        %get3A_892 = arith.index_cast %add3A_887 : i32 to index
        %get3A_893 = arith.constant 16 : index
        %get3A_894 = tpu.vector_load %get3A_891[%get3A_892, %get3A_893] {strides = array<i32>} : memref<200x64xf32, #tpu.memory_space<vmem>>, vector<1x16xf32>,
        %get3A_895 = vector.shape_cast %get3A_894 : vector<1x16xf32> to vector<16xf32>
        %add3A_896 = arith.addf %add3A_852, %get3A_895 : vector<16xf32>
        %add3A_897 = arith.constant 3 : i32
        %add3A_898 = arith.addi %mul3A_743, %add3A_897 : i32
        %get3A_899 = arith.constant 0 : i32
        %get3A_900 = arith.constant 0 : i32
        %get3A_901 = tpu.memref_slice %arg6[%scan3A_410, %get3A_899, %get3A_900] : memref<4x200x64xf32, #tpu.memory_space<vmem>> -> memref<1x200x64xf32, #tpu.memory_space<vmem>>
        %get3A_902 = tpu.memref_squeeze %get3A_901 : memref<1x200x64xf32, #tpu.memory_space<vmem>> -> memref<200x64xf32, #tpu.memory_space<vmem>>
        %get3A_903 = arith.index_cast %add3A_898 : i32 to index
        %get3A_904 = arith.constant 32 : index
        %get3A_905 = tpu.vector_load %get3A_902[%get3A_903, %get3A_904] {strides = array<i32>} : memref<200x64xf32, #tpu.memory_space<vmem>>, vector<1x16xf32>,
        %get3A_906 = vector.shape_cast %get3A_905 : vector<1x16xf32> to vector<16xf32>
        %add3A_907 = arith.addf %add3A_863, %get3A_906 : vector<16xf32>
        %add3A_908 = arith.constant 3 : i32
        %add3A_909 = arith.addi %mul3A_743, %add3A_908 : i32
        %get3A_910 = arith.constant 0 : i32
        %get3A_911 = arith.constant 0 : i32
        %get3A_912 = tpu.memref_slice %arg6[%scan3A_410, %get3A_910, %get3A_911] : memref<4x200x64xf32, #tpu.memory_space<vmem>> -> memref<1x200x64xf32, #tpu.memory_space<vmem>>
        %get3A_913 = tpu.memref_squeeze %get3A_912 : memref<1x200x64xf32, #tpu.memory_space<vmem>> -> memref<200x64xf32, #tpu.memory_space<vmem>>
        %get3A_914 = arith.index_cast %add3A_909 : i32 to index
        %get3A_915 = arith.constant 48 : index
        %get3A_916 = tpu.vector_load %get3A_913[%get3A_914, %get3A_915] {strides = array<i32>} : memref<200x64xf32, #tpu.memory_space<vmem>>, vector<1x16xf32>,
        %get3A_917 = vector.shape_cast %get3A_916 : vector<1x16xf32> to vector<16xf32>
        %add3A_918 = arith.addf %add3A_874, %get3A_917 : vector<16xf32>
        %add3A_919 = arith.constant 4 : i32
        %add3A_920 = arith.addi %mul3A_743, %add3A_919 : i32
        %get3A_921 = arith.constant 0 : i32
        %get3A_922 = arith.constant 0 : i32
        %get3A_923 = tpu.memref_slice %arg6[%scan3A_410, %get3A_921, %get3A_922] : memref<4x200x64xf32, #tpu.memory_space<vmem>> -> memref<1x200x64xf32, #tpu.memory_space<vmem>>
        %get3A_924 = tpu.memref_squeeze %get3A_923 : memref<1x200x64xf32, #tpu.memory_space<vmem>> -> memref<200x64xf32, #tpu.memory_space<vmem>>
        %get3A_925 = arith.index_cast %add3A_920 : i32 to index
        %get3A_926 = arith.constant 0 : index
        %get3A_927 = tpu.vector_load %get3A_924[%get3A_925, %get3A_926] {strides = array<i32>} : memref<200x64xf32, #tpu.memory_space<vmem>>, vector<1x16xf32>,
        %get3A_928 = vector.shape_cast %get3A_927 : vector<1x16xf32> to vector<16xf32>
        %add3A_929 = arith.addf %add3A_885, %get3A_928 : vector<16xf32>
        %add3A_930 = arith.constant 4 : i32
        %add3A_931 = arith.addi %mul3A_743, %add3A_930 : i32
        %get3A_932 = arith.constant 0 : i32
        %get3A_933 = arith.constant 0 : i32
        %get3A_934 = tpu.memref_slice %arg6[%scan3A_410, %get3A_932, %get3A_933] : memref<4x200x64xf32, #tpu.memory_space<vmem>> -> memref<1x200x64xf32, #tpu.memory_space<vmem>>
        %get3A_935 = tpu.memref_squeeze %get3A_934 : memref<1x200x64xf32, #tpu.memory_space<vmem>> -> memref<200x64xf32, #tpu.memory_space<vmem>>
        %get3A_936 = arith.index_cast %add3A_931 : i32 to index
        %get3A_937 = arith.constant 16 : index
        %get3A_938 = tpu.vector_load %get3A_935[%get3A_936, %get3A_937] {strides = array<i32>} : memref<200x64xf32, #tpu.memory_space<vmem>>, vector<1x16xf32>,
        %get3A_939 = vector.shape_cast %get3A_938 : vector<1x16xf32> to vector<16xf32>
        %add3A_940 = arith.addf %add3A_896, %get3A_939 : vector<16xf32>
        %add3A_941 = arith.constant 4 : i32
        %add3A_942 = arith.addi %mul3A_743, %add3A_941 : i32
        %get3A_943 = arith.constant 0 : i32
        %get3A_944 = arith.constant 0 : i32
        %get3A_945 = tpu.memref_slice %arg6[%scan3A_410, %get3A_943, %get3A_944] : memref<4x200x64xf32, #tpu.memory_space<vmem>> -> memref<1x200x64xf32, #tpu.memory_space<vmem>>
        %get3A_946 = tpu.memref_squeeze %get3A_945 : memref<1x200x64xf32, #tpu.memory_space<vmem>> -> memref<200x64xf32, #tpu.memory_space<vmem>>
        %get3A_947 = arith.index_cast %add3A_942 : i32 to index
        %get3A_948 = arith.constant 32 : index
        %get3A_949 = tpu.vector_load %get3A_946[%get3A_947, %get3A_948] {strides = array<i32>} : memref<200x64xf32, #tpu.memory_space<vmem>>, vector<1x16xf32>,
        %get3A_950 = vector.shape_cast %get3A_949 : vector<1x16xf32> to vector<16xf32>
        %add3A_951 = arith.addf %add3A_907, %get3A_950 : vector<16xf32>
        %add3A_952 = arith.constant 4 : i32
        %add3A_953 = arith.addi %mul3A_743, %add3A_952 : i32
        %get3A_954 = arith.constant 0 : i32
        %get3A_955 = arith.constant 0 : i32
        %get3A_956 = tpu.memref_slice %arg6[%scan3A_410, %get3A_954, %get3A_955] : memref<4x200x64xf32, #tpu.memory_space<vmem>> -> memref<1x200x64xf32, #tpu.memory_space<vmem>>
        %get3A_957 = tpu.memref_squeeze %get3A_956 : memref<1x200x64xf32, #tpu.memory_space<vmem>> -> memref<200x64xf32, #tpu.memory_space<vmem>>
        %get3A_958 = arith.index_cast %add3A_953 : i32 to index
        %get3A_959 = arith.constant 48 : index
        %get3A_960 = tpu.vector_load %get3A_957[%get3A_958, %get3A_959] {strides = array<i32>} : memref<200x64xf32, #tpu.memory_space<vmem>>, vector<1x16xf32>,
        %get3A_961 = vector.shape_cast %get3A_960 : vector<1x16xf32> to vector<16xf32>
        %add3A_962 = arith.addf %add3A_918, %get3A_961 : vector<16xf32>
        %add3A_963 = arith.constant 5 : i32
        %add3A_964 = arith.addi %mul3A_743, %add3A_963 : i32
        %get3A_965 = arith.constant 0 : i32
        %get3A_966 = arith.constant 0 : i32
        %get3A_967 = tpu.memref_slice %arg6[%scan3A_410, %get3A_965, %get3A_966] : memref<4x200x64xf32, #tpu.memory_space<vmem>> -> memref<1x200x64xf32, #tpu.memory_space<vmem>>
        %get3A_968 = tpu.memref_squeeze %get3A_967 : memref<1x200x64xf32, #tpu.memory_space<vmem>> -> memref<200x64xf32, #tpu.memory_space<vmem>>
        %get3A_969 = arith.index_cast %add3A_964 : i32 to index
        %get3A_970 = arith.constant 0 : index
        %get3A_971 = tpu.vector_load %get3A_968[%get3A_969, %get3A_970] {strides = array<i32>} : memref<200x64xf32, #tpu.memory_space<vmem>>, vector<1x16xf32>,
        %get3A_972 = vector.shape_cast %get3A_971 : vector<1x16xf32> to vector<16xf32>
        %add3A_973 = arith.addf %add3A_929, %get3A_972 : vector<16xf32>
        %add3A_974 = arith.constant 5 : i32
        %add3A_975 = arith.addi %mul3A_743, %add3A_974 : i32
        %get3A_976 = arith.constant 0 : i32
        %get3A_977 = arith.constant 0 : i32
        %get3A_978 = tpu.memref_slice %arg6[%scan3A_410, %get3A_976, %get3A_977] : memref<4x200x64xf32, #tpu.memory_space<vmem>> -> memref<1x200x64xf32, #tpu.memory_space<vmem>>
        %get3A_979 = tpu.memref_squeeze %get3A_978 : memref<1x200x64xf32, #tpu.memory_space<vmem>> -> memref<200x64xf32, #tpu.memory_space<vmem>>
        %get3A_980 = arith.index_cast %add3A_975 : i32 to index
        %get3A_981 = arith.constant 16 : index
        %get3A_982 = tpu.vector_load %get3A_979[%get3A_980, %get3A_981] {strides = array<i32>} : memref<200x64xf32, #tpu.memory_space<vmem>>, vector<1x16xf32>,
        %get3A_983 = vector.shape_cast %get3A_982 : vector<1x16xf32> to vector<16xf32>
        %add3A_984 = arith.addf %add3A_940, %get3A_983 : vector<16xf32>
        %add3A_985 = arith.constant 5 : i32
        %add3A_986 = arith.addi %mul3A_743, %add3A_985 : i32
        %get3A_987 = arith.constant 0 : i32
        %get3A_988 = arith.constant 0 : i32
        %get3A_989 = tpu.memref_slice %arg6[%scan3A_410, %get3A_987, %get3A_988] : memref<4x200x64xf32, #tpu.memory_space<vmem>> -> memref<1x200x64xf32, #tpu.memory_space<vmem>>
        %get3A_990 = tpu.memref_squeeze %get3A_989 : memref<1x200x64xf32, #tpu.memory_space<vmem>> -> memref<200x64xf32, #tpu.memory_space<vmem>>
        %get3A_991 = arith.index_cast %add3A_986 : i32 to index
        %get3A_992 = arith.constant 32 : index
        %get3A_993 = tpu.vector_load %get3A_990[%get3A_991, %get3A_992] {strides = array<i32>} : memref<200x64xf32, #tpu.memory_space<vmem>>, vector<1x16xf32>,
        %get3A_994 = vector.shape_cast %get3A_993 : vector<1x16xf32> to vector<16xf32>
        %add3A_995 = arith.addf %add3A_951, %get3A_994 : vector<16xf32>
        %add3A_996 = arith.constant 5 : i32
        %add3A_997 = arith.addi %mul3A_743, %add3A_996 : i32
        %get3A_998 = arith.constant 0 : i32
        %get3A_999 = arith.constant 0 : i32
        %get3A_1000 = tpu.memref_slice %arg6[%scan3A_410, %get3A_998, %get3A_999] : memref<4x200x64xf32, #tpu.memory_space<vmem>> -> memref<1x200x64xf32, #tpu.memory_space<vmem>>
        %get3A_1001 = tpu.memref_squeeze %get3A_1000 : memref<1x200x64xf32, #tpu.memory_space<vmem>> -> memref<200x64xf32, #tpu.memory_space<vmem>>
        %get3A_1002 = arith.index_cast %add3A_997 : i32 to index
        %get3A_1003 = arith.constant 48 : index
        %get3A_1004 = tpu.vector_load %get3A_1001[%get3A_1002, %get3A_1003] {strides = array<i32>} : memref<200x64xf32, #tpu.memory_space<vmem>>, vector<1x16xf32>,
        %get3A_1005 = vector.shape_cast %get3A_1004 : vector<1x16xf32> to vector<16xf32>
        %add3A_1006 = arith.addf %add3A_962, %get3A_1005 : vector<16xf32>
        %add3A_1007 = arith.constant 6 : i32
        %add3A_1008 = arith.addi %mul3A_743, %add3A_1007 : i32
        %get3A_1009 = arith.constant 0 : i32
        %get3A_1010 = arith.constant 0 : i32
        %get3A_1011 = tpu.memref_slice %arg6[%scan3A_410, %get3A_1009, %get3A_1010] : memref<4x200x64xf32, #tpu.memory_space<vmem>> -> memref<1x200x64xf32, #tpu.memory_space<vmem>>
        %get3A_1012 = tpu.memref_squeeze %get3A_1011 : memref<1x200x64xf32, #tpu.memory_space<vmem>> -> memref<200x64xf32, #tpu.memory_space<vmem>>
        %get3A_1013 = arith.index_cast %add3A_1008 : i32 to index
        %get3A_1014 = arith.constant 0 : index
        %get3A_1015 = tpu.vector_load %get3A_1012[%get3A_1013, %get3A_1014] {strides = array<i32>} : memref<200x64xf32, #tpu.memory_space<vmem>>, vector<1x16xf32>,
        %get3A_1016 = vector.shape_cast %get3A_1015 : vector<1x16xf32> to vector<16xf32>
        %add3A_1017 = arith.addf %add3A_973, %get3A_1016 : vector<16xf32>
        %add3A_1018 = arith.constant 6 : i32
        %add3A_1019 = arith.addi %mul3A_743, %add3A_1018 : i32
        %get3A_1020 = arith.constant 0 : i32
        %get3A_1021 = arith.constant 0 : i32
        %get3A_1022 = tpu.memref_slice %arg6[%scan3A_410, %get3A_1020, %get3A_1021] : memref<4x200x64xf32, #tpu.memory_space<vmem>> -> memref<1x200x64xf32, #tpu.memory_space<vmem>>
        %get3A_1023 = tpu.memref_squeeze %get3A_1022 : memref<1x200x64xf32, #tpu.memory_space<vmem>> -> memref<200x64xf32, #tpu.memory_space<vmem>>
        %get3A_1024 = arith.index_cast %add3A_1019 : i32 to index
        %get3A_1025 = arith.constant 16 : index
        %get3A_1026 = tpu.vector_load %get3A_1023[%get3A_1024, %get3A_1025] {strides = array<i32>} : memref<200x64xf32, #tpu.memory_space<vmem>>, vector<1x16xf32>,
        %get3A_1027 = vector.shape_cast %get3A_1026 : vector<1x16xf32> to vector<16xf32>
        %add3A_1028 = arith.addf %add3A_984, %get3A_1027 : vector<16xf32>
        %add3A_1029 = arith.constant 6 : i32
        %add3A_1030 = arith.addi %mul3A_743, %add3A_1029 : i32
        %get3A_1031 = arith.constant 0 : i32
        %get3A_1032 = arith.constant 0 : i32
        %get3A_1033 = tpu.memref_slice %arg6[%scan3A_410, %get3A_1031, %get3A_1032] : memref<4x200x64xf32, #tpu.memory_space<vmem>> -> memref<1x200x64xf32, #tpu.memory_space<vmem>>
        %get3A_1034 = tpu.memref_squeeze %get3A_1033 : memref<1x200x64xf32, #tpu.memory_space<vmem>> -> memref<200x64xf32, #tpu.memory_space<vmem>>
        %get3A_1035 = arith.index_cast %add3A_1030 : i32 to index
        %get3A_1036 = arith.constant 32 : index
        %get3A_1037 = tpu.vector_load %get3A_1034[%get3A_1035, %get3A_1036] {strides = array<i32>} : memref<200x64xf32, #tpu.memory_space<vmem>>, vector<1x16xf32>,
        %get3A_1038 = vector.shape_cast %get3A_1037 : vector<1x16xf32> to vector<16xf32>
        %add3A_1039 = arith.addf %add3A_995, %get3A_1038 : vector<16xf32>
        %add3A_1040 = arith.constant 6 : i32
        %add3A_1041 = arith.addi %mul3A_743, %add3A_1040 : i32
        %get3A_1042 = arith.constant 0 : i32
        %get3A_1043 = arith.constant 0 : i32
        %get3A_1044 = tpu.memref_slice %arg6[%scan3A_410, %get3A_1042, %get3A_1043] : memref<4x200x64xf32, #tpu.memory_space<vmem>> -> memref<1x200x64xf32, #tpu.memory_space<vmem>>
        %get3A_1045 = tpu.memref_squeeze %get3A_1044 : memref<1x200x64xf32, #tpu.memory_space<vmem>> -> memref<200x64xf32, #tpu.memory_space<vmem>>
        %get3A_1046 = arith.index_cast %add3A_1041 : i32 to index
        %get3A_1047 = arith.constant 48 : index
        %get3A_1048 = tpu.vector_load %get3A_1045[%get3A_1046, %get3A_1047] {strides = array<i32>} : memref<200x64xf32, #tpu.memory_space<vmem>>, vector<1x16xf32>,
        %get3A_1049 = vector.shape_cast %get3A_1048 : vector<1x16xf32> to vector<16xf32>
        %add3A_1050 = arith.addf %add3A_1006, %get3A_1049 : vector<16xf32>
        %add3A_1051 = arith.constant 7 : i32
        %add3A_1052 = arith.addi %mul3A_743, %add3A_1051 : i32
        %get3A_1053 = arith.constant 0 : i32
        %get3A_1054 = arith.constant 0 : i32
        %get3A_1055 = tpu.memref_slice %arg6[%scan3A_410, %get3A_1053, %get3A_1054] : memref<4x200x64xf32, #tpu.memory_space<vmem>> -> memref<1x200x64xf32, #tpu.memory_space<vmem>>
        %get3A_1056 = tpu.memref_squeeze %get3A_1055 : memref<1x200x64xf32, #tpu.memory_space<vmem>> -> memref<200x64xf32, #tpu.memory_space<vmem>>
        %get3A_1057 = arith.index_cast %add3A_1052 : i32 to index
        %get3A_1058 = arith.constant 0 : index
        %get3A_1059 = tpu.vector_load %get3A_1056[%get3A_1057, %get3A_1058] {strides = array<i32>} : memref<200x64xf32, #tpu.memory_space<vmem>>, vector<1x16xf32>,
        %get3A_1060 = vector.shape_cast %get3A_1059 : vector<1x16xf32> to vector<16xf32>
        %add3A_1061 = arith.addf %add3A_1017, %get3A_1060 : vector<16xf32>
        %add3A_1062 = arith.constant 7 : i32
        %add3A_1063 = arith.addi %mul3A_743, %add3A_1062 : i32
        %get3A_1064 = arith.constant 0 : i32
        %get3A_1065 = arith.constant 0 : i32
        %get3A_1066 = tpu.memref_slice %arg6[%scan3A_410, %get3A_1064, %get3A_1065] : memref<4x200x64xf32, #tpu.memory_space<vmem>> -> memref<1x200x64xf32, #tpu.memory_space<vmem>>
        %get3A_1067 = tpu.memref_squeeze %get3A_1066 : memref<1x200x64xf32, #tpu.memory_space<vmem>> -> memref<200x64xf32, #tpu.memory_space<vmem>>
        %get3A_1068 = arith.index_cast %add3A_1063 : i32 to index
        %get3A_1069 = arith.constant 16 : index
        %get3A_1070 = tpu.vector_load %get3A_1067[%get3A_1068, %get3A_1069] {strides = array<i32>} : memref<200x64xf32, #tpu.memory_space<vmem>>, vector<1x16xf32>,
        %get3A_1071 = vector.shape_cast %get3A_1070 : vector<1x16xf32> to vector<16xf32>
        %add3A_1072 = arith.addf %add3A_1028, %get3A_1071 : vector<16xf32>
        %add3A_1073 = arith.constant 7 : i32
        %add3A_1074 = arith.addi %mul3A_743, %add3A_1073 : i32
        %get3A_1075 = arith.constant 0 : i32
        %get3A_1076 = arith.constant 0 : i32
        %get3A_1077 = tpu.memref_slice %arg6[%scan3A_410, %get3A_1075, %get3A_1076] : memref<4x200x64xf32, #tpu.memory_space<vmem>> -> memref<1x200x64xf32, #tpu.memory_space<vmem>>
        %get3A_1078 = tpu.memref_squeeze %get3A_1077 : memref<1x200x64xf32, #tpu.memory_space<vmem>> -> memref<200x64xf32, #tpu.memory_space<vmem>>
        %get3A_1079 = arith.index_cast %add3A_1074 : i32 to index
        %get3A_1080 = arith.constant 32 : index
        %get3A_1081 = tpu.vector_load %get3A_1078[%get3A_1079, %get3A_1080] {strides = array<i32>} : memref<200x64xf32, #tpu.memory_space<vmem>>, vector<1x16xf32>,
        %get3A_1082 = vector.shape_cast %get3A_1081 : vector<1x16xf32> to vector<16xf32>
        %add3A_1083 = arith.addf %add3A_1039, %get3A_1082 : vector<16xf32>
        %add3A_1084 = arith.constant 7 : i32
        %add3A_1085 = arith.addi %mul3A_743, %add3A_1084 : i32
        %get3A_1086 = arith.constant 0 : i32
        %get3A_1087 = arith.constant 0 : i32
        %get3A_1088 = tpu.memref_slice %arg6[%scan3A_410, %get3A_1086, %get3A_1087] : memref<4x200x64xf32, #tpu.memory_space<vmem>> -> memref<1x200x64xf32, #tpu.memory_space<vmem>>
        %get3A_1089 = tpu.memref_squeeze %get3A_1088 : memref<1x200x64xf32, #tpu.memory_space<vmem>> -> memref<200x64xf32, #tpu.memory_space<vmem>>
        %get3A_1090 = arith.index_cast %add3A_1085 : i32 to index
        %get3A_1091 = arith.constant 48 : index
        %get3A_1092 = tpu.vector_load %get3A_1089[%get3A_1090, %get3A_1091] {strides = array<i32>} : memref<200x64xf32, #tpu.memory_space<vmem>>, vector<1x16xf32>,
        %get3A_1093 = vector.shape_cast %get3A_1092 : vector<1x16xf32> to vector<16xf32>
        %add3A_1094 = arith.addf %add3A_1050, %get3A_1093 : vector<16xf32>
        scf.yield %add3A_1061, %add3A_1072, %add3A_1083, %add3A_1094 : vector<16xf32>, vector<16xf32>, vector<16xf32>, vector<16xf32>
      }
      %scan3A_416 = arith.constant 25 : i32
      %add3A_417 = arith.constant 4 : i32
      %add3A_418 = arith.addi %add3A_383, %add3A_417 : i32
      %dma_start3A_419 = arith.constant 0 : i32
      %dma_start3A_420 = arith.constant 0 : i32
      %dma_start3A_421 = arith.constant 0 : i32
      %dma_start3A_422 = tpu.memref_slice %arg6[%dma_start3A_419, %dma_start3A_420, %dma_start3A_421] : memref<4x200x64xf32, #tpu.memory_space<vmem>> -> memref<1x128x64xf32, #tpu.memory_space<vmem>>
      %dma_start3A_423 = tpu.memref_squeeze %dma_start3A_422 : memref<1x128x64xf32, #tpu.memory_space<vmem>> -> memref<128x64xf32, #tpu.memory_space<vmem>>
      %dma_start3A_424 = arith.constant 0 : i32
      %dma_start3A_425 = tpu.memref_slice %arg5[%add3A_418, %dma_start3A_424] : memref<128x200xi32, #tpu.memory_space<vmem>> -> memref<1x128xi32, #tpu.memory_space<vmem>>
      %dma_start3A_426 = tpu.memref_squeeze %dma_start3A_425 : memref<1x128xi32, #tpu.memory_space<vmem>> -> memref<128xi32, #tpu.memory_space<vmem>>
      %dma_start3A_427 = arith.constant 0 : i32
      %dma_start3A_428 = arith.constant 0 : i32
      %dma_start3A_429 = tpu.memref_slice %arg3[%dma_start3A_427, %dma_start3A_428] : memref<1000000x64xf32, #tpu.memory_space<hbm>> -> memref<1000000x64xf32, #tpu.memory_space<hbm>>
      tpu.enqueue_indirect_dma source(%dma_start3A_429 : memref<1000000x64xf32, #tpu.memory_space<hbm>>) target(%dma_start3A_423 : memref<128x64xf32, #tpu.memory_space<vmem>>) offsets(%dma_start3A_426 : memref<128xi32, #tpu.memory_space<vmem>>) semaphore(%arg8 : memref<!tpu.dma_semaphore, #tpu.memory_space<semaphore_mem>>)
      %dma_start3A_430 = arith.constant 0 : i32
      %dma_start3A_431 = arith.constant 128 : i32
      %dma_start3A_432 = arith.constant 0 : i32
      %dma_start3A_433 = tpu.memref_slice %arg6[%dma_start3A_430, %dma_start3A_431, %dma_start3A_432] : memref<4x200x64xf32, #tpu.memory_space<vmem>> -> memref<1x72x64xf32, #tpu.memory_space<vmem>>
      %dma_start3A_434 = tpu.memref_squeeze %dma_start3A_433 : memref<1x72x64xf32, #tpu.memory_space<vmem>> -> memref<72x64xf32, #tpu.memory_space<vmem>>
      %dma_start3A_435 = arith.constant 128 : i32
      %dma_start3A_436 = tpu.memref_slice %arg5[%add3A_418, %dma_start3A_435] : memref<128x200xi32, #tpu.memory_space<vmem>> -> memref<1x72xi32, #tpu.memory_space<vmem>>
      %dma_start3A_437 = tpu.memref_squeeze %dma_start3A_436 : memref<1x72xi32, #tpu.memory_space<vmem>> -> memref<72xi32, #tpu.memory_space<vmem>>
      %dma_start3A_438 = arith.constant 0 : i32
      %dma_start3A_439 = arith.constant 0 : i32
      %dma_start3A_440 = tpu.memref_slice %arg3[%dma_start3A_438, %dma_start3A_439] : memref<1000000x64xf32, #tpu.memory_space<hbm>> -> memref<1000000x64xf32, #tpu.memory_space<hbm>>
      tpu.enqueue_indirect_dma source(%dma_start3A_440 : memref<1000000x64xf32, #tpu.memory_space<hbm>>) target(%dma_start3A_434 : memref<72x64xf32, #tpu.memory_space<vmem>>) offsets(%dma_start3A_437 : memref<72xi32, #tpu.memory_space<vmem>>) semaphore(%arg8 : memref<!tpu.dma_semaphore, #tpu.memory_space<semaphore_mem>>)
      %mul3A_441 = vector.broadcast %scan3A : f32 to vector<16xf32>
      %mul3A_442 = arith.mulf %scan3A_415#0, %mul3A_441 : vector<16xf32>
      %swap3A_443 = arith.index_cast %add3A_383 : i32 to index
      %swap3A_444 = arith.constant 0 : index
      %swap3A_445 = tpu.vector_load %arg7[%swap3A_443, %swap3A_444] {strides = array<i32>} : memref<128x64xf32, #tpu.memory_space<vmem>>, vector<1x16xf32>,
      %swap3A_446 = vector.shape_cast %swap3A_445 : vector<1x16xf32> to vector<16xf32>
      %swap3A_447 = vector.shape_cast %mul3A_442 : vector<16xf32> to vector<1x16xf32>
      tpu.vector_store %arg7[%swap3A_443, %swap3A_444], %swap3A_447 {strides = array<i32>} : memref<128x64xf32, #tpu.memory_space<vmem>>, vector<1x16xf32>,
      %mul3A_448 = vector.broadcast %scan3A : f32 to vector<16xf32>
      %mul3A_449 = arith.mulf %scan3A_415#1, %mul3A_448 : vector<16xf32>
      %swap3A_450 = arith.index_cast %add3A_383 : i32 to index
      %swap3A_451 = arith.constant 16 : index
      %swap3A_452 = tpu.vector_load %arg7[%swap3A_450, %swap3A_451] {strides = array<i32>} : memref<128x64xf32, #tpu.memory_space<vmem>>, vector<1x16xf32>,
      %swap3A_453 = vector.shape_cast %swap3A_452 : vector<1x16xf32> to vector<16xf32>
      %swap3A_454 = vector.shape_cast %mul3A_449 : vector<16xf32> to vector<1x16xf32>
      tpu.vector_store %arg7[%swap3A_450, %swap3A_451], %swap3A_454 {strides = array<i32>} : memref<128x64xf32, #tpu.memory_space<vmem>>, vector<1x16xf32>,
      %mul3A_455 = vector.broadcast %scan3A : f32 to vector<16xf32>
      %mul3A_456 = arith.mulf %scan3A_415#2, %mul3A_455 : vector<16xf32>
      %swap3A_457 = arith.index_cast %add3A_383 : i32 to index
      %swap3A_458 = arith.constant 32 : index
      %swap3A_459 = tpu.vector_load %arg7[%swap3A_457, %swap3A_458] {strides = array<i32>} : memref<128x64xf32, #tpu.memory_space<vmem>>, vector<1x16xf32>,
      %swap3A_460 = vector.shape_cast %swap3A_459 : vector<1x16xf32> to vector<16xf32>
      %swap3A_461 = vector.shape_cast %mul3A_456 : vector<16xf32> to vector<1x16xf32>
      tpu.vector_store %arg7[%swap3A_457, %swap3A_458], %swap3A_461 {strides = array<i32>} : memref<128x64xf32, #tpu.memory_space<vmem>>, vector<1x16xf32>,
      %mul3A_462 = vector.broadcast %scan3A : f32 to vector<16xf32>
      %mul3A_463 = arith.mulf %scan3A_415#3, %mul3A_462 : vector<16xf32>
      %swap3A_464 = arith.index_cast %add3A_383 : i32 to index
      %swap3A_465 = arith.constant 48 : index
      %swap3A_466 = tpu.vector_load %arg7[%swap3A_464, %swap3A_465] {strides = array<i32>} : memref<128x64xf32, #tpu.memory_space<vmem>>, vector<1x16xf32>,
      %swap3A_467 = vector.shape_cast %swap3A_466 : vector<1x16xf32> to vector<16xf32>
      %swap3A_468 = vector.shape_cast %mul3A_463 : vector<16xf32> to vector<1x16xf32>
      tpu.vector_store %arg7[%swap3A_464, %swap3A_465], %swap3A_468 {strides = array<i32>} : memref<128x64xf32, #tpu.memory_space<vmem>>, vector<1x16xf32>,
      %mul3A_469 = arith.constant 4 : i32
      %mul3A_470 = arith.muli %mul3A_469, %scan3A_378 : i32
      %add3A_471 = arith.constant 1 : i32
      %add3A_472 = arith.addi %mul3A_470, %add3A_471 : i32
      %dma_wait3A_473 = arith.constant 0 : i32
      %dma_wait3A_474 = arith.constant 1 : i32
      %dma_wait3A_475 = arith.constant 0 : i32
      %dma_wait3A_476 = arith.constant 0 : i32
      %dma_wait3A_477 = tpu.memref_slice %arg6[%dma_wait3A_474, %dma_wait3A_475, %dma_wait3A_476] : memref<4x200x64xf32, #tpu.memory_space<vmem>> -> memref<1x128x64xf32, #tpu.memory_space<vmem>>
      %dma_wait3A_478 = tpu.memref_squeeze %dma_wait3A_477 : memref<1x128x64xf32, #tpu.memory_space<vmem>> -> memref<128x64xf32, #tpu.memory_space<vmem>>
      %dma_wait3A_479 = arith.constant 0 : i32
      %dma_wait3A_480 = tpu.memref_slice %arg5[%dma_wait3A_473, %dma_wait3A_479] : memref<128x200xi32, #tpu.memory_space<vmem>> -> memref<1x128xi32, #tpu.memory_space<vmem>>
      %dma_wait3A_481 = tpu.memref_squeeze %dma_wait3A_480 : memref<1x128xi32, #tpu.memory_space<vmem>> -> memref<128xi32, #tpu.memory_space<vmem>>
      %dma_wait3A_482 = arith.constant 0 : i32
      %dma_wait3A_483 = arith.constant 0 : i32
      %dma_wait3A_484 = tpu.memref_slice %arg3[%dma_wait3A_482, %dma_wait3A_483] : memref<1000000x64xf32, #tpu.memory_space<hbm>> -> memref<1000000x64xf32, #tpu.memory_space<hbm>>
      tpu.wait_indirect_dma semaphore(%arg9 : memref<!tpu.dma_semaphore, #tpu.memory_space<semaphore_mem>>) src(%dma_wait3A_484 : memref<1000000x64xf32, #tpu.memory_space<hbm>>) dst(%dma_wait3A_478 : memref<128x64xf32, #tpu.memory_space<vmem>>)
      %dma_wait3A_485 = arith.constant 0 : i32
      %dma_wait3A_486 = arith.constant 1 : i32
      %dma_wait3A_487 = arith.constant 128 : i32
      %dma_wait3A_488 = arith.constant 0 : i32
      %dma_wait3A_489 = tpu.memref_slice %arg6[%dma_wait3A_486, %dma_wait3A_487, %dma_wait3A_488] : memref<4x200x64xf32, #tpu.memory_space<vmem>> -> memref<1x72x64xf32, #tpu.memory_space<vmem>>
      %dma_wait3A_490 = tpu.memref_squeeze %dma_wait3A_489 : memref<1x72x64xf32, #tpu.memory_space<vmem>> -> memref<72x64xf32, #tpu.memory_space<vmem>>
      %dma_wait3A_491 = arith.constant 128 : i32
      %dma_wait3A_492 = tpu.memref_slice %arg5[%dma_wait3A_485, %dma_wait3A_491] : memref<128x200xi32, #tpu.memory_space<vmem>> -> memref<1x72xi32, #tpu.memory_space<vmem>>
      %dma_wait3A_493 = tpu.memref_squeeze %dma_wait3A_492 : memref<1x72xi32, #tpu.memory_space<vmem>> -> memref<72xi32, #tpu.memory_space<vmem>>
      %dma_wait3A_494 = arith.constant 0 : i32
      %dma_wait3A_495 = arith.constant 0 : i32
      %dma_wait3A_496 = tpu.memref_slice %arg3[%dma_wait3A_494, %dma_wait3A_495] : memref<1000000x64xf32, #tpu.memory_space<hbm>> -> memref<1000000x64xf32, #tpu.memory_space<hbm>>
      tpu.wait_indirect_dma semaphore(%arg9 : memref<!tpu.dma_semaphore, #tpu.memory_space<semaphore_mem>>) src(%dma_wait3A_496 : memref<1000000x64xf32, #tpu.memory_space<hbm>>) dst(%dma_wait3A_490 : memref<72x64xf32, #tpu.memory_space<vmem>>)
      %broadcast_in_dim3A_497 = arith.constant 0.000000e+00 : f32
      %broadcast_in_dim3A_498 = vector.broadcast %broadcast_in_dim3A_497 : f32 to vector<16xf32>
      %scan3A_499 = arith.constant 1 : i32
      %scan3A_500 = arith.constant 0 : i32
      %scan3A_501 = arith.constant 25 : i32
      %scan3A_502 = arith.addi %scan3A_500, %scan3A_501 : i32
      %scan3A_503 = arith.constant 1 : i32
      %scan3A_504:4 = scf.for %scan3A_737 = %scan3A_500 to %scan3A_502 step %scan3A_503 iter_args(%scan3A_738 = %broadcast_in_dim3A_498, %scan3A_739 = %broadcast_in_dim3A_498, %scan3A_740 = %broadcast_in_dim3A_498, %scan3A_741 = %broadcast_in_dim3A_498) -> (vector<16xf32>, vector<16xf32>, vector<16xf32>, vector<16xf32>)  : i32 {
        %mul3A_742 = arith.constant 8 : i32
        %mul3A_743 = arith.muli %scan3A_737, %mul3A_742 : i32
        %add3A_744 = arith.constant 0 : i32
        %add3A_745 = arith.addi %mul3A_743, %add3A_744 : i32
        %get3A = arith.constant 0 : i32
        %get3A_746 = arith.constant 0 : i32
        %get3A_747 = tpu.memref_slice %arg6[%scan3A_499, %get3A, %get3A_746] : memref<4x200x64xf32, #tpu.memory_space<vmem>> -> memref<1x200x64xf32, #tpu.memory_space<vmem>>
        %get3A_748 = tpu.memref_squeeze %get3A_747 : memref<1x200x64xf32, #tpu.memory_space<vmem>> -> memref<200x64xf32, #tpu.memory_space<vmem>>
        %get3A_749 = arith.index_cast %add3A_745 : i32 to index
        %get3A_750 = arith.constant 0 : index
        %get3A_751 = tpu.vector_load %get3A_748[%get3A_749, %get3A_750] {strides = array<i32>} : memref<200x64xf32, #tpu.memory_space<vmem>>, vector<1x16xf32>,
        %get3A_752 = vector.shape_cast %get3A_751 : vector<1x16xf32> to vector<16xf32>
        %add3A_753 = arith.addf %scan3A_738, %get3A_752 : vector<16xf32>
        %add3A_754 = arith.constant 0 : i32
        %add3A_755 = arith.addi %mul3A_743, %add3A_754 : i32
        %get3A_756 = arith.constant 0 : i32
        %get3A_757 = arith.constant 0 : i32
        %get3A_758 = tpu.memref_slice %arg6[%scan3A_499, %get3A_756, %get3A_757] : memref<4x200x64xf32, #tpu.memory_space<vmem>> -> memref<1x200x64xf32, #tpu.memory_space<vmem>>
        %get3A_759 = tpu.memref_squeeze %get3A_758 : memref<1x200x64xf32, #tpu.memory_space<vmem>> -> memref<200x64xf32, #tpu.memory_space<vmem>>
        %get3A_760 = arith.index_cast %add3A_755 : i32 to index
        %get3A_761 = arith.constant 16 : index
        %get3A_762 = tpu.vector_load %get3A_759[%get3A_760, %get3A_761] {strides = array<i32>} : memref<200x64xf32, #tpu.memory_space<vmem>>, vector<1x16xf32>,
        %get3A_763 = vector.shape_cast %get3A_762 : vector<1x16xf32> to vector<16xf32>
        %add3A_764 = arith.addf %scan3A_739, %get3A_763 : vector<16xf32>
        %add3A_765 = arith.constant 0 : i32
        %add3A_766 = arith.addi %mul3A_743, %add3A_765 : i32
        %get3A_767 = arith.constant 0 : i32
        %get3A_768 = arith.constant 0 : i32
        %get3A_769 = tpu.memref_slice %arg6[%scan3A_499, %get3A_767, %get3A_768] : memref<4x200x64xf32, #tpu.memory_space<vmem>> -> memref<1x200x64xf32, #tpu.memory_space<vmem>>
        %get3A_770 = tpu.memref_squeeze %get3A_769 : memref<1x200x64xf32, #tpu.memory_space<vmem>> -> memref<200x64xf32, #tpu.memory_space<vmem>>
        %get3A_771 = arith.index_cast %add3A_766 : i32 to index
        %get3A_772 = arith.constant 32 : index
        %get3A_773 = tpu.vector_load %get3A_770[%get3A_771, %get3A_772] {strides = array<i32>} : memref<200x64xf32, #tpu.memory_space<vmem>>, vector<1x16xf32>,
        %get3A_774 = vector.shape_cast %get3A_773 : vector<1x16xf32> to vector<16xf32>
        %add3A_775 = arith.addf %scan3A_740, %get3A_774 : vector<16xf32>
        %add3A_776 = arith.constant 0 : i32
        %add3A_777 = arith.addi %mul3A_743, %add3A_776 : i32
        %get3A_778 = arith.constant 0 : i32
        %get3A_779 = arith.constant 0 : i32
        %get3A_780 = tpu.memref_slice %arg6[%scan3A_499, %get3A_778, %get3A_779] : memref<4x200x64xf32, #tpu.memory_space<vmem>> -> memref<1x200x64xf32, #tpu.memory_space<vmem>>
        %get3A_781 = tpu.memref_squeeze %get3A_780 : memref<1x200x64xf32, #tpu.memory_space<vmem>> -> memref<200x64xf32, #tpu.memory_space<vmem>>
        %get3A_782 = arith.index_cast %add3A_777 : i32 to index
        %get3A_783 = arith.constant 48 : index
        %get3A_784 = tpu.vector_load %get3A_781[%get3A_782, %get3A_783] {strides = array<i32>} : memref<200x64xf32, #tpu.memory_space<vmem>>, vector<1x16xf32>,
        %get3A_785 = vector.shape_cast %get3A_784 : vector<1x16xf32> to vector<16xf32>
        %add3A_786 = arith.addf %scan3A_741, %get3A_785 : vector<16xf32>
        %add3A_787 = arith.constant 1 : i32
        %add3A_788 = arith.addi %mul3A_743, %add3A_787 : i32
        %get3A_789 = arith.constant 0 : i32
        %get3A_790 = arith.constant 0 : i32
        %get3A_791 = tpu.memref_slice %arg6[%scan3A_499, %get3A_789, %get3A_790] : memref<4x200x64xf32, #tpu.memory_space<vmem>> -> memref<1x200x64xf32, #tpu.memory_space<vmem>>
        %get3A_792 = tpu.memref_squeeze %get3A_791 : memref<1x200x64xf32, #tpu.memory_space<vmem>> -> memref<200x64xf32, #tpu.memory_space<vmem>>
        %get3A_793 = arith.index_cast %add3A_788 : i32 to index
        %get3A_794 = arith.constant 0 : index
        %get3A_795 = tpu.vector_load %get3A_792[%get3A_793, %get3A_794] {strides = array<i32>} : memref<200x64xf32, #tpu.memory_space<vmem>>, vector<1x16xf32>,
        %get3A_796 = vector.shape_cast %get3A_795 : vector<1x16xf32> to vector<16xf32>
        %add3A_797 = arith.addf %add3A_753, %get3A_796 : vector<16xf32>
        %add3A_798 = arith.constant 1 : i32
        %add3A_799 = arith.addi %mul3A_743, %add3A_798 : i32
        %get3A_800 = arith.constant 0 : i32
        %get3A_801 = arith.constant 0 : i32
        %get3A_802 = tpu.memref_slice %arg6[%scan3A_499, %get3A_800, %get3A_801] : memref<4x200x64xf32, #tpu.memory_space<vmem>> -> memref<1x200x64xf32, #tpu.memory_space<vmem>>
        %get3A_803 = tpu.memref_squeeze %get3A_802 : memref<1x200x64xf32, #tpu.memory_space<vmem>> -> memref<200x64xf32, #tpu.memory_space<vmem>>
        %get3A_804 = arith.index_cast %add3A_799 : i32 to index
        %get3A_805 = arith.constant 16 : index
        %get3A_806 = tpu.vector_load %get3A_803[%get3A_804, %get3A_805] {strides = array<i32>} : memref<200x64xf32, #tpu.memory_space<vmem>>, vector<1x16xf32>,
        %get3A_807 = vector.shape_cast %get3A_806 : vector<1x16xf32> to vector<16xf32>
        %add3A_808 = arith.addf %add3A_764, %get3A_807 : vector<16xf32>
        %add3A_809 = arith.constant 1 : i32
        %add3A_810 = arith.addi %mul3A_743, %add3A_809 : i32
        %get3A_811 = arith.constant 0 : i32
        %get3A_812 = arith.constant 0 : i32
        %get3A_813 = tpu.memref_slice %arg6[%scan3A_499, %get3A_811, %get3A_812] : memref<4x200x64xf32, #tpu.memory_space<vmem>> -> memref<1x200x64xf32, #tpu.memory_space<vmem>>
        %get3A_814 = tpu.memref_squeeze %get3A_813 : memref<1x200x64xf32, #tpu.memory_space<vmem>> -> memref<200x64xf32, #tpu.memory_space<vmem>>
        %get3A_815 = arith.index_cast %add3A_810 : i32 to index
        %get3A_816 = arith.constant 32 : index
        %get3A_817 = tpu.vector_load %get3A_814[%get3A_815, %get3A_816] {strides = array<i32>} : memref<200x64xf32, #tpu.memory_space<vmem>>, vector<1x16xf32>,
        %get3A_818 = vector.shape_cast %get3A_817 : vector<1x16xf32> to vector<16xf32>
        %add3A_819 = arith.addf %add3A_775, %get3A_818 : vector<16xf32>
        %add3A_820 = arith.constant 1 : i32
        %add3A_821 = arith.addi %mul3A_743, %add3A_820 : i32
        %get3A_822 = arith.constant 0 : i32
        %get3A_823 = arith.constant 0 : i32
        %get3A_824 = tpu.memref_slice %arg6[%scan3A_499, %get3A_822, %get3A_823] : memref<4x200x64xf32, #tpu.memory_space<vmem>> -> memref<1x200x64xf32, #tpu.memory_space<vmem>>
        %get3A_825 = tpu.memref_squeeze %get3A_824 : memref<1x200x64xf32, #tpu.memory_space<vmem>> -> memref<200x64xf32, #tpu.memory_space<vmem>>
        %get3A_826 = arith.index_cast %add3A_821 : i32 to index
        %get3A_827 = arith.constant 48 : index
        %get3A_828 = tpu.vector_load %get3A_825[%get3A_826, %get3A_827] {strides = array<i32>} : memref<200x64xf32, #tpu.memory_space<vmem>>, vector<1x16xf32>,
        %get3A_829 = vector.shape_cast %get3A_828 : vector<1x16xf32> to vector<16xf32>
        %add3A_830 = arith.addf %add3A_786, %get3A_829 : vector<16xf32>
        %add3A_831 = arith.constant 2 : i32
        %add3A_832 = arith.addi %mul3A_743, %add3A_831 : i32
        %get3A_833 = arith.constant 0 : i32
        %get3A_834 = arith.constant 0 : i32
        %get3A_835 = tpu.memref_slice %arg6[%scan3A_499, %get3A_833, %get3A_834] : memref<4x200x64xf32, #tpu.memory_space<vmem>> -> memref<1x200x64xf32, #tpu.memory_space<vmem>>
        %get3A_836 = tpu.memref_squeeze %get3A_835 : memref<1x200x64xf32, #tpu.memory_space<vmem>> -> memref<200x64xf32, #tpu.memory_space<vmem>>
        %get3A_837 = arith.index_cast %add3A_832 : i32 to index
        %get3A_838 = arith.constant 0 : index
        %get3A_839 = tpu.vector_load %get3A_836[%get3A_837, %get3A_838] {strides = array<i32>} : memref<200x64xf32, #tpu.memory_space<vmem>>, vector<1x16xf32>,
        %get3A_840 = vector.shape_cast %get3A_839 : vector<1x16xf32> to vector<16xf32>
        %add3A_841 = arith.addf %add3A_797, %get3A_840 : vector<16xf32>
        %add3A_842 = arith.constant 2 : i32
        %add3A_843 = arith.addi %mul3A_743, %add3A_842 : i32
        %get3A_844 = arith.constant 0 : i32
        %get3A_845 = arith.constant 0 : i32
        %get3A_846 = tpu.memref_slice %arg6[%scan3A_499, %get3A_844, %get3A_845] : memref<4x200x64xf32, #tpu.memory_space<vmem>> -> memref<1x200x64xf32, #tpu.memory_space<vmem>>
        %get3A_847 = tpu.memref_squeeze %get3A_846 : memref<1x200x64xf32, #tpu.memory_space<vmem>> -> memref<200x64xf32, #tpu.memory_space<vmem>>
        %get3A_848 = arith.index_cast %add3A_843 : i32 to index
        %get3A_849 = arith.constant 16 : index
        %get3A_850 = tpu.vector_load %get3A_847[%get3A_848, %get3A_849] {strides = array<i32>} : memref<200x64xf32, #tpu.memory_space<vmem>>, vector<1x16xf32>,
        %get3A_851 = vector.shape_cast %get3A_850 : vector<1x16xf32> to vector<16xf32>
        %add3A_852 = arith.addf %add3A_808, %get3A_851 : vector<16xf32>
        %add3A_853 = arith.constant 2 : i32
        %add3A_854 = arith.addi %mul3A_743, %add3A_853 : i32
        %get3A_855 = arith.constant 0 : i32
        %get3A_856 = arith.constant 0 : i32
        %get3A_857 = tpu.memref_slice %arg6[%scan3A_499, %get3A_855, %get3A_856] : memref<4x200x64xf32, #tpu.memory_space<vmem>> -> memref<1x200x64xf32, #tpu.memory_space<vmem>>
        %get3A_858 = tpu.memref_squeeze %get3A_857 : memref<1x200x64xf32, #tpu.memory_space<vmem>> -> memref<200x64xf32, #tpu.memory_space<vmem>>
        %get3A_859 = arith.index_cast %add3A_854 : i32 to index
        %get3A_860 = arith.constant 32 : index
        %get3A_861 = tpu.vector_load %get3A_858[%get3A_859, %get3A_860] {strides = array<i32>} : memref<200x64xf32, #tpu.memory_space<vmem>>, vector<1x16xf32>,
        %get3A_862 = vector.shape_cast %get3A_861 : vector<1x16xf32> to vector<16xf32>
        %add3A_863 = arith.addf %add3A_819, %get3A_862 : vector<16xf32>
        %add3A_864 = arith.constant 2 : i32
        %add3A_865 = arith.addi %mul3A_743, %add3A_864 : i32
        %get3A_866 = arith.constant 0 : i32
        %get3A_867 = arith.constant 0 : i32
        %get3A_868 = tpu.memref_slice %arg6[%scan3A_499, %get3A_866, %get3A_867] : memref<4x200x64xf32, #tpu.memory_space<vmem>> -> memref<1x200x64xf32, #tpu.memory_space<vmem>>
        %get3A_869 = tpu.memref_squeeze %get3A_868 : memref<1x200x64xf32, #tpu.memory_space<vmem>> -> memref<200x64xf32, #tpu.memory_space<vmem>>
        %get3A_870 = arith.index_cast %add3A_865 : i32 to index
        %get3A_871 = arith.constant 48 : index
        %get3A_872 = tpu.vector_load %get3A_869[%get3A_870, %get3A_871] {strides = array<i32>} : memref<200x64xf32, #tpu.memory_space<vmem>>, vector<1x16xf32>,
        %get3A_873 = vector.shape_cast %get3A_872 : vector<1x16xf32> to vector<16xf32>
        %add3A_874 = arith.addf %add3A_830, %get3A_873 : vector<16xf32>
        %add3A_875 = arith.constant 3 : i32
        %add3A_876 = arith.addi %mul3A_743, %add3A_875 : i32
        %get3A_877 = arith.constant 0 : i32
        %get3A_878 = arith.constant 0 : i32
        %get3A_879 = tpu.memref_slice %arg6[%scan3A_499, %get3A_877, %get3A_878] : memref<4x200x64xf32, #tpu.memory_space<vmem>> -> memref<1x200x64xf32, #tpu.memory_space<vmem>>
        %get3A_880 = tpu.memref_squeeze %get3A_879 : memref<1x200x64xf32, #tpu.memory_space<vmem>> -> memref<200x64xf32, #tpu.memory_space<vmem>>
        %get3A_881 = arith.index_cast %add3A_876 : i32 to index
        %get3A_882 = arith.constant 0 : index
        %get3A_883 = tpu.vector_load %get3A_880[%get3A_881, %get3A_882] {strides = array<i32>} : memref<200x64xf32, #tpu.memory_space<vmem>>, vector<1x16xf32>,
        %get3A_884 = vector.shape_cast %get3A_883 : vector<1x16xf32> to vector<16xf32>
        %add3A_885 = arith.addf %add3A_841, %get3A_884 : vector<16xf32>
        %add3A_886 = arith.constant 3 : i32
        %add3A_887 = arith.addi %mul3A_743, %add3A_886 : i32
        %get3A_888 = arith.constant 0 : i32
        %get3A_889 = arith.constant 0 : i32
        %get3A_890 = tpu.memref_slice %arg6[%scan3A_499, %get3A_888, %get3A_889] : memref<4x200x64xf32, #tpu.memory_space<vmem>> -> memref<1x200x64xf32, #tpu.memory_space<vmem>>
        %get3A_891 = tpu.memref_squeeze %get3A_890 : memref<1x200x64xf32, #tpu.memory_space<vmem>> -> memref<200x64xf32, #tpu.memory_space<vmem>>
        %get3A_892 = arith.index_cast %add3A_887 : i32 to index
        %get3A_893 = arith.constant 16 : index
        %get3A_894 = tpu.vector_load %get3A_891[%get3A_892, %get3A_893] {strides = array<i32>} : memref<200x64xf32, #tpu.memory_space<vmem>>, vector<1x16xf32>,
        %get3A_895 = vector.shape_cast %get3A_894 : vector<1x16xf32> to vector<16xf32>
        %add3A_896 = arith.addf %add3A_852, %get3A_895 : vector<16xf32>
        %add3A_897 = arith.constant 3 : i32
        %add3A_898 = arith.addi %mul3A_743, %add3A_897 : i32
        %get3A_899 = arith.constant 0 : i32
        %get3A_900 = arith.constant 0 : i32
        %get3A_901 = tpu.memref_slice %arg6[%scan3A_499, %get3A_899, %get3A_900] : memref<4x200x64xf32, #tpu.memory_space<vmem>> -> memref<1x200x64xf32, #tpu.memory_space<vmem>>
        %get3A_902 = tpu.memref_squeeze %get3A_901 : memref<1x200x64xf32, #tpu.memory_space<vmem>> -> memref<200x64xf32, #tpu.memory_space<vmem>>
        %get3A_903 = arith.index_cast %add3A_898 : i32 to index
        %get3A_904 = arith.constant 32 : index
        %get3A_905 = tpu.vector_load %get3A_902[%get3A_903, %get3A_904] {strides = array<i32>} : memref<200x64xf32, #tpu.memory_space<vmem>>, vector<1x16xf32>,
        %get3A_906 = vector.shape_cast %get3A_905 : vector<1x16xf32> to vector<16xf32>
        %add3A_907 = arith.addf %add3A_863, %get3A_906 : vector<16xf32>
        %add3A_908 = arith.constant 3 : i32
        %add3A_909 = arith.addi %mul3A_743, %add3A_908 : i32
        %get3A_910 = arith.constant 0 : i32
        %get3A_911 = arith.constant 0 : i32
        %get3A_912 = tpu.memref_slice %arg6[%scan3A_499, %get3A_910, %get3A_911] : memref<4x200x64xf32, #tpu.memory_space<vmem>> -> memref<1x200x64xf32, #tpu.memory_space<vmem>>
        %get3A_913 = tpu.memref_squeeze %get3A_912 : memref<1x200x64xf32, #tpu.memory_space<vmem>> -> memref<200x64xf32, #tpu.memory_space<vmem>>
        %get3A_914 = arith.index_cast %add3A_909 : i32 to index
        %get3A_915 = arith.constant 48 : index
        %get3A_916 = tpu.vector_load %get3A_913[%get3A_914, %get3A_915] {strides = array<i32>} : memref<200x64xf32, #tpu.memory_space<vmem>>, vector<1x16xf32>,
        %get3A_917 = vector.shape_cast %get3A_916 : vector<1x16xf32> to vector<16xf32>
        %add3A_918 = arith.addf %add3A_874, %get3A_917 : vector<16xf32>
        %add3A_919 = arith.constant 4 : i32
        %add3A_920 = arith.addi %mul3A_743, %add3A_919 : i32
        %get3A_921 = arith.constant 0 : i32
        %get3A_922 = arith.constant 0 : i32
        %get3A_923 = tpu.memref_slice %arg6[%scan3A_499, %get3A_921, %get3A_922] : memref<4x200x64xf32, #tpu.memory_space<vmem>> -> memref<1x200x64xf32, #tpu.memory_space<vmem>>
        %get3A_924 = tpu.memref_squeeze %get3A_923 : memref<1x200x64xf32, #tpu.memory_space<vmem>> -> memref<200x64xf32, #tpu.memory_space<vmem>>
        %get3A_925 = arith.index_cast %add3A_920 : i32 to index
        %get3A_926 = arith.constant 0 : index
        %get3A_927 = tpu.vector_load %get3A_924[%get3A_925, %get3A_926] {strides = array<i32>} : memref<200x64xf32, #tpu.memory_space<vmem>>, vector<1x16xf32>,
        %get3A_928 = vector.shape_cast %get3A_927 : vector<1x16xf32> to vector<16xf32>
        %add3A_929 = arith.addf %add3A_885, %get3A_928 : vector<16xf32>
        %add3A_930 = arith.constant 4 : i32
        %add3A_931 = arith.addi %mul3A_743, %add3A_930 : i32
        %get3A_932 = arith.constant 0 : i32
        %get3A_933 = arith.constant 0 : i32
        %get3A_934 = tpu.memref_slice %arg6[%scan3A_499, %get3A_932, %get3A_933] : memref<4x200x64xf32, #tpu.memory_space<vmem>> -> memref<1x200x64xf32, #tpu.memory_space<vmem>>
        %get3A_935 = tpu.memref_squeeze %get3A_934 : memref<1x200x64xf32, #tpu.memory_space<vmem>> -> memref<200x64xf32, #tpu.memory_space<vmem>>
        %get3A_936 = arith.index_cast %add3A_931 : i32 to index
        %get3A_937 = arith.constant 16 : index
        %get3A_938 = tpu.vector_load %get3A_935[%get3A_936, %get3A_937] {strides = array<i32>} : memref<200x64xf32, #tpu.memory_space<vmem>>, vector<1x16xf32>,
        %get3A_939 = vector.shape_cast %get3A_938 : vector<1x16xf32> to vector<16xf32>
        %add3A_940 = arith.addf %add3A_896, %get3A_939 : vector<16xf32>
        %add3A_941 = arith.constant 4 : i32
        %add3A_942 = arith.addi %mul3A_743, %add3A_941 : i32
        %get3A_943 = arith.constant 0 : i32
        %get3A_944 = arith.constant 0 : i32
        %get3A_945 = tpu.memref_slice %arg6[%scan3A_499, %get3A_943, %get3A_944] : memref<4x200x64xf32, #tpu.memory_space<vmem>> -> memref<1x200x64xf32, #tpu.memory_space<vmem>>
        %get3A_946 = tpu.memref_squeeze %get3A_945 : memref<1x200x64xf32, #tpu.memory_space<vmem>> -> memref<200x64xf32, #tpu.memory_space<vmem>>
        %get3A_947 = arith.index_cast %add3A_942 : i32 to index
        %get3A_948 = arith.constant 32 : index
        %get3A_949 = tpu.vector_load %get3A_946[%get3A_947, %get3A_948] {strides = array<i32>} : memref<200x64xf32, #tpu.memory_space<vmem>>, vector<1x16xf32>,
        %get3A_950 = vector.shape_cast %get3A_949 : vector<1x16xf32> to vector<16xf32>
        %add3A_951 = arith.addf %add3A_907, %get3A_950 : vector<16xf32>
        %add3A_952 = arith.constant 4 : i32
        %add3A_953 = arith.addi %mul3A_743, %add3A_952 : i32
        %get3A_954 = arith.constant 0 : i32
        %get3A_955 = arith.constant 0 : i32
        %get3A_956 = tpu.memref_slice %arg6[%scan3A_499, %get3A_954, %get3A_955] : memref<4x200x64xf32, #tpu.memory_space<vmem>> -> memref<1x200x64xf32, #tpu.memory_space<vmem>>
        %get3A_957 = tpu.memref_squeeze %get3A_956 : memref<1x200x64xf32, #tpu.memory_space<vmem>> -> memref<200x64xf32, #tpu.memory_space<vmem>>
        %get3A_958 = arith.index_cast %add3A_953 : i32 to index
        %get3A_959 = arith.constant 48 : index
        %get3A_960 = tpu.vector_load %get3A_957[%get3A_958, %get3A_959] {strides = array<i32>} : memref<200x64xf32, #tpu.memory_space<vmem>>, vector<1x16xf32>,
        %get3A_961 = vector.shape_cast %get3A_960 : vector<1x16xf32> to vector<16xf32>
        %add3A_962 = arith.addf %add3A_918, %get3A_961 : vector<16xf32>
        %add3A_963 = arith.constant 5 : i32
        %add3A_964 = arith.addi %mul3A_743, %add3A_963 : i32
        %get3A_965 = arith.constant 0 : i32
        %get3A_966 = arith.constant 0 : i32
        %get3A_967 = tpu.memref_slice %arg6[%scan3A_499, %get3A_965, %get3A_966] : memref<4x200x64xf32, #tpu.memory_space<vmem>> -> memref<1x200x64xf32, #tpu.memory_space<vmem>>
        %get3A_968 = tpu.memref_squeeze %get3A_967 : memref<1x200x64xf32, #tpu.memory_space<vmem>> -> memref<200x64xf32, #tpu.memory_space<vmem>>
        %get3A_969 = arith.index_cast %add3A_964 : i32 to index
        %get3A_970 = arith.constant 0 : index
        %get3A_971 = tpu.vector_load %get3A_968[%get3A_969, %get3A_970] {strides = array<i32>} : memref<200x64xf32, #tpu.memory_space<vmem>>, vector<1x16xf32>,
        %get3A_972 = vector.shape_cast %get3A_971 : vector<1x16xf32> to vector<16xf32>
        %add3A_973 = arith.addf %add3A_929, %get3A_972 : vector<16xf32>
        %add3A_974 = arith.constant 5 : i32
        %add3A_975 = arith.addi %mul3A_743, %add3A_974 : i32
        %get3A_976 = arith.constant 0 : i32
        %get3A_977 = arith.constant 0 : i32
        %get3A_978 = tpu.memref_slice %arg6[%scan3A_499, %get3A_976, %get3A_977] : memref<4x200x64xf32, #tpu.memory_space<vmem>> -> memref<1x200x64xf32, #tpu.memory_space<vmem>>
        %get3A_979 = tpu.memref_squeeze %get3A_978 : memref<1x200x64xf32, #tpu.memory_space<vmem>> -> memref<200x64xf32, #tpu.memory_space<vmem>>
        %get3A_980 = arith.index_cast %add3A_975 : i32 to index
        %get3A_981 = arith.constant 16 : index
        %get3A_982 = tpu.vector_load %get3A_979[%get3A_980, %get3A_981] {strides = array<i32>} : memref<200x64xf32, #tpu.memory_space<vmem>>, vector<1x16xf32>,
        %get3A_983 = vector.shape_cast %get3A_982 : vector<1x16xf32> to vector<16xf32>
        %add3A_984 = arith.addf %add3A_940, %get3A_983 : vector<16xf32>
        %add3A_985 = arith.constant 5 : i32
        %add3A_986 = arith.addi %mul3A_743, %add3A_985 : i32
        %get3A_987 = arith.constant 0 : i32
        %get3A_988 = arith.constant 0 : i32
        %get3A_989 = tpu.memref_slice %arg6[%scan3A_499, %get3A_987, %get3A_988] : memref<4x200x64xf32, #tpu.memory_space<vmem>> -> memref<1x200x64xf32, #tpu.memory_space<vmem>>
        %get3A_990 = tpu.memref_squeeze %get3A_989 : memref<1x200x64xf32, #tpu.memory_space<vmem>> -> memref<200x64xf32, #tpu.memory_space<vmem>>
        %get3A_991 = arith.index_cast %add3A_986 : i32 to index
        %get3A_992 = arith.constant 32 : index
        %get3A_993 = tpu.vector_load %get3A_990[%get3A_991, %get3A_992] {strides = array<i32>} : memref<200x64xf32, #tpu.memory_space<vmem>>, vector<1x16xf32>,
        %get3A_994 = vector.shape_cast %get3A_993 : vector<1x16xf32> to vector<16xf32>
        %add3A_995 = arith.addf %add3A_951, %get3A_994 : vector<16xf32>
        %add3A_996 = arith.constant 5 : i32
        %add3A_997 = arith.addi %mul3A_743, %add3A_996 : i32
        %get3A_998 = arith.constant 0 : i32
        %get3A_999 = arith.constant 0 : i32
        %get3A_1000 = tpu.memref_slice %arg6[%scan3A_499, %get3A_998, %get3A_999] : memref<4x200x64xf32, #tpu.memory_space<vmem>> -> memref<1x200x64xf32, #tpu.memory_space<vmem>>
        %get3A_1001 = tpu.memref_squeeze %get3A_1000 : memref<1x200x64xf32, #tpu.memory_space<vmem>> -> memref<200x64xf32, #tpu.memory_space<vmem>>
        %get3A_1002 = arith.index_cast %add3A_997 : i32 to index
        %get3A_1003 = arith.constant 48 : index
        %get3A_1004 = tpu.vector_load %get3A_1001[%get3A_1002, %get3A_1003] {strides = array<i32>} : memref<200x64xf32, #tpu.memory_space<vmem>>, vector<1x16xf32>,
        %get3A_1005 = vector.shape_cast %get3A_1004 : vector<1x16xf32> to vector<16xf32>
        %add3A_1006 = arith.addf %add3A_962, %get3A_1005 : vector<16xf32>
        %add3A_1007 = arith.constant 6 : i32
        %add3A_1008 = arith.addi %mul3A_743, %add3A_1007 : i32
        %get3A_1009 = arith.constant 0 : i32
        %get3A_1010 = arith.constant 0 : i32
        %get3A_1011 = tpu.memref_slice %arg6[%scan3A_499, %get3A_1009, %get3A_1010] : memref<4x200x64xf32, #tpu.memory_space<vmem>> -> memref<1x200x64xf32, #tpu.memory_space<vmem>>
        %get3A_1012 = tpu.memref_squeeze %get3A_1011 : memref<1x200x64xf32, #tpu.memory_space<vmem>> -> memref<200x64xf32, #tpu.memory_space<vmem>>
        %get3A_1013 = arith.index_cast %add3A_1008 : i32 to index
        %get3A_1014 = arith.constant 0 : index
        %get3A_1015 = tpu.vector_load %get3A_1012[%get3A_1013, %get3A_1014] {strides = array<i32>} : memref<200x64xf32, #tpu.memory_space<vmem>>, vector<1x16xf32>,
        %get3A_1016 = vector.shape_cast %get3A_1015 : vector<1x16xf32> to vector<16xf32>
        %add3A_1017 = arith.addf %add3A_973, %get3A_1016 : vector<16xf32>
        %add3A_1018 = arith.constant 6 : i32
        %add3A_1019 = arith.addi %mul3A_743, %add3A_1018 : i32
        %get3A_1020 = arith.constant 0 : i32
        %get3A_1021 = arith.constant 0 : i32
        %get3A_1022 = tpu.memref_slice %arg6[%scan3A_499, %get3A_1020, %get3A_1021] : memref<4x200x64xf32, #tpu.memory_space<vmem>> -> memref<1x200x64xf32, #tpu.memory_space<vmem>>
        %get3A_1023 = tpu.memref_squeeze %get3A_1022 : memref<1x200x64xf32, #tpu.memory_space<vmem>> -> memref<200x64xf32, #tpu.memory_space<vmem>>
        %get3A_1024 = arith.index_cast %add3A_1019 : i32 to index
        %get3A_1025 = arith.constant 16 : index
        %get3A_1026 = tpu.vector_load %get3A_1023[%get3A_1024, %get3A_1025] {strides = array<i32>} : memref<200x64xf32, #tpu.memory_space<vmem>>, vector<1x16xf32>,
        %get3A_1027 = vector.shape_cast %get3A_1026 : vector<1x16xf32> to vector<16xf32>
        %add3A_1028 = arith.addf %add3A_984, %get3A_1027 : vector<16xf32>
        %add3A_1029 = arith.constant 6 : i32
        %add3A_1030 = arith.addi %mul3A_743, %add3A_1029 : i32
        %get3A_1031 = arith.constant 0 : i32
        %get3A_1032 = arith.constant 0 : i32
        %get3A_1033 = tpu.memref_slice %arg6[%scan3A_499, %get3A_1031, %get3A_1032] : memref<4x200x64xf32, #tpu.memory_space<vmem>> -> memref<1x200x64xf32, #tpu.memory_space<vmem>>
        %get3A_1034 = tpu.memref_squeeze %get3A_1033 : memref<1x200x64xf32, #tpu.memory_space<vmem>> -> memref<200x64xf32, #tpu.memory_space<vmem>>
        %get3A_1035 = arith.index_cast %add3A_1030 : i32 to index
        %get3A_1036 = arith.constant 32 : index
        %get3A_1037 = tpu.vector_load %get3A_1034[%get3A_1035, %get3A_1036] {strides = array<i32>} : memref<200x64xf32, #tpu.memory_space<vmem>>, vector<1x16xf32>,
        %get3A_1038 = vector.shape_cast %get3A_1037 : vector<1x16xf32> to vector<16xf32>
        %add3A_1039 = arith.addf %add3A_995, %get3A_1038 : vector<16xf32>
        %add3A_1040 = arith.constant 6 : i32
        %add3A_1041 = arith.addi %mul3A_743, %add3A_1040 : i32
        %get3A_1042 = arith.constant 0 : i32
        %get3A_1043 = arith.constant 0 : i32
        %get3A_1044 = tpu.memref_slice %arg6[%scan3A_499, %get3A_1042, %get3A_1043] : memref<4x200x64xf32, #tpu.memory_space<vmem>> -> memref<1x200x64xf32, #tpu.memory_space<vmem>>
        %get3A_1045 = tpu.memref_squeeze %get3A_1044 : memref<1x200x64xf32, #tpu.memory_space<vmem>> -> memref<200x64xf32, #tpu.memory_space<vmem>>
        %get3A_1046 = arith.index_cast %add3A_1041 : i32 to index
        %get3A_1047 = arith.constant 48 : index
        %get3A_1048 = tpu.vector_load %get3A_1045[%get3A_1046, %get3A_1047] {strides = array<i32>} : memref<200x64xf32, #tpu.memory_space<vmem>>, vector<1x16xf32>,
        %get3A_1049 = vector.shape_cast %get3A_1048 : vector<1x16xf32> to vector<16xf32>
        %add3A_1050 = arith.addf %add3A_1006, %get3A_1049 : vector<16xf32>
        %add3A_1051 = arith.constant 7 : i32
        %add3A_1052 = arith.addi %mul3A_743, %add3A_1051 : i32
        %get3A_1053 = arith.constant 0 : i32
        %get3A_1054 = arith.constant 0 : i32
        %get3A_1055 = tpu.memref_slice %arg6[%scan3A_499, %get3A_1053, %get3A_1054] : memref<4x200x64xf32, #tpu.memory_space<vmem>> -> memref<1x200x64xf32, #tpu.memory_space<vmem>>
        %get3A_1056 = tpu.memref_squeeze %get3A_1055 : memref<1x200x64xf32, #tpu.memory_space<vmem>> -> memref<200x64xf32, #tpu.memory_space<vmem>>
        %get3A_1057 = arith.index_cast %add3A_1052 : i32 to index
        %get3A_1058 = arith.constant 0 : index
        %get3A_1059 = tpu.vector_load %get3A_1056[%get3A_1057, %get3A_1058] {strides = array<i32>} : memref<200x64xf32, #tpu.memory_space<vmem>>, vector<1x16xf32>,
        %get3A_1060 = vector.shape_cast %get3A_1059 : vector<1x16xf32> to vector<16xf32>
        %add3A_1061 = arith.addf %add3A_1017, %get3A_1060 : vector<16xf32>
        %add3A_1062 = arith.constant 7 : i32
        %add3A_1063 = arith.addi %mul3A_743, %add3A_1062 : i32
        %get3A_1064 = arith.constant 0 : i32
        %get3A_1065 = arith.constant 0 : i32
        %get3A_1066 = tpu.memref_slice %arg6[%scan3A_499, %get3A_1064, %get3A_1065] : memref<4x200x64xf32, #tpu.memory_space<vmem>> -> memref<1x200x64xf32, #tpu.memory_space<vmem>>
        %get3A_1067 = tpu.memref_squeeze %get3A_1066 : memref<1x200x64xf32, #tpu.memory_space<vmem>> -> memref<200x64xf32, #tpu.memory_space<vmem>>
        %get3A_1068 = arith.index_cast %add3A_1063 : i32 to index
        %get3A_1069 = arith.constant 16 : index
        %get3A_1070 = tpu.vector_load %get3A_1067[%get3A_1068, %get3A_1069] {strides = array<i32>} : memref<200x64xf32, #tpu.memory_space<vmem>>, vector<1x16xf32>,
        %get3A_1071 = vector.shape_cast %get3A_1070 : vector<1x16xf32> to vector<16xf32>
        %add3A_1072 = arith.addf %add3A_1028, %get3A_1071 : vector<16xf32>
        %add3A_1073 = arith.constant 7 : i32
        %add3A_1074 = arith.addi %mul3A_743, %add3A_1073 : i32
        %get3A_1075 = arith.constant 0 : i32
        %get3A_1076 = arith.constant 0 : i32
        %get3A_1077 = tpu.memref_slice %arg6[%scan3A_499, %get3A_1075, %get3A_1076] : memref<4x200x64xf32, #tpu.memory_space<vmem>> -> memref<1x200x64xf32, #tpu.memory_space<vmem>>
        %get3A_1078 = tpu.memref_squeeze %get3A_1077 : memref<1x200x64xf32, #tpu.memory_space<vmem>> -> memref<200x64xf32, #tpu.memory_space<vmem>>
        %get3A_1079 = arith.index_cast %add3A_1074 : i32 to index
        %get3A_1080 = arith.constant 32 : index
        %get3A_1081 = tpu.vector_load %get3A_1078[%get3A_1079, %get3A_1080] {strides = array<i32>} : memref<200x64xf32, #tpu.memory_space<vmem>>, vector<1x16xf32>,
        %get3A_1082 = vector.shape_cast %get3A_1081 : vector<1x16xf32> to vector<16xf32>
        %add3A_1083 = arith.addf %add3A_1039, %get3A_1082 : vector<16xf32>
        %add3A_1084 = arith.constant 7 : i32
        %add3A_1085 = arith.addi %mul3A_743, %add3A_1084 : i32
        %get3A_1086 = arith.constant 0 : i32
        %get3A_1087 = arith.constant 0 : i32
        %get3A_1088 = tpu.memref_slice %arg6[%scan3A_499, %get3A_1086, %get3A_1087] : memref<4x200x64xf32, #tpu.memory_space<vmem>> -> memref<1x200x64xf32, #tpu.memory_space<vmem>>
        %get3A_1089 = tpu.memref_squeeze %get3A_1088 : memref<1x200x64xf32, #tpu.memory_space<vmem>> -> memref<200x64xf32, #tpu.memory_space<vmem>>
        %get3A_1090 = arith.index_cast %add3A_1085 : i32 to index
        %get3A_1091 = arith.constant 48 : index
        %get3A_1092 = tpu.vector_load %get3A_1089[%get3A_1090, %get3A_1091] {strides = array<i32>} : memref<200x64xf32, #tpu.memory_space<vmem>>, vector<1x16xf32>,
        %get3A_1093 = vector.shape_cast %get3A_1092 : vector<1x16xf32> to vector<16xf32>
        %add3A_1094 = arith.addf %add3A_1050, %get3A_1093 : vector<16xf32>
        scf.yield %add3A_1061, %add3A_1072, %add3A_1083, %add3A_1094 : vector<16xf32>, vector<16xf32>, vector<16xf32>, vector<16xf32>
      }
      %scan3A_505 = arith.constant 25 : i32
      %add3A_506 = arith.constant 4 : i32
      %add3A_507 = arith.addi %add3A_472, %add3A_506 : i32
      %dma_start3A_508 = arith.constant 1 : i32
      %dma_start3A_509 = arith.constant 0 : i32
      %dma_start3A_510 = arith.constant 0 : i32
      %dma_start3A_511 = tpu.memref_slice %arg6[%dma_start3A_508, %dma_start3A_509, %dma_start3A_510] : memref<4x200x64xf32, #tpu.memory_space<vmem>> -> memref<1x128x64xf32, #tpu.memory_space<vmem>>
      %dma_start3A_512 = tpu.memref_squeeze %dma_start3A_511 : memref<1x128x64xf32, #tpu.memory_space<vmem>> -> memref<128x64xf32, #tpu.memory_space<vmem>>
      %dma_start3A_513 = arith.constant 0 : i32
      %dma_start3A_514 = tpu.memref_slice %arg5[%add3A_507, %dma_start3A_513] : memref<128x200xi32, #tpu.memory_space<vmem>> -> memref<1x128xi32, #tpu.memory_space<vmem>>
      %dma_start3A_515 = tpu.memref_squeeze %dma_start3A_514 : memref<1x128xi32, #tpu.memory_space<vmem>> -> memref<128xi32, #tpu.memory_space<vmem>>
      %dma_start3A_516 = arith.constant 0 : i32
      %dma_start3A_517 = arith.constant 0 : i32
      %dma_start3A_518 = tpu.memref_slice %arg3[%dma_start3A_516, %dma_start3A_517] : memref<1000000x64xf32, #tpu.memory_space<hbm>> -> memref<1000000x64xf32, #tpu.memory_space<hbm>>
      tpu.enqueue_indirect_dma source(%dma_start3A_518 : memref<1000000x64xf32, #tpu.memory_space<hbm>>) target(%dma_start3A_512 : memref<128x64xf32, #tpu.memory_space<vmem>>) offsets(%dma_start3A_515 : memref<128xi32, #tpu.memory_space<vmem>>) semaphore(%arg9 : memref<!tpu.dma_semaphore, #tpu.memory_space<semaphore_mem>>)
      %dma_start3A_519 = arith.constant 1 : i32
      %dma_start3A_520 = arith.constant 128 : i32
      %dma_start3A_521 = arith.constant 0 : i32
      %dma_start3A_522 = tpu.memref_slice %arg6[%dma_start3A_519, %dma_start3A_520, %dma_start3A_521] : memref<4x200x64xf32, #tpu.memory_space<vmem>> -> memref<1x72x64xf32, #tpu.memory_space<vmem>>
      %dma_start3A_523 = tpu.memref_squeeze %dma_start3A_522 : memref<1x72x64xf32, #tpu.memory_space<vmem>> -> memref<72x64xf32, #tpu.memory_space<vmem>>
      %dma_start3A_524 = arith.constant 128 : i32
      %dma_start3A_525 = tpu.memref_slice %arg5[%add3A_507, %dma_start3A_524] : memref<128x200xi32, #tpu.memory_space<vmem>> -> memref<1x72xi32, #tpu.memory_space<vmem>>
      %dma_start3A_526 = tpu.memref_squeeze %dma_start3A_525 : memref<1x72xi32, #tpu.memory_space<vmem>> -> memref<72xi32, #tpu.memory_space<vmem>>
      %dma_start3A_527 = arith.constant 0 : i32
      %dma_start3A_528 = arith.constant 0 : i32
      %dma_start3A_529 = tpu.memref_slice %arg3[%dma_start3A_527, %dma_start3A_528] : memref<1000000x64xf32, #tpu.memory_space<hbm>> -> memref<1000000x64xf32, #tpu.memory_space<hbm>>
      tpu.enqueue_indirect_dma source(%dma_start3A_529 : memref<1000000x64xf32, #tpu.memory_space<hbm>>) target(%dma_start3A_523 : memref<72x64xf32, #tpu.memory_space<vmem>>) offsets(%dma_start3A_526 : memref<72xi32, #tpu.memory_space<vmem>>) semaphore(%arg9 : memref<!tpu.dma_semaphore, #tpu.memory_space<semaphore_mem>>)
      %mul3A_530 = vector.broadcast %scan3A : f32 to vector<16xf32>
      %mul3A_531 = arith.mulf %scan3A_504#0, %mul3A_530 : vector<16xf32>
      %swap3A_532 = arith.index_cast %add3A_472 : i32 to index
      %swap3A_533 = arith.constant 0 : index
      %swap3A_534 = tpu.vector_load %arg7[%swap3A_532, %swap3A_533] {strides = array<i32>} : memref<128x64xf32, #tpu.memory_space<vmem>>, vector<1x16xf32>,
      %swap3A_535 = vector.shape_cast %swap3A_534 : vector<1x16xf32> to vector<16xf32>
      %swap3A_536 = vector.shape_cast %mul3A_531 : vector<16xf32> to vector<1x16xf32>
      tpu.vector_store %arg7[%swap3A_532, %swap3A_533], %swap3A_536 {strides = array<i32>} : memref<128x64xf32, #tpu.memory_space<vmem>>, vector<1x16xf32>,
      %mul3A_537 = vector.broadcast %scan3A : f32 to vector<16xf32>
      %mul3A_538 = arith.mulf %scan3A_504#1, %mul3A_537 : vector<16xf32>
      %swap3A_539 = arith.index_cast %add3A_472 : i32 to index
      %swap3A_540 = arith.constant 16 : index
      %swap3A_541 = tpu.vector_load %arg7[%swap3A_539, %swap3A_540] {strides = array<i32>} : memref<128x64xf32, #tpu.memory_space<vmem>>, vector<1x16xf32>,
      %swap3A_542 = vector.shape_cast %swap3A_541 : vector<1x16xf32> to vector<16xf32>
      %swap3A_543 = vector.shape_cast %mul3A_538 : vector<16xf32> to vector<1x16xf32>
      tpu.vector_store %arg7[%swap3A_539, %swap3A_540], %swap3A_543 {strides = array<i32>} : memref<128x64xf32, #tpu.memory_space<vmem>>, vector<1x16xf32>,
      %mul3A_544 = vector.broadcast %scan3A : f32 to vector<16xf32>
      %mul3A_545 = arith.mulf %scan3A_504#2, %mul3A_544 : vector<16xf32>
      %swap3A_546 = arith.index_cast %add3A_472 : i32 to index
      %swap3A_547 = arith.constant 32 : index
      %swap3A_548 = tpu.vector_load %arg7[%swap3A_546, %swap3A_547] {strides = array<i32>} : memref<128x64xf32, #tpu.memory_space<vmem>>, vector<1x16xf32>,
      %swap3A_549 = vector.shape_cast %swap3A_548 : vector<1x16xf32> to vector<16xf32>
      %swap3A_550 = vector.shape_cast %mul3A_545 : vector<16xf32> to vector<1x16xf32>
      tpu.vector_store %arg7[%swap3A_546, %swap3A_547], %swap3A_550 {strides = array<i32>} : memref<128x64xf32, #tpu.memory_space<vmem>>, vector<1x16xf32>,
      %mul3A_551 = vector.broadcast %scan3A : f32 to vector<16xf32>
      %mul3A_552 = arith.mulf %scan3A_504#3, %mul3A_551 : vector<16xf32>
      %swap3A_553 = arith.index_cast %add3A_472 : i32 to index
      %swap3A_554 = arith.constant 48 : index
      %swap3A_555 = tpu.vector_load %arg7[%swap3A_553, %swap3A_554] {strides = array<i32>} : memref<128x64xf32, #tpu.memory_space<vmem>>, vector<1x16xf32>,
      %swap3A_556 = vector.shape_cast %swap3A_555 : vector<1x16xf32> to vector<16xf32>
      %swap3A_557 = vector.shape_cast %mul3A_552 : vector<16xf32> to vector<1x16xf32>
      tpu.vector_store %arg7[%swap3A_553, %swap3A_554], %swap3A_557 {strides = array<i32>} : memref<128x64xf32, #tpu.memory_space<vmem>>, vector<1x16xf32>,
      %mul3A_558 = arith.constant 4 : i32
      %mul3A_559 = arith.muli %mul3A_558, %scan3A_378 : i32
      %add3A_560 = arith.constant 2 : i32
      %add3A_561 = arith.addi %mul3A_559, %add3A_560 : i32
      %dma_wait3A_562 = arith.constant 0 : i32
      %dma_wait3A_563 = arith.constant 2 : i32
      %dma_wait3A_564 = arith.constant 0 : i32
      %dma_wait3A_565 = arith.constant 0 : i32
      %dma_wait3A_566 = tpu.memref_slice %arg6[%dma_wait3A_563, %dma_wait3A_564, %dma_wait3A_565] : memref<4x200x64xf32, #tpu.memory_space<vmem>> -> memref<1x128x64xf32, #tpu.memory_space<vmem>>
      %dma_wait3A_567 = tpu.memref_squeeze %dma_wait3A_566 : memref<1x128x64xf32, #tpu.memory_space<vmem>> -> memref<128x64xf32, #tpu.memory_space<vmem>>
      %dma_wait3A_568 = arith.constant 0 : i32
      %dma_wait3A_569 = tpu.memref_slice %arg5[%dma_wait3A_562, %dma_wait3A_568] : memref<128x200xi32, #tpu.memory_space<vmem>> -> memref<1x128xi32, #tpu.memory_space<vmem>>
      %dma_wait3A_570 = tpu.memref_squeeze %dma_wait3A_569 : memref<1x128xi32, #tpu.memory_space<vmem>> -> memref<128xi32, #tpu.memory_space<vmem>>
      %dma_wait3A_571 = arith.constant 0 : i32
      %dma_wait3A_572 = arith.constant 0 : i32
      %dma_wait3A_573 = tpu.memref_slice %arg3[%dma_wait3A_571, %dma_wait3A_572] : memref<1000000x64xf32, #tpu.memory_space<hbm>> -> memref<1000000x64xf32, #tpu.memory_space<hbm>>
      tpu.wait_indirect_dma semaphore(%arg10 : memref<!tpu.dma_semaphore, #tpu.memory_space<semaphore_mem>>) src(%dma_wait3A_573 : memref<1000000x64xf32, #tpu.memory_space<hbm>>) dst(%dma_wait3A_567 : memref<128x64xf32, #tpu.memory_space<vmem>>)
      %dma_wait3A_574 = arith.constant 0 : i32
      %dma_wait3A_575 = arith.constant 2 : i32
      %dma_wait3A_576 = arith.constant 128 : i32
      %dma_wait3A_577 = arith.constant 0 : i32
      %dma_wait3A_578 = tpu.memref_slice %arg6[%dma_wait3A_575, %dma_wait3A_576, %dma_wait3A_577] : memref<4x200x64xf32, #tpu.memory_space<vmem>> -> memref<1x72x64xf32, #tpu.memory_space<vmem>>
      %dma_wait3A_579 = tpu.memref_squeeze %dma_wait3A_578 : memref<1x72x64xf32, #tpu.memory_space<vmem>> -> memref<72x64xf32, #tpu.memory_space<vmem>>
      %dma_wait3A_580 = arith.constant 128 : i32
      %dma_wait3A_581 = tpu.memref_slice %arg5[%dma_wait3A_574, %dma_wait3A_580] : memref<128x200xi32, #tpu.memory_space<vmem>> -> memref<1x72xi32, #tpu.memory_space<vmem>>
      %dma_wait3A_582 = tpu.memref_squeeze %dma_wait3A_581 : memref<1x72xi32, #tpu.memory_space<vmem>> -> memref<72xi32, #tpu.memory_space<vmem>>
      %dma_wait3A_583 = arith.constant 0 : i32
      %dma_wait3A_584 = arith.constant 0 : i32
      %dma_wait3A_585 = tpu.memref_slice %arg3[%dma_wait3A_583, %dma_wait3A_584] : memref<1000000x64xf32, #tpu.memory_space<hbm>> -> memref<1000000x64xf32, #tpu.memory_space<hbm>>
      tpu.wait_indirect_dma semaphore(%arg10 : memref<!tpu.dma_semaphore, #tpu.memory_space<semaphore_mem>>) src(%dma_wait3A_585 : memref<1000000x64xf32, #tpu.memory_space<hbm>>) dst(%dma_wait3A_579 : memref<72x64xf32, #tpu.memory_space<vmem>>)
      %broadcast_in_dim3A_586 = arith.constant 0.000000e+00 : f32
      %broadcast_in_dim3A_587 = vector.broadcast %broadcast_in_dim3A_586 : f32 to vector<16xf32>
      %scan3A_588 = arith.constant 2 : i32
      %scan3A_589 = arith.constant 0 : i32
      %scan3A_590 = arith.constant 25 : i32
      %scan3A_591 = arith.addi %scan3A_589, %scan3A_590 : i32
      %scan3A_592 = arith.constant 1 : i32
      %scan3A_593:4 = scf.for %scan3A_737 = %scan3A_589 to %scan3A_591 step %scan3A_592 iter_args(%scan3A_738 = %broadcast_in_dim3A_587, %scan3A_739 = %broadcast_in_dim3A_587, %scan3A_740 = %broadcast_in_dim3A_587, %scan3A_741 = %broadcast_in_dim3A_587) -> (vector<16xf32>, vector<16xf32>, vector<16xf32>, vector<16xf32>)  : i32 {
        %mul3A_742 = arith.constant 8 : i32
        %mul3A_743 = arith.muli %scan3A_737, %mul3A_742 : i32
        %add3A_744 = arith.constant 0 : i32
        %add3A_745 = arith.addi %mul3A_743, %add3A_744 : i32
        %get3A = arith.constant 0 : i32
        %get3A_746 = arith.constant 0 : i32
        %get3A_747 = tpu.memref_slice %arg6[%scan3A_588, %get3A, %get3A_746] : memref<4x200x64xf32, #tpu.memory_space<vmem>> -> memref<1x200x64xf32, #tpu.memory_space<vmem>>
        %get3A_748 = tpu.memref_squeeze %get3A_747 : memref<1x200x64xf32, #tpu.memory_space<vmem>> -> memref<200x64xf32, #tpu.memory_space<vmem>>
        %get3A_749 = arith.index_cast %add3A_745 : i32 to index
        %get3A_750 = arith.constant 0 : index
        %get3A_751 = tpu.vector_load %get3A_748[%get3A_749, %get3A_750] {strides = array<i32>} : memref<200x64xf32, #tpu.memory_space<vmem>>, vector<1x16xf32>,
        %get3A_752 = vector.shape_cast %get3A_751 : vector<1x16xf32> to vector<16xf32>
        %add3A_753 = arith.addf %scan3A_738, %get3A_752 : vector<16xf32>
        %add3A_754 = arith.constant 0 : i32
        %add3A_755 = arith.addi %mul3A_743, %add3A_754 : i32
        %get3A_756 = arith.constant 0 : i32
        %get3A_757 = arith.constant 0 : i32
        %get3A_758 = tpu.memref_slice %arg6[%scan3A_588, %get3A_756, %get3A_757] : memref<4x200x64xf32, #tpu.memory_space<vmem>> -> memref<1x200x64xf32, #tpu.memory_space<vmem>>
        %get3A_759 = tpu.memref_squeeze %get3A_758 : memref<1x200x64xf32, #tpu.memory_space<vmem>> -> memref<200x64xf32, #tpu.memory_space<vmem>>
        %get3A_760 = arith.index_cast %add3A_755 : i32 to index
        %get3A_761 = arith.constant 16 : index
        %get3A_762 = tpu.vector_load %get3A_759[%get3A_760, %get3A_761] {strides = array<i32>} : memref<200x64xf32, #tpu.memory_space<vmem>>, vector<1x16xf32>,
        %get3A_763 = vector.shape_cast %get3A_762 : vector<1x16xf32> to vector<16xf32>
        %add3A_764 = arith.addf %scan3A_739, %get3A_763 : vector<16xf32>
        %add3A_765 = arith.constant 0 : i32
        %add3A_766 = arith.addi %mul3A_743, %add3A_765 : i32
        %get3A_767 = arith.constant 0 : i32
        %get3A_768 = arith.constant 0 : i32
        %get3A_769 = tpu.memref_slice %arg6[%scan3A_588, %get3A_767, %get3A_768] : memref<4x200x64xf32, #tpu.memory_space<vmem>> -> memref<1x200x64xf32, #tpu.memory_space<vmem>>
        %get3A_770 = tpu.memref_squeeze %get3A_769 : memref<1x200x64xf32, #tpu.memory_space<vmem>> -> memref<200x64xf32, #tpu.memory_space<vmem>>
        %get3A_771 = arith.index_cast %add3A_766 : i32 to index
        %get3A_772 = arith.constant 32 : index
        %get3A_773 = tpu.vector_load %get3A_770[%get3A_771, %get3A_772] {strides = array<i32>} : memref<200x64xf32, #tpu.memory_space<vmem>>, vector<1x16xf32>,
        %get3A_774 = vector.shape_cast %get3A_773 : vector<1x16xf32> to vector<16xf32>
        %add3A_775 = arith.addf %scan3A_740, %get3A_774 : vector<16xf32>
        %add3A_776 = arith.constant 0 : i32
        %add3A_777 = arith.addi %mul3A_743, %add3A_776 : i32
        %get3A_778 = arith.constant 0 : i32
        %get3A_779 = arith.constant 0 : i32
        %get3A_780 = tpu.memref_slice %arg6[%scan3A_588, %get3A_778, %get3A_779] : memref<4x200x64xf32, #tpu.memory_space<vmem>> -> memref<1x200x64xf32, #tpu.memory_space<vmem>>
        %get3A_781 = tpu.memref_squeeze %get3A_780 : memref<1x200x64xf32, #tpu.memory_space<vmem>> -> memref<200x64xf32, #tpu.memory_space<vmem>>
        %get3A_782 = arith.index_cast %add3A_777 : i32 to index
        %get3A_783 = arith.constant 48 : index
        %get3A_784 = tpu.vector_load %get3A_781[%get3A_782, %get3A_783] {strides = array<i32>} : memref<200x64xf32, #tpu.memory_space<vmem>>, vector<1x16xf32>,
        %get3A_785 = vector.shape_cast %get3A_784 : vector<1x16xf32> to vector<16xf32>
        %add3A_786 = arith.addf %scan3A_741, %get3A_785 : vector<16xf32>
        %add3A_787 = arith.constant 1 : i32
        %add3A_788 = arith.addi %mul3A_743, %add3A_787 : i32
        %get3A_789 = arith.constant 0 : i32
        %get3A_790 = arith.constant 0 : i32
        %get3A_791 = tpu.memref_slice %arg6[%scan3A_588, %get3A_789, %get3A_790] : memref<4x200x64xf32, #tpu.memory_space<vmem>> -> memref<1x200x64xf32, #tpu.memory_space<vmem>>
        %get3A_792 = tpu.memref_squeeze %get3A_791 : memref<1x200x64xf32, #tpu.memory_space<vmem>> -> memref<200x64xf32, #tpu.memory_space<vmem>>
        %get3A_793 = arith.index_cast %add3A_788 : i32 to index
        %get3A_794 = arith.constant 0 : index
        %get3A_795 = tpu.vector_load %get3A_792[%get3A_793, %get3A_794] {strides = array<i32>} : memref<200x64xf32, #tpu.memory_space<vmem>>, vector<1x16xf32>,
        %get3A_796 = vector.shape_cast %get3A_795 : vector<1x16xf32> to vector<16xf32>
        %add3A_797 = arith.addf %add3A_753, %get3A_796 : vector<16xf32>
        %add3A_798 = arith.constant 1 : i32
        %add3A_799 = arith.addi %mul3A_743, %add3A_798 : i32
        %get3A_800 = arith.constant 0 : i32
        %get3A_801 = arith.constant 0 : i32
        %get3A_802 = tpu.memref_slice %arg6[%scan3A_588, %get3A_800, %get3A_801] : memref<4x200x64xf32, #tpu.memory_space<vmem>> -> memref<1x200x64xf32, #tpu.memory_space<vmem>>
        %get3A_803 = tpu.memref_squeeze %get3A_802 : memref<1x200x64xf32, #tpu.memory_space<vmem>> -> memref<200x64xf32, #tpu.memory_space<vmem>>
        %get3A_804 = arith.index_cast %add3A_799 : i32 to index
        %get3A_805 = arith.constant 16 : index
        %get3A_806 = tpu.vector_load %get3A_803[%get3A_804, %get3A_805] {strides = array<i32>} : memref<200x64xf32, #tpu.memory_space<vmem>>, vector<1x16xf32>,
        %get3A_807 = vector.shape_cast %get3A_806 : vector<1x16xf32> to vector<16xf32>
        %add3A_808 = arith.addf %add3A_764, %get3A_807 : vector<16xf32>
        %add3A_809 = arith.constant 1 : i32
        %add3A_810 = arith.addi %mul3A_743, %add3A_809 : i32
        %get3A_811 = arith.constant 0 : i32
        %get3A_812 = arith.constant 0 : i32
        %get3A_813 = tpu.memref_slice %arg6[%scan3A_588, %get3A_811, %get3A_812] : memref<4x200x64xf32, #tpu.memory_space<vmem>> -> memref<1x200x64xf32, #tpu.memory_space<vmem>>
        %get3A_814 = tpu.memref_squeeze %get3A_813 : memref<1x200x64xf32, #tpu.memory_space<vmem>> -> memref<200x64xf32, #tpu.memory_space<vmem>>
        %get3A_815 = arith.index_cast %add3A_810 : i32 to index
        %get3A_816 = arith.constant 32 : index
        %get3A_817 = tpu.vector_load %get3A_814[%get3A_815, %get3A_816] {strides = array<i32>} : memref<200x64xf32, #tpu.memory_space<vmem>>, vector<1x16xf32>,
        %get3A_818 = vector.shape_cast %get3A_817 : vector<1x16xf32> to vector<16xf32>
        %add3A_819 = arith.addf %add3A_775, %get3A_818 : vector<16xf32>
        %add3A_820 = arith.constant 1 : i32
        %add3A_821 = arith.addi %mul3A_743, %add3A_820 : i32
        %get3A_822 = arith.constant 0 : i32
        %get3A_823 = arith.constant 0 : i32
        %get3A_824 = tpu.memref_slice %arg6[%scan3A_588, %get3A_822, %get3A_823] : memref<4x200x64xf32, #tpu.memory_space<vmem>> -> memref<1x200x64xf32, #tpu.memory_space<vmem>>
        %get3A_825 = tpu.memref_squeeze %get3A_824 : memref<1x200x64xf32, #tpu.memory_space<vmem>> -> memref<200x64xf32, #tpu.memory_space<vmem>>
        %get3A_826 = arith.index_cast %add3A_821 : i32 to index
        %get3A_827 = arith.constant 48 : index
        %get3A_828 = tpu.vector_load %get3A_825[%get3A_826, %get3A_827] {strides = array<i32>} : memref<200x64xf32, #tpu.memory_space<vmem>>, vector<1x16xf32>,
        %get3A_829 = vector.shape_cast %get3A_828 : vector<1x16xf32> to vector<16xf32>
        %add3A_830 = arith.addf %add3A_786, %get3A_829 : vector<16xf32>
        %add3A_831 = arith.constant 2 : i32
        %add3A_832 = arith.addi %mul3A_743, %add3A_831 : i32
        %get3A_833 = arith.constant 0 : i32
        %get3A_834 = arith.constant 0 : i32
        %get3A_835 = tpu.memref_slice %arg6[%scan3A_588, %get3A_833, %get3A_834] : memref<4x200x64xf32, #tpu.memory_space<vmem>> -> memref<1x200x64xf32, #tpu.memory_space<vmem>>
        %get3A_836 = tpu.memref_squeeze %get3A_835 : memref<1x200x64xf32, #tpu.memory_space<vmem>> -> memref<200x64xf32, #tpu.memory_space<vmem>>
        %get3A_837 = arith.index_cast %add3A_832 : i32 to index
        %get3A_838 = arith.constant 0 : index
        %get3A_839 = tpu.vector_load %get3A_836[%get3A_837, %get3A_838] {strides = array<i32>} : memref<200x64xf32, #tpu.memory_space<vmem>>, vector<1x16xf32>,
        %get3A_840 = vector.shape_cast %get3A_839 : vector<1x16xf32> to vector<16xf32>
        %add3A_841 = arith.addf %add3A_797, %get3A_840 : vector<16xf32>
        %add3A_842 = arith.constant 2 : i32
        %add3A_843 = arith.addi %mul3A_743, %add3A_842 : i32
        %get3A_844 = arith.constant 0 : i32
        %get3A_845 = arith.constant 0 : i32
        %get3A_846 = tpu.memref_slice %arg6[%scan3A_588, %get3A_844, %get3A_845] : memref<4x200x64xf32, #tpu.memory_space<vmem>> -> memref<1x200x64xf32, #tpu.memory_space<vmem>>
        %get3A_847 = tpu.memref_squeeze %get3A_846 : memref<1x200x64xf32, #tpu.memory_space<vmem>> -> memref<200x64xf32, #tpu.memory_space<vmem>>
        %get3A_848 = arith.index_cast %add3A_843 : i32 to index
        %get3A_849 = arith.constant 16 : index
        %get3A_850 = tpu.vector_load %get3A_847[%get3A_848, %get3A_849] {strides = array<i32>} : memref<200x64xf32, #tpu.memory_space<vmem>>, vector<1x16xf32>,
        %get3A_851 = vector.shape_cast %get3A_850 : vector<1x16xf32> to vector<16xf32>
        %add3A_852 = arith.addf %add3A_808, %get3A_851 : vector<16xf32>
        %add3A_853 = arith.constant 2 : i32
        %add3A_854 = arith.addi %mul3A_743, %add3A_853 : i32
        %get3A_855 = arith.constant 0 : i32
        %get3A_856 = arith.constant 0 : i32
        %get3A_857 = tpu.memref_slice %arg6[%scan3A_588, %get3A_855, %get3A_856] : memref<4x200x64xf32, #tpu.memory_space<vmem>> -> memref<1x200x64xf32, #tpu.memory_space<vmem>>
        %get3A_858 = tpu.memref_squeeze %get3A_857 : memref<1x200x64xf32, #tpu.memory_space<vmem>> -> memref<200x64xf32, #tpu.memory_space<vmem>>
        %get3A_859 = arith.index_cast %add3A_854 : i32 to index
        %get3A_860 = arith.constant 32 : index
        %get3A_861 = tpu.vector_load %get3A_858[%get3A_859, %get3A_860] {strides = array<i32>} : memref<200x64xf32, #tpu.memory_space<vmem>>, vector<1x16xf32>,
        %get3A_862 = vector.shape_cast %get3A_861 : vector<1x16xf32> to vector<16xf32>
        %add3A_863 = arith.addf %add3A_819, %get3A_862 : vector<16xf32>
        %add3A_864 = arith.constant 2 : i32
        %add3A_865 = arith.addi %mul3A_743, %add3A_864 : i32
        %get3A_866 = arith.constant 0 : i32
        %get3A_867 = arith.constant 0 : i32
        %get3A_868 = tpu.memref_slice %arg6[%scan3A_588, %get3A_866, %get3A_867] : memref<4x200x64xf32, #tpu.memory_space<vmem>> -> memref<1x200x64xf32, #tpu.memory_space<vmem>>
        %get3A_869 = tpu.memref_squeeze %get3A_868 : memref<1x200x64xf32, #tpu.memory_space<vmem>> -> memref<200x64xf32, #tpu.memory_space<vmem>>
        %get3A_870 = arith.index_cast %add3A_865 : i32 to index
        %get3A_871 = arith.constant 48 : index
        %get3A_872 = tpu.vector_load %get3A_869[%get3A_870, %get3A_871] {strides = array<i32>} : memref<200x64xf32, #tpu.memory_space<vmem>>, vector<1x16xf32>,
        %get3A_873 = vector.shape_cast %get3A_872 : vector<1x16xf32> to vector<16xf32>
        %add3A_874 = arith.addf %add3A_830, %get3A_873 : vector<16xf32>
        %add3A_875 = arith.constant 3 : i32
        %add3A_876 = arith.addi %mul3A_743, %add3A_875 : i32
        %get3A_877 = arith.constant 0 : i32
        %get3A_878 = arith.constant 0 : i32
        %get3A_879 = tpu.memref_slice %arg6[%scan3A_588, %get3A_877, %get3A_878] : memref<4x200x64xf32, #tpu.memory_space<vmem>> -> memref<1x200x64xf32, #tpu.memory_space<vmem>>
        %get3A_880 = tpu.memref_squeeze %get3A_879 : memref<1x200x64xf32, #tpu.memory_space<vmem>> -> memref<200x64xf32, #tpu.memory_space<vmem>>
        %get3A_881 = arith.index_cast %add3A_876 : i32 to index
        %get3A_882 = arith.constant 0 : index
        %get3A_883 = tpu.vector_load %get3A_880[%get3A_881, %get3A_882] {strides = array<i32>} : memref<200x64xf32, #tpu.memory_space<vmem>>, vector<1x16xf32>,
        %get3A_884 = vector.shape_cast %get3A_883 : vector<1x16xf32> to vector<16xf32>
        %add3A_885 = arith.addf %add3A_841, %get3A_884 : vector<16xf32>
        %add3A_886 = arith.constant 3 : i32
        %add3A_887 = arith.addi %mul3A_743, %add3A_886 : i32
        %get3A_888 = arith.constant 0 : i32
        %get3A_889 = arith.constant 0 : i32
        %get3A_890 = tpu.memref_slice %arg6[%scan3A_588, %get3A_888, %get3A_889] : memref<4x200x64xf32, #tpu.memory_space<vmem>> -> memref<1x200x64xf32, #tpu.memory_space<vmem>>
        %get3A_891 = tpu.memref_squeeze %get3A_890 : memref<1x200x64xf32, #tpu.memory_space<vmem>> -> memref<200x64xf32, #tpu.memory_space<vmem>>
        %get3A_892 = arith.index_cast %add3A_887 : i32 to index
        %get3A_893 = arith.constant 16 : index
        %get3A_894 = tpu.vector_load %get3A_891[%get3A_892, %get3A_893] {strides = array<i32>} : memref<200x64xf32, #tpu.memory_space<vmem>>, vector<1x16xf32>,
        %get3A_895 = vector.shape_cast %get3A_894 : vector<1x16xf32> to vector<16xf32>
        %add3A_896 = arith.addf %add3A_852, %get3A_895 : vector<16xf32>
        %add3A_897 = arith.constant 3 : i32
        %add3A_898 = arith.addi %mul3A_743, %add3A_897 : i32
        %get3A_899 = arith.constant 0 : i32
        %get3A_900 = arith.constant 0 : i32
        %get3A_901 = tpu.memref_slice %arg6[%scan3A_588, %get3A_899, %get3A_900] : memref<4x200x64xf32, #tpu.memory_space<vmem>> -> memref<1x200x64xf32, #tpu.memory_space<vmem>>
        %get3A_902 = tpu.memref_squeeze %get3A_901 : memref<1x200x64xf32, #tpu.memory_space<vmem>> -> memref<200x64xf32, #tpu.memory_space<vmem>>
        %get3A_903 = arith.index_cast %add3A_898 : i32 to index
        %get3A_904 = arith.constant 32 : index
        %get3A_905 = tpu.vector_load %get3A_902[%get3A_903, %get3A_904] {strides = array<i32>} : memref<200x64xf32, #tpu.memory_space<vmem>>, vector<1x16xf32>,
        %get3A_906 = vector.shape_cast %get3A_905 : vector<1x16xf32> to vector<16xf32>
        %add3A_907 = arith.addf %add3A_863, %get3A_906 : vector<16xf32>
        %add3A_908 = arith.constant 3 : i32
        %add3A_909 = arith.addi %mul3A_743, %add3A_908 : i32
        %get3A_910 = arith.constant 0 : i32
        %get3A_911 = arith.constant 0 : i32
        %get3A_912 = tpu.memref_slice %arg6[%scan3A_588, %get3A_910, %get3A_911] : memref<4x200x64xf32, #tpu.memory_space<vmem>> -> memref<1x200x64xf32, #tpu.memory_space<vmem>>
        %get3A_913 = tpu.memref_squeeze %get3A_912 : memref<1x200x64xf32, #tpu.memory_space<vmem>> -> memref<200x64xf32, #tpu.memory_space<vmem>>
        %get3A_914 = arith.index_cast %add3A_909 : i32 to index
        %get3A_915 = arith.constant 48 : index
        %get3A_916 = tpu.vector_load %get3A_913[%get3A_914, %get3A_915] {strides = array<i32>} : memref<200x64xf32, #tpu.memory_space<vmem>>, vector<1x16xf32>,
        %get3A_917 = vector.shape_cast %get3A_916 : vector<1x16xf32> to vector<16xf32>
        %add3A_918 = arith.addf %add3A_874, %get3A_917 : vector<16xf32>
        %add3A_919 = arith.constant 4 : i32
        %add3A_920 = arith.addi %mul3A_743, %add3A_919 : i32
        %get3A_921 = arith.constant 0 : i32
        %get3A_922 = arith.constant 0 : i32
        %get3A_923 = tpu.memref_slice %arg6[%scan3A_588, %get3A_921, %get3A_922] : memref<4x200x64xf32, #tpu.memory_space<vmem>> -> memref<1x200x64xf32, #tpu.memory_space<vmem>>
        %get3A_924 = tpu.memref_squeeze %get3A_923 : memref<1x200x64xf32, #tpu.memory_space<vmem>> -> memref<200x64xf32, #tpu.memory_space<vmem>>
        %get3A_925 = arith.index_cast %add3A_920 : i32 to index
        %get3A_926 = arith.constant 0 : index
        %get3A_927 = tpu.vector_load %get3A_924[%get3A_925, %get3A_926] {strides = array<i32>} : memref<200x64xf32, #tpu.memory_space<vmem>>, vector<1x16xf32>,
        %get3A_928 = vector.shape_cast %get3A_927 : vector<1x16xf32> to vector<16xf32>
        %add3A_929 = arith.addf %add3A_885, %get3A_928 : vector<16xf32>
        %add3A_930 = arith.constant 4 : i32
        %add3A_931 = arith.addi %mul3A_743, %add3A_930 : i32
        %get3A_932 = arith.constant 0 : i32
        %get3A_933 = arith.constant 0 : i32
        %get3A_934 = tpu.memref_slice %arg6[%scan3A_588, %get3A_932, %get3A_933] : memref<4x200x64xf32, #tpu.memory_space<vmem>> -> memref<1x200x64xf32, #tpu.memory_space<vmem>>
        %get3A_935 = tpu.memref_squeeze %get3A_934 : memref<1x200x64xf32, #tpu.memory_space<vmem>> -> memref<200x64xf32, #tpu.memory_space<vmem>>
        %get3A_936 = arith.index_cast %add3A_931 : i32 to index
        %get3A_937 = arith.constant 16 : index
        %get3A_938 = tpu.vector_load %get3A_935[%get3A_936, %get3A_937] {strides = array<i32>} : memref<200x64xf32, #tpu.memory_space<vmem>>, vector<1x16xf32>,
        %get3A_939 = vector.shape_cast %get3A_938 : vector<1x16xf32> to vector<16xf32>
        %add3A_940 = arith.addf %add3A_896, %get3A_939 : vector<16xf32>
        %add3A_941 = arith.constant 4 : i32
        %add3A_942 = arith.addi %mul3A_743, %add3A_941 : i32
        %get3A_943 = arith.constant 0 : i32
        %get3A_944 = arith.constant 0 : i32
        %get3A_945 = tpu.memref_slice %arg6[%scan3A_588, %get3A_943, %get3A_944] : memref<4x200x64xf32, #tpu.memory_space<vmem>> -> memref<1x200x64xf32, #tpu.memory_space<vmem>>
        %get3A_946 = tpu.memref_squeeze %get3A_945 : memref<1x200x64xf32, #tpu.memory_space<vmem>> -> memref<200x64xf32, #tpu.memory_space<vmem>>
        %get3A_947 = arith.index_cast %add3A_942 : i32 to index
        %get3A_948 = arith.constant 32 : index
        %get3A_949 = tpu.vector_load %get3A_946[%get3A_947, %get3A_948] {strides = array<i32>} : memref<200x64xf32, #tpu.memory_space<vmem>>, vector<1x16xf32>,
        %get3A_950 = vector.shape_cast %get3A_949 : vector<1x16xf32> to vector<16xf32>
        %add3A_951 = arith.addf %add3A_907, %get3A_950 : vector<16xf32>
        %add3A_952 = arith.constant 4 : i32
        %add3A_953 = arith.addi %mul3A_743, %add3A_952 : i32
        %get3A_954 = arith.constant 0 : i32
        %get3A_955 = arith.constant 0 : i32
        %get3A_956 = tpu.memref_slice %arg6[%scan3A_588, %get3A_954, %get3A_955] : memref<4x200x64xf32, #tpu.memory_space<vmem>> -> memref<1x200x64xf32, #tpu.memory_space<vmem>>
        %get3A_957 = tpu.memref_squeeze %get3A_956 : memref<1x200x64xf32, #tpu.memory_space<vmem>> -> memref<200x64xf32, #tpu.memory_space<vmem>>
        %get3A_958 = arith.index_cast %add3A_953 : i32 to index
        %get3A_959 = arith.constant 48 : index
        %get3A_960 = tpu.vector_load %get3A_957[%get3A_958, %get3A_959] {strides = array<i32>} : memref<200x64xf32, #tpu.memory_space<vmem>>, vector<1x16xf32>,
        %get3A_961 = vector.shape_cast %get3A_960 : vector<1x16xf32> to vector<16xf32>
        %add3A_962 = arith.addf %add3A_918, %get3A_961 : vector<16xf32>
        %add3A_963 = arith.constant 5 : i32
        %add3A_964 = arith.addi %mul3A_743, %add3A_963 : i32
        %get3A_965 = arith.constant 0 : i32
        %get3A_966 = arith.constant 0 : i32
        %get3A_967 = tpu.memref_slice %arg6[%scan3A_588, %get3A_965, %get3A_966] : memref<4x200x64xf32, #tpu.memory_space<vmem>> -> memref<1x200x64xf32, #tpu.memory_space<vmem>>
        %get3A_968 = tpu.memref_squeeze %get3A_967 : memref<1x200x64xf32, #tpu.memory_space<vmem>> -> memref<200x64xf32, #tpu.memory_space<vmem>>
        %get3A_969 = arith.index_cast %add3A_964 : i32 to index
        %get3A_970 = arith.constant 0 : index
        %get3A_971 = tpu.vector_load %get3A_968[%get3A_969, %get3A_970] {strides = array<i32>} : memref<200x64xf32, #tpu.memory_space<vmem>>, vector<1x16xf32>,
        %get3A_972 = vector.shape_cast %get3A_971 : vector<1x16xf32> to vector<16xf32>
        %add3A_973 = arith.addf %add3A_929, %get3A_972 : vector<16xf32>
        %add3A_974 = arith.constant 5 : i32
        %add3A_975 = arith.addi %mul3A_743, %add3A_974 : i32
        %get3A_976 = arith.constant 0 : i32
        %get3A_977 = arith.constant 0 : i32
        %get3A_978 = tpu.memref_slice %arg6[%scan3A_588, %get3A_976, %get3A_977] : memref<4x200x64xf32, #tpu.memory_space<vmem>> -> memref<1x200x64xf32, #tpu.memory_space<vmem>>
        %get3A_979 = tpu.memref_squeeze %get3A_978 : memref<1x200x64xf32, #tpu.memory_space<vmem>> -> memref<200x64xf32, #tpu.memory_space<vmem>>
        %get3A_980 = arith.index_cast %add3A_975 : i32 to index
        %get3A_981 = arith.constant 16 : index
        %get3A_982 = tpu.vector_load %get3A_979[%get3A_980, %get3A_981] {strides = array<i32>} : memref<200x64xf32, #tpu.memory_space<vmem>>, vector<1x16xf32>,
        %get3A_983 = vector.shape_cast %get3A_982 : vector<1x16xf32> to vector<16xf32>
        %add3A_984 = arith.addf %add3A_940, %get3A_983 : vector<16xf32>
        %add3A_985 = arith.constant 5 : i32
        %add3A_986 = arith.addi %mul3A_743, %add3A_985 : i32
        %get3A_987 = arith.constant 0 : i32
        %get3A_988 = arith.constant 0 : i32
        %get3A_989 = tpu.memref_slice %arg6[%scan3A_588, %get3A_987, %get3A_988] : memref<4x200x64xf32, #tpu.memory_space<vmem>> -> memref<1x200x64xf32, #tpu.memory_space<vmem>>
        %get3A_990 = tpu.memref_squeeze %get3A_989 : memref<1x200x64xf32, #tpu.memory_space<vmem>> -> memref<200x64xf32, #tpu.memory_space<vmem>>
        %get3A_991 = arith.index_cast %add3A_986 : i32 to index
        %get3A_992 = arith.constant 32 : index
        %get3A_993 = tpu.vector_load %get3A_990[%get3A_991, %get3A_992] {strides = array<i32>} : memref<200x64xf32, #tpu.memory_space<vmem>>, vector<1x16xf32>,
        %get3A_994 = vector.shape_cast %get3A_993 : vector<1x16xf32> to vector<16xf32>
        %add3A_995 = arith.addf %add3A_951, %get3A_994 : vector<16xf32>
        %add3A_996 = arith.constant 5 : i32
        %add3A_997 = arith.addi %mul3A_743, %add3A_996 : i32
        %get3A_998 = arith.constant 0 : i32
        %get3A_999 = arith.constant 0 : i32
        %get3A_1000 = tpu.memref_slice %arg6[%scan3A_588, %get3A_998, %get3A_999] : memref<4x200x64xf32, #tpu.memory_space<vmem>> -> memref<1x200x64xf32, #tpu.memory_space<vmem>>
        %get3A_1001 = tpu.memref_squeeze %get3A_1000 : memref<1x200x64xf32, #tpu.memory_space<vmem>> -> memref<200x64xf32, #tpu.memory_space<vmem>>
        %get3A_1002 = arith.index_cast %add3A_997 : i32 to index
        %get3A_1003 = arith.constant 48 : index
        %get3A_1004 = tpu.vector_load %get3A_1001[%get3A_1002, %get3A_1003] {strides = array<i32>} : memref<200x64xf32, #tpu.memory_space<vmem>>, vector<1x16xf32>,
        %get3A_1005 = vector.shape_cast %get3A_1004 : vector<1x16xf32> to vector<16xf32>
        %add3A_1006 = arith.addf %add3A_962, %get3A_1005 : vector<16xf32>
        %add3A_1007 = arith.constant 6 : i32
        %add3A_1008 = arith.addi %mul3A_743, %add3A_1007 : i32
        %get3A_1009 = arith.constant 0 : i32
        %get3A_1010 = arith.constant 0 : i32
        %get3A_1011 = tpu.memref_slice %arg6[%scan3A_588, %get3A_1009, %get3A_1010] : memref<4x200x64xf32, #tpu.memory_space<vmem>> -> memref<1x200x64xf32, #tpu.memory_space<vmem>>
        %get3A_1012 = tpu.memref_squeeze %get3A_1011 : memref<1x200x64xf32, #tpu.memory_space<vmem>> -> memref<200x64xf32, #tpu.memory_space<vmem>>
        %get3A_1013 = arith.index_cast %add3A_1008 : i32 to index
        %get3A_1014 = arith.constant 0 : index
        %get3A_1015 = tpu.vector_load %get3A_1012[%get3A_1013, %get3A_1014] {strides = array<i32>} : memref<200x64xf32, #tpu.memory_space<vmem>>, vector<1x16xf32>,
        %get3A_1016 = vector.shape_cast %get3A_1015 : vector<1x16xf32> to vector<16xf32>
        %add3A_1017 = arith.addf %add3A_973, %get3A_1016 : vector<16xf32>
        %add3A_1018 = arith.constant 6 : i32
        %add3A_1019 = arith.addi %mul3A_743, %add3A_1018 : i32
        %get3A_1020 = arith.constant 0 : i32
        %get3A_1021 = arith.constant 0 : i32
        %get3A_1022 = tpu.memref_slice %arg6[%scan3A_588, %get3A_1020, %get3A_1021] : memref<4x200x64xf32, #tpu.memory_space<vmem>> -> memref<1x200x64xf32, #tpu.memory_space<vmem>>
        %get3A_1023 = tpu.memref_squeeze %get3A_1022 : memref<1x200x64xf32, #tpu.memory_space<vmem>> -> memref<200x64xf32, #tpu.memory_space<vmem>>
        %get3A_1024 = arith.index_cast %add3A_1019 : i32 to index
        %get3A_1025 = arith.constant 16 : index
        %get3A_1026 = tpu.vector_load %get3A_1023[%get3A_1024, %get3A_1025] {strides = array<i32>} : memref<200x64xf32, #tpu.memory_space<vmem>>, vector<1x16xf32>,
        %get3A_1027 = vector.shape_cast %get3A_1026 : vector<1x16xf32> to vector<16xf32>
        %add3A_1028 = arith.addf %add3A_984, %get3A_1027 : vector<16xf32>
        %add3A_1029 = arith.constant 6 : i32
        %add3A_1030 = arith.addi %mul3A_743, %add3A_1029 : i32
        %get3A_1031 = arith.constant 0 : i32
        %get3A_1032 = arith.constant 0 : i32
        %get3A_1033 = tpu.memref_slice %arg6[%scan3A_588, %get3A_1031, %get3A_1032] : memref<4x200x64xf32, #tpu.memory_space<vmem>> -> memref<1x200x64xf32, #tpu.memory_space<vmem>>
        %get3A_1034 = tpu.memref_squeeze %get3A_1033 : memref<1x200x64xf32, #tpu.memory_space<vmem>> -> memref<200x64xf32, #tpu.memory_space<vmem>>
        %get3A_1035 = arith.index_cast %add3A_1030 : i32 to index
        %get3A_1036 = arith.constant 32 : index
        %get3A_1037 = tpu.vector_load %get3A_1034[%get3A_1035, %get3A_1036] {strides = array<i32>} : memref<200x64xf32, #tpu.memory_space<vmem>>, vector<1x16xf32>,
        %get3A_1038 = vector.shape_cast %get3A_1037 : vector<1x16xf32> to vector<16xf32>
        %add3A_1039 = arith.addf %add3A_995, %get3A_1038 : vector<16xf32>
        %add3A_1040 = arith.constant 6 : i32
        %add3A_1041 = arith.addi %mul3A_743, %add3A_1040 : i32
        %get3A_1042 = arith.constant 0 : i32
        %get3A_1043 = arith.constant 0 : i32
        %get3A_1044 = tpu.memref_slice %arg6[%scan3A_588, %get3A_1042, %get3A_1043] : memref<4x200x64xf32, #tpu.memory_space<vmem>> -> memref<1x200x64xf32, #tpu.memory_space<vmem>>
        %get3A_1045 = tpu.memref_squeeze %get3A_1044 : memref<1x200x64xf32, #tpu.memory_space<vmem>> -> memref<200x64xf32, #tpu.memory_space<vmem>>
        %get3A_1046 = arith.index_cast %add3A_1041 : i32 to index
        %get3A_1047 = arith.constant 48 : index
        %get3A_1048 = tpu.vector_load %get3A_1045[%get3A_1046, %get3A_1047] {strides = array<i32>} : memref<200x64xf32, #tpu.memory_space<vmem>>, vector<1x16xf32>,
        %get3A_1049 = vector.shape_cast %get3A_1048 : vector<1x16xf32> to vector<16xf32>
        %add3A_1050 = arith.addf %add3A_1006, %get3A_1049 : vector<16xf32>
        %add3A_1051 = arith.constant 7 : i32
        %add3A_1052 = arith.addi %mul3A_743, %add3A_1051 : i32
        %get3A_1053 = arith.constant 0 : i32
        %get3A_1054 = arith.constant 0 : i32
        %get3A_1055 = tpu.memref_slice %arg6[%scan3A_588, %get3A_1053, %get3A_1054] : memref<4x200x64xf32, #tpu.memory_space<vmem>> -> memref<1x200x64xf32, #tpu.memory_space<vmem>>
        %get3A_1056 = tpu.memref_squeeze %get3A_1055 : memref<1x200x64xf32, #tpu.memory_space<vmem>> -> memref<200x64xf32, #tpu.memory_space<vmem>>
        %get3A_1057 = arith.index_cast %add3A_1052 : i32 to index
        %get3A_1058 = arith.constant 0 : index
        %get3A_1059 = tpu.vector_load %get3A_1056[%get3A_1057, %get3A_1058] {strides = array<i32>} : memref<200x64xf32, #tpu.memory_space<vmem>>, vector<1x16xf32>,
        %get3A_1060 = vector.shape_cast %get3A_1059 : vector<1x16xf32> to vector<16xf32>
        %add3A_1061 = arith.addf %add3A_1017, %get3A_1060 : vector<16xf32>
        %add3A_1062 = arith.constant 7 : i32
        %add3A_1063 = arith.addi %mul3A_743, %add3A_1062 : i32
        %get3A_1064 = arith.constant 0 : i32
        %get3A_1065 = arith.constant 0 : i32
        %get3A_1066 = tpu.memref_slice %arg6[%scan3A_588, %get3A_1064, %get3A_1065] : memref<4x200x64xf32, #tpu.memory_space<vmem>> -> memref<1x200x64xf32, #tpu.memory_space<vmem>>
        %get3A_1067 = tpu.memref_squeeze %get3A_1066 : memref<1x200x64xf32, #tpu.memory_space<vmem>> -> memref<200x64xf32, #tpu.memory_space<vmem>>
        %get3A_1068 = arith.index_cast %add3A_1063 : i32 to index
        %get3A_1069 = arith.constant 16 : index
        %get3A_1070 = tpu.vector_load %get3A_1067[%get3A_1068, %get3A_1069] {strides = array<i32>} : memref<200x64xf32, #tpu.memory_space<vmem>>, vector<1x16xf32>,
        %get3A_1071 = vector.shape_cast %get3A_1070 : vector<1x16xf32> to vector<16xf32>
        %add3A_1072 = arith.addf %add3A_1028, %get3A_1071 : vector<16xf32>
        %add3A_1073 = arith.constant 7 : i32
        %add3A_1074 = arith.addi %mul3A_743, %add3A_1073 : i32
        %get3A_1075 = arith.constant 0 : i32
        %get3A_1076 = arith.constant 0 : i32
        %get3A_1077 = tpu.memref_slice %arg6[%scan3A_588, %get3A_1075, %get3A_1076] : memref<4x200x64xf32, #tpu.memory_space<vmem>> -> memref<1x200x64xf32, #tpu.memory_space<vmem>>
        %get3A_1078 = tpu.memref_squeeze %get3A_1077 : memref<1x200x64xf32, #tpu.memory_space<vmem>> -> memref<200x64xf32, #tpu.memory_space<vmem>>
        %get3A_1079 = arith.index_cast %add3A_1074 : i32 to index
        %get3A_1080 = arith.constant 32 : index
        %get3A_1081 = tpu.vector_load %get3A_1078[%get3A_1079, %get3A_1080] {strides = array<i32>} : memref<200x64xf32, #tpu.memory_space<vmem>>, vector<1x16xf32>,
        %get3A_1082 = vector.shape_cast %get3A_1081 : vector<1x16xf32> to vector<16xf32>
        %add3A_1083 = arith.addf %add3A_1039, %get3A_1082 : vector<16xf32>
        %add3A_1084 = arith.constant 7 : i32
        %add3A_1085 = arith.addi %mul3A_743, %add3A_1084 : i32
        %get3A_1086 = arith.constant 0 : i32
        %get3A_1087 = arith.constant 0 : i32
        %get3A_1088 = tpu.memref_slice %arg6[%scan3A_588, %get3A_1086, %get3A_1087] : memref<4x200x64xf32, #tpu.memory_space<vmem>> -> memref<1x200x64xf32, #tpu.memory_space<vmem>>
        %get3A_1089 = tpu.memref_squeeze %get3A_1088 : memref<1x200x64xf32, #tpu.memory_space<vmem>> -> memref<200x64xf32, #tpu.memory_space<vmem>>
        %get3A_1090 = arith.index_cast %add3A_1085 : i32 to index
        %get3A_1091 = arith.constant 48 : index
        %get3A_1092 = tpu.vector_load %get3A_1089[%get3A_1090, %get3A_1091] {strides = array<i32>} : memref<200x64xf32, #tpu.memory_space<vmem>>, vector<1x16xf32>,
        %get3A_1093 = vector.shape_cast %get3A_1092 : vector<1x16xf32> to vector<16xf32>
        %add3A_1094 = arith.addf %add3A_1050, %get3A_1093 : vector<16xf32>
        scf.yield %add3A_1061, %add3A_1072, %add3A_1083, %add3A_1094 : vector<16xf32>, vector<16xf32>, vector<16xf32>, vector<16xf32>
      }
      %scan3A_594 = arith.constant 25 : i32
      %add3A_595 = arith.constant 4 : i32
      %add3A_596 = arith.addi %add3A_561, %add3A_595 : i32
      %dma_start3A_597 = arith.constant 2 : i32
      %dma_start3A_598 = arith.constant 0 : i32
      %dma_start3A_599 = arith.constant 0 : i32
      %dma_start3A_600 = tpu.memref_slice %arg6[%dma_start3A_597, %dma_start3A_598, %dma_start3A_599] : memref<4x200x64xf32, #tpu.memory_space<vmem>> -> memref<1x128x64xf32, #tpu.memory_space<vmem>>
      %dma_start3A_601 = tpu.memref_squeeze %dma_start3A_600 : memref<1x128x64xf32, #tpu.memory_space<vmem>> -> memref<128x64xf32, #tpu.memory_space<vmem>>
      %dma_start3A_602 = arith.constant 0 : i32
      %dma_start3A_603 = tpu.memref_slice %arg5[%add3A_596, %dma_start3A_602] : memref<128x200xi32, #tpu.memory_space<vmem>> -> memref<1x128xi32, #tpu.memory_space<vmem>>
      %dma_start3A_604 = tpu.memref_squeeze %dma_start3A_603 : memref<1x128xi32, #tpu.memory_space<vmem>> -> memref<128xi32, #tpu.memory_space<vmem>>
      %dma_start3A_605 = arith.constant 0 : i32
      %dma_start3A_606 = arith.constant 0 : i32
      %dma_start3A_607 = tpu.memref_slice %arg3[%dma_start3A_605, %dma_start3A_606] : memref<1000000x64xf32, #tpu.memory_space<hbm>> -> memref<1000000x64xf32, #tpu.memory_space<hbm>>
      tpu.enqueue_indirect_dma source(%dma_start3A_607 : memref<1000000x64xf32, #tpu.memory_space<hbm>>) target(%dma_start3A_601 : memref<128x64xf32, #tpu.memory_space<vmem>>) offsets(%dma_start3A_604 : memref<128xi32, #tpu.memory_space<vmem>>) semaphore(%arg10 : memref<!tpu.dma_semaphore, #tpu.memory_space<semaphore_mem>>)
      %dma_start3A_608 = arith.constant 2 : i32
      %dma_start3A_609 = arith.constant 128 : i32
      %dma_start3A_610 = arith.constant 0 : i32
      %dma_start3A_611 = tpu.memref_slice %arg6[%dma_start3A_608, %dma_start3A_609, %dma_start3A_610] : memref<4x200x64xf32, #tpu.memory_space<vmem>> -> memref<1x72x64xf32, #tpu.memory_space<vmem>>
      %dma_start3A_612 = tpu.memref_squeeze %dma_start3A_611 : memref<1x72x64xf32, #tpu.memory_space<vmem>> -> memref<72x64xf32, #tpu.memory_space<vmem>>
      %dma_start3A_613 = arith.constant 128 : i32
      %dma_start3A_614 = tpu.memref_slice %arg5[%add3A_596, %dma_start3A_613] : memref<128x200xi32, #tpu.memory_space<vmem>> -> memref<1x72xi32, #tpu.memory_space<vmem>>
      %dma_start3A_615 = tpu.memref_squeeze %dma_start3A_614 : memref<1x72xi32, #tpu.memory_space<vmem>> -> memref<72xi32, #tpu.memory_space<vmem>>
      %dma_start3A_616 = arith.constant 0 : i32
      %dma_start3A_617 = arith.constant 0 : i32
      %dma_start3A_618 = tpu.memref_slice %arg3[%dma_start3A_616, %dma_start3A_617] : memref<1000000x64xf32, #tpu.memory_space<hbm>> -> memref<1000000x64xf32, #tpu.memory_space<hbm>>
      tpu.enqueue_indirect_dma source(%dma_start3A_618 : memref<1000000x64xf32, #tpu.memory_space<hbm>>) target(%dma_start3A_612 : memref<72x64xf32, #tpu.memory_space<vmem>>) offsets(%dma_start3A_615 : memref<72xi32, #tpu.memory_space<vmem>>) semaphore(%arg10 : memref<!tpu.dma_semaphore, #tpu.memory_space<semaphore_mem>>)
      %mul3A_619 = vector.broadcast %scan3A : f32 to vector<16xf32>
      %mul3A_620 = arith.mulf %scan3A_593#0, %mul3A_619 : vector<16xf32>
      %swap3A_621 = arith.index_cast %add3A_561 : i32 to index
      %swap3A_622 = arith.constant 0 : index
      %swap3A_623 = tpu.vector_load %arg7[%swap3A_621, %swap3A_622] {strides = array<i32>} : memref<128x64xf32, #tpu.memory_space<vmem>>, vector<1x16xf32>,
      %swap3A_624 = vector.shape_cast %swap3A_623 : vector<1x16xf32> to vector<16xf32>
      %swap3A_625 = vector.shape_cast %mul3A_620 : vector<16xf32> to vector<1x16xf32>
      tpu.vector_store %arg7[%swap3A_621, %swap3A_622], %swap3A_625 {strides = array<i32>} : memref<128x64xf32, #tpu.memory_space<vmem>>, vector<1x16xf32>,
      %mul3A_626 = vector.broadcast %scan3A : f32 to vector<16xf32>
      %mul3A_627 = arith.mulf %scan3A_593#1, %mul3A_626 : vector<16xf32>
      %swap3A_628 = arith.index_cast %add3A_561 : i32 to index
      %swap3A_629 = arith.constant 16 : index
      %swap3A_630 = tpu.vector_load %arg7[%swap3A_628, %swap3A_629] {strides = array<i32>} : memref<128x64xf32, #tpu.memory_space<vmem>>, vector<1x16xf32>,
      %swap3A_631 = vector.shape_cast %swap3A_630 : vector<1x16xf32> to vector<16xf32>
      %swap3A_632 = vector.shape_cast %mul3A_627 : vector<16xf32> to vector<1x16xf32>
      tpu.vector_store %arg7[%swap3A_628, %swap3A_629], %swap3A_632 {strides = array<i32>} : memref<128x64xf32, #tpu.memory_space<vmem>>, vector<1x16xf32>,
      %mul3A_633 = vector.broadcast %scan3A : f32 to vector<16xf32>
      %mul3A_634 = arith.mulf %scan3A_593#2, %mul3A_633 : vector<16xf32>
      %swap3A_635 = arith.index_cast %add3A_561 : i32 to index
      %swap3A_636 = arith.constant 32 : index
      %swap3A_637 = tpu.vector_load %arg7[%swap3A_635, %swap3A_636] {strides = array<i32>} : memref<128x64xf32, #tpu.memory_space<vmem>>, vector<1x16xf32>,
      %swap3A_638 = vector.shape_cast %swap3A_637 : vector<1x16xf32> to vector<16xf32>
      %swap3A_639 = vector.shape_cast %mul3A_634 : vector<16xf32> to vector<1x16xf32>
      tpu.vector_store %arg7[%swap3A_635, %swap3A_636], %swap3A_639 {strides = array<i32>} : memref<128x64xf32, #tpu.memory_space<vmem>>, vector<1x16xf32>,
      %mul3A_640 = vector.broadcast %scan3A : f32 to vector<16xf32>
      %mul3A_641 = arith.mulf %scan3A_593#3, %mul3A_640 : vector<16xf32>
      %swap3A_642 = arith.index_cast %add3A_561 : i32 to index
      %swap3A_643 = arith.constant 48 : index
      %swap3A_644 = tpu.vector_load %arg7[%swap3A_642, %swap3A_643] {strides = array<i32>} : memref<128x64xf32, #tpu.memory_space<vmem>>, vector<1x16xf32>,
      %swap3A_645 = vector.shape_cast %swap3A_644 : vector<1x16xf32> to vector<16xf32>
      %swap3A_646 = vector.shape_cast %mul3A_641 : vector<16xf32> to vector<1x16xf32>
      tpu.vector_store %arg7[%swap3A_642, %swap3A_643], %swap3A_646 {strides = array<i32>} : memref<128x64xf32, #tpu.memory_space<vmem>>, vector<1x16xf32>,
      %mul3A_647 = arith.constant 4 : i32
      %mul3A_648 = arith.muli %mul3A_647, %scan3A_378 : i32
      %add3A_649 = arith.constant 3 : i32
      %add3A_650 = arith.addi %mul3A_648, %add3A_649 : i32
      %dma_wait3A_651 = arith.constant 0 : i32
      %dma_wait3A_652 = arith.constant 3 : i32
      %dma_wait3A_653 = arith.constant 0 : i32
      %dma_wait3A_654 = arith.constant 0 : i32
      %dma_wait3A_655 = tpu.memref_slice %arg6[%dma_wait3A_652, %dma_wait3A_653, %dma_wait3A_654] : memref<4x200x64xf32, #tpu.memory_space<vmem>> -> memref<1x128x64xf32, #tpu.memory_space<vmem>>
      %dma_wait3A_656 = tpu.memref_squeeze %dma_wait3A_655 : memref<1x128x64xf32, #tpu.memory_space<vmem>> -> memref<128x64xf32, #tpu.memory_space<vmem>>
      %dma_wait3A_657 = arith.constant 0 : i32
      %dma_wait3A_658 = tpu.memref_slice %arg5[%dma_wait3A_651, %dma_wait3A_657] : memref<128x200xi32, #tpu.memory_space<vmem>> -> memref<1x128xi32, #tpu.memory_space<vmem>>
      %dma_wait3A_659 = tpu.memref_squeeze %dma_wait3A_658 : memref<1x128xi32, #tpu.memory_space<vmem>> -> memref<128xi32, #tpu.memory_space<vmem>>
      %dma_wait3A_660 = arith.constant 0 : i32
      %dma_wait3A_661 = arith.constant 0 : i32
      %dma_wait3A_662 = tpu.memref_slice %arg3[%dma_wait3A_660, %dma_wait3A_661] : memref<1000000x64xf32, #tpu.memory_space<hbm>> -> memref<1000000x64xf32, #tpu.memory_space<hbm>>
      tpu.wait_indirect_dma semaphore(%arg11 : memref<!tpu.dma_semaphore, #tpu.memory_space<semaphore_mem>>) src(%dma_wait3A_662 : memref<1000000x64xf32, #tpu.memory_space<hbm>>) dst(%dma_wait3A_656 : memref<128x64xf32, #tpu.memory_space<vmem>>)
      %dma_wait3A_663 = arith.constant 0 : i32
      %dma_wait3A_664 = arith.constant 3 : i32
      %dma_wait3A_665 = arith.constant 128 : i32
      %dma_wait3A_666 = arith.constant 0 : i32
      %dma_wait3A_667 = tpu.memref_slice %arg6[%dma_wait3A_664, %dma_wait3A_665, %dma_wait3A_666] : memref<4x200x64xf32, #tpu.memory_space<vmem>> -> memref<1x72x64xf32, #tpu.memory_space<vmem>>
      %dma_wait3A_668 = tpu.memref_squeeze %dma_wait3A_667 : memref<1x72x64xf32, #tpu.memory_space<vmem>> -> memref<72x64xf32, #tpu.memory_space<vmem>>
      %dma_wait3A_669 = arith.constant 128 : i32
      %dma_wait3A_670 = tpu.memref_slice %arg5[%dma_wait3A_663, %dma_wait3A_669] : memref<128x200xi32, #tpu.memory_space<vmem>> -> memref<1x72xi32, #tpu.memory_space<vmem>>
      %dma_wait3A_671 = tpu.memref_squeeze %dma_wait3A_670 : memref<1x72xi32, #tpu.memory_space<vmem>> -> memref<72xi32, #tpu.memory_space<vmem>>
      %dma_wait3A_672 = arith.constant 0 : i32
      %dma_wait3A_673 = arith.constant 0 : i32
      %dma_wait3A_674 = tpu.memref_slice %arg3[%dma_wait3A_672, %dma_wait3A_673] : memref<1000000x64xf32, #tpu.memory_space<hbm>> -> memref<1000000x64xf32, #tpu.memory_space<hbm>>
      tpu.wait_indirect_dma semaphore(%arg11 : memref<!tpu.dma_semaphore, #tpu.memory_space<semaphore_mem>>) src(%dma_wait3A_674 : memref<1000000x64xf32, #tpu.memory_space<hbm>>) dst(%dma_wait3A_668 : memref<72x64xf32, #tpu.memory_space<vmem>>)
      %broadcast_in_dim3A_675 = arith.constant 0.000000e+00 : f32
      %broadcast_in_dim3A_676 = vector.broadcast %broadcast_in_dim3A_675 : f32 to vector<16xf32>
      %scan3A_677 = arith.constant 3 : i32
      %scan3A_678 = arith.constant 0 : i32
      %scan3A_679 = arith.constant 25 : i32
      %scan3A_680 = arith.addi %scan3A_678, %scan3A_679 : i32
      %scan3A_681 = arith.constant 1 : i32
      %scan3A_682:4 = scf.for %scan3A_737 = %scan3A_678 to %scan3A_680 step %scan3A_681 iter_args(%scan3A_738 = %broadcast_in_dim3A_676, %scan3A_739 = %broadcast_in_dim3A_676, %scan3A_740 = %broadcast_in_dim3A_676, %scan3A_741 = %broadcast_in_dim3A_676) -> (vector<16xf32>, vector<16xf32>, vector<16xf32>, vector<16xf32>)  : i32 {
        %mul3A_742 = arith.constant 8 : i32
        %mul3A_743 = arith.muli %scan3A_737, %mul3A_742 : i32
        %add3A_744 = arith.constant 0 : i32
        %add3A_745 = arith.addi %mul3A_743, %add3A_744 : i32
        %get3A = arith.constant 0 : i32
        %get3A_746 = arith.constant 0 : i32
        %get3A_747 = tpu.memref_slice %arg6[%scan3A_677, %get3A, %get3A_746] : memref<4x200x64xf32, #tpu.memory_space<vmem>> -> memref<1x200x64xf32, #tpu.memory_space<vmem>>
        %get3A_748 = tpu.memref_squeeze %get3A_747 : memref<1x200x64xf32, #tpu.memory_space<vmem>> -> memref<200x64xf32, #tpu.memory_space<vmem>>
        %get3A_749 = arith.index_cast %add3A_745 : i32 to index
        %get3A_750 = arith.constant 0 : index
        %get3A_751 = tpu.vector_load %get3A_748[%get3A_749, %get3A_750] {strides = array<i32>} : memref<200x64xf32, #tpu.memory_space<vmem>>, vector<1x16xf32>,
        %get3A_752 = vector.shape_cast %get3A_751 : vector<1x16xf32> to vector<16xf32>
        %add3A_753 = arith.addf %scan3A_738, %get3A_752 : vector<16xf32>
        %add3A_754 = arith.constant 0 : i32
        %add3A_755 = arith.addi %mul3A_743, %add3A_754 : i32
        %get3A_756 = arith.constant 0 : i32
        %get3A_757 = arith.constant 0 : i32
        %get3A_758 = tpu.memref_slice %arg6[%scan3A_677, %get3A_756, %get3A_757] : memref<4x200x64xf32, #tpu.memory_space<vmem>> -> memref<1x200x64xf32, #tpu.memory_space<vmem>>
        %get3A_759 = tpu.memref_squeeze %get3A_758 : memref<1x200x64xf32, #tpu.memory_space<vmem>> -> memref<200x64xf32, #tpu.memory_space<vmem>>
        %get3A_760 = arith.index_cast %add3A_755 : i32 to index
        %get3A_761 = arith.constant 16 : index
        %get3A_762 = tpu.vector_load %get3A_759[%get3A_760, %get3A_761] {strides = array<i32>} : memref<200x64xf32, #tpu.memory_space<vmem>>, vector<1x16xf32>,
        %get3A_763 = vector.shape_cast %get3A_762 : vector<1x16xf32> to vector<16xf32>
        %add3A_764 = arith.addf %scan3A_739, %get3A_763 : vector<16xf32>
        %add3A_765 = arith.constant 0 : i32
        %add3A_766 = arith.addi %mul3A_743, %add3A_765 : i32
        %get3A_767 = arith.constant 0 : i32
        %get3A_768 = arith.constant 0 : i32
        %get3A_769 = tpu.memref_slice %arg6[%scan3A_677, %get3A_767, %get3A_768] : memref<4x200x64xf32, #tpu.memory_space<vmem>> -> memref<1x200x64xf32, #tpu.memory_space<vmem>>
        %get3A_770 = tpu.memref_squeeze %get3A_769 : memref<1x200x64xf32, #tpu.memory_space<vmem>> -> memref<200x64xf32, #tpu.memory_space<vmem>>
        %get3A_771 = arith.index_cast %add3A_766 : i32 to index
        %get3A_772 = arith.constant 32 : index
        %get3A_773 = tpu.vector_load %get3A_770[%get3A_771, %get3A_772] {strides = array<i32>} : memref<200x64xf32, #tpu.memory_space<vmem>>, vector<1x16xf32>,
        %get3A_774 = vector.shape_cast %get3A_773 : vector<1x16xf32> to vector<16xf32>
        %add3A_775 = arith.addf %scan3A_740, %get3A_774 : vector<16xf32>
        %add3A_776 = arith.constant 0 : i32
        %add3A_777 = arith.addi %mul3A_743, %add3A_776 : i32
        %get3A_778 = arith.constant 0 : i32
        %get3A_779 = arith.constant 0 : i32
        %get3A_780 = tpu.memref_slice %arg6[%scan3A_677, %get3A_778, %get3A_779] : memref<4x200x64xf32, #tpu.memory_space<vmem>> -> memref<1x200x64xf32, #tpu.memory_space<vmem>>
        %get3A_781 = tpu.memref_squeeze %get3A_780 : memref<1x200x64xf32, #tpu.memory_space<vmem>> -> memref<200x64xf32, #tpu.memory_space<vmem>>
        %get3A_782 = arith.index_cast %add3A_777 : i32 to index
        %get3A_783 = arith.constant 48 : index
        %get3A_784 = tpu.vector_load %get3A_781[%get3A_782, %get3A_783] {strides = array<i32>} : memref<200x64xf32, #tpu.memory_space<vmem>>, vector<1x16xf32>,
        %get3A_785 = vector.shape_cast %get3A_784 : vector<1x16xf32> to vector<16xf32>
        %add3A_786 = arith.addf %scan3A_741, %get3A_785 : vector<16xf32>
        %add3A_787 = arith.constant 1 : i32
        %add3A_788 = arith.addi %mul3A_743, %add3A_787 : i32
        %get3A_789 = arith.constant 0 : i32
        %get3A_790 = arith.constant 0 : i32
        %get3A_791 = tpu.memref_slice %arg6[%scan3A_677, %get3A_789, %get3A_790] : memref<4x200x64xf32, #tpu.memory_space<vmem>> -> memref<1x200x64xf32, #tpu.memory_space<vmem>>
        %get3A_792 = tpu.memref_squeeze %get3A_791 : memref<1x200x64xf32, #tpu.memory_space<vmem>> -> memref<200x64xf32, #tpu.memory_space<vmem>>
        %get3A_793 = arith.index_cast %add3A_788 : i32 to index
        %get3A_794 = arith.constant 0 : index
        %get3A_795 = tpu.vector_load %get3A_792[%get3A_793, %get3A_794] {strides = array<i32>} : memref<200x64xf32, #tpu.memory_space<vmem>>, vector<1x16xf32>,
        %get3A_796 = vector.shape_cast %get3A_795 : vector<1x16xf32> to vector<16xf32>
        %add3A_797 = arith.addf %add3A_753, %get3A_796 : vector<16xf32>
        %add3A_798 = arith.constant 1 : i32
        %add3A_799 = arith.addi %mul3A_743, %add3A_798 : i32
        %get3A_800 = arith.constant 0 : i32
        %get3A_801 = arith.constant 0 : i32
        %get3A_802 = tpu.memref_slice %arg6[%scan3A_677, %get3A_800, %get3A_801] : memref<4x200x64xf32, #tpu.memory_space<vmem>> -> memref<1x200x64xf32, #tpu.memory_space<vmem>>
        %get3A_803 = tpu.memref_squeeze %get3A_802 : memref<1x200x64xf32, #tpu.memory_space<vmem>> -> memref<200x64xf32, #tpu.memory_space<vmem>>
        %get3A_804 = arith.index_cast %add3A_799 : i32 to index
        %get3A_805 = arith.constant 16 : index
        %get3A_806 = tpu.vector_load %get3A_803[%get3A_804, %get3A_805] {strides = array<i32>} : memref<200x64xf32, #tpu.memory_space<vmem>>, vector<1x16xf32>,
        %get3A_807 = vector.shape_cast %get3A_806 : vector<1x16xf32> to vector<16xf32>
        %add3A_808 = arith.addf %add3A_764, %get3A_807 : vector<16xf32>
        %add3A_809 = arith.constant 1 : i32
        %add3A_810 = arith.addi %mul3A_743, %add3A_809 : i32
        %get3A_811 = arith.constant 0 : i32
        %get3A_812 = arith.constant 0 : i32
        %get3A_813 = tpu.memref_slice %arg6[%scan3A_677, %get3A_811, %get3A_812] : memref<4x200x64xf32, #tpu.memory_space<vmem>> -> memref<1x200x64xf32, #tpu.memory_space<vmem>>
        %get3A_814 = tpu.memref_squeeze %get3A_813 : memref<1x200x64xf32, #tpu.memory_space<vmem>> -> memref<200x64xf32, #tpu.memory_space<vmem>>
        %get3A_815 = arith.index_cast %add3A_810 : i32 to index
        %get3A_816 = arith.constant 32 : index
        %get3A_817 = tpu.vector_load %get3A_814[%get3A_815, %get3A_816] {strides = array<i32>} : memref<200x64xf32, #tpu.memory_space<vmem>>, vector<1x16xf32>,
        %get3A_818 = vector.shape_cast %get3A_817 : vector<1x16xf32> to vector<16xf32>
        %add3A_819 = arith.addf %add3A_775, %get3A_818 : vector<16xf32>
        %add3A_820 = arith.constant 1 : i32
        %add3A_821 = arith.addi %mul3A_743, %add3A_820 : i32
        %get3A_822 = arith.constant 0 : i32
        %get3A_823 = arith.constant 0 : i32
        %get3A_824 = tpu.memref_slice %arg6[%scan3A_677, %get3A_822, %get3A_823] : memref<4x200x64xf32, #tpu.memory_space<vmem>> -> memref<1x200x64xf32, #tpu.memory_space<vmem>>
        %get3A_825 = tpu.memref_squeeze %get3A_824 : memref<1x200x64xf32, #tpu.memory_space<vmem>> -> memref<200x64xf32, #tpu.memory_space<vmem>>
        %get3A_826 = arith.index_cast %add3A_821 : i32 to index
        %get3A_827 = arith.constant 48 : index
        %get3A_828 = tpu.vector_load %get3A_825[%get3A_826, %get3A_827] {strides = array<i32>} : memref<200x64xf32, #tpu.memory_space<vmem>>, vector<1x16xf32>,
        %get3A_829 = vector.shape_cast %get3A_828 : vector<1x16xf32> to vector<16xf32>
        %add3A_830 = arith.addf %add3A_786, %get3A_829 : vector<16xf32>
        %add3A_831 = arith.constant 2 : i32
        %add3A_832 = arith.addi %mul3A_743, %add3A_831 : i32
        %get3A_833 = arith.constant 0 : i32
        %get3A_834 = arith.constant 0 : i32
        %get3A_835 = tpu.memref_slice %arg6[%scan3A_677, %get3A_833, %get3A_834] : memref<4x200x64xf32, #tpu.memory_space<vmem>> -> memref<1x200x64xf32, #tpu.memory_space<vmem>>
        %get3A_836 = tpu.memref_squeeze %get3A_835 : memref<1x200x64xf32, #tpu.memory_space<vmem>> -> memref<200x64xf32, #tpu.memory_space<vmem>>
        %get3A_837 = arith.index_cast %add3A_832 : i32 to index
        %get3A_838 = arith.constant 0 : index
        %get3A_839 = tpu.vector_load %get3A_836[%get3A_837, %get3A_838] {strides = array<i32>} : memref<200x64xf32, #tpu.memory_space<vmem>>, vector<1x16xf32>,
        %get3A_840 = vector.shape_cast %get3A_839 : vector<1x16xf32> to vector<16xf32>
        %add3A_841 = arith.addf %add3A_797, %get3A_840 : vector<16xf32>
        %add3A_842 = arith.constant 2 : i32
        %add3A_843 = arith.addi %mul3A_743, %add3A_842 : i32
        %get3A_844 = arith.constant 0 : i32
        %get3A_845 = arith.constant 0 : i32
        %get3A_846 = tpu.memref_slice %arg6[%scan3A_677, %get3A_844, %get3A_845] : memref<4x200x64xf32, #tpu.memory_space<vmem>> -> memref<1x200x64xf32, #tpu.memory_space<vmem>>
        %get3A_847 = tpu.memref_squeeze %get3A_846 : memref<1x200x64xf32, #tpu.memory_space<vmem>> -> memref<200x64xf32, #tpu.memory_space<vmem>>
        %get3A_848 = arith.index_cast %add3A_843 : i32 to index
        %get3A_849 = arith.constant 16 : index
        %get3A_850 = tpu.vector_load %get3A_847[%get3A_848, %get3A_849] {strides = array<i32>} : memref<200x64xf32, #tpu.memory_space<vmem>>, vector<1x16xf32>,
        %get3A_851 = vector.shape_cast %get3A_850 : vector<1x16xf32> to vector<16xf32>
        %add3A_852 = arith.addf %add3A_808, %get3A_851 : vector<16xf32>
        %add3A_853 = arith.constant 2 : i32
        %add3A_854 = arith.addi %mul3A_743, %add3A_853 : i32
        %get3A_855 = arith.constant 0 : i32
        %get3A_856 = arith.constant 0 : i32
        %get3A_857 = tpu.memref_slice %arg6[%scan3A_677, %get3A_855, %get3A_856] : memref<4x200x64xf32, #tpu.memory_space<vmem>> -> memref<1x200x64xf32, #tpu.memory_space<vmem>>
        %get3A_858 = tpu.memref_squeeze %get3A_857 : memref<1x200x64xf32, #tpu.memory_space<vmem>> -> memref<200x64xf32, #tpu.memory_space<vmem>>
        %get3A_859 = arith.index_cast %add3A_854 : i32 to index
        %get3A_860 = arith.constant 32 : index
        %get3A_861 = tpu.vector_load %get3A_858[%get3A_859, %get3A_860] {strides = array<i32>} : memref<200x64xf32, #tpu.memory_space<vmem>>, vector<1x16xf32>,
        %get3A_862 = vector.shape_cast %get3A_861 : vector<1x16xf32> to vector<16xf32>
        %add3A_863 = arith.addf %add3A_819, %get3A_862 : vector<16xf32>
        %add3A_864 = arith.constant 2 : i32
        %add3A_865 = arith.addi %mul3A_743, %add3A_864 : i32
        %get3A_866 = arith.constant 0 : i32
        %get3A_867 = arith.constant 0 : i32
        %get3A_868 = tpu.memref_slice %arg6[%scan3A_677, %get3A_866, %get3A_867] : memref<4x200x64xf32, #tpu.memory_space<vmem>> -> memref<1x200x64xf32, #tpu.memory_space<vmem>>
        %get3A_869 = tpu.memref_squeeze %get3A_868 : memref<1x200x64xf32, #tpu.memory_space<vmem>> -> memref<200x64xf32, #tpu.memory_space<vmem>>
        %get3A_870 = arith.index_cast %add3A_865 : i32 to index
        %get3A_871 = arith.constant 48 : index
        %get3A_872 = tpu.vector_load %get3A_869[%get3A_870, %get3A_871] {strides = array<i32>} : memref<200x64xf32, #tpu.memory_space<vmem>>, vector<1x16xf32>,
        %get3A_873 = vector.shape_cast %get3A_872 : vector<1x16xf32> to vector<16xf32>
        %add3A_874 = arith.addf %add3A_830, %get3A_873 : vector<16xf32>
        %add3A_875 = arith.constant 3 : i32
        %add3A_876 = arith.addi %mul3A_743, %add3A_875 : i32
        %get3A_877 = arith.constant 0 : i32
        %get3A_878 = arith.constant 0 : i32
        %get3A_879 = tpu.memref_slice %arg6[%scan3A_677, %get3A_877, %get3A_878] : memref<4x200x64xf32, #tpu.memory_space<vmem>> -> memref<1x200x64xf32, #tpu.memory_space<vmem>>
        %get3A_880 = tpu.memref_squeeze %get3A_879 : memref<1x200x64xf32, #tpu.memory_space<vmem>> -> memref<200x64xf32, #tpu.memory_space<vmem>>
        %get3A_881 = arith.index_cast %add3A_876 : i32 to index
        %get3A_882 = arith.constant 0 : index
        %get3A_883 = tpu.vector_load %get3A_880[%get3A_881, %get3A_882] {strides = array<i32>} : memref<200x64xf32, #tpu.memory_space<vmem>>, vector<1x16xf32>,
        %get3A_884 = vector.shape_cast %get3A_883 : vector<1x16xf32> to vector<16xf32>
        %add3A_885 = arith.addf %add3A_841, %get3A_884 : vector<16xf32>
        %add3A_886 = arith.constant 3 : i32
        %add3A_887 = arith.addi %mul3A_743, %add3A_886 : i32
        %get3A_888 = arith.constant 0 : i32
        %get3A_889 = arith.constant 0 : i32
        %get3A_890 = tpu.memref_slice %arg6[%scan3A_677, %get3A_888, %get3A_889] : memref<4x200x64xf32, #tpu.memory_space<vmem>> -> memref<1x200x64xf32, #tpu.memory_space<vmem>>
        %get3A_891 = tpu.memref_squeeze %get3A_890 : memref<1x200x64xf32, #tpu.memory_space<vmem>> -> memref<200x64xf32, #tpu.memory_space<vmem>>
        %get3A_892 = arith.index_cast %add3A_887 : i32 to index
        %get3A_893 = arith.constant 16 : index
        %get3A_894 = tpu.vector_load %get3A_891[%get3A_892, %get3A_893] {strides = array<i32>} : memref<200x64xf32, #tpu.memory_space<vmem>>, vector<1x16xf32>,
        %get3A_895 = vector.shape_cast %get3A_894 : vector<1x16xf32> to vector<16xf32>
        %add3A_896 = arith.addf %add3A_852, %get3A_895 : vector<16xf32>
        %add3A_897 = arith.constant 3 : i32
        %add3A_898 = arith.addi %mul3A_743, %add3A_897 : i32
        %get3A_899 = arith.constant 0 : i32
        %get3A_900 = arith.constant 0 : i32
        %get3A_901 = tpu.memref_slice %arg6[%scan3A_677, %get3A_899, %get3A_900] : memref<4x200x64xf32, #tpu.memory_space<vmem>> -> memref<1x200x64xf32, #tpu.memory_space<vmem>>
        %get3A_902 = tpu.memref_squeeze %get3A_901 : memref<1x200x64xf32, #tpu.memory_space<vmem>> -> memref<200x64xf32, #tpu.memory_space<vmem>>
        %get3A_903 = arith.index_cast %add3A_898 : i32 to index
        %get3A_904 = arith.constant 32 : index
        %get3A_905 = tpu.vector_load %get3A_902[%get3A_903, %get3A_904] {strides = array<i32>} : memref<200x64xf32, #tpu.memory_space<vmem>>, vector<1x16xf32>,
        %get3A_906 = vector.shape_cast %get3A_905 : vector<1x16xf32> to vector<16xf32>
        %add3A_907 = arith.addf %add3A_863, %get3A_906 : vector<16xf32>
        %add3A_908 = arith.constant 3 : i32
        %add3A_909 = arith.addi %mul3A_743, %add3A_908 : i32
        %get3A_910 = arith.constant 0 : i32
        %get3A_911 = arith.constant 0 : i32
        %get3A_912 = tpu.memref_slice %arg6[%scan3A_677, %get3A_910, %get3A_911] : memref<4x200x64xf32, #tpu.memory_space<vmem>> -> memref<1x200x64xf32, #tpu.memory_space<vmem>>
        %get3A_913 = tpu.memref_squeeze %get3A_912 : memref<1x200x64xf32, #tpu.memory_space<vmem>> -> memref<200x64xf32, #tpu.memory_space<vmem>>
        %get3A_914 = arith.index_cast %add3A_909 : i32 to index
        %get3A_915 = arith.constant 48 : index
        %get3A_916 = tpu.vector_load %get3A_913[%get3A_914, %get3A_915] {strides = array<i32>} : memref<200x64xf32, #tpu.memory_space<vmem>>, vector<1x16xf32>,
        %get3A_917 = vector.shape_cast %get3A_916 : vector<1x16xf32> to vector<16xf32>
        %add3A_918 = arith.addf %add3A_874, %get3A_917 : vector<16xf32>
        %add3A_919 = arith.constant 4 : i32
        %add3A_920 = arith.addi %mul3A_743, %add3A_919 : i32
        %get3A_921 = arith.constant 0 : i32
        %get3A_922 = arith.constant 0 : i32
        %get3A_923 = tpu.memref_slice %arg6[%scan3A_677, %get3A_921, %get3A_922] : memref<4x200x64xf32, #tpu.memory_space<vmem>> -> memref<1x200x64xf32, #tpu.memory_space<vmem>>
        %get3A_924 = tpu.memref_squeeze %get3A_923 : memref<1x200x64xf32, #tpu.memory_space<vmem>> -> memref<200x64xf32, #tpu.memory_space<vmem>>
        %get3A_925 = arith.index_cast %add3A_920 : i32 to index
        %get3A_926 = arith.constant 0 : index
        %get3A_927 = tpu.vector_load %get3A_924[%get3A_925, %get3A_926] {strides = array<i32>} : memref<200x64xf32, #tpu.memory_space<vmem>>, vector<1x16xf32>,
        %get3A_928 = vector.shape_cast %get3A_927 : vector<1x16xf32> to vector<16xf32>
        %add3A_929 = arith.addf %add3A_885, %get3A_928 : vector<16xf32>
        %add3A_930 = arith.constant 4 : i32
        %add3A_931 = arith.addi %mul3A_743, %add3A_930 : i32
        %get3A_932 = arith.constant 0 : i32
        %get3A_933 = arith.constant 0 : i32
        %get3A_934 = tpu.memref_slice %arg6[%scan3A_677, %get3A_932, %get3A_933] : memref<4x200x64xf32, #tpu.memory_space<vmem>> -> memref<1x200x64xf32, #tpu.memory_space<vmem>>
        %get3A_935 = tpu.memref_squeeze %get3A_934 : memref<1x200x64xf32, #tpu.memory_space<vmem>> -> memref<200x64xf32, #tpu.memory_space<vmem>>
        %get3A_936 = arith.index_cast %add3A_931 : i32 to index
        %get3A_937 = arith.constant 16 : index
        %get3A_938 = tpu.vector_load %get3A_935[%get3A_936, %get3A_937] {strides = array<i32>} : memref<200x64xf32, #tpu.memory_space<vmem>>, vector<1x16xf32>,
        %get3A_939 = vector.shape_cast %get3A_938 : vector<1x16xf32> to vector<16xf32>
        %add3A_940 = arith.addf %add3A_896, %get3A_939 : vector<16xf32>
        %add3A_941 = arith.constant 4 : i32
        %add3A_942 = arith.addi %mul3A_743, %add3A_941 : i32
        %get3A_943 = arith.constant 0 : i32
        %get3A_944 = arith.constant 0 : i32
        %get3A_945 = tpu.memref_slice %arg6[%scan3A_677, %get3A_943, %get3A_944] : memref<4x200x64xf32, #tpu.memory_space<vmem>> -> memref<1x200x64xf32, #tpu.memory_space<vmem>>
        %get3A_946 = tpu.memref_squeeze %get3A_945 : memref<1x200x64xf32, #tpu.memory_space<vmem>> -> memref<200x64xf32, #tpu.memory_space<vmem>>
        %get3A_947 = arith.index_cast %add3A_942 : i32 to index
        %get3A_948 = arith.constant 32 : index
        %get3A_949 = tpu.vector_load %get3A_946[%get3A_947, %get3A_948] {strides = array<i32>} : memref<200x64xf32, #tpu.memory_space<vmem>>, vector<1x16xf32>,
        %get3A_950 = vector.shape_cast %get3A_949 : vector<1x16xf32> to vector<16xf32>
        %add3A_951 = arith.addf %add3A_907, %get3A_950 : vector<16xf32>
        %add3A_952 = arith.constant 4 : i32
        %add3A_953 = arith.addi %mul3A_743, %add3A_952 : i32
        %get3A_954 = arith.constant 0 : i32
        %get3A_955 = arith.constant 0 : i32
        %get3A_956 = tpu.memref_slice %arg6[%scan3A_677, %get3A_954, %get3A_955] : memref<4x200x64xf32, #tpu.memory_space<vmem>> -> memref<1x200x64xf32, #tpu.memory_space<vmem>>
        %get3A_957 = tpu.memref_squeeze %get3A_956 : memref<1x200x64xf32, #tpu.memory_space<vmem>> -> memref<200x64xf32, #tpu.memory_space<vmem>>
        %get3A_958 = arith.index_cast %add3A_953 : i32 to index
        %get3A_959 = arith.constant 48 : index
        %get3A_960 = tpu.vector_load %get3A_957[%get3A_958, %get3A_959] {strides = array<i32>} : memref<200x64xf32, #tpu.memory_space<vmem>>, vector<1x16xf32>,
        %get3A_961 = vector.shape_cast %get3A_960 : vector<1x16xf32> to vector<16xf32>
        %add3A_962 = arith.addf %add3A_918, %get3A_961 : vector<16xf32>
        %add3A_963 = arith.constant 5 : i32
        %add3A_964 = arith.addi %mul3A_743, %add3A_963 : i32
        %get3A_965 = arith.constant 0 : i32
        %get3A_966 = arith.constant 0 : i32
        %get3A_967 = tpu.memref_slice %arg6[%scan3A_677, %get3A_965, %get3A_966] : memref<4x200x64xf32, #tpu.memory_space<vmem>> -> memref<1x200x64xf32, #tpu.memory_space<vmem>>
        %get3A_968 = tpu.memref_squeeze %get3A_967 : memref<1x200x64xf32, #tpu.memory_space<vmem>> -> memref<200x64xf32, #tpu.memory_space<vmem>>
        %get3A_969 = arith.index_cast %add3A_964 : i32 to index
        %get3A_970 = arith.constant 0 : index
        %get3A_971 = tpu.vector_load %get3A_968[%get3A_969, %get3A_970] {strides = array<i32>} : memref<200x64xf32, #tpu.memory_space<vmem>>, vector<1x16xf32>,
        %get3A_972 = vector.shape_cast %get3A_971 : vector<1x16xf32> to vector<16xf32>
        %add3A_973 = arith.addf %add3A_929, %get3A_972 : vector<16xf32>
        %add3A_974 = arith.constant 5 : i32
        %add3A_975 = arith.addi %mul3A_743, %add3A_974 : i32
        %get3A_976 = arith.constant 0 : i32
        %get3A_977 = arith.constant 0 : i32
        %get3A_978 = tpu.memref_slice %arg6[%scan3A_677, %get3A_976, %get3A_977] : memref<4x200x64xf32, #tpu.memory_space<vmem>> -> memref<1x200x64xf32, #tpu.memory_space<vmem>>
        %get3A_979 = tpu.memref_squeeze %get3A_978 : memref<1x200x64xf32, #tpu.memory_space<vmem>> -> memref<200x64xf32, #tpu.memory_space<vmem>>
        %get3A_980 = arith.index_cast %add3A_975 : i32 to index
        %get3A_981 = arith.constant 16 : index
        %get3A_982 = tpu.vector_load %get3A_979[%get3A_980, %get3A_981] {strides = array<i32>} : memref<200x64xf32, #tpu.memory_space<vmem>>, vector<1x16xf32>,
        %get3A_983 = vector.shape_cast %get3A_982 : vector<1x16xf32> to vector<16xf32>
        %add3A_984 = arith.addf %add3A_940, %get3A_983 : vector<16xf32>
        %add3A_985 = arith.constant 5 : i32
        %add3A_986 = arith.addi %mul3A_743, %add3A_985 : i32
        %get3A_987 = arith.constant 0 : i32
        %get3A_988 = arith.constant 0 : i32
        %get3A_989 = tpu.memref_slice %arg6[%scan3A_677, %get3A_987, %get3A_988] : memref<4x200x64xf32, #tpu.memory_space<vmem>> -> memref<1x200x64xf32, #tpu.memory_space<vmem>>
        %get3A_990 = tpu.memref_squeeze %get3A_989 : memref<1x200x64xf32, #tpu.memory_space<vmem>> -> memref<200x64xf32, #tpu.memory_space<vmem>>
        %get3A_991 = arith.index_cast %add3A_986 : i32 to index
        %get3A_992 = arith.constant 32 : index
        %get3A_993 = tpu.vector_load %get3A_990[%get3A_991, %get3A_992] {strides = array<i32>} : memref<200x64xf32, #tpu.memory_space<vmem>>, vector<1x16xf32>,
        %get3A_994 = vector.shape_cast %get3A_993 : vector<1x16xf32> to vector<16xf32>
        %add3A_995 = arith.addf %add3A_951, %get3A_994 : vector<16xf32>
        %add3A_996 = arith.constant 5 : i32
        %add3A_997 = arith.addi %mul3A_743, %add3A_996 : i32
        %get3A_998 = arith.constant 0 : i32
        %get3A_999 = arith.constant 0 : i32
        %get3A_1000 = tpu.memref_slice %arg6[%scan3A_677, %get3A_998, %get3A_999] : memref<4x200x64xf32, #tpu.memory_space<vmem>> -> memref<1x200x64xf32, #tpu.memory_space<vmem>>
        %get3A_1001 = tpu.memref_squeeze %get3A_1000 : memref<1x200x64xf32, #tpu.memory_space<vmem>> -> memref<200x64xf32, #tpu.memory_space<vmem>>
        %get3A_1002 = arith.index_cast %add3A_997 : i32 to index
        %get3A_1003 = arith.constant 48 : index
        %get3A_1004 = tpu.vector_load %get3A_1001[%get3A_1002, %get3A_1003] {strides = array<i32>} : memref<200x64xf32, #tpu.memory_space<vmem>>, vector<1x16xf32>,
        %get3A_1005 = vector.shape_cast %get3A_1004 : vector<1x16xf32> to vector<16xf32>
        %add3A_1006 = arith.addf %add3A_962, %get3A_1005 : vector<16xf32>
        %add3A_1007 = arith.constant 6 : i32
        %add3A_1008 = arith.addi %mul3A_743, %add3A_1007 : i32
        %get3A_1009 = arith.constant 0 : i32
        %get3A_1010 = arith.constant 0 : i32
        %get3A_1011 = tpu.memref_slice %arg6[%scan3A_677, %get3A_1009, %get3A_1010] : memref<4x200x64xf32, #tpu.memory_space<vmem>> -> memref<1x200x64xf32, #tpu.memory_space<vmem>>
        %get3A_1012 = tpu.memref_squeeze %get3A_1011 : memref<1x200x64xf32, #tpu.memory_space<vmem>> -> memref<200x64xf32, #tpu.memory_space<vmem>>
        %get3A_1013 = arith.index_cast %add3A_1008 : i32 to index
        %get3A_1014 = arith.constant 0 : index
        %get3A_1015 = tpu.vector_load %get3A_1012[%get3A_1013, %get3A_1014] {strides = array<i32>} : memref<200x64xf32, #tpu.memory_space<vmem>>, vector<1x16xf32>,
        %get3A_1016 = vector.shape_cast %get3A_1015 : vector<1x16xf32> to vector<16xf32>
        %add3A_1017 = arith.addf %add3A_973, %get3A_1016 : vector<16xf32>
        %add3A_1018 = arith.constant 6 : i32
        %add3A_1019 = arith.addi %mul3A_743, %add3A_1018 : i32
        %get3A_1020 = arith.constant 0 : i32
        %get3A_1021 = arith.constant 0 : i32
        %get3A_1022 = tpu.memref_slice %arg6[%scan3A_677, %get3A_1020, %get3A_1021] : memref<4x200x64xf32, #tpu.memory_space<vmem>> -> memref<1x200x64xf32, #tpu.memory_space<vmem>>
        %get3A_1023 = tpu.memref_squeeze %get3A_1022 : memref<1x200x64xf32, #tpu.memory_space<vmem>> -> memref<200x64xf32, #tpu.memory_space<vmem>>
        %get3A_1024 = arith.index_cast %add3A_1019 : i32 to index
        %get3A_1025 = arith.constant 16 : index
        %get3A_1026 = tpu.vector_load %get3A_1023[%get3A_1024, %get3A_1025] {strides = array<i32>} : memref<200x64xf32, #tpu.memory_space<vmem>>, vector<1x16xf32>,
        %get3A_1027 = vector.shape_cast %get3A_1026 : vector<1x16xf32> to vector<16xf32>
        %add3A_1028 = arith.addf %add3A_984, %get3A_1027 : vector<16xf32>
        %add3A_1029 = arith.constant 6 : i32
        %add3A_1030 = arith.addi %mul3A_743, %add3A_1029 : i32
        %get3A_1031 = arith.constant 0 : i32
        %get3A_1032 = arith.constant 0 : i32
        %get3A_1033 = tpu.memref_slice %arg6[%scan3A_677, %get3A_1031, %get3A_1032] : memref<4x200x64xf32, #tpu.memory_space<vmem>> -> memref<1x200x64xf32, #tpu.memory_space<vmem>>
        %get3A_1034 = tpu.memref_squeeze %get3A_1033 : memref<1x200x64xf32, #tpu.memory_space<vmem>> -> memref<200x64xf32, #tpu.memory_space<vmem>>
        %get3A_1035 = arith.index_cast %add3A_1030 : i32 to index
        %get3A_1036 = arith.constant 32 : index
        %get3A_1037 = tpu.vector_load %get3A_1034[%get3A_1035, %get3A_1036] {strides = array<i32>} : memref<200x64xf32, #tpu.memory_space<vmem>>, vector<1x16xf32>,
        %get3A_1038 = vector.shape_cast %get3A_1037 : vector<1x16xf32> to vector<16xf32>
        %add3A_1039 = arith.addf %add3A_995, %get3A_1038 : vector<16xf32>
        %add3A_1040 = arith.constant 6 : i32
        %add3A_1041 = arith.addi %mul3A_743, %add3A_1040 : i32
        %get3A_1042 = arith.constant 0 : i32
        %get3A_1043 = arith.constant 0 : i32
        %get3A_1044 = tpu.memref_slice %arg6[%scan3A_677, %get3A_1042, %get3A_1043] : memref<4x200x64xf32, #tpu.memory_space<vmem>> -> memref<1x200x64xf32, #tpu.memory_space<vmem>>
        %get3A_1045 = tpu.memref_squeeze %get3A_1044 : memref<1x200x64xf32, #tpu.memory_space<vmem>> -> memref<200x64xf32, #tpu.memory_space<vmem>>
        %get3A_1046 = arith.index_cast %add3A_1041 : i32 to index
        %get3A_1047 = arith.constant 48 : index
        %get3A_1048 = tpu.vector_load %get3A_1045[%get3A_1046, %get3A_1047] {strides = array<i32>} : memref<200x64xf32, #tpu.memory_space<vmem>>, vector<1x16xf32>,
        %get3A_1049 = vector.shape_cast %get3A_1048 : vector<1x16xf32> to vector<16xf32>
        %add3A_1050 = arith.addf %add3A_1006, %get3A_1049 : vector<16xf32>
        %add3A_1051 = arith.constant 7 : i32
        %add3A_1052 = arith.addi %mul3A_743, %add3A_1051 : i32
        %get3A_1053 = arith.constant 0 : i32
        %get3A_1054 = arith.constant 0 : i32
        %get3A_1055 = tpu.memref_slice %arg6[%scan3A_677, %get3A_1053, %get3A_1054] : memref<4x200x64xf32, #tpu.memory_space<vmem>> -> memref<1x200x64xf32, #tpu.memory_space<vmem>>
        %get3A_1056 = tpu.memref_squeeze %get3A_1055 : memref<1x200x64xf32, #tpu.memory_space<vmem>> -> memref<200x64xf32, #tpu.memory_space<vmem>>
        %get3A_1057 = arith.index_cast %add3A_1052 : i32 to index
        %get3A_1058 = arith.constant 0 : index
        %get3A_1059 = tpu.vector_load %get3A_1056[%get3A_1057, %get3A_1058] {strides = array<i32>} : memref<200x64xf32, #tpu.memory_space<vmem>>, vector<1x16xf32>,
        %get3A_1060 = vector.shape_cast %get3A_1059 : vector<1x16xf32> to vector<16xf32>
        %add3A_1061 = arith.addf %add3A_1017, %get3A_1060 : vector<16xf32>
        %add3A_1062 = arith.constant 7 : i32
        %add3A_1063 = arith.addi %mul3A_743, %add3A_1062 : i32
        %get3A_1064 = arith.constant 0 : i32
        %get3A_1065 = arith.constant 0 : i32
        %get3A_1066 = tpu.memref_slice %arg6[%scan3A_677, %get3A_1064, %get3A_1065] : memref<4x200x64xf32, #tpu.memory_space<vmem>> -> memref<1x200x64xf32, #tpu.memory_space<vmem>>
        %get3A_1067 = tpu.memref_squeeze %get3A_1066 : memref<1x200x64xf32, #tpu.memory_space<vmem>> -> memref<200x64xf32, #tpu.memory_space<vmem>>
        %get3A_1068 = arith.index_cast %add3A_1063 : i32 to index
        %get3A_1069 = arith.constant 16 : index
        %get3A_1070 = tpu.vector_load %get3A_1067[%get3A_1068, %get3A_1069] {strides = array<i32>} : memref<200x64xf32, #tpu.memory_space<vmem>>, vector<1x16xf32>,
        %get3A_1071 = vector.shape_cast %get3A_1070 : vector<1x16xf32> to vector<16xf32>
        %add3A_1072 = arith.addf %add3A_1028, %get3A_1071 : vector<16xf32>
        %add3A_1073 = arith.constant 7 : i32
        %add3A_1074 = arith.addi %mul3A_743, %add3A_1073 : i32
        %get3A_1075 = arith.constant 0 : i32
        %get3A_1076 = arith.constant 0 : i32
        %get3A_1077 = tpu.memref_slice %arg6[%scan3A_677, %get3A_1075, %get3A_1076] : memref<4x200x64xf32, #tpu.memory_space<vmem>> -> memref<1x200x64xf32, #tpu.memory_space<vmem>>
        %get3A_1078 = tpu.memref_squeeze %get3A_1077 : memref<1x200x64xf32, #tpu.memory_space<vmem>> -> memref<200x64xf32, #tpu.memory_space<vmem>>
        %get3A_1079 = arith.index_cast %add3A_1074 : i32 to index
        %get3A_1080 = arith.constant 32 : index
        %get3A_1081 = tpu.vector_load %get3A_1078[%get3A_1079, %get3A_1080] {strides = array<i32>} : memref<200x64xf32, #tpu.memory_space<vmem>>, vector<1x16xf32>,
        %get3A_1082 = vector.shape_cast %get3A_1081 : vector<1x16xf32> to vector<16xf32>
        %add3A_1083 = arith.addf %add3A_1039, %get3A_1082 : vector<16xf32>
        %add3A_1084 = arith.constant 7 : i32
        %add3A_1085 = arith.addi %mul3A_743, %add3A_1084 : i32
        %get3A_1086 = arith.constant 0 : i32
        %get3A_1087 = arith.constant 0 : i32
        %get3A_1088 = tpu.memref_slice %arg6[%scan3A_677, %get3A_1086, %get3A_1087] : memref<4x200x64xf32, #tpu.memory_space<vmem>> -> memref<1x200x64xf32, #tpu.memory_space<vmem>>
        %get3A_1089 = tpu.memref_squeeze %get3A_1088 : memref<1x200x64xf32, #tpu.memory_space<vmem>> -> memref<200x64xf32, #tpu.memory_space<vmem>>
        %get3A_1090 = arith.index_cast %add3A_1085 : i32 to index
        %get3A_1091 = arith.constant 48 : index
        %get3A_1092 = tpu.vector_load %get3A_1089[%get3A_1090, %get3A_1091] {strides = array<i32>} : memref<200x64xf32, #tpu.memory_space<vmem>>, vector<1x16xf32>,
        %get3A_1093 = vector.shape_cast %get3A_1092 : vector<1x16xf32> to vector<16xf32>
        %add3A_1094 = arith.addf %add3A_1050, %get3A_1093 : vector<16xf32>
        scf.yield %add3A_1061, %add3A_1072, %add3A_1083, %add3A_1094 : vector<16xf32>, vector<16xf32>, vector<16xf32>, vector<16xf32>
      }
      %scan3A_683 = arith.constant 25 : i32
      %add3A_684 = arith.constant 4 : i32
      %add3A_685 = arith.addi %add3A_650, %add3A_684 : i32
      %dma_start3A_686 = arith.constant 3 : i32
      %dma_start3A_687 = arith.constant 0 : i32
      %dma_start3A_688 = arith.constant 0 : i32
      %dma_start3A_689 = tpu.memref_slice %arg6[%dma_start3A_686, %dma_start3A_687, %dma_start3A_688] : memref<4x200x64xf32, #tpu.memory_space<vmem>> -> memref<1x128x64xf32, #tpu.memory_space<vmem>>
      %dma_start3A_690 = tpu.memref_squeeze %dma_start3A_689 : memref<1x128x64xf32, #tpu.memory_space<vmem>> -> memref<128x64xf32, #tpu.memory_space<vmem>>
      %dma_start3A_691 = arith.constant 0 : i32
      %dma_start3A_692 = tpu.memref_slice %arg5[%add3A_685, %dma_start3A_691] : memref<128x200xi32, #tpu.memory_space<vmem>> -> memref<1x128xi32, #tpu.memory_space<vmem>>
      %dma_start3A_693 = tpu.memref_squeeze %dma_start3A_692 : memref<1x128xi32, #tpu.memory_space<vmem>> -> memref<128xi32, #tpu.memory_space<vmem>>
      %dma_start3A_694 = arith.constant 0 : i32
      %dma_start3A_695 = arith.constant 0 : i32
      %dma_start3A_696 = tpu.memref_slice %arg3[%dma_start3A_694, %dma_start3A_695] : memref<1000000x64xf32, #tpu.memory_space<hbm>> -> memref<1000000x64xf32, #tpu.memory_space<hbm>>
      tpu.enqueue_indirect_dma source(%dma_start3A_696 : memref<1000000x64xf32, #tpu.memory_space<hbm>>) target(%dma_start3A_690 : memref<128x64xf32, #tpu.memory_space<vmem>>) offsets(%dma_start3A_693 : memref<128xi32, #tpu.memory_space<vmem>>) semaphore(%arg11 : memref<!tpu.dma_semaphore, #tpu.memory_space<semaphore_mem>>)
      %dma_start3A_697 = arith.constant 3 : i32
      %dma_start3A_698 = arith.constant 128 : i32
      %dma_start3A_699 = arith.constant 0 : i32
      %dma_start3A_700 = tpu.memref_slice %arg6[%dma_start3A_697, %dma_start3A_698, %dma_start3A_699] : memref<4x200x64xf32, #tpu.memory_space<vmem>> -> memref<1x72x64xf32, #tpu.memory_space<vmem>>
      %dma_start3A_701 = tpu.memref_squeeze %dma_start3A_700 : memref<1x72x64xf32, #tpu.memory_space<vmem>> -> memref<72x64xf32, #tpu.memory_space<vmem>>
      %dma_start3A_702 = arith.constant 128 : i32
      %dma_start3A_703 = tpu.memref_slice %arg5[%add3A_685, %dma_start3A_702] : memref<128x200xi32, #tpu.memory_space<vmem>> -> memref<1x72xi32, #tpu.memory_space<vmem>>
      %dma_start3A_704 = tpu.memref_squeeze %dma_start3A_703 : memref<1x72xi32, #tpu.memory_space<vmem>> -> memref<72xi32, #tpu.memory_space<vmem>>
      %dma_start3A_705 = arith.constant 0 : i32
      %dma_start3A_706 = arith.constant 0 : i32
      %dma_start3A_707 = tpu.memref_slice %arg3[%dma_start3A_705, %dma_start3A_706] : memref<1000000x64xf32, #tpu.memory_space<hbm>> -> memref<1000000x64xf32, #tpu.memory_space<hbm>>
      tpu.enqueue_indirect_dma source(%dma_start3A_707 : memref<1000000x64xf32, #tpu.memory_space<hbm>>) target(%dma_start3A_701 : memref<72x64xf32, #tpu.memory_space<vmem>>) offsets(%dma_start3A_704 : memref<72xi32, #tpu.memory_space<vmem>>) semaphore(%arg11 : memref<!tpu.dma_semaphore, #tpu.memory_space<semaphore_mem>>)
      %mul3A_708 = vector.broadcast %scan3A : f32 to vector<16xf32>
      %mul3A_709 = arith.mulf %scan3A_682#0, %mul3A_708 : vector<16xf32>
      %swap3A_710 = arith.index_cast %add3A_650 : i32 to index
      %swap3A_711 = arith.constant 0 : index
      %swap3A_712 = tpu.vector_load %arg7[%swap3A_710, %swap3A_711] {strides = array<i32>} : memref<128x64xf32, #tpu.memory_space<vmem>>, vector<1x16xf32>,
      %swap3A_713 = vector.shape_cast %swap3A_712 : vector<1x16xf32> to vector<16xf32>
      %swap3A_714 = vector.shape_cast %mul3A_709 : vector<16xf32> to vector<1x16xf32>
      tpu.vector_store %arg7[%swap3A_710, %swap3A_711], %swap3A_714 {strides = array<i32>} : memref<128x64xf32, #tpu.memory_space<vmem>>, vector<1x16xf32>,
      %mul3A_715 = vector.broadcast %scan3A : f32 to vector<16xf32>
      %mul3A_716 = arith.mulf %scan3A_682#1, %mul3A_715 : vector<16xf32>
      %swap3A_717 = arith.index_cast %add3A_650 : i32 to index
      %swap3A_718 = arith.constant 16 : index
      %swap3A_719 = tpu.vector_load %arg7[%swap3A_717, %swap3A_718] {strides = array<i32>} : memref<128x64xf32, #tpu.memory_space<vmem>>, vector<1x16xf32>,
      %swap3A_720 = vector.shape_cast %swap3A_719 : vector<1x16xf32> to vector<16xf32>
      %swap3A_721 = vector.shape_cast %mul3A_716 : vector<16xf32> to vector<1x16xf32>
      tpu.vector_store %arg7[%swap3A_717, %swap3A_718], %swap3A_721 {strides = array<i32>} : memref<128x64xf32, #tpu.memory_space<vmem>>, vector<1x16xf32>,
      %mul3A_722 = vector.broadcast %scan3A : f32 to vector<16xf32>
      %mul3A_723 = arith.mulf %scan3A_682#2, %mul3A_722 : vector<16xf32>
      %swap3A_724 = arith.index_cast %add3A_650 : i32 to index
      %swap3A_725 = arith.constant 32 : index
      %swap3A_726 = tpu.vector_load %arg7[%swap3A_724, %swap3A_725] {strides = array<i32>} : memref<128x64xf32, #tpu.memory_space<vmem>>, vector<1x16xf32>,
      %swap3A_727 = vector.shape_cast %swap3A_726 : vector<1x16xf32> to vector<16xf32>
      %swap3A_728 = vector.shape_cast %mul3A_723 : vector<16xf32> to vector<1x16xf32>
      tpu.vector_store %arg7[%swap3A_724, %swap3A_725], %swap3A_728 {strides = array<i32>} : memref<128x64xf32, #tpu.memory_space<vmem>>, vector<1x16xf32>,
      %mul3A_729 = vector.broadcast %scan3A : f32 to vector<16xf32>
      %mul3A_730 = arith.mulf %scan3A_682#3, %mul3A_729 : vector<16xf32>
      %swap3A_731 = arith.index_cast %add3A_650 : i32 to index
      %swap3A_732 = arith.constant 48 : index
      %swap3A_733 = tpu.vector_load %arg7[%swap3A_731, %swap3A_732] {strides = array<i32>} : memref<128x64xf32, #tpu.memory_space<vmem>>, vector<1x16xf32>,
      %swap3A_734 = vector.shape_cast %swap3A_733 : vector<1x16xf32> to vector<16xf32>
      %swap3A_735 = vector.shape_cast %mul3A_730 : vector<16xf32> to vector<1x16xf32>
      tpu.vector_store %arg7[%swap3A_731, %swap3A_732], %swap3A_735 {strides = array<i32>} : memref<128x64xf32, #tpu.memory_space<vmem>>, vector<1x16xf32>,
      %scan3A_736 = arith.constant 0 : i32
      scf.yield %scan3A_736 : i32
    }
    %scan3A_104 = arith.constant 31 : i32
    %dma_wait3A = arith.constant 0 : i32
    %dma_wait3A_105 = arith.constant 0 : i32
    %dma_wait3A_106 = arith.constant 0 : i32
    %dma_wait3A_107 = arith.constant 0 : i32
    %dma_wait3A_108 = tpu.memref_slice %arg6[%dma_wait3A_105, %dma_wait3A_106, %dma_wait3A_107] : memref<4x200x64xf32, #tpu.memory_space<vmem>> -> memref<1x128x64xf32, #tpu.memory_space<vmem>>
    %dma_wait3A_109 = tpu.memref_squeeze %dma_wait3A_108 : memref<1x128x64xf32, #tpu.memory_space<vmem>> -> memref<128x64xf32, #tpu.memory_space<vmem>>
    %dma_wait3A_110 = arith.constant 0 : i32
    %dma_wait3A_111 = tpu.memref_slice %arg5[%dma_wait3A, %dma_wait3A_110] : memref<128x200xi32, #tpu.memory_space<vmem>> -> memref<1x128xi32, #tpu.memory_space<vmem>>
    %dma_wait3A_112 = tpu.memref_squeeze %dma_wait3A_111 : memref<1x128xi32, #tpu.memory_space<vmem>> -> memref<128xi32, #tpu.memory_space<vmem>>
    %dma_wait3A_113 = arith.constant 0 : i32
    %dma_wait3A_114 = arith.constant 0 : i32
    %dma_wait3A_115 = tpu.memref_slice %arg3[%dma_wait3A_113, %dma_wait3A_114] : memref<1000000x64xf32, #tpu.memory_space<hbm>> -> memref<1000000x64xf32, #tpu.memory_space<hbm>>
    tpu.wait_indirect_dma semaphore(%arg8 : memref<!tpu.dma_semaphore, #tpu.memory_space<semaphore_mem>>) src(%dma_wait3A_115 : memref<1000000x64xf32, #tpu.memory_space<hbm>>) dst(%dma_wait3A_109 : memref<128x64xf32, #tpu.memory_space<vmem>>)
    %dma_wait3A_116 = arith.constant 0 : i32
    %dma_wait3A_117 = arith.constant 0 : i32
    %dma_wait3A_118 = arith.constant 128 : i32
    %dma_wait3A_119 = arith.constant 0 : i32
    %dma_wait3A_120 = tpu.memref_slice %arg6[%dma_wait3A_117, %dma_wait3A_118, %dma_wait3A_119] : memref<4x200x64xf32, #tpu.memory_space<vmem>> -> memref<1x72x64xf32, #tpu.memory_space<vmem>>
    %dma_wait3A_121 = tpu.memref_squeeze %dma_wait3A_120 : memref<1x72x64xf32, #tpu.memory_space<vmem>> -> memref<72x64xf32, #tpu.memory_space<vmem>>
    %dma_wait3A_122 = arith.constant 128 : i32
    %dma_wait3A_123 = tpu.memref_slice %arg5[%dma_wait3A_116, %dma_wait3A_122] : memref<128x200xi32, #tpu.memory_space<vmem>> -> memref<1x72xi32, #tpu.memory_space<vmem>>
    %dma_wait3A_124 = tpu.memref_squeeze %dma_wait3A_123 : memref<1x72xi32, #tpu.memory_space<vmem>> -> memref<72xi32, #tpu.memory_space<vmem>>
    %dma_wait3A_125 = arith.constant 0 : i32
    %dma_wait3A_126 = arith.constant 0 : i32
    %dma_wait3A_127 = tpu.memref_slice %arg3[%dma_wait3A_125, %dma_wait3A_126] : memref<1000000x64xf32, #tpu.memory_space<hbm>> -> memref<1000000x64xf32, #tpu.memory_space<hbm>>
    tpu.wait_indirect_dma semaphore(%arg8 : memref<!tpu.dma_semaphore, #tpu.memory_space<semaphore_mem>>) src(%dma_wait3A_127 : memref<1000000x64xf32, #tpu.memory_space<hbm>>) dst(%dma_wait3A_121 : memref<72x64xf32, #tpu.memory_space<vmem>>)
    %broadcast_in_dim3A = arith.constant 0.000000e+00 : f32
    %broadcast_in_dim3A_128 = vector.broadcast %broadcast_in_dim3A : f32 to vector<16xf32>
    %scan3A_129 = arith.constant 0 : i32
    %scan3A_130 = arith.constant 0 : i32
    %scan3A_131 = arith.constant 25 : i32
    %scan3A_132 = arith.addi %scan3A_130, %scan3A_131 : i32
    %scan3A_133 = arith.constant 1 : i32
    %scan3A_134:4 = scf.for %scan3A_378 = %scan3A_130 to %scan3A_132 step %scan3A_133 iter_args(%scan3A_379 = %broadcast_in_dim3A_128, %scan3A_380 = %broadcast_in_dim3A_128, %scan3A_381 = %broadcast_in_dim3A_128, %scan3A_382 = %broadcast_in_dim3A_128) -> (vector<16xf32>, vector<16xf32>, vector<16xf32>, vector<16xf32>)  : i32 {
      %mul3A_383 = arith.constant 8 : i32
      %mul3A_384 = arith.muli %scan3A_378, %mul3A_383 : i32
      %add3A_385 = arith.constant 0 : i32
      %add3A_386 = arith.addi %mul3A_384, %add3A_385 : i32
      %get3A = arith.constant 0 : i32
      %get3A_387 = arith.constant 0 : i32
      %get3A_388 = tpu.memref_slice %arg6[%scan3A_129, %get3A, %get3A_387] : memref<4x200x64xf32, #tpu.memory_space<vmem>> -> memref<1x200x64xf32, #tpu.memory_space<vmem>>
      %get3A_389 = tpu.memref_squeeze %get3A_388 : memref<1x200x64xf32, #tpu.memory_space<vmem>> -> memref<200x64xf32, #tpu.memory_space<vmem>>
      %get3A_390 = arith.index_cast %add3A_386 : i32 to index
      %get3A_391 = arith.constant 0 : index
      %get3A_392 = tpu.vector_load %get3A_389[%get3A_390, %get3A_391] {strides = array<i32>} : memref<200x64xf32, #tpu.memory_space<vmem>>, vector<1x16xf32>,
      %get3A_393 = vector.shape_cast %get3A_392 : vector<1x16xf32> to vector<16xf32>
      %add3A_394 = arith.addf %scan3A_379, %get3A_393 : vector<16xf32>
      %add3A_395 = arith.constant 0 : i32
      %add3A_396 = arith.addi %mul3A_384, %add3A_395 : i32
      %get3A_397 = arith.constant 0 : i32
      %get3A_398 = arith.constant 0 : i32
      %get3A_399 = tpu.memref_slice %arg6[%scan3A_129, %get3A_397, %get3A_398] : memref<4x200x64xf32, #tpu.memory_space<vmem>> -> memref<1x200x64xf32, #tpu.memory_space<vmem>>
      %get3A_400 = tpu.memref_squeeze %get3A_399 : memref<1x200x64xf32, #tpu.memory_space<vmem>> -> memref<200x64xf32, #tpu.memory_space<vmem>>
      %get3A_401 = arith.index_cast %add3A_396 : i32 to index
      %get3A_402 = arith.constant 16 : index
      %get3A_403 = tpu.vector_load %get3A_400[%get3A_401, %get3A_402] {strides = array<i32>} : memref<200x64xf32, #tpu.memory_space<vmem>>, vector<1x16xf32>,
      %get3A_404 = vector.shape_cast %get3A_403 : vector<1x16xf32> to vector<16xf32>
      %add3A_405 = arith.addf %scan3A_380, %get3A_404 : vector<16xf32>
      %add3A_406 = arith.constant 0 : i32
      %add3A_407 = arith.addi %mul3A_384, %add3A_406 : i32
      %get3A_408 = arith.constant 0 : i32
      %get3A_409 = arith.constant 0 : i32
      %get3A_410 = tpu.memref_slice %arg6[%scan3A_129, %get3A_408, %get3A_409] : memref<4x200x64xf32, #tpu.memory_space<vmem>> -> memref<1x200x64xf32, #tpu.memory_space<vmem>>
      %get3A_411 = tpu.memref_squeeze %get3A_410 : memref<1x200x64xf32, #tpu.memory_space<vmem>> -> memref<200x64xf32, #tpu.memory_space<vmem>>
      %get3A_412 = arith.index_cast %add3A_407 : i32 to index
      %get3A_413 = arith.constant 32 : index
      %get3A_414 = tpu.vector_load %get3A_411[%get3A_412, %get3A_413] {strides = array<i32>} : memref<200x64xf32, #tpu.memory_space<vmem>>, vector<1x16xf32>,
      %get3A_415 = vector.shape_cast %get3A_414 : vector<1x16xf32> to vector<16xf32>
      %add3A_416 = arith.addf %scan3A_381, %get3A_415 : vector<16xf32>
      %add3A_417 = arith.constant 0 : i32
      %add3A_418 = arith.addi %mul3A_384, %add3A_417 : i32
      %get3A_419 = arith.constant 0 : i32
      %get3A_420 = arith.constant 0 : i32
      %get3A_421 = tpu.memref_slice %arg6[%scan3A_129, %get3A_419, %get3A_420] : memref<4x200x64xf32, #tpu.memory_space<vmem>> -> memref<1x200x64xf32, #tpu.memory_space<vmem>>
      %get3A_422 = tpu.memref_squeeze %get3A_421 : memref<1x200x64xf32, #tpu.memory_space<vmem>> -> memref<200x64xf32, #tpu.memory_space<vmem>>
      %get3A_423 = arith.index_cast %add3A_418 : i32 to index
      %get3A_424 = arith.constant 48 : index
      %get3A_425 = tpu.vector_load %get3A_422[%get3A_423, %get3A_424] {strides = array<i32>} : memref<200x64xf32, #tpu.memory_space<vmem>>, vector<1x16xf32>,
      %get3A_426 = vector.shape_cast %get3A_425 : vector<1x16xf32> to vector<16xf32>
      %add3A_427 = arith.addf %scan3A_382, %get3A_426 : vector<16xf32>
      %add3A_428 = arith.constant 1 : i32
      %add3A_429 = arith.addi %mul3A_384, %add3A_428 : i32
      %get3A_430 = arith.constant 0 : i32
      %get3A_431 = arith.constant 0 : i32
      %get3A_432 = tpu.memref_slice %arg6[%scan3A_129, %get3A_430, %get3A_431] : memref<4x200x64xf32, #tpu.memory_space<vmem>> -> memref<1x200x64xf32, #tpu.memory_space<vmem>>
      %get3A_433 = tpu.memref_squeeze %get3A_432 : memref<1x200x64xf32, #tpu.memory_space<vmem>> -> memref<200x64xf32, #tpu.memory_space<vmem>>
      %get3A_434 = arith.index_cast %add3A_429 : i32 to index
      %get3A_435 = arith.constant 0 : index
      %get3A_436 = tpu.vector_load %get3A_433[%get3A_434, %get3A_435] {strides = array<i32>} : memref<200x64xf32, #tpu.memory_space<vmem>>, vector<1x16xf32>,
      %get3A_437 = vector.shape_cast %get3A_436 : vector<1x16xf32> to vector<16xf32>
      %add3A_438 = arith.addf %add3A_394, %get3A_437 : vector<16xf32>
      %add3A_439 = arith.constant 1 : i32
      %add3A_440 = arith.addi %mul3A_384, %add3A_439 : i32
      %get3A_441 = arith.constant 0 : i32
      %get3A_442 = arith.constant 0 : i32
      %get3A_443 = tpu.memref_slice %arg6[%scan3A_129, %get3A_441, %get3A_442] : memref<4x200x64xf32, #tpu.memory_space<vmem>> -> memref<1x200x64xf32, #tpu.memory_space<vmem>>
      %get3A_444 = tpu.memref_squeeze %get3A_443 : memref<1x200x64xf32, #tpu.memory_space<vmem>> -> memref<200x64xf32, #tpu.memory_space<vmem>>
      %get3A_445 = arith.index_cast %add3A_440 : i32 to index
      %get3A_446 = arith.constant 16 : index
      %get3A_447 = tpu.vector_load %get3A_444[%get3A_445, %get3A_446] {strides = array<i32>} : memref<200x64xf32, #tpu.memory_space<vmem>>, vector<1x16xf32>,
      %get3A_448 = vector.shape_cast %get3A_447 : vector<1x16xf32> to vector<16xf32>
      %add3A_449 = arith.addf %add3A_405, %get3A_448 : vector<16xf32>
      %add3A_450 = arith.constant 1 : i32
      %add3A_451 = arith.addi %mul3A_384, %add3A_450 : i32
      %get3A_452 = arith.constant 0 : i32
      %get3A_453 = arith.constant 0 : i32
      %get3A_454 = tpu.memref_slice %arg6[%scan3A_129, %get3A_452, %get3A_453] : memref<4x200x64xf32, #tpu.memory_space<vmem>> -> memref<1x200x64xf32, #tpu.memory_space<vmem>>
      %get3A_455 = tpu.memref_squeeze %get3A_454 : memref<1x200x64xf32, #tpu.memory_space<vmem>> -> memref<200x64xf32, #tpu.memory_space<vmem>>
      %get3A_456 = arith.index_cast %add3A_451 : i32 to index
      %get3A_457 = arith.constant 32 : index
      %get3A_458 = tpu.vector_load %get3A_455[%get3A_456, %get3A_457] {strides = array<i32>} : memref<200x64xf32, #tpu.memory_space<vmem>>, vector<1x16xf32>,
      %get3A_459 = vector.shape_cast %get3A_458 : vector<1x16xf32> to vector<16xf32>
      %add3A_460 = arith.addf %add3A_416, %get3A_459 : vector<16xf32>
      %add3A_461 = arith.constant 1 : i32
      %add3A_462 = arith.addi %mul3A_384, %add3A_461 : i32
      %get3A_463 = arith.constant 0 : i32
      %get3A_464 = arith.constant 0 : i32
      %get3A_465 = tpu.memref_slice %arg6[%scan3A_129, %get3A_463, %get3A_464] : memref<4x200x64xf32, #tpu.memory_space<vmem>> -> memref<1x200x64xf32, #tpu.memory_space<vmem>>
      %get3A_466 = tpu.memref_squeeze %get3A_465 : memref<1x200x64xf32, #tpu.memory_space<vmem>> -> memref<200x64xf32, #tpu.memory_space<vmem>>
      %get3A_467 = arith.index_cast %add3A_462 : i32 to index
      %get3A_468 = arith.constant 48 : index
      %get3A_469 = tpu.vector_load %get3A_466[%get3A_467, %get3A_468] {strides = array<i32>} : memref<200x64xf32, #tpu.memory_space<vmem>>, vector<1x16xf32>,
      %get3A_470 = vector.shape_cast %get3A_469 : vector<1x16xf32> to vector<16xf32>
      %add3A_471 = arith.addf %add3A_427, %get3A_470 : vector<16xf32>
      %add3A_472 = arith.constant 2 : i32
      %add3A_473 = arith.addi %mul3A_384, %add3A_472 : i32
      %get3A_474 = arith.constant 0 : i32
      %get3A_475 = arith.constant 0 : i32
      %get3A_476 = tpu.memref_slice %arg6[%scan3A_129, %get3A_474, %get3A_475] : memref<4x200x64xf32, #tpu.memory_space<vmem>> -> memref<1x200x64xf32, #tpu.memory_space<vmem>>
      %get3A_477 = tpu.memref_squeeze %get3A_476 : memref<1x200x64xf32, #tpu.memory_space<vmem>> -> memref<200x64xf32, #tpu.memory_space<vmem>>
      %get3A_478 = arith.index_cast %add3A_473 : i32 to index
      %get3A_479 = arith.constant 0 : index
      %get3A_480 = tpu.vector_load %get3A_477[%get3A_478, %get3A_479] {strides = array<i32>} : memref<200x64xf32, #tpu.memory_space<vmem>>, vector<1x16xf32>,
      %get3A_481 = vector.shape_cast %get3A_480 : vector<1x16xf32> to vector<16xf32>
      %add3A_482 = arith.addf %add3A_438, %get3A_481 : vector<16xf32>
      %add3A_483 = arith.constant 2 : i32
      %add3A_484 = arith.addi %mul3A_384, %add3A_483 : i32
      %get3A_485 = arith.constant 0 : i32
      %get3A_486 = arith.constant 0 : i32
      %get3A_487 = tpu.memref_slice %arg6[%scan3A_129, %get3A_485, %get3A_486] : memref<4x200x64xf32, #tpu.memory_space<vmem>> -> memref<1x200x64xf32, #tpu.memory_space<vmem>>
      %get3A_488 = tpu.memref_squeeze %get3A_487 : memref<1x200x64xf32, #tpu.memory_space<vmem>> -> memref<200x64xf32, #tpu.memory_space<vmem>>
      %get3A_489 = arith.index_cast %add3A_484 : i32 to index
      %get3A_490 = arith.constant 16 : index
      %get3A_491 = tpu.vector_load %get3A_488[%get3A_489, %get3A_490] {strides = array<i32>} : memref<200x64xf32, #tpu.memory_space<vmem>>, vector<1x16xf32>,
      %get3A_492 = vector.shape_cast %get3A_491 : vector<1x16xf32> to vector<16xf32>
      %add3A_493 = arith.addf %add3A_449, %get3A_492 : vector<16xf32>
      %add3A_494 = arith.constant 2 : i32
      %add3A_495 = arith.addi %mul3A_384, %add3A_494 : i32
      %get3A_496 = arith.constant 0 : i32
      %get3A_497 = arith.constant 0 : i32
      %get3A_498 = tpu.memref_slice %arg6[%scan3A_129, %get3A_496, %get3A_497] : memref<4x200x64xf32, #tpu.memory_space<vmem>> -> memref<1x200x64xf32, #tpu.memory_space<vmem>>
      %get3A_499 = tpu.memref_squeeze %get3A_498 : memref<1x200x64xf32, #tpu.memory_space<vmem>> -> memref<200x64xf32, #tpu.memory_space<vmem>>
      %get3A_500 = arith.index_cast %add3A_495 : i32 to index
      %get3A_501 = arith.constant 32 : index
      %get3A_502 = tpu.vector_load %get3A_499[%get3A_500, %get3A_501] {strides = array<i32>} : memref<200x64xf32, #tpu.memory_space<vmem>>, vector<1x16xf32>,
      %get3A_503 = vector.shape_cast %get3A_502 : vector<1x16xf32> to vector<16xf32>
      %add3A_504 = arith.addf %add3A_460, %get3A_503 : vector<16xf32>
      %add3A_505 = arith.constant 2 : i32
      %add3A_506 = arith.addi %mul3A_384, %add3A_505 : i32
      %get3A_507 = arith.constant 0 : i32
      %get3A_508 = arith.constant 0 : i32
      %get3A_509 = tpu.memref_slice %arg6[%scan3A_129, %get3A_507, %get3A_508] : memref<4x200x64xf32, #tpu.memory_space<vmem>> -> memref<1x200x64xf32, #tpu.memory_space<vmem>>
      %get3A_510 = tpu.memref_squeeze %get3A_509 : memref<1x200x64xf32, #tpu.memory_space<vmem>> -> memref<200x64xf32, #tpu.memory_space<vmem>>
      %get3A_511 = arith.index_cast %add3A_506 : i32 to index
      %get3A_512 = arith.constant 48 : index
      %get3A_513 = tpu.vector_load %get3A_510[%get3A_511, %get3A_512] {strides = array<i32>} : memref<200x64xf32, #tpu.memory_space<vmem>>, vector<1x16xf32>,
      %get3A_514 = vector.shape_cast %get3A_513 : vector<1x16xf32> to vector<16xf32>
      %add3A_515 = arith.addf %add3A_471, %get3A_514 : vector<16xf32>
      %add3A_516 = arith.constant 3 : i32
      %add3A_517 = arith.addi %mul3A_384, %add3A_516 : i32
      %get3A_518 = arith.constant 0 : i32
      %get3A_519 = arith.constant 0 : i32
      %get3A_520 = tpu.memref_slice %arg6[%scan3A_129, %get3A_518, %get3A_519] : memref<4x200x64xf32, #tpu.memory_space<vmem>> -> memref<1x200x64xf32, #tpu.memory_space<vmem>>
      %get3A_521 = tpu.memref_squeeze %get3A_520 : memref<1x200x64xf32, #tpu.memory_space<vmem>> -> memref<200x64xf32, #tpu.memory_space<vmem>>
      %get3A_522 = arith.index_cast %add3A_517 : i32 to index
      %get3A_523 = arith.constant 0 : index
      %get3A_524 = tpu.vector_load %get3A_521[%get3A_522, %get3A_523] {strides = array<i32>} : memref<200x64xf32, #tpu.memory_space<vmem>>, vector<1x16xf32>,
      %get3A_525 = vector.shape_cast %get3A_524 : vector<1x16xf32> to vector<16xf32>
      %add3A_526 = arith.addf %add3A_482, %get3A_525 : vector<16xf32>
      %add3A_527 = arith.constant 3 : i32
      %add3A_528 = arith.addi %mul3A_384, %add3A_527 : i32
      %get3A_529 = arith.constant 0 : i32
      %get3A_530 = arith.constant 0 : i32
      %get3A_531 = tpu.memref_slice %arg6[%scan3A_129, %get3A_529, %get3A_530] : memref<4x200x64xf32, #tpu.memory_space<vmem>> -> memref<1x200x64xf32, #tpu.memory_space<vmem>>
      %get3A_532 = tpu.memref_squeeze %get3A_531 : memref<1x200x64xf32, #tpu.memory_space<vmem>> -> memref<200x64xf32, #tpu.memory_space<vmem>>
      %get3A_533 = arith.index_cast %add3A_528 : i32 to index
      %get3A_534 = arith.constant 16 : index
      %get3A_535 = tpu.vector_load %get3A_532[%get3A_533, %get3A_534] {strides = array<i32>} : memref<200x64xf32, #tpu.memory_space<vmem>>, vector<1x16xf32>,
      %get3A_536 = vector.shape_cast %get3A_535 : vector<1x16xf32> to vector<16xf32>
      %add3A_537 = arith.addf %add3A_493, %get3A_536 : vector<16xf32>
      %add3A_538 = arith.constant 3 : i32
      %add3A_539 = arith.addi %mul3A_384, %add3A_538 : i32
      %get3A_540 = arith.constant 0 : i32
      %get3A_541 = arith.constant 0 : i32
      %get3A_542 = tpu.memref_slice %arg6[%scan3A_129, %get3A_540, %get3A_541] : memref<4x200x64xf32, #tpu.memory_space<vmem>> -> memref<1x200x64xf32, #tpu.memory_space<vmem>>
      %get3A_543 = tpu.memref_squeeze %get3A_542 : memref<1x200x64xf32, #tpu.memory_space<vmem>> -> memref<200x64xf32, #tpu.memory_space<vmem>>
      %get3A_544 = arith.index_cast %add3A_539 : i32 to index
      %get3A_545 = arith.constant 32 : index
      %get3A_546 = tpu.vector_load %get3A_543[%get3A_544, %get3A_545] {strides = array<i32>} : memref<200x64xf32, #tpu.memory_space<vmem>>, vector<1x16xf32>,
      %get3A_547 = vector.shape_cast %get3A_546 : vector<1x16xf32> to vector<16xf32>
      %add3A_548 = arith.addf %add3A_504, %get3A_547 : vector<16xf32>
      %add3A_549 = arith.constant 3 : i32
      %add3A_550 = arith.addi %mul3A_384, %add3A_549 : i32
      %get3A_551 = arith.constant 0 : i32
      %get3A_552 = arith.constant 0 : i32
      %get3A_553 = tpu.memref_slice %arg6[%scan3A_129, %get3A_551, %get3A_552] : memref<4x200x64xf32, #tpu.memory_space<vmem>> -> memref<1x200x64xf32, #tpu.memory_space<vmem>>
      %get3A_554 = tpu.memref_squeeze %get3A_553 : memref<1x200x64xf32, #tpu.memory_space<vmem>> -> memref<200x64xf32, #tpu.memory_space<vmem>>
      %get3A_555 = arith.index_cast %add3A_550 : i32 to index
      %get3A_556 = arith.constant 48 : index
      %get3A_557 = tpu.vector_load %get3A_554[%get3A_555, %get3A_556] {strides = array<i32>} : memref<200x64xf32, #tpu.memory_space<vmem>>, vector<1x16xf32>,
      %get3A_558 = vector.shape_cast %get3A_557 : vector<1x16xf32> to vector<16xf32>
      %add3A_559 = arith.addf %add3A_515, %get3A_558 : vector<16xf32>
      %add3A_560 = arith.constant 4 : i32
      %add3A_561 = arith.addi %mul3A_384, %add3A_560 : i32
      %get3A_562 = arith.constant 0 : i32
      %get3A_563 = arith.constant 0 : i32
      %get3A_564 = tpu.memref_slice %arg6[%scan3A_129, %get3A_562, %get3A_563] : memref<4x200x64xf32, #tpu.memory_space<vmem>> -> memref<1x200x64xf32, #tpu.memory_space<vmem>>
      %get3A_565 = tpu.memref_squeeze %get3A_564 : memref<1x200x64xf32, #tpu.memory_space<vmem>> -> memref<200x64xf32, #tpu.memory_space<vmem>>
      %get3A_566 = arith.index_cast %add3A_561 : i32 to index
      %get3A_567 = arith.constant 0 : index
      %get3A_568 = tpu.vector_load %get3A_565[%get3A_566, %get3A_567] {strides = array<i32>} : memref<200x64xf32, #tpu.memory_space<vmem>>, vector<1x16xf32>,
      %get3A_569 = vector.shape_cast %get3A_568 : vector<1x16xf32> to vector<16xf32>
      %add3A_570 = arith.addf %add3A_526, %get3A_569 : vector<16xf32>
      %add3A_571 = arith.constant 4 : i32
      %add3A_572 = arith.addi %mul3A_384, %add3A_571 : i32
      %get3A_573 = arith.constant 0 : i32
      %get3A_574 = arith.constant 0 : i32
      %get3A_575 = tpu.memref_slice %arg6[%scan3A_129, %get3A_573, %get3A_574] : memref<4x200x64xf32, #tpu.memory_space<vmem>> -> memref<1x200x64xf32, #tpu.memory_space<vmem>>
      %get3A_576 = tpu.memref_squeeze %get3A_575 : memref<1x200x64xf32, #tpu.memory_space<vmem>> -> memref<200x64xf32, #tpu.memory_space<vmem>>
      %get3A_577 = arith.index_cast %add3A_572 : i32 to index
      %get3A_578 = arith.constant 16 : index
      %get3A_579 = tpu.vector_load %get3A_576[%get3A_577, %get3A_578] {strides = array<i32>} : memref<200x64xf32, #tpu.memory_space<vmem>>, vector<1x16xf32>,
      %get3A_580 = vector.shape_cast %get3A_579 : vector<1x16xf32> to vector<16xf32>
      %add3A_581 = arith.addf %add3A_537, %get3A_580 : vector<16xf32>
      %add3A_582 = arith.constant 4 : i32
      %add3A_583 = arith.addi %mul3A_384, %add3A_582 : i32
      %get3A_584 = arith.constant 0 : i32
      %get3A_585 = arith.constant 0 : i32
      %get3A_586 = tpu.memref_slice %arg6[%scan3A_129, %get3A_584, %get3A_585] : memref<4x200x64xf32, #tpu.memory_space<vmem>> -> memref<1x200x64xf32, #tpu.memory_space<vmem>>
      %get3A_587 = tpu.memref_squeeze %get3A_586 : memref<1x200x64xf32, #tpu.memory_space<vmem>> -> memref<200x64xf32, #tpu.memory_space<vmem>>
      %get3A_588 = arith.index_cast %add3A_583 : i32 to index
      %get3A_589 = arith.constant 32 : index
      %get3A_590 = tpu.vector_load %get3A_587[%get3A_588, %get3A_589] {strides = array<i32>} : memref<200x64xf32, #tpu.memory_space<vmem>>, vector<1x16xf32>,
      %get3A_591 = vector.shape_cast %get3A_590 : vector<1x16xf32> to vector<16xf32>
      %add3A_592 = arith.addf %add3A_548, %get3A_591 : vector<16xf32>
      %add3A_593 = arith.constant 4 : i32
      %add3A_594 = arith.addi %mul3A_384, %add3A_593 : i32
      %get3A_595 = arith.constant 0 : i32
      %get3A_596 = arith.constant 0 : i32
      %get3A_597 = tpu.memref_slice %arg6[%scan3A_129, %get3A_595, %get3A_596] : memref<4x200x64xf32, #tpu.memory_space<vmem>> -> memref<1x200x64xf32, #tpu.memory_space<vmem>>
      %get3A_598 = tpu.memref_squeeze %get3A_597 : memref<1x200x64xf32, #tpu.memory_space<vmem>> -> memref<200x64xf32, #tpu.memory_space<vmem>>
      %get3A_599 = arith.index_cast %add3A_594 : i32 to index
      %get3A_600 = arith.constant 48 : index
      %get3A_601 = tpu.vector_load %get3A_598[%get3A_599, %get3A_600] {strides = array<i32>} : memref<200x64xf32, #tpu.memory_space<vmem>>, vector<1x16xf32>,
      %get3A_602 = vector.shape_cast %get3A_601 : vector<1x16xf32> to vector<16xf32>
      %add3A_603 = arith.addf %add3A_559, %get3A_602 : vector<16xf32>
      %add3A_604 = arith.constant 5 : i32
      %add3A_605 = arith.addi %mul3A_384, %add3A_604 : i32
      %get3A_606 = arith.constant 0 : i32
      %get3A_607 = arith.constant 0 : i32
      %get3A_608 = tpu.memref_slice %arg6[%scan3A_129, %get3A_606, %get3A_607] : memref<4x200x64xf32, #tpu.memory_space<vmem>> -> memref<1x200x64xf32, #tpu.memory_space<vmem>>
      %get3A_609 = tpu.memref_squeeze %get3A_608 : memref<1x200x64xf32, #tpu.memory_space<vmem>> -> memref<200x64xf32, #tpu.memory_space<vmem>>
      %get3A_610 = arith.index_cast %add3A_605 : i32 to index
      %get3A_611 = arith.constant 0 : index
      %get3A_612 = tpu.vector_load %get3A_609[%get3A_610, %get3A_611] {strides = array<i32>} : memref<200x64xf32, #tpu.memory_space<vmem>>, vector<1x16xf32>,
      %get3A_613 = vector.shape_cast %get3A_612 : vector<1x16xf32> to vector<16xf32>
      %add3A_614 = arith.addf %add3A_570, %get3A_613 : vector<16xf32>
      %add3A_615 = arith.constant 5 : i32
      %add3A_616 = arith.addi %mul3A_384, %add3A_615 : i32
      %get3A_617 = arith.constant 0 : i32
      %get3A_618 = arith.constant 0 : i32
      %get3A_619 = tpu.memref_slice %arg6[%scan3A_129, %get3A_617, %get3A_618] : memref<4x200x64xf32, #tpu.memory_space<vmem>> -> memref<1x200x64xf32, #tpu.memory_space<vmem>>
      %get3A_620 = tpu.memref_squeeze %get3A_619 : memref<1x200x64xf32, #tpu.memory_space<vmem>> -> memref<200x64xf32, #tpu.memory_space<vmem>>
      %get3A_621 = arith.index_cast %add3A_616 : i32 to index
      %get3A_622 = arith.constant 16 : index
      %get3A_623 = tpu.vector_load %get3A_620[%get3A_621, %get3A_622] {strides = array<i32>} : memref<200x64xf32, #tpu.memory_space<vmem>>, vector<1x16xf32>,
      %get3A_624 = vector.shape_cast %get3A_623 : vector<1x16xf32> to vector<16xf32>
      %add3A_625 = arith.addf %add3A_581, %get3A_624 : vector<16xf32>
      %add3A_626 = arith.constant 5 : i32
      %add3A_627 = arith.addi %mul3A_384, %add3A_626 : i32
      %get3A_628 = arith.constant 0 : i32
      %get3A_629 = arith.constant 0 : i32
      %get3A_630 = tpu.memref_slice %arg6[%scan3A_129, %get3A_628, %get3A_629] : memref<4x200x64xf32, #tpu.memory_space<vmem>> -> memref<1x200x64xf32, #tpu.memory_space<vmem>>
      %get3A_631 = tpu.memref_squeeze %get3A_630 : memref<1x200x64xf32, #tpu.memory_space<vmem>> -> memref<200x64xf32, #tpu.memory_space<vmem>>
      %get3A_632 = arith.index_cast %add3A_627 : i32 to index
      %get3A_633 = arith.constant 32 : index
      %get3A_634 = tpu.vector_load %get3A_631[%get3A_632, %get3A_633] {strides = array<i32>} : memref<200x64xf32, #tpu.memory_space<vmem>>, vector<1x16xf32>,
      %get3A_635 = vector.shape_cast %get3A_634 : vector<1x16xf32> to vector<16xf32>
      %add3A_636 = arith.addf %add3A_592, %get3A_635 : vector<16xf32>
      %add3A_637 = arith.constant 5 : i32
      %add3A_638 = arith.addi %mul3A_384, %add3A_637 : i32
      %get3A_639 = arith.constant 0 : i32
      %get3A_640 = arith.constant 0 : i32
      %get3A_641 = tpu.memref_slice %arg6[%scan3A_129, %get3A_639, %get3A_640] : memref<4x200x64xf32, #tpu.memory_space<vmem>> -> memref<1x200x64xf32, #tpu.memory_space<vmem>>
      %get3A_642 = tpu.memref_squeeze %get3A_641 : memref<1x200x64xf32, #tpu.memory_space<vmem>> -> memref<200x64xf32, #tpu.memory_space<vmem>>
      %get3A_643 = arith.index_cast %add3A_638 : i32 to index
      %get3A_644 = arith.constant 48 : index
      %get3A_645 = tpu.vector_load %get3A_642[%get3A_643, %get3A_644] {strides = array<i32>} : memref<200x64xf32, #tpu.memory_space<vmem>>, vector<1x16xf32>,
      %get3A_646 = vector.shape_cast %get3A_645 : vector<1x16xf32> to vector<16xf32>
      %add3A_647 = arith.addf %add3A_603, %get3A_646 : vector<16xf32>
      %add3A_648 = arith.constant 6 : i32
      %add3A_649 = arith.addi %mul3A_384, %add3A_648 : i32
      %get3A_650 = arith.constant 0 : i32
      %get3A_651 = arith.constant 0 : i32
      %get3A_652 = tpu.memref_slice %arg6[%scan3A_129, %get3A_650, %get3A_651] : memref<4x200x64xf32, #tpu.memory_space<vmem>> -> memref<1x200x64xf32, #tpu.memory_space<vmem>>
      %get3A_653 = tpu.memref_squeeze %get3A_652 : memref<1x200x64xf32, #tpu.memory_space<vmem>> -> memref<200x64xf32, #tpu.memory_space<vmem>>
      %get3A_654 = arith.index_cast %add3A_649 : i32 to index
      %get3A_655 = arith.constant 0 : index
      %get3A_656 = tpu.vector_load %get3A_653[%get3A_654, %get3A_655] {strides = array<i32>} : memref<200x64xf32, #tpu.memory_space<vmem>>, vector<1x16xf32>,
      %get3A_657 = vector.shape_cast %get3A_656 : vector<1x16xf32> to vector<16xf32>
      %add3A_658 = arith.addf %add3A_614, %get3A_657 : vector<16xf32>
      %add3A_659 = arith.constant 6 : i32
      %add3A_660 = arith.addi %mul3A_384, %add3A_659 : i32
      %get3A_661 = arith.constant 0 : i32
      %get3A_662 = arith.constant 0 : i32
      %get3A_663 = tpu.memref_slice %arg6[%scan3A_129, %get3A_661, %get3A_662] : memref<4x200x64xf32, #tpu.memory_space<vmem>> -> memref<1x200x64xf32, #tpu.memory_space<vmem>>
      %get3A_664 = tpu.memref_squeeze %get3A_663 : memref<1x200x64xf32, #tpu.memory_space<vmem>> -> memref<200x64xf32, #tpu.memory_space<vmem>>
      %get3A_665 = arith.index_cast %add3A_660 : i32 to index
      %get3A_666 = arith.constant 16 : index
      %get3A_667 = tpu.vector_load %get3A_664[%get3A_665, %get3A_666] {strides = array<i32>} : memref<200x64xf32, #tpu.memory_space<vmem>>, vector<1x16xf32>,
      %get3A_668 = vector.shape_cast %get3A_667 : vector<1x16xf32> to vector<16xf32>
      %add3A_669 = arith.addf %add3A_625, %get3A_668 : vector<16xf32>
      %add3A_670 = arith.constant 6 : i32
      %add3A_671 = arith.addi %mul3A_384, %add3A_670 : i32
      %get3A_672 = arith.constant 0 : i32
      %get3A_673 = arith.constant 0 : i32
      %get3A_674 = tpu.memref_slice %arg6[%scan3A_129, %get3A_672, %get3A_673] : memref<4x200x64xf32, #tpu.memory_space<vmem>> -> memref<1x200x64xf32, #tpu.memory_space<vmem>>
      %get3A_675 = tpu.memref_squeeze %get3A_674 : memref<1x200x64xf32, #tpu.memory_space<vmem>> -> memref<200x64xf32, #tpu.memory_space<vmem>>
      %get3A_676 = arith.index_cast %add3A_671 : i32 to index
      %get3A_677 = arith.constant 32 : index
      %get3A_678 = tpu.vector_load %get3A_675[%get3A_676, %get3A_677] {strides = array<i32>} : memref<200x64xf32, #tpu.memory_space<vmem>>, vector<1x16xf32>,
      %get3A_679 = vector.shape_cast %get3A_678 : vector<1x16xf32> to vector<16xf32>
      %add3A_680 = arith.addf %add3A_636, %get3A_679 : vector<16xf32>
      %add3A_681 = arith.constant 6 : i32
      %add3A_682 = arith.addi %mul3A_384, %add3A_681 : i32
      %get3A_683 = arith.constant 0 : i32
      %get3A_684 = arith.constant 0 : i32
      %get3A_685 = tpu.memref_slice %arg6[%scan3A_129, %get3A_683, %get3A_684] : memref<4x200x64xf32, #tpu.memory_space<vmem>> -> memref<1x200x64xf32, #tpu.memory_space<vmem>>
      %get3A_686 = tpu.memref_squeeze %get3A_685 : memref<1x200x64xf32, #tpu.memory_space<vmem>> -> memref<200x64xf32, #tpu.memory_space<vmem>>
      %get3A_687 = arith.index_cast %add3A_682 : i32 to index
      %get3A_688 = arith.constant 48 : index
      %get3A_689 = tpu.vector_load %get3A_686[%get3A_687, %get3A_688] {strides = array<i32>} : memref<200x64xf32, #tpu.memory_space<vmem>>, vector<1x16xf32>,
      %get3A_690 = vector.shape_cast %get3A_689 : vector<1x16xf32> to vector<16xf32>
      %add3A_691 = arith.addf %add3A_647, %get3A_690 : vector<16xf32>
      %add3A_692 = arith.constant 7 : i32
      %add3A_693 = arith.addi %mul3A_384, %add3A_692 : i32
      %get3A_694 = arith.constant 0 : i32
      %get3A_695 = arith.constant 0 : i32
      %get3A_696 = tpu.memref_slice %arg6[%scan3A_129, %get3A_694, %get3A_695] : memref<4x200x64xf32, #tpu.memory_space<vmem>> -> memref<1x200x64xf32, #tpu.memory_space<vmem>>
      %get3A_697 = tpu.memref_squeeze %get3A_696 : memref<1x200x64xf32, #tpu.memory_space<vmem>> -> memref<200x64xf32, #tpu.memory_space<vmem>>
      %get3A_698 = arith.index_cast %add3A_693 : i32 to index
      %get3A_699 = arith.constant 0 : index
      %get3A_700 = tpu.vector_load %get3A_697[%get3A_698, %get3A_699] {strides = array<i32>} : memref<200x64xf32, #tpu.memory_space<vmem>>, vector<1x16xf32>,
      %get3A_701 = vector.shape_cast %get3A_700 : vector<1x16xf32> to vector<16xf32>
      %add3A_702 = arith.addf %add3A_658, %get3A_701 : vector<16xf32>
      %add3A_703 = arith.constant 7 : i32
      %add3A_704 = arith.addi %mul3A_384, %add3A_703 : i32
      %get3A_705 = arith.constant 0 : i32
      %get3A_706 = arith.constant 0 : i32
      %get3A_707 = tpu.memref_slice %arg6[%scan3A_129, %get3A_705, %get3A_706] : memref<4x200x64xf32, #tpu.memory_space<vmem>> -> memref<1x200x64xf32, #tpu.memory_space<vmem>>
      %get3A_708 = tpu.memref_squeeze %get3A_707 : memref<1x200x64xf32, #tpu.memory_space<vmem>> -> memref<200x64xf32, #tpu.memory_space<vmem>>
      %get3A_709 = arith.index_cast %add3A_704 : i32 to index
      %get3A_710 = arith.constant 16 : index
      %get3A_711 = tpu.vector_load %get3A_708[%get3A_709, %get3A_710] {strides = array<i32>} : memref<200x64xf32, #tpu.memory_space<vmem>>, vector<1x16xf32>,
      %get3A_712 = vector.shape_cast %get3A_711 : vector<1x16xf32> to vector<16xf32>
      %add3A_713 = arith.addf %add3A_669, %get3A_712 : vector<16xf32>
      %add3A_714 = arith.constant 7 : i32
      %add3A_715 = arith.addi %mul3A_384, %add3A_714 : i32
      %get3A_716 = arith.constant 0 : i32
      %get3A_717 = arith.constant 0 : i32
      %get3A_718 = tpu.memref_slice %arg6[%scan3A_129, %get3A_716, %get3A_717] : memref<4x200x64xf32, #tpu.memory_space<vmem>> -> memref<1x200x64xf32, #tpu.memory_space<vmem>>
      %get3A_719 = tpu.memref_squeeze %get3A_718 : memref<1x200x64xf32, #tpu.memory_space<vmem>> -> memref<200x64xf32, #tpu.memory_space<vmem>>
      %get3A_720 = arith.index_cast %add3A_715 : i32 to index
      %get3A_721 = arith.constant 32 : index
      %get3A_722 = tpu.vector_load %get3A_719[%get3A_720, %get3A_721] {strides = array<i32>} : memref<200x64xf32, #tpu.memory_space<vmem>>, vector<1x16xf32>,
      %get3A_723 = vector.shape_cast %get3A_722 : vector<1x16xf32> to vector<16xf32>
      %add3A_724 = arith.addf %add3A_680, %get3A_723 : vector<16xf32>
      %add3A_725 = arith.constant 7 : i32
      %add3A_726 = arith.addi %mul3A_384, %add3A_725 : i32
      %get3A_727 = arith.constant 0 : i32
      %get3A_728 = arith.constant 0 : i32
      %get3A_729 = tpu.memref_slice %arg6[%scan3A_129, %get3A_727, %get3A_728] : memref<4x200x64xf32, #tpu.memory_space<vmem>> -> memref<1x200x64xf32, #tpu.memory_space<vmem>>
      %get3A_730 = tpu.memref_squeeze %get3A_729 : memref<1x200x64xf32, #tpu.memory_space<vmem>> -> memref<200x64xf32, #tpu.memory_space<vmem>>
      %get3A_731 = arith.index_cast %add3A_726 : i32 to index
      %get3A_732 = arith.constant 48 : index
      %get3A_733 = tpu.vector_load %get3A_730[%get3A_731, %get3A_732] {strides = array<i32>} : memref<200x64xf32, #tpu.memory_space<vmem>>, vector<1x16xf32>,
      %get3A_734 = vector.shape_cast %get3A_733 : vector<1x16xf32> to vector<16xf32>
      %add3A_735 = arith.addf %add3A_691, %get3A_734 : vector<16xf32>
      scf.yield %add3A_702, %add3A_713, %add3A_724, %add3A_735 : vector<16xf32>, vector<16xf32>, vector<16xf32>, vector<16xf32>
    }
    %scan3A_135 = arith.constant 25 : i32
    %mul3A_136 = arith.constant 5.000000e-03 : f32
    %mul3A_137 = vector.broadcast %mul3A_136 : f32 to vector<16xf32>
    %mul3A_138 = arith.mulf %scan3A_134#0, %mul3A_137 : vector<16xf32>
    %swap3A = arith.constant 124 : i32
    %swap3A_139 = arith.index_cast %swap3A : i32 to index
    %swap3A_140 = arith.constant 0 : index
    %swap3A_141 = tpu.vector_load %arg7[%swap3A_139, %swap3A_140] {strides = array<i32>} : memref<128x64xf32, #tpu.memory_space<vmem>>, vector<1x16xf32>,
    %swap3A_142 = vector.shape_cast %swap3A_141 : vector<1x16xf32> to vector<16xf32>
    %swap3A_143 = vector.shape_cast %mul3A_138 : vector<16xf32> to vector<1x16xf32>
    tpu.vector_store %arg7[%swap3A_139, %swap3A_140], %swap3A_143 {strides = array<i32>} : memref<128x64xf32, #tpu.memory_space<vmem>>, vector<1x16xf32>,
    %mul3A_144 = arith.constant 5.000000e-03 : f32
    %mul3A_145 = vector.broadcast %mul3A_144 : f32 to vector<16xf32>
    %mul3A_146 = arith.mulf %scan3A_134#1, %mul3A_145 : vector<16xf32>
    %swap3A_147 = arith.constant 124 : i32
    %swap3A_148 = arith.index_cast %swap3A_147 : i32 to index
    %swap3A_149 = arith.constant 16 : index
    %swap3A_150 = tpu.vector_load %arg7[%swap3A_148, %swap3A_149] {strides = array<i32>} : memref<128x64xf32, #tpu.memory_space<vmem>>, vector<1x16xf32>,
    %swap3A_151 = vector.shape_cast %swap3A_150 : vector<1x16xf32> to vector<16xf32>
    %swap3A_152 = vector.shape_cast %mul3A_146 : vector<16xf32> to vector<1x16xf32>
    tpu.vector_store %arg7[%swap3A_148, %swap3A_149], %swap3A_152 {strides = array<i32>} : memref<128x64xf32, #tpu.memory_space<vmem>>, vector<1x16xf32>,
    %mul3A_153 = arith.constant 5.000000e-03 : f32
    %mul3A_154 = vector.broadcast %mul3A_153 : f32 to vector<16xf32>
    %mul3A_155 = arith.mulf %scan3A_134#2, %mul3A_154 : vector<16xf32>
    %swap3A_156 = arith.constant 124 : i32
    %swap3A_157 = arith.index_cast %swap3A_156 : i32 to index
    %swap3A_158 = arith.constant 32 : index
    %swap3A_159 = tpu.vector_load %arg7[%swap3A_157, %swap3A_158] {strides = array<i32>} : memref<128x64xf32, #tpu.memory_space<vmem>>, vector<1x16xf32>,
    %swap3A_160 = vector.shape_cast %swap3A_159 : vector<1x16xf32> to vector<16xf32>
    %swap3A_161 = vector.shape_cast %mul3A_155 : vector<16xf32> to vector<1x16xf32>
    tpu.vector_store %arg7[%swap3A_157, %swap3A_158], %swap3A_161 {strides = array<i32>} : memref<128x64xf32, #tpu.memory_space<vmem>>, vector<1x16xf32>,
    %mul3A_162 = arith.constant 5.000000e-03 : f32
    %mul3A_163 = vector.broadcast %mul3A_162 : f32 to vector<16xf32>
    %mul3A_164 = arith.mulf %scan3A_134#3, %mul3A_163 : vector<16xf32>
    %swap3A_165 = arith.constant 124 : i32
    %swap3A_166 = arith.index_cast %swap3A_165 : i32 to index
    %swap3A_167 = arith.constant 48 : index
    %swap3A_168 = tpu.vector_load %arg7[%swap3A_166, %swap3A_167] {strides = array<i32>} : memref<128x64xf32, #tpu.memory_space<vmem>>, vector<1x16xf32>,
    %swap3A_169 = vector.shape_cast %swap3A_168 : vector<1x16xf32> to vector<16xf32>
    %swap3A_170 = vector.shape_cast %mul3A_164 : vector<16xf32> to vector<1x16xf32>
    tpu.vector_store %arg7[%swap3A_166, %swap3A_167], %swap3A_170 {strides = array<i32>} : memref<128x64xf32, #tpu.memory_space<vmem>>, vector<1x16xf32>,
    %dma_wait3A_171 = arith.constant 0 : i32
    %dma_wait3A_172 = arith.constant 1 : i32
    %dma_wait3A_173 = arith.constant 0 : i32
    %dma_wait3A_174 = arith.constant 0 : i32
    %dma_wait3A_175 = tpu.memref_slice %arg6[%dma_wait3A_172, %dma_wait3A_173, %dma_wait3A_174] : memref<4x200x64xf32, #tpu.memory_space<vmem>> -> memref<1x128x64xf32, #tpu.memory_space<vmem>>
    %dma_wait3A_176 = tpu.memref_squeeze %dma_wait3A_175 : memref<1x128x64xf32, #tpu.memory_space<vmem>> -> memref<128x64xf32, #tpu.memory_space<vmem>>
    %dma_wait3A_177 = arith.constant 0 : i32
    %dma_wait3A_178 = tpu.memref_slice %arg5[%dma_wait3A_171, %dma_wait3A_177] : memref<128x200xi32, #tpu.memory_space<vmem>> -> memref<1x128xi32, #tpu.memory_space<vmem>>
    %dma_wait3A_179 = tpu.memref_squeeze %dma_wait3A_178 : memref<1x128xi32, #tpu.memory_space<vmem>> -> memref<128xi32, #tpu.memory_space<vmem>>
    %dma_wait3A_180 = arith.constant 0 : i32
    %dma_wait3A_181 = arith.constant 0 : i32
    %dma_wait3A_182 = tpu.memref_slice %arg3[%dma_wait3A_180, %dma_wait3A_181] : memref<1000000x64xf32, #tpu.memory_space<hbm>> -> memref<1000000x64xf32, #tpu.memory_space<hbm>>
    tpu.wait_indirect_dma semaphore(%arg9 : memref<!tpu.dma_semaphore, #tpu.memory_space<semaphore_mem>>) src(%dma_wait3A_182 : memref<1000000x64xf32, #tpu.memory_space<hbm>>) dst(%dma_wait3A_176 : memref<128x64xf32, #tpu.memory_space<vmem>>)
    %dma_wait3A_183 = arith.constant 0 : i32
    %dma_wait3A_184 = arith.constant 1 : i32
    %dma_wait3A_185 = arith.constant 128 : i32
    %dma_wait3A_186 = arith.constant 0 : i32
    %dma_wait3A_187 = tpu.memref_slice %arg6[%dma_wait3A_184, %dma_wait3A_185, %dma_wait3A_186] : memref<4x200x64xf32, #tpu.memory_space<vmem>> -> memref<1x72x64xf32, #tpu.memory_space<vmem>>
    %dma_wait3A_188 = tpu.memref_squeeze %dma_wait3A_187 : memref<1x72x64xf32, #tpu.memory_space<vmem>> -> memref<72x64xf32, #tpu.memory_space<vmem>>
    %dma_wait3A_189 = arith.constant 128 : i32
    %dma_wait3A_190 = tpu.memref_slice %arg5[%dma_wait3A_183, %dma_wait3A_189] : memref<128x200xi32, #tpu.memory_space<vmem>> -> memref<1x72xi32, #tpu.memory_space<vmem>>
    %dma_wait3A_191 = tpu.memref_squeeze %dma_wait3A_190 : memref<1x72xi32, #tpu.memory_space<vmem>> -> memref<72xi32, #tpu.memory_space<vmem>>
    %dma_wait3A_192 = arith.constant 0 : i32
    %dma_wait3A_193 = arith.constant 0 : i32
    %dma_wait3A_194 = tpu.memref_slice %arg3[%dma_wait3A_192, %dma_wait3A_193] : memref<1000000x64xf32, #tpu.memory_space<hbm>> -> memref<1000000x64xf32, #tpu.memory_space<hbm>>
    tpu.wait_indirect_dma semaphore(%arg9 : memref<!tpu.dma_semaphore, #tpu.memory_space<semaphore_mem>>) src(%dma_wait3A_194 : memref<1000000x64xf32, #tpu.memory_space<hbm>>) dst(%dma_wait3A_188 : memref<72x64xf32, #tpu.memory_space<vmem>>)
    %broadcast_in_dim3A_195 = arith.constant 0.000000e+00 : f32
    %broadcast_in_dim3A_196 = vector.broadcast %broadcast_in_dim3A_195 : f32 to vector<16xf32>
    %scan3A_197 = arith.constant 1 : i32
    %scan3A_198 = arith.constant 0 : i32
    %scan3A_199 = arith.constant 25 : i32
    %scan3A_200 = arith.addi %scan3A_198, %scan3A_199 : i32
    %scan3A_201 = arith.constant 1 : i32
    %scan3A_202:4 = scf.for %scan3A_378 = %scan3A_198 to %scan3A_200 step %scan3A_201 iter_args(%scan3A_379 = %broadcast_in_dim3A_196, %scan3A_380 = %broadcast_in_dim3A_196, %scan3A_381 = %broadcast_in_dim3A_196, %scan3A_382 = %broadcast_in_dim3A_196) -> (vector<16xf32>, vector<16xf32>, vector<16xf32>, vector<16xf32>)  : i32 {
      %mul3A_383 = arith.constant 8 : i32
      %mul3A_384 = arith.muli %scan3A_378, %mul3A_383 : i32
      %add3A_385 = arith.constant 0 : i32
      %add3A_386 = arith.addi %mul3A_384, %add3A_385 : i32
      %get3A = arith.constant 0 : i32
      %get3A_387 = arith.constant 0 : i32
      %get3A_388 = tpu.memref_slice %arg6[%scan3A_197, %get3A, %get3A_387] : memref<4x200x64xf32, #tpu.memory_space<vmem>> -> memref<1x200x64xf32, #tpu.memory_space<vmem>>
      %get3A_389 = tpu.memref_squeeze %get3A_388 : memref<1x200x64xf32, #tpu.memory_space<vmem>> -> memref<200x64xf32, #tpu.memory_space<vmem>>
      %get3A_390 = arith.index_cast %add3A_386 : i32 to index
      %get3A_391 = arith.constant 0 : index
      %get3A_392 = tpu.vector_load %get3A_389[%get3A_390, %get3A_391] {strides = array<i32>} : memref<200x64xf32, #tpu.memory_space<vmem>>, vector<1x16xf32>,
      %get3A_393 = vector.shape_cast %get3A_392 : vector<1x16xf32> to vector<16xf32>
      %add3A_394 = arith.addf %scan3A_379, %get3A_393 : vector<16xf32>
      %add3A_395 = arith.constant 0 : i32
      %add3A_396 = arith.addi %mul3A_384, %add3A_395 : i32
      %get3A_397 = arith.constant 0 : i32
      %get3A_398 = arith.constant 0 : i32
      %get3A_399 = tpu.memref_slice %arg6[%scan3A_197, %get3A_397, %get3A_398] : memref<4x200x64xf32, #tpu.memory_space<vmem>> -> memref<1x200x64xf32, #tpu.memory_space<vmem>>
      %get3A_400 = tpu.memref_squeeze %get3A_399 : memref<1x200x64xf32, #tpu.memory_space<vmem>> -> memref<200x64xf32, #tpu.memory_space<vmem>>
      %get3A_401 = arith.index_cast %add3A_396 : i32 to index
      %get3A_402 = arith.constant 16 : index
      %get3A_403 = tpu.vector_load %get3A_400[%get3A_401, %get3A_402] {strides = array<i32>} : memref<200x64xf32, #tpu.memory_space<vmem>>, vector<1x16xf32>,
      %get3A_404 = vector.shape_cast %get3A_403 : vector<1x16xf32> to vector<16xf32>
      %add3A_405 = arith.addf %scan3A_380, %get3A_404 : vector<16xf32>
      %add3A_406 = arith.constant 0 : i32
      %add3A_407 = arith.addi %mul3A_384, %add3A_406 : i32
      %get3A_408 = arith.constant 0 : i32
      %get3A_409 = arith.constant 0 : i32
      %get3A_410 = tpu.memref_slice %arg6[%scan3A_197, %get3A_408, %get3A_409] : memref<4x200x64xf32, #tpu.memory_space<vmem>> -> memref<1x200x64xf32, #tpu.memory_space<vmem>>
      %get3A_411 = tpu.memref_squeeze %get3A_410 : memref<1x200x64xf32, #tpu.memory_space<vmem>> -> memref<200x64xf32, #tpu.memory_space<vmem>>
      %get3A_412 = arith.index_cast %add3A_407 : i32 to index
      %get3A_413 = arith.constant 32 : index
      %get3A_414 = tpu.vector_load %get3A_411[%get3A_412, %get3A_413] {strides = array<i32>} : memref<200x64xf32, #tpu.memory_space<vmem>>, vector<1x16xf32>,
      %get3A_415 = vector.shape_cast %get3A_414 : vector<1x16xf32> to vector<16xf32>
      %add3A_416 = arith.addf %scan3A_381, %get3A_415 : vector<16xf32>
      %add3A_417 = arith.constant 0 : i32
      %add3A_418 = arith.addi %mul3A_384, %add3A_417 : i32
      %get3A_419 = arith.constant 0 : i32
      %get3A_420 = arith.constant 0 : i32
      %get3A_421 = tpu.memref_slice %arg6[%scan3A_197, %get3A_419, %get3A_420] : memref<4x200x64xf32, #tpu.memory_space<vmem>> -> memref<1x200x64xf32, #tpu.memory_space<vmem>>
      %get3A_422 = tpu.memref_squeeze %get3A_421 : memref<1x200x64xf32, #tpu.memory_space<vmem>> -> memref<200x64xf32, #tpu.memory_space<vmem>>
      %get3A_423 = arith.index_cast %add3A_418 : i32 to index
      %get3A_424 = arith.constant 48 : index
      %get3A_425 = tpu.vector_load %get3A_422[%get3A_423, %get3A_424] {strides = array<i32>} : memref<200x64xf32, #tpu.memory_space<vmem>>, vector<1x16xf32>,
      %get3A_426 = vector.shape_cast %get3A_425 : vector<1x16xf32> to vector<16xf32>
      %add3A_427 = arith.addf %scan3A_382, %get3A_426 : vector<16xf32>
      %add3A_428 = arith.constant 1 : i32
      %add3A_429 = arith.addi %mul3A_384, %add3A_428 : i32
      %get3A_430 = arith.constant 0 : i32
      %get3A_431 = arith.constant 0 : i32
      %get3A_432 = tpu.memref_slice %arg6[%scan3A_197, %get3A_430, %get3A_431] : memref<4x200x64xf32, #tpu.memory_space<vmem>> -> memref<1x200x64xf32, #tpu.memory_space<vmem>>
      %get3A_433 = tpu.memref_squeeze %get3A_432 : memref<1x200x64xf32, #tpu.memory_space<vmem>> -> memref<200x64xf32, #tpu.memory_space<vmem>>
      %get3A_434 = arith.index_cast %add3A_429 : i32 to index
      %get3A_435 = arith.constant 0 : index
      %get3A_436 = tpu.vector_load %get3A_433[%get3A_434, %get3A_435] {strides = array<i32>} : memref<200x64xf32, #tpu.memory_space<vmem>>, vector<1x16xf32>,
      %get3A_437 = vector.shape_cast %get3A_436 : vector<1x16xf32> to vector<16xf32>
      %add3A_438 = arith.addf %add3A_394, %get3A_437 : vector<16xf32>
      %add3A_439 = arith.constant 1 : i32
      %add3A_440 = arith.addi %mul3A_384, %add3A_439 : i32
      %get3A_441 = arith.constant 0 : i32
      %get3A_442 = arith.constant 0 : i32
      %get3A_443 = tpu.memref_slice %arg6[%scan3A_197, %get3A_441, %get3A_442] : memref<4x200x64xf32, #tpu.memory_space<vmem>> -> memref<1x200x64xf32, #tpu.memory_space<vmem>>
      %get3A_444 = tpu.memref_squeeze %get3A_443 : memref<1x200x64xf32, #tpu.memory_space<vmem>> -> memref<200x64xf32, #tpu.memory_space<vmem>>
      %get3A_445 = arith.index_cast %add3A_440 : i32 to index
      %get3A_446 = arith.constant 16 : index
      %get3A_447 = tpu.vector_load %get3A_444[%get3A_445, %get3A_446] {strides = array<i32>} : memref<200x64xf32, #tpu.memory_space<vmem>>, vector<1x16xf32>,
      %get3A_448 = vector.shape_cast %get3A_447 : vector<1x16xf32> to vector<16xf32>
      %add3A_449 = arith.addf %add3A_405, %get3A_448 : vector<16xf32>
      %add3A_450 = arith.constant 1 : i32
      %add3A_451 = arith.addi %mul3A_384, %add3A_450 : i32
      %get3A_452 = arith.constant 0 : i32
      %get3A_453 = arith.constant 0 : i32
      %get3A_454 = tpu.memref_slice %arg6[%scan3A_197, %get3A_452, %get3A_453] : memref<4x200x64xf32, #tpu.memory_space<vmem>> -> memref<1x200x64xf32, #tpu.memory_space<vmem>>
      %get3A_455 = tpu.memref_squeeze %get3A_454 : memref<1x200x64xf32, #tpu.memory_space<vmem>> -> memref<200x64xf32, #tpu.memory_space<vmem>>
      %get3A_456 = arith.index_cast %add3A_451 : i32 to index
      %get3A_457 = arith.constant 32 : index
      %get3A_458 = tpu.vector_load %get3A_455[%get3A_456, %get3A_457] {strides = array<i32>} : memref<200x64xf32, #tpu.memory_space<vmem>>, vector<1x16xf32>,
      %get3A_459 = vector.shape_cast %get3A_458 : vector<1x16xf32> to vector<16xf32>
      %add3A_460 = arith.addf %add3A_416, %get3A_459 : vector<16xf32>
      %add3A_461 = arith.constant 1 : i32
      %add3A_462 = arith.addi %mul3A_384, %add3A_461 : i32
      %get3A_463 = arith.constant 0 : i32
      %get3A_464 = arith.constant 0 : i32
      %get3A_465 = tpu.memref_slice %arg6[%scan3A_197, %get3A_463, %get3A_464] : memref<4x200x64xf32, #tpu.memory_space<vmem>> -> memref<1x200x64xf32, #tpu.memory_space<vmem>>
      %get3A_466 = tpu.memref_squeeze %get3A_465 : memref<1x200x64xf32, #tpu.memory_space<vmem>> -> memref<200x64xf32, #tpu.memory_space<vmem>>
      %get3A_467 = arith.index_cast %add3A_462 : i32 to index
      %get3A_468 = arith.constant 48 : index
      %get3A_469 = tpu.vector_load %get3A_466[%get3A_467, %get3A_468] {strides = array<i32>} : memref<200x64xf32, #tpu.memory_space<vmem>>, vector<1x16xf32>,
      %get3A_470 = vector.shape_cast %get3A_469 : vector<1x16xf32> to vector<16xf32>
      %add3A_471 = arith.addf %add3A_427, %get3A_470 : vector<16xf32>
      %add3A_472 = arith.constant 2 : i32
      %add3A_473 = arith.addi %mul3A_384, %add3A_472 : i32
      %get3A_474 = arith.constant 0 : i32
      %get3A_475 = arith.constant 0 : i32
      %get3A_476 = tpu.memref_slice %arg6[%scan3A_197, %get3A_474, %get3A_475] : memref<4x200x64xf32, #tpu.memory_space<vmem>> -> memref<1x200x64xf32, #tpu.memory_space<vmem>>
      %get3A_477 = tpu.memref_squeeze %get3A_476 : memref<1x200x64xf32, #tpu.memory_space<vmem>> -> memref<200x64xf32, #tpu.memory_space<vmem>>
      %get3A_478 = arith.index_cast %add3A_473 : i32 to index
      %get3A_479 = arith.constant 0 : index
      %get3A_480 = tpu.vector_load %get3A_477[%get3A_478, %get3A_479] {strides = array<i32>} : memref<200x64xf32, #tpu.memory_space<vmem>>, vector<1x16xf32>,
      %get3A_481 = vector.shape_cast %get3A_480 : vector<1x16xf32> to vector<16xf32>
      %add3A_482 = arith.addf %add3A_438, %get3A_481 : vector<16xf32>
      %add3A_483 = arith.constant 2 : i32
      %add3A_484 = arith.addi %mul3A_384, %add3A_483 : i32
      %get3A_485 = arith.constant 0 : i32
      %get3A_486 = arith.constant 0 : i32
      %get3A_487 = tpu.memref_slice %arg6[%scan3A_197, %get3A_485, %get3A_486] : memref<4x200x64xf32, #tpu.memory_space<vmem>> -> memref<1x200x64xf32, #tpu.memory_space<vmem>>
      %get3A_488 = tpu.memref_squeeze %get3A_487 : memref<1x200x64xf32, #tpu.memory_space<vmem>> -> memref<200x64xf32, #tpu.memory_space<vmem>>
      %get3A_489 = arith.index_cast %add3A_484 : i32 to index
      %get3A_490 = arith.constant 16 : index
      %get3A_491 = tpu.vector_load %get3A_488[%get3A_489, %get3A_490] {strides = array<i32>} : memref<200x64xf32, #tpu.memory_space<vmem>>, vector<1x16xf32>,
      %get3A_492 = vector.shape_cast %get3A_491 : vector<1x16xf32> to vector<16xf32>
      %add3A_493 = arith.addf %add3A_449, %get3A_492 : vector<16xf32>
      %add3A_494 = arith.constant 2 : i32
      %add3A_495 = arith.addi %mul3A_384, %add3A_494 : i32
      %get3A_496 = arith.constant 0 : i32
      %get3A_497 = arith.constant 0 : i32
      %get3A_498 = tpu.memref_slice %arg6[%scan3A_197, %get3A_496, %get3A_497] : memref<4x200x64xf32, #tpu.memory_space<vmem>> -> memref<1x200x64xf32, #tpu.memory_space<vmem>>
      %get3A_499 = tpu.memref_squeeze %get3A_498 : memref<1x200x64xf32, #tpu.memory_space<vmem>> -> memref<200x64xf32, #tpu.memory_space<vmem>>
      %get3A_500 = arith.index_cast %add3A_495 : i32 to index
      %get3A_501 = arith.constant 32 : index
      %get3A_502 = tpu.vector_load %get3A_499[%get3A_500, %get3A_501] {strides = array<i32>} : memref<200x64xf32, #tpu.memory_space<vmem>>, vector<1x16xf32>,
      %get3A_503 = vector.shape_cast %get3A_502 : vector<1x16xf32> to vector<16xf32>
      %add3A_504 = arith.addf %add3A_460, %get3A_503 : vector<16xf32>
      %add3A_505 = arith.constant 2 : i32
      %add3A_506 = arith.addi %mul3A_384, %add3A_505 : i32
      %get3A_507 = arith.constant 0 : i32
      %get3A_508 = arith.constant 0 : i32
      %get3A_509 = tpu.memref_slice %arg6[%scan3A_197, %get3A_507, %get3A_508] : memref<4x200x64xf32, #tpu.memory_space<vmem>> -> memref<1x200x64xf32, #tpu.memory_space<vmem>>
      %get3A_510 = tpu.memref_squeeze %get3A_509 : memref<1x200x64xf32, #tpu.memory_space<vmem>> -> memref<200x64xf32, #tpu.memory_space<vmem>>
      %get3A_511 = arith.index_cast %add3A_506 : i32 to index
      %get3A_512 = arith.constant 48 : index
      %get3A_513 = tpu.vector_load %get3A_510[%get3A_511, %get3A_512] {strides = array<i32>} : memref<200x64xf32, #tpu.memory_space<vmem>>, vector<1x16xf32>,
      %get3A_514 = vector.shape_cast %get3A_513 : vector<1x16xf32> to vector<16xf32>
      %add3A_515 = arith.addf %add3A_471, %get3A_514 : vector<16xf32>
      %add3A_516 = arith.constant 3 : i32
      %add3A_517 = arith.addi %mul3A_384, %add3A_516 : i32
      %get3A_518 = arith.constant 0 : i32
      %get3A_519 = arith.constant 0 : i32
      %get3A_520 = tpu.memref_slice %arg6[%scan3A_197, %get3A_518, %get3A_519] : memref<4x200x64xf32, #tpu.memory_space<vmem>> -> memref<1x200x64xf32, #tpu.memory_space<vmem>>
      %get3A_521 = tpu.memref_squeeze %get3A_520 : memref<1x200x64xf32, #tpu.memory_space<vmem>> -> memref<200x64xf32, #tpu.memory_space<vmem>>
      %get3A_522 = arith.index_cast %add3A_517 : i32 to index
      %get3A_523 = arith.constant 0 : index
      %get3A_524 = tpu.vector_load %get3A_521[%get3A_522, %get3A_523] {strides = array<i32>} : memref<200x64xf32, #tpu.memory_space<vmem>>, vector<1x16xf32>,
      %get3A_525 = vector.shape_cast %get3A_524 : vector<1x16xf32> to vector<16xf32>
      %add3A_526 = arith.addf %add3A_482, %get3A_525 : vector<16xf32>
      %add3A_527 = arith.constant 3 : i32
      %add3A_528 = arith.addi %mul3A_384, %add3A_527 : i32
      %get3A_529 = arith.constant 0 : i32
      %get3A_530 = arith.constant 0 : i32
      %get3A_531 = tpu.memref_slice %arg6[%scan3A_197, %get3A_529, %get3A_530] : memref<4x200x64xf32, #tpu.memory_space<vmem>> -> memref<1x200x64xf32, #tpu.memory_space<vmem>>
      %get3A_532 = tpu.memref_squeeze %get3A_531 : memref<1x200x64xf32, #tpu.memory_space<vmem>> -> memref<200x64xf32, #tpu.memory_space<vmem>>
      %get3A_533 = arith.index_cast %add3A_528 : i32 to index
      %get3A_534 = arith.constant 16 : index
      %get3A_535 = tpu.vector_load %get3A_532[%get3A_533, %get3A_534] {strides = array<i32>} : memref<200x64xf32, #tpu.memory_space<vmem>>, vector<1x16xf32>,
      %get3A_536 = vector.shape_cast %get3A_535 : vector<1x16xf32> to vector<16xf32>
      %add3A_537 = arith.addf %add3A_493, %get3A_536 : vector<16xf32>
      %add3A_538 = arith.constant 3 : i32
      %add3A_539 = arith.addi %mul3A_384, %add3A_538 : i32
      %get3A_540 = arith.constant 0 : i32
      %get3A_541 = arith.constant 0 : i32
      %get3A_542 = tpu.memref_slice %arg6[%scan3A_197, %get3A_540, %get3A_541] : memref<4x200x64xf32, #tpu.memory_space<vmem>> -> memref<1x200x64xf32, #tpu.memory_space<vmem>>
      %get3A_543 = tpu.memref_squeeze %get3A_542 : memref<1x200x64xf32, #tpu.memory_space<vmem>> -> memref<200x64xf32, #tpu.memory_space<vmem>>
      %get3A_544 = arith.index_cast %add3A_539 : i32 to index
      %get3A_545 = arith.constant 32 : index
      %get3A_546 = tpu.vector_load %get3A_543[%get3A_544, %get3A_545] {strides = array<i32>} : memref<200x64xf32, #tpu.memory_space<vmem>>, vector<1x16xf32>,
      %get3A_547 = vector.shape_cast %get3A_546 : vector<1x16xf32> to vector<16xf32>
      %add3A_548 = arith.addf %add3A_504, %get3A_547 : vector<16xf32>
      %add3A_549 = arith.constant 3 : i32
      %add3A_550 = arith.addi %mul3A_384, %add3A_549 : i32
      %get3A_551 = arith.constant 0 : i32
      %get3A_552 = arith.constant 0 : i32
      %get3A_553 = tpu.memref_slice %arg6[%scan3A_197, %get3A_551, %get3A_552] : memref<4x200x64xf32, #tpu.memory_space<vmem>> -> memref<1x200x64xf32, #tpu.memory_space<vmem>>
      %get3A_554 = tpu.memref_squeeze %get3A_553 : memref<1x200x64xf32, #tpu.memory_space<vmem>> -> memref<200x64xf32, #tpu.memory_space<vmem>>
      %get3A_555 = arith.index_cast %add3A_550 : i32 to index
      %get3A_556 = arith.constant 48 : index
      %get3A_557 = tpu.vector_load %get3A_554[%get3A_555, %get3A_556] {strides = array<i32>} : memref<200x64xf32, #tpu.memory_space<vmem>>, vector<1x16xf32>,
      %get3A_558 = vector.shape_cast %get3A_557 : vector<1x16xf32> to vector<16xf32>
      %add3A_559 = arith.addf %add3A_515, %get3A_558 : vector<16xf32>
      %add3A_560 = arith.constant 4 : i32
      %add3A_561 = arith.addi %mul3A_384, %add3A_560 : i32
      %get3A_562 = arith.constant 0 : i32
      %get3A_563 = arith.constant 0 : i32
      %get3A_564 = tpu.memref_slice %arg6[%scan3A_197, %get3A_562, %get3A_563] : memref<4x200x64xf32, #tpu.memory_space<vmem>> -> memref<1x200x64xf32, #tpu.memory_space<vmem>>
      %get3A_565 = tpu.memref_squeeze %get3A_564 : memref<1x200x64xf32, #tpu.memory_space<vmem>> -> memref<200x64xf32, #tpu.memory_space<vmem>>
      %get3A_566 = arith.index_cast %add3A_561 : i32 to index
      %get3A_567 = arith.constant 0 : index
      %get3A_568 = tpu.vector_load %get3A_565[%get3A_566, %get3A_567] {strides = array<i32>} : memref<200x64xf32, #tpu.memory_space<vmem>>, vector<1x16xf32>,
      %get3A_569 = vector.shape_cast %get3A_568 : vector<1x16xf32> to vector<16xf32>
      %add3A_570 = arith.addf %add3A_526, %get3A_569 : vector<16xf32>
      %add3A_571 = arith.constant 4 : i32
      %add3A_572 = arith.addi %mul3A_384, %add3A_571 : i32
      %get3A_573 = arith.constant 0 : i32
      %get3A_574 = arith.constant 0 : i32
      %get3A_575 = tpu.memref_slice %arg6[%scan3A_197, %get3A_573, %get3A_574] : memref<4x200x64xf32, #tpu.memory_space<vmem>> -> memref<1x200x64xf32, #tpu.memory_space<vmem>>
      %get3A_576 = tpu.memref_squeeze %get3A_575 : memref<1x200x64xf32, #tpu.memory_space<vmem>> -> memref<200x64xf32, #tpu.memory_space<vmem>>
      %get3A_577 = arith.index_cast %add3A_572 : i32 to index
      %get3A_578 = arith.constant 16 : index
      %get3A_579 = tpu.vector_load %get3A_576[%get3A_577, %get3A_578] {strides = array<i32>} : memref<200x64xf32, #tpu.memory_space<vmem>>, vector<1x16xf32>,
      %get3A_580 = vector.shape_cast %get3A_579 : vector<1x16xf32> to vector<16xf32>
      %add3A_581 = arith.addf %add3A_537, %get3A_580 : vector<16xf32>
      %add3A_582 = arith.constant 4 : i32
      %add3A_583 = arith.addi %mul3A_384, %add3A_582 : i32
      %get3A_584 = arith.constant 0 : i32
      %get3A_585 = arith.constant 0 : i32
      %get3A_586 = tpu.memref_slice %arg6[%scan3A_197, %get3A_584, %get3A_585] : memref<4x200x64xf32, #tpu.memory_space<vmem>> -> memref<1x200x64xf32, #tpu.memory_space<vmem>>
      %get3A_587 = tpu.memref_squeeze %get3A_586 : memref<1x200x64xf32, #tpu.memory_space<vmem>> -> memref<200x64xf32, #tpu.memory_space<vmem>>
      %get3A_588 = arith.index_cast %add3A_583 : i32 to index
      %get3A_589 = arith.constant 32 : index
      %get3A_590 = tpu.vector_load %get3A_587[%get3A_588, %get3A_589] {strides = array<i32>} : memref<200x64xf32, #tpu.memory_space<vmem>>, vector<1x16xf32>,
      %get3A_591 = vector.shape_cast %get3A_590 : vector<1x16xf32> to vector<16xf32>
      %add3A_592 = arith.addf %add3A_548, %get3A_591 : vector<16xf32>
      %add3A_593 = arith.constant 4 : i32
      %add3A_594 = arith.addi %mul3A_384, %add3A_593 : i32
      %get3A_595 = arith.constant 0 : i32
      %get3A_596 = arith.constant 0 : i32
      %get3A_597 = tpu.memref_slice %arg6[%scan3A_197, %get3A_595, %get3A_596] : memref<4x200x64xf32, #tpu.memory_space<vmem>> -> memref<1x200x64xf32, #tpu.memory_space<vmem>>
      %get3A_598 = tpu.memref_squeeze %get3A_597 : memref<1x200x64xf32, #tpu.memory_space<vmem>> -> memref<200x64xf32, #tpu.memory_space<vmem>>
      %get3A_599 = arith.index_cast %add3A_594 : i32 to index
      %get3A_600 = arith.constant 48 : index
      %get3A_601 = tpu.vector_load %get3A_598[%get3A_599, %get3A_600] {strides = array<i32>} : memref<200x64xf32, #tpu.memory_space<vmem>>, vector<1x16xf32>,
      %get3A_602 = vector.shape_cast %get3A_601 : vector<1x16xf32> to vector<16xf32>
      %add3A_603 = arith.addf %add3A_559, %get3A_602 : vector<16xf32>
      %add3A_604 = arith.constant 5 : i32
      %add3A_605 = arith.addi %mul3A_384, %add3A_604 : i32
      %get3A_606 = arith.constant 0 : i32
      %get3A_607 = arith.constant 0 : i32
      %get3A_608 = tpu.memref_slice %arg6[%scan3A_197, %get3A_606, %get3A_607] : memref<4x200x64xf32, #tpu.memory_space<vmem>> -> memref<1x200x64xf32, #tpu.memory_space<vmem>>
      %get3A_609 = tpu.memref_squeeze %get3A_608 : memref<1x200x64xf32, #tpu.memory_space<vmem>> -> memref<200x64xf32, #tpu.memory_space<vmem>>
      %get3A_610 = arith.index_cast %add3A_605 : i32 to index
      %get3A_611 = arith.constant 0 : index
      %get3A_612 = tpu.vector_load %get3A_609[%get3A_610, %get3A_611] {strides = array<i32>} : memref<200x64xf32, #tpu.memory_space<vmem>>, vector<1x16xf32>,
      %get3A_613 = vector.shape_cast %get3A_612 : vector<1x16xf32> to vector<16xf32>
      %add3A_614 = arith.addf %add3A_570, %get3A_613 : vector<16xf32>
      %add3A_615 = arith.constant 5 : i32
      %add3A_616 = arith.addi %mul3A_384, %add3A_615 : i32
      %get3A_617 = arith.constant 0 : i32
      %get3A_618 = arith.constant 0 : i32
      %get3A_619 = tpu.memref_slice %arg6[%scan3A_197, %get3A_617, %get3A_618] : memref<4x200x64xf32, #tpu.memory_space<vmem>> -> memref<1x200x64xf32, #tpu.memory_space<vmem>>
      %get3A_620 = tpu.memref_squeeze %get3A_619 : memref<1x200x64xf32, #tpu.memory_space<vmem>> -> memref<200x64xf32, #tpu.memory_space<vmem>>
      %get3A_621 = arith.index_cast %add3A_616 : i32 to index
      %get3A_622 = arith.constant 16 : index
      %get3A_623 = tpu.vector_load %get3A_620[%get3A_621, %get3A_622] {strides = array<i32>} : memref<200x64xf32, #tpu.memory_space<vmem>>, vector<1x16xf32>,
      %get3A_624 = vector.shape_cast %get3A_623 : vector<1x16xf32> to vector<16xf32>
      %add3A_625 = arith.addf %add3A_581, %get3A_624 : vector<16xf32>
      %add3A_626 = arith.constant 5 : i32
      %add3A_627 = arith.addi %mul3A_384, %add3A_626 : i32
      %get3A_628 = arith.constant 0 : i32
      %get3A_629 = arith.constant 0 : i32
      %get3A_630 = tpu.memref_slice %arg6[%scan3A_197, %get3A_628, %get3A_629] : memref<4x200x64xf32, #tpu.memory_space<vmem>> -> memref<1x200x64xf32, #tpu.memory_space<vmem>>
      %get3A_631 = tpu.memref_squeeze %get3A_630 : memref<1x200x64xf32, #tpu.memory_space<vmem>> -> memref<200x64xf32, #tpu.memory_space<vmem>>
      %get3A_632 = arith.index_cast %add3A_627 : i32 to index
      %get3A_633 = arith.constant 32 : index
      %get3A_634 = tpu.vector_load %get3A_631[%get3A_632, %get3A_633] {strides = array<i32>} : memref<200x64xf32, #tpu.memory_space<vmem>>, vector<1x16xf32>,
      %get3A_635 = vector.shape_cast %get3A_634 : vector<1x16xf32> to vector<16xf32>
      %add3A_636 = arith.addf %add3A_592, %get3A_635 : vector<16xf32>
      %add3A_637 = arith.constant 5 : i32
      %add3A_638 = arith.addi %mul3A_384, %add3A_637 : i32
      %get3A_639 = arith.constant 0 : i32
      %get3A_640 = arith.constant 0 : i32
      %get3A_641 = tpu.memref_slice %arg6[%scan3A_197, %get3A_639, %get3A_640] : memref<4x200x64xf32, #tpu.memory_space<vmem>> -> memref<1x200x64xf32, #tpu.memory_space<vmem>>
      %get3A_642 = tpu.memref_squeeze %get3A_641 : memref<1x200x64xf32, #tpu.memory_space<vmem>> -> memref<200x64xf32, #tpu.memory_space<vmem>>
      %get3A_643 = arith.index_cast %add3A_638 : i32 to index
      %get3A_644 = arith.constant 48 : index
      %get3A_645 = tpu.vector_load %get3A_642[%get3A_643, %get3A_644] {strides = array<i32>} : memref<200x64xf32, #tpu.memory_space<vmem>>, vector<1x16xf32>,
      %get3A_646 = vector.shape_cast %get3A_645 : vector<1x16xf32> to vector<16xf32>
      %add3A_647 = arith.addf %add3A_603, %get3A_646 : vector<16xf32>
      %add3A_648 = arith.constant 6 : i32
      %add3A_649 = arith.addi %mul3A_384, %add3A_648 : i32
      %get3A_650 = arith.constant 0 : i32
      %get3A_651 = arith.constant 0 : i32
      %get3A_652 = tpu.memref_slice %arg6[%scan3A_197, %get3A_650, %get3A_651] : memref<4x200x64xf32, #tpu.memory_space<vmem>> -> memref<1x200x64xf32, #tpu.memory_space<vmem>>
      %get3A_653 = tpu.memref_squeeze %get3A_652 : memref<1x200x64xf32, #tpu.memory_space<vmem>> -> memref<200x64xf32, #tpu.memory_space<vmem>>
      %get3A_654 = arith.index_cast %add3A_649 : i32 to index
      %get3A_655 = arith.constant 0 : index
      %get3A_656 = tpu.vector_load %get3A_653[%get3A_654, %get3A_655] {strides = array<i32>} : memref<200x64xf32, #tpu.memory_space<vmem>>, vector<1x16xf32>,
      %get3A_657 = vector.shape_cast %get3A_656 : vector<1x16xf32> to vector<16xf32>
      %add3A_658 = arith.addf %add3A_614, %get3A_657 : vector<16xf32>
      %add3A_659 = arith.constant 6 : i32
      %add3A_660 = arith.addi %mul3A_384, %add3A_659 : i32
      %get3A_661 = arith.constant 0 : i32
      %get3A_662 = arith.constant 0 : i32
      %get3A_663 = tpu.memref_slice %arg6[%scan3A_197, %get3A_661, %get3A_662] : memref<4x200x64xf32, #tpu.memory_space<vmem>> -> memref<1x200x64xf32, #tpu.memory_space<vmem>>
      %get3A_664 = tpu.memref_squeeze %get3A_663 : memref<1x200x64xf32, #tpu.memory_space<vmem>> -> memref<200x64xf32, #tpu.memory_space<vmem>>
      %get3A_665 = arith.index_cast %add3A_660 : i32 to index
      %get3A_666 = arith.constant 16 : index
      %get3A_667 = tpu.vector_load %get3A_664[%get3A_665, %get3A_666] {strides = array<i32>} : memref<200x64xf32, #tpu.memory_space<vmem>>, vector<1x16xf32>,
      %get3A_668 = vector.shape_cast %get3A_667 : vector<1x16xf32> to vector<16xf32>
      %add3A_669 = arith.addf %add3A_625, %get3A_668 : vector<16xf32>
      %add3A_670 = arith.constant 6 : i32
      %add3A_671 = arith.addi %mul3A_384, %add3A_670 : i32
      %get3A_672 = arith.constant 0 : i32
      %get3A_673 = arith.constant 0 : i32
      %get3A_674 = tpu.memref_slice %arg6[%scan3A_197, %get3A_672, %get3A_673] : memref<4x200x64xf32, #tpu.memory_space<vmem>> -> memref<1x200x64xf32, #tpu.memory_space<vmem>>
      %get3A_675 = tpu.memref_squeeze %get3A_674 : memref<1x200x64xf32, #tpu.memory_space<vmem>> -> memref<200x64xf32, #tpu.memory_space<vmem>>
      %get3A_676 = arith.index_cast %add3A_671 : i32 to index
      %get3A_677 = arith.constant 32 : index
      %get3A_678 = tpu.vector_load %get3A_675[%get3A_676, %get3A_677] {strides = array<i32>} : memref<200x64xf32, #tpu.memory_space<vmem>>, vector<1x16xf32>,
      %get3A_679 = vector.shape_cast %get3A_678 : vector<1x16xf32> to vector<16xf32>
      %add3A_680 = arith.addf %add3A_636, %get3A_679 : vector<16xf32>
      %add3A_681 = arith.constant 6 : i32
      %add3A_682 = arith.addi %mul3A_384, %add3A_681 : i32
      %get3A_683 = arith.constant 0 : i32
      %get3A_684 = arith.constant 0 : i32
      %get3A_685 = tpu.memref_slice %arg6[%scan3A_197, %get3A_683, %get3A_684] : memref<4x200x64xf32, #tpu.memory_space<vmem>> -> memref<1x200x64xf32, #tpu.memory_space<vmem>>
      %get3A_686 = tpu.memref_squeeze %get3A_685 : memref<1x200x64xf32, #tpu.memory_space<vmem>> -> memref<200x64xf32, #tpu.memory_space<vmem>>
      %get3A_687 = arith.index_cast %add3A_682 : i32 to index
      %get3A_688 = arith.constant 48 : index
      %get3A_689 = tpu.vector_load %get3A_686[%get3A_687, %get3A_688] {strides = array<i32>} : memref<200x64xf32, #tpu.memory_space<vmem>>, vector<1x16xf32>,
      %get3A_690 = vector.shape_cast %get3A_689 : vector<1x16xf32> to vector<16xf32>
      %add3A_691 = arith.addf %add3A_647, %get3A_690 : vector<16xf32>
      %add3A_692 = arith.constant 7 : i32
      %add3A_693 = arith.addi %mul3A_384, %add3A_692 : i32
      %get3A_694 = arith.constant 0 : i32
      %get3A_695 = arith.constant 0 : i32
      %get3A_696 = tpu.memref_slice %arg6[%scan3A_197, %get3A_694, %get3A_695] : memref<4x200x64xf32, #tpu.memory_space<vmem>> -> memref<1x200x64xf32, #tpu.memory_space<vmem>>
      %get3A_697 = tpu.memref_squeeze %get3A_696 : memref<1x200x64xf32, #tpu.memory_space<vmem>> -> memref<200x64xf32, #tpu.memory_space<vmem>>
      %get3A_698 = arith.index_cast %add3A_693 : i32 to index
      %get3A_699 = arith.constant 0 : index
      %get3A_700 = tpu.vector_load %get3A_697[%get3A_698, %get3A_699] {strides = array<i32>} : memref<200x64xf32, #tpu.memory_space<vmem>>, vector<1x16xf32>,
      %get3A_701 = vector.shape_cast %get3A_700 : vector<1x16xf32> to vector<16xf32>
      %add3A_702 = arith.addf %add3A_658, %get3A_701 : vector<16xf32>
      %add3A_703 = arith.constant 7 : i32
      %add3A_704 = arith.addi %mul3A_384, %add3A_703 : i32
      %get3A_705 = arith.constant 0 : i32
      %get3A_706 = arith.constant 0 : i32
      %get3A_707 = tpu.memref_slice %arg6[%scan3A_197, %get3A_705, %get3A_706] : memref<4x200x64xf32, #tpu.memory_space<vmem>> -> memref<1x200x64xf32, #tpu.memory_space<vmem>>
      %get3A_708 = tpu.memref_squeeze %get3A_707 : memref<1x200x64xf32, #tpu.memory_space<vmem>> -> memref<200x64xf32, #tpu.memory_space<vmem>>
      %get3A_709 = arith.index_cast %add3A_704 : i32 to index
      %get3A_710 = arith.constant 16 : index
      %get3A_711 = tpu.vector_load %get3A_708[%get3A_709, %get3A_710] {strides = array<i32>} : memref<200x64xf32, #tpu.memory_space<vmem>>, vector<1x16xf32>,
      %get3A_712 = vector.shape_cast %get3A_711 : vector<1x16xf32> to vector<16xf32>
      %add3A_713 = arith.addf %add3A_669, %get3A_712 : vector<16xf32>
      %add3A_714 = arith.constant 7 : i32
      %add3A_715 = arith.addi %mul3A_384, %add3A_714 : i32
      %get3A_716 = arith.constant 0 : i32
      %get3A_717 = arith.constant 0 : i32
      %get3A_718 = tpu.memref_slice %arg6[%scan3A_197, %get3A_716, %get3A_717] : memref<4x200x64xf32, #tpu.memory_space<vmem>> -> memref<1x200x64xf32, #tpu.memory_space<vmem>>
      %get3A_719 = tpu.memref_squeeze %get3A_718 : memref<1x200x64xf32, #tpu.memory_space<vmem>> -> memref<200x64xf32, #tpu.memory_space<vmem>>
      %get3A_720 = arith.index_cast %add3A_715 : i32 to index
      %get3A_721 = arith.constant 32 : index
      %get3A_722 = tpu.vector_load %get3A_719[%get3A_720, %get3A_721] {strides = array<i32>} : memref<200x64xf32, #tpu.memory_space<vmem>>, vector<1x16xf32>,
      %get3A_723 = vector.shape_cast %get3A_722 : vector<1x16xf32> to vector<16xf32>
      %add3A_724 = arith.addf %add3A_680, %get3A_723 : vector<16xf32>
      %add3A_725 = arith.constant 7 : i32
      %add3A_726 = arith.addi %mul3A_384, %add3A_725 : i32
      %get3A_727 = arith.constant 0 : i32
      %get3A_728 = arith.constant 0 : i32
      %get3A_729 = tpu.memref_slice %arg6[%scan3A_197, %get3A_727, %get3A_728] : memref<4x200x64xf32, #tpu.memory_space<vmem>> -> memref<1x200x64xf32, #tpu.memory_space<vmem>>
      %get3A_730 = tpu.memref_squeeze %get3A_729 : memref<1x200x64xf32, #tpu.memory_space<vmem>> -> memref<200x64xf32, #tpu.memory_space<vmem>>
      %get3A_731 = arith.index_cast %add3A_726 : i32 to index
      %get3A_732 = arith.constant 48 : index
      %get3A_733 = tpu.vector_load %get3A_730[%get3A_731, %get3A_732] {strides = array<i32>} : memref<200x64xf32, #tpu.memory_space<vmem>>, vector<1x16xf32>,
      %get3A_734 = vector.shape_cast %get3A_733 : vector<1x16xf32> to vector<16xf32>
      %add3A_735 = arith.addf %add3A_691, %get3A_734 : vector<16xf32>
      scf.yield %add3A_702, %add3A_713, %add3A_724, %add3A_735 : vector<16xf32>, vector<16xf32>, vector<16xf32>, vector<16xf32>
    }
    %scan3A_203 = arith.constant 25 : i32
    %mul3A_204 = arith.constant 5.000000e-03 : f32
    %mul3A_205 = vector.broadcast %mul3A_204 : f32 to vector<16xf32>
    %mul3A_206 = arith.mulf %scan3A_202#0, %mul3A_205 : vector<16xf32>
    %swap3A_207 = arith.constant 125 : i32
    %swap3A_208 = arith.index_cast %swap3A_207 : i32 to index
    %swap3A_209 = arith.constant 0 : index
    %swap3A_210 = tpu.vector_load %arg7[%swap3A_208, %swap3A_209] {strides = array<i32>} : memref<128x64xf32, #tpu.memory_space<vmem>>, vector<1x16xf32>,
    %swap3A_211 = vector.shape_cast %swap3A_210 : vector<1x16xf32> to vector<16xf32>
    %swap3A_212 = vector.shape_cast %mul3A_206 : vector<16xf32> to vector<1x16xf32>
    tpu.vector_store %arg7[%swap3A_208, %swap3A_209], %swap3A_212 {strides = array<i32>} : memref<128x64xf32, #tpu.memory_space<vmem>>, vector<1x16xf32>,
    %mul3A_213 = arith.constant 5.000000e-03 : f32
    %mul3A_214 = vector.broadcast %mul3A_213 : f32 to vector<16xf32>
    %mul3A_215 = arith.mulf %scan3A_202#1, %mul3A_214 : vector<16xf32>
    %swap3A_216 = arith.constant 125 : i32
    %swap3A_217 = arith.index_cast %swap3A_216 : i32 to index
    %swap3A_218 = arith.constant 16 : index
    %swap3A_219 = tpu.vector_load %arg7[%swap3A_217, %swap3A_218] {strides = array<i32>} : memref<128x64xf32, #tpu.memory_space<vmem>>, vector<1x16xf32>,
    %swap3A_220 = vector.shape_cast %swap3A_219 : vector<1x16xf32> to vector<16xf32>
    %swap3A_221 = vector.shape_cast %mul3A_215 : vector<16xf32> to vector<1x16xf32>
    tpu.vector_store %arg7[%swap3A_217, %swap3A_218], %swap3A_221 {strides = array<i32>} : memref<128x64xf32, #tpu.memory_space<vmem>>, vector<1x16xf32>,
    %mul3A_222 = arith.constant 5.000000e-03 : f32
    %mul3A_223 = vector.broadcast %mul3A_222 : f32 to vector<16xf32>
    %mul3A_224 = arith.mulf %scan3A_202#2, %mul3A_223 : vector<16xf32>
    %swap3A_225 = arith.constant 125 : i32
    %swap3A_226 = arith.index_cast %swap3A_225 : i32 to index
    %swap3A_227 = arith.constant 32 : index
    %swap3A_228 = tpu.vector_load %arg7[%swap3A_226, %swap3A_227] {strides = array<i32>} : memref<128x64xf32, #tpu.memory_space<vmem>>, vector<1x16xf32>,
    %swap3A_229 = vector.shape_cast %swap3A_228 : vector<1x16xf32> to vector<16xf32>
    %swap3A_230 = vector.shape_cast %mul3A_224 : vector<16xf32> to vector<1x16xf32>
    tpu.vector_store %arg7[%swap3A_226, %swap3A_227], %swap3A_230 {strides = array<i32>} : memref<128x64xf32, #tpu.memory_space<vmem>>, vector<1x16xf32>,
    %mul3A_231 = arith.constant 5.000000e-03 : f32
    %mul3A_232 = vector.broadcast %mul3A_231 : f32 to vector<16xf32>
    %mul3A_233 = arith.mulf %scan3A_202#3, %mul3A_232 : vector<16xf32>
    %swap3A_234 = arith.constant 125 : i32
    %swap3A_235 = arith.index_cast %swap3A_234 : i32 to index
    %swap3A_236 = arith.constant 48 : index
    %swap3A_237 = tpu.vector_load %arg7[%swap3A_235, %swap3A_236] {strides = array<i32>} : memref<128x64xf32, #tpu.memory_space<vmem>>, vector<1x16xf32>,
    %swap3A_238 = vector.shape_cast %swap3A_237 : vector<1x16xf32> to vector<16xf32>
    %swap3A_239 = vector.shape_cast %mul3A_233 : vector<16xf32> to vector<1x16xf32>
    tpu.vector_store %arg7[%swap3A_235, %swap3A_236], %swap3A_239 {strides = array<i32>} : memref<128x64xf32, #tpu.memory_space<vmem>>, vector<1x16xf32>,
    %dma_wait3A_240 = arith.constant 0 : i32
    %dma_wait3A_241 = arith.constant 2 : i32
    %dma_wait3A_242 = arith.constant 0 : i32
    %dma_wait3A_243 = arith.constant 0 : i32
    %dma_wait3A_244 = tpu.memref_slice %arg6[%dma_wait3A_241, %dma_wait3A_242, %dma_wait3A_243] : memref<4x200x64xf32, #tpu.memory_space<vmem>> -> memref<1x128x64xf32, #tpu.memory_space<vmem>>
    %dma_wait3A_245 = tpu.memref_squeeze %dma_wait3A_244 : memref<1x128x64xf32, #tpu.memory_space<vmem>> -> memref<128x64xf32, #tpu.memory_space<vmem>>
    %dma_wait3A_246 = arith.constant 0 : i32
    %dma_wait3A_247 = tpu.memref_slice %arg5[%dma_wait3A_240, %dma_wait3A_246] : memref<128x200xi32, #tpu.memory_space<vmem>> -> memref<1x128xi32, #tpu.memory_space<vmem>>
    %dma_wait3A_248 = tpu.memref_squeeze %dma_wait3A_247 : memref<1x128xi32, #tpu.memory_space<vmem>> -> memref<128xi32, #tpu.memory_space<vmem>>
    %dma_wait3A_249 = arith.constant 0 : i32
    %dma_wait3A_250 = arith.constant 0 : i32
    %dma_wait3A_251 = tpu.memref_slice %arg3[%dma_wait3A_249, %dma_wait3A_250] : memref<1000000x64xf32, #tpu.memory_space<hbm>> -> memref<1000000x64xf32, #tpu.memory_space<hbm>>
    tpu.wait_indirect_dma semaphore(%arg10 : memref<!tpu.dma_semaphore, #tpu.memory_space<semaphore_mem>>) src(%dma_wait3A_251 : memref<1000000x64xf32, #tpu.memory_space<hbm>>) dst(%dma_wait3A_245 : memref<128x64xf32, #tpu.memory_space<vmem>>)
    %dma_wait3A_252 = arith.constant 0 : i32
    %dma_wait3A_253 = arith.constant 2 : i32
    %dma_wait3A_254 = arith.constant 128 : i32
    %dma_wait3A_255 = arith.constant 0 : i32
    %dma_wait3A_256 = tpu.memref_slice %arg6[%dma_wait3A_253, %dma_wait3A_254, %dma_wait3A_255] : memref<4x200x64xf32, #tpu.memory_space<vmem>> -> memref<1x72x64xf32, #tpu.memory_space<vmem>>
    %dma_wait3A_257 = tpu.memref_squeeze %dma_wait3A_256 : memref<1x72x64xf32, #tpu.memory_space<vmem>> -> memref<72x64xf32, #tpu.memory_space<vmem>>
    %dma_wait3A_258 = arith.constant 128 : i32
    %dma_wait3A_259 = tpu.memref_slice %arg5[%dma_wait3A_252, %dma_wait3A_258] : memref<128x200xi32, #tpu.memory_space<vmem>> -> memref<1x72xi32, #tpu.memory_space<vmem>>
    %dma_wait3A_260 = tpu.memref_squeeze %dma_wait3A_259 : memref<1x72xi32, #tpu.memory_space<vmem>> -> memref<72xi32, #tpu.memory_space<vmem>>
    %dma_wait3A_261 = arith.constant 0 : i32
    %dma_wait3A_262 = arith.constant 0 : i32
    %dma_wait3A_263 = tpu.memref_slice %arg3[%dma_wait3A_261, %dma_wait3A_262] : memref<1000000x64xf32, #tpu.memory_space<hbm>> -> memref<1000000x64xf32, #tpu.memory_space<hbm>>
    tpu.wait_indirect_dma semaphore(%arg10 : memref<!tpu.dma_semaphore, #tpu.memory_space<semaphore_mem>>) src(%dma_wait3A_263 : memref<1000000x64xf32, #tpu.memory_space<hbm>>) dst(%dma_wait3A_257 : memref<72x64xf32, #tpu.memory_space<vmem>>)
    %broadcast_in_dim3A_264 = arith.constant 0.000000e+00 : f32
    %broadcast_in_dim3A_265 = vector.broadcast %broadcast_in_dim3A_264 : f32 to vector<16xf32>
    %scan3A_266 = arith.constant 2 : i32
    %scan3A_267 = arith.constant 0 : i32
    %scan3A_268 = arith.constant 25 : i32
    %scan3A_269 = arith.addi %scan3A_267, %scan3A_268 : i32
    %scan3A_270 = arith.constant 1 : i32
    %scan3A_271:4 = scf.for %scan3A_378 = %scan3A_267 to %scan3A_269 step %scan3A_270 iter_args(%scan3A_379 = %broadcast_in_dim3A_265, %scan3A_380 = %broadcast_in_dim3A_265, %scan3A_381 = %broadcast_in_dim3A_265, %scan3A_382 = %broadcast_in_dim3A_265) -> (vector<16xf32>, vector<16xf32>, vector<16xf32>, vector<16xf32>)  : i32 {
      %mul3A_383 = arith.constant 8 : i32
      %mul3A_384 = arith.muli %scan3A_378, %mul3A_383 : i32
      %add3A_385 = arith.constant 0 : i32
      %add3A_386 = arith.addi %mul3A_384, %add3A_385 : i32
      %get3A = arith.constant 0 : i32
      %get3A_387 = arith.constant 0 : i32
      %get3A_388 = tpu.memref_slice %arg6[%scan3A_266, %get3A, %get3A_387] : memref<4x200x64xf32, #tpu.memory_space<vmem>> -> memref<1x200x64xf32, #tpu.memory_space<vmem>>
      %get3A_389 = tpu.memref_squeeze %get3A_388 : memref<1x200x64xf32, #tpu.memory_space<vmem>> -> memref<200x64xf32, #tpu.memory_space<vmem>>
      %get3A_390 = arith.index_cast %add3A_386 : i32 to index
      %get3A_391 = arith.constant 0 : index
      %get3A_392 = tpu.vector_load %get3A_389[%get3A_390, %get3A_391] {strides = array<i32>} : memref<200x64xf32, #tpu.memory_space<vmem>>, vector<1x16xf32>,
      %get3A_393 = vector.shape_cast %get3A_392 : vector<1x16xf32> to vector<16xf32>
      %add3A_394 = arith.addf %scan3A_379, %get3A_393 : vector<16xf32>
      %add3A_395 = arith.constant 0 : i32
      %add3A_396 = arith.addi %mul3A_384, %add3A_395 : i32
      %get3A_397 = arith.constant 0 : i32
      %get3A_398 = arith.constant 0 : i32
      %get3A_399 = tpu.memref_slice %arg6[%scan3A_266, %get3A_397, %get3A_398] : memref<4x200x64xf32, #tpu.memory_space<vmem>> -> memref<1x200x64xf32, #tpu.memory_space<vmem>>
      %get3A_400 = tpu.memref_squeeze %get3A_399 : memref<1x200x64xf32, #tpu.memory_space<vmem>> -> memref<200x64xf32, #tpu.memory_space<vmem>>
      %get3A_401 = arith.index_cast %add3A_396 : i32 to index
      %get3A_402 = arith.constant 16 : index
      %get3A_403 = tpu.vector_load %get3A_400[%get3A_401, %get3A_402] {strides = array<i32>} : memref<200x64xf32, #tpu.memory_space<vmem>>, vector<1x16xf32>,
      %get3A_404 = vector.shape_cast %get3A_403 : vector<1x16xf32> to vector<16xf32>
      %add3A_405 = arith.addf %scan3A_380, %get3A_404 : vector<16xf32>
      %add3A_406 = arith.constant 0 : i32
      %add3A_407 = arith.addi %mul3A_384, %add3A_406 : i32
      %get3A_408 = arith.constant 0 : i32
      %get3A_409 = arith.constant 0 : i32
      %get3A_410 = tpu.memref_slice %arg6[%scan3A_266, %get3A_408, %get3A_409] : memref<4x200x64xf32, #tpu.memory_space<vmem>> -> memref<1x200x64xf32, #tpu.memory_space<vmem>>
      %get3A_411 = tpu.memref_squeeze %get3A_410 : memref<1x200x64xf32, #tpu.memory_space<vmem>> -> memref<200x64xf32, #tpu.memory_space<vmem>>
      %get3A_412 = arith.index_cast %add3A_407 : i32 to index
      %get3A_413 = arith.constant 32 : index
      %get3A_414 = tpu.vector_load %get3A_411[%get3A_412, %get3A_413] {strides = array<i32>} : memref<200x64xf32, #tpu.memory_space<vmem>>, vector<1x16xf32>,
      %get3A_415 = vector.shape_cast %get3A_414 : vector<1x16xf32> to vector<16xf32>
      %add3A_416 = arith.addf %scan3A_381, %get3A_415 : vector<16xf32>
      %add3A_417 = arith.constant 0 : i32
      %add3A_418 = arith.addi %mul3A_384, %add3A_417 : i32
      %get3A_419 = arith.constant 0 : i32
      %get3A_420 = arith.constant 0 : i32
      %get3A_421 = tpu.memref_slice %arg6[%scan3A_266, %get3A_419, %get3A_420] : memref<4x200x64xf32, #tpu.memory_space<vmem>> -> memref<1x200x64xf32, #tpu.memory_space<vmem>>
      %get3A_422 = tpu.memref_squeeze %get3A_421 : memref<1x200x64xf32, #tpu.memory_space<vmem>> -> memref<200x64xf32, #tpu.memory_space<vmem>>
      %get3A_423 = arith.index_cast %add3A_418 : i32 to index
      %get3A_424 = arith.constant 48 : index
      %get3A_425 = tpu.vector_load %get3A_422[%get3A_423, %get3A_424] {strides = array<i32>} : memref<200x64xf32, #tpu.memory_space<vmem>>, vector<1x16xf32>,
      %get3A_426 = vector.shape_cast %get3A_425 : vector<1x16xf32> to vector<16xf32>
      %add3A_427 = arith.addf %scan3A_382, %get3A_426 : vector<16xf32>
      %add3A_428 = arith.constant 1 : i32
      %add3A_429 = arith.addi %mul3A_384, %add3A_428 : i32
      %get3A_430 = arith.constant 0 : i32
      %get3A_431 = arith.constant 0 : i32
      %get3A_432 = tpu.memref_slice %arg6[%scan3A_266, %get3A_430, %get3A_431] : memref<4x200x64xf32, #tpu.memory_space<vmem>> -> memref<1x200x64xf32, #tpu.memory_space<vmem>>
      %get3A_433 = tpu.memref_squeeze %get3A_432 : memref<1x200x64xf32, #tpu.memory_space<vmem>> -> memref<200x64xf32, #tpu.memory_space<vmem>>
      %get3A_434 = arith.index_cast %add3A_429 : i32 to index
      %get3A_435 = arith.constant 0 : index
      %get3A_436 = tpu.vector_load %get3A_433[%get3A_434, %get3A_435] {strides = array<i32>} : memref<200x64xf32, #tpu.memory_space<vmem>>, vector<1x16xf32>,
      %get3A_437 = vector.shape_cast %get3A_436 : vector<1x16xf32> to vector<16xf32>
      %add3A_438 = arith.addf %add3A_394, %get3A_437 : vector<16xf32>
      %add3A_439 = arith.constant 1 : i32
      %add3A_440 = arith.addi %mul3A_384, %add3A_439 : i32
      %get3A_441 = arith.constant 0 : i32
      %get3A_442 = arith.constant 0 : i32
      %get3A_443 = tpu.memref_slice %arg6[%scan3A_266, %get3A_441, %get3A_442] : memref<4x200x64xf32, #tpu.memory_space<vmem>> -> memref<1x200x64xf32, #tpu.memory_space<vmem>>
      %get3A_444 = tpu.memref_squeeze %get3A_443 : memref<1x200x64xf32, #tpu.memory_space<vmem>> -> memref<200x64xf32, #tpu.memory_space<vmem>>
      %get3A_445 = arith.index_cast %add3A_440 : i32 to index
      %get3A_446 = arith.constant 16 : index
      %get3A_447 = tpu.vector_load %get3A_444[%get3A_445, %get3A_446] {strides = array<i32>} : memref<200x64xf32, #tpu.memory_space<vmem>>, vector<1x16xf32>,
      %get3A_448 = vector.shape_cast %get3A_447 : vector<1x16xf32> to vector<16xf32>
      %add3A_449 = arith.addf %add3A_405, %get3A_448 : vector<16xf32>
      %add3A_450 = arith.constant 1 : i32
      %add3A_451 = arith.addi %mul3A_384, %add3A_450 : i32
      %get3A_452 = arith.constant 0 : i32
      %get3A_453 = arith.constant 0 : i32
      %get3A_454 = tpu.memref_slice %arg6[%scan3A_266, %get3A_452, %get3A_453] : memref<4x200x64xf32, #tpu.memory_space<vmem>> -> memref<1x200x64xf32, #tpu.memory_space<vmem>>
      %get3A_455 = tpu.memref_squeeze %get3A_454 : memref<1x200x64xf32, #tpu.memory_space<vmem>> -> memref<200x64xf32, #tpu.memory_space<vmem>>
      %get3A_456 = arith.index_cast %add3A_451 : i32 to index
      %get3A_457 = arith.constant 32 : index
      %get3A_458 = tpu.vector_load %get3A_455[%get3A_456, %get3A_457] {strides = array<i32>} : memref<200x64xf32, #tpu.memory_space<vmem>>, vector<1x16xf32>,
      %get3A_459 = vector.shape_cast %get3A_458 : vector<1x16xf32> to vector<16xf32>
      %add3A_460 = arith.addf %add3A_416, %get3A_459 : vector<16xf32>
      %add3A_461 = arith.constant 1 : i32
      %add3A_462 = arith.addi %mul3A_384, %add3A_461 : i32
      %get3A_463 = arith.constant 0 : i32
      %get3A_464 = arith.constant 0 : i32
      %get3A_465 = tpu.memref_slice %arg6[%scan3A_266, %get3A_463, %get3A_464] : memref<4x200x64xf32, #tpu.memory_space<vmem>> -> memref<1x200x64xf32, #tpu.memory_space<vmem>>
      %get3A_466 = tpu.memref_squeeze %get3A_465 : memref<1x200x64xf32, #tpu.memory_space<vmem>> -> memref<200x64xf32, #tpu.memory_space<vmem>>
      %get3A_467 = arith.index_cast %add3A_462 : i32 to index
      %get3A_468 = arith.constant 48 : index
      %get3A_469 = tpu.vector_load %get3A_466[%get3A_467, %get3A_468] {strides = array<i32>} : memref<200x64xf32, #tpu.memory_space<vmem>>, vector<1x16xf32>,
      %get3A_470 = vector.shape_cast %get3A_469 : vector<1x16xf32> to vector<16xf32>
      %add3A_471 = arith.addf %add3A_427, %get3A_470 : vector<16xf32>
      %add3A_472 = arith.constant 2 : i32
      %add3A_473 = arith.addi %mul3A_384, %add3A_472 : i32
      %get3A_474 = arith.constant 0 : i32
      %get3A_475 = arith.constant 0 : i32
      %get3A_476 = tpu.memref_slice %arg6[%scan3A_266, %get3A_474, %get3A_475] : memref<4x200x64xf32, #tpu.memory_space<vmem>> -> memref<1x200x64xf32, #tpu.memory_space<vmem>>
      %get3A_477 = tpu.memref_squeeze %get3A_476 : memref<1x200x64xf32, #tpu.memory_space<vmem>> -> memref<200x64xf32, #tpu.memory_space<vmem>>
      %get3A_478 = arith.index_cast %add3A_473 : i32 to index
      %get3A_479 = arith.constant 0 : index
      %get3A_480 = tpu.vector_load %get3A_477[%get3A_478, %get3A_479] {strides = array<i32>} : memref<200x64xf32, #tpu.memory_space<vmem>>, vector<1x16xf32>,
      %get3A_481 = vector.shape_cast %get3A_480 : vector<1x16xf32> to vector<16xf32>
      %add3A_482 = arith.addf %add3A_438, %get3A_481 : vector<16xf32>
      %add3A_483 = arith.constant 2 : i32
      %add3A_484 = arith.addi %mul3A_384, %add3A_483 : i32
      %get3A_485 = arith.constant 0 : i32
      %get3A_486 = arith.constant 0 : i32
      %get3A_487 = tpu.memref_slice %arg6[%scan3A_266, %get3A_485, %get3A_486] : memref<4x200x64xf32, #tpu.memory_space<vmem>> -> memref<1x200x64xf32, #tpu.memory_space<vmem>>
      %get3A_488 = tpu.memref_squeeze %get3A_487 : memref<1x200x64xf32, #tpu.memory_space<vmem>> -> memref<200x64xf32, #tpu.memory_space<vmem>>
      %get3A_489 = arith.index_cast %add3A_484 : i32 to index
      %get3A_490 = arith.constant 16 : index
      %get3A_491 = tpu.vector_load %get3A_488[%get3A_489, %get3A_490] {strides = array<i32>} : memref<200x64xf32, #tpu.memory_space<vmem>>, vector<1x16xf32>,
      %get3A_492 = vector.shape_cast %get3A_491 : vector<1x16xf32> to vector<16xf32>
      %add3A_493 = arith.addf %add3A_449, %get3A_492 : vector<16xf32>
      %add3A_494 = arith.constant 2 : i32
      %add3A_495 = arith.addi %mul3A_384, %add3A_494 : i32
      %get3A_496 = arith.constant 0 : i32
      %get3A_497 = arith.constant 0 : i32
      %get3A_498 = tpu.memref_slice %arg6[%scan3A_266, %get3A_496, %get3A_497] : memref<4x200x64xf32, #tpu.memory_space<vmem>> -> memref<1x200x64xf32, #tpu.memory_space<vmem>>
      %get3A_499 = tpu.memref_squeeze %get3A_498 : memref<1x200x64xf32, #tpu.memory_space<vmem>> -> memref<200x64xf32, #tpu.memory_space<vmem>>
      %get3A_500 = arith.index_cast %add3A_495 : i32 to index
      %get3A_501 = arith.constant 32 : index
      %get3A_502 = tpu.vector_load %get3A_499[%get3A_500, %get3A_501] {strides = array<i32>} : memref<200x64xf32, #tpu.memory_space<vmem>>, vector<1x16xf32>,
      %get3A_503 = vector.shape_cast %get3A_502 : vector<1x16xf32> to vector<16xf32>
      %add3A_504 = arith.addf %add3A_460, %get3A_503 : vector<16xf32>
      %add3A_505 = arith.constant 2 : i32
      %add3A_506 = arith.addi %mul3A_384, %add3A_505 : i32
      %get3A_507 = arith.constant 0 : i32
      %get3A_508 = arith.constant 0 : i32
      %get3A_509 = tpu.memref_slice %arg6[%scan3A_266, %get3A_507, %get3A_508] : memref<4x200x64xf32, #tpu.memory_space<vmem>> -> memref<1x200x64xf32, #tpu.memory_space<vmem>>
      %get3A_510 = tpu.memref_squeeze %get3A_509 : memref<1x200x64xf32, #tpu.memory_space<vmem>> -> memref<200x64xf32, #tpu.memory_space<vmem>>
      %get3A_511 = arith.index_cast %add3A_506 : i32 to index
      %get3A_512 = arith.constant 48 : index
      %get3A_513 = tpu.vector_load %get3A_510[%get3A_511, %get3A_512] {strides = array<i32>} : memref<200x64xf32, #tpu.memory_space<vmem>>, vector<1x16xf32>,
      %get3A_514 = vector.shape_cast %get3A_513 : vector<1x16xf32> to vector<16xf32>
      %add3A_515 = arith.addf %add3A_471, %get3A_514 : vector<16xf32>
      %add3A_516 = arith.constant 3 : i32
      %add3A_517 = arith.addi %mul3A_384, %add3A_516 : i32
      %get3A_518 = arith.constant 0 : i32
      %get3A_519 = arith.constant 0 : i32
      %get3A_520 = tpu.memref_slice %arg6[%scan3A_266, %get3A_518, %get3A_519] : memref<4x200x64xf32, #tpu.memory_space<vmem>> -> memref<1x200x64xf32, #tpu.memory_space<vmem>>
      %get3A_521 = tpu.memref_squeeze %get3A_520 : memref<1x200x64xf32, #tpu.memory_space<vmem>> -> memref<200x64xf32, #tpu.memory_space<vmem>>
      %get3A_522 = arith.index_cast %add3A_517 : i32 to index
      %get3A_523 = arith.constant 0 : index
      %get3A_524 = tpu.vector_load %get3A_521[%get3A_522, %get3A_523] {strides = array<i32>} : memref<200x64xf32, #tpu.memory_space<vmem>>, vector<1x16xf32>,
      %get3A_525 = vector.shape_cast %get3A_524 : vector<1x16xf32> to vector<16xf32>
      %add3A_526 = arith.addf %add3A_482, %get3A_525 : vector<16xf32>
      %add3A_527 = arith.constant 3 : i32
      %add3A_528 = arith.addi %mul3A_384, %add3A_527 : i32
      %get3A_529 = arith.constant 0 : i32
      %get3A_530 = arith.constant 0 : i32
      %get3A_531 = tpu.memref_slice %arg6[%scan3A_266, %get3A_529, %get3A_530] : memref<4x200x64xf32, #tpu.memory_space<vmem>> -> memref<1x200x64xf32, #tpu.memory_space<vmem>>
      %get3A_532 = tpu.memref_squeeze %get3A_531 : memref<1x200x64xf32, #tpu.memory_space<vmem>> -> memref<200x64xf32, #tpu.memory_space<vmem>>
      %get3A_533 = arith.index_cast %add3A_528 : i32 to index
      %get3A_534 = arith.constant 16 : index
      %get3A_535 = tpu.vector_load %get3A_532[%get3A_533, %get3A_534] {strides = array<i32>} : memref<200x64xf32, #tpu.memory_space<vmem>>, vector<1x16xf32>,
      %get3A_536 = vector.shape_cast %get3A_535 : vector<1x16xf32> to vector<16xf32>
      %add3A_537 = arith.addf %add3A_493, %get3A_536 : vector<16xf32>
      %add3A_538 = arith.constant 3 : i32
      %add3A_539 = arith.addi %mul3A_384, %add3A_538 : i32
      %get3A_540 = arith.constant 0 : i32
      %get3A_541 = arith.constant 0 : i32
      %get3A_542 = tpu.memref_slice %arg6[%scan3A_266, %get3A_540, %get3A_541] : memref<4x200x64xf32, #tpu.memory_space<vmem>> -> memref<1x200x64xf32, #tpu.memory_space<vmem>>
      %get3A_543 = tpu.memref_squeeze %get3A_542 : memref<1x200x64xf32, #tpu.memory_space<vmem>> -> memref<200x64xf32, #tpu.memory_space<vmem>>
      %get3A_544 = arith.index_cast %add3A_539 : i32 to index
      %get3A_545 = arith.constant 32 : index
      %get3A_546 = tpu.vector_load %get3A_543[%get3A_544, %get3A_545] {strides = array<i32>} : memref<200x64xf32, #tpu.memory_space<vmem>>, vector<1x16xf32>,
      %get3A_547 = vector.shape_cast %get3A_546 : vector<1x16xf32> to vector<16xf32>
      %add3A_548 = arith.addf %add3A_504, %get3A_547 : vector<16xf32>
      %add3A_549 = arith.constant 3 : i32
      %add3A_550 = arith.addi %mul3A_384, %add3A_549 : i32
      %get3A_551 = arith.constant 0 : i32
      %get3A_552 = arith.constant 0 : i32
      %get3A_553 = tpu.memref_slice %arg6[%scan3A_266, %get3A_551, %get3A_552] : memref<4x200x64xf32, #tpu.memory_space<vmem>> -> memref<1x200x64xf32, #tpu.memory_space<vmem>>
      %get3A_554 = tpu.memref_squeeze %get3A_553 : memref<1x200x64xf32, #tpu.memory_space<vmem>> -> memref<200x64xf32, #tpu.memory_space<vmem>>
      %get3A_555 = arith.index_cast %add3A_550 : i32 to index
      %get3A_556 = arith.constant 48 : index
      %get3A_557 = tpu.vector_load %get3A_554[%get3A_555, %get3A_556] {strides = array<i32>} : memref<200x64xf32, #tpu.memory_space<vmem>>, vector<1x16xf32>,
      %get3A_558 = vector.shape_cast %get3A_557 : vector<1x16xf32> to vector<16xf32>
      %add3A_559 = arith.addf %add3A_515, %get3A_558 : vector<16xf32>
      %add3A_560 = arith.constant 4 : i32
      %add3A_561 = arith.addi %mul3A_384, %add3A_560 : i32
      %get3A_562 = arith.constant 0 : i32
      %get3A_563 = arith.constant 0 : i32
      %get3A_564 = tpu.memref_slice %arg6[%scan3A_266, %get3A_562, %get3A_563] : memref<4x200x64xf32, #tpu.memory_space<vmem>> -> memref<1x200x64xf32, #tpu.memory_space<vmem>>
      %get3A_565 = tpu.memref_squeeze %get3A_564 : memref<1x200x64xf32, #tpu.memory_space<vmem>> -> memref<200x64xf32, #tpu.memory_space<vmem>>
      %get3A_566 = arith.index_cast %add3A_561 : i32 to index
      %get3A_567 = arith.constant 0 : index
      %get3A_568 = tpu.vector_load %get3A_565[%get3A_566, %get3A_567] {strides = array<i32>} : memref<200x64xf32, #tpu.memory_space<vmem>>, vector<1x16xf32>,
      %get3A_569 = vector.shape_cast %get3A_568 : vector<1x16xf32> to vector<16xf32>
      %add3A_570 = arith.addf %add3A_526, %get3A_569 : vector<16xf32>
      %add3A_571 = arith.constant 4 : i32
      %add3A_572 = arith.addi %mul3A_384, %add3A_571 : i32
      %get3A_573 = arith.constant 0 : i32
      %get3A_574 = arith.constant 0 : i32
      %get3A_575 = tpu.memref_slice %arg6[%scan3A_266, %get3A_573, %get3A_574] : memref<4x200x64xf32, #tpu.memory_space<vmem>> -> memref<1x200x64xf32, #tpu.memory_space<vmem>>
      %get3A_576 = tpu.memref_squeeze %get3A_575 : memref<1x200x64xf32, #tpu.memory_space<vmem>> -> memref<200x64xf32, #tpu.memory_space<vmem>>
      %get3A_577 = arith.index_cast %add3A_572 : i32 to index
      %get3A_578 = arith.constant 16 : index
      %get3A_579 = tpu.vector_load %get3A_576[%get3A_577, %get3A_578] {strides = array<i32>} : memref<200x64xf32, #tpu.memory_space<vmem>>, vector<1x16xf32>,
      %get3A_580 = vector.shape_cast %get3A_579 : vector<1x16xf32> to vector<16xf32>
      %add3A_581 = arith.addf %add3A_537, %get3A_580 : vector<16xf32>
      %add3A_582 = arith.constant 4 : i32
      %add3A_583 = arith.addi %mul3A_384, %add3A_582 : i32
      %get3A_584 = arith.constant 0 : i32
      %get3A_585 = arith.constant 0 : i32
      %get3A_586 = tpu.memref_slice %arg6[%scan3A_266, %get3A_584, %get3A_585] : memref<4x200x64xf32, #tpu.memory_space<vmem>> -> memref<1x200x64xf32, #tpu.memory_space<vmem>>
      %get3A_587 = tpu.memref_squeeze %get3A_586 : memref<1x200x64xf32, #tpu.memory_space<vmem>> -> memref<200x64xf32, #tpu.memory_space<vmem>>
      %get3A_588 = arith.index_cast %add3A_583 : i32 to index
      %get3A_589 = arith.constant 32 : index
      %get3A_590 = tpu.vector_load %get3A_587[%get3A_588, %get3A_589] {strides = array<i32>} : memref<200x64xf32, #tpu.memory_space<vmem>>, vector<1x16xf32>,
      %get3A_591 = vector.shape_cast %get3A_590 : vector<1x16xf32> to vector<16xf32>
      %add3A_592 = arith.addf %add3A_548, %get3A_591 : vector<16xf32>
      %add3A_593 = arith.constant 4 : i32
      %add3A_594 = arith.addi %mul3A_384, %add3A_593 : i32
      %get3A_595 = arith.constant 0 : i32
      %get3A_596 = arith.constant 0 : i32
      %get3A_597 = tpu.memref_slice %arg6[%scan3A_266, %get3A_595, %get3A_596] : memref<4x200x64xf32, #tpu.memory_space<vmem>> -> memref<1x200x64xf32, #tpu.memory_space<vmem>>
      %get3A_598 = tpu.memref_squeeze %get3A_597 : memref<1x200x64xf32, #tpu.memory_space<vmem>> -> memref<200x64xf32, #tpu.memory_space<vmem>>
      %get3A_599 = arith.index_cast %add3A_594 : i32 to index
      %get3A_600 = arith.constant 48 : index
      %get3A_601 = tpu.vector_load %get3A_598[%get3A_599, %get3A_600] {strides = array<i32>} : memref<200x64xf32, #tpu.memory_space<vmem>>, vector<1x16xf32>,
      %get3A_602 = vector.shape_cast %get3A_601 : vector<1x16xf32> to vector<16xf32>
      %add3A_603 = arith.addf %add3A_559, %get3A_602 : vector<16xf32>
      %add3A_604 = arith.constant 5 : i32
      %add3A_605 = arith.addi %mul3A_384, %add3A_604 : i32
      %get3A_606 = arith.constant 0 : i32
      %get3A_607 = arith.constant 0 : i32
      %get3A_608 = tpu.memref_slice %arg6[%scan3A_266, %get3A_606, %get3A_607] : memref<4x200x64xf32, #tpu.memory_space<vmem>> -> memref<1x200x64xf32, #tpu.memory_space<vmem>>
      %get3A_609 = tpu.memref_squeeze %get3A_608 : memref<1x200x64xf32, #tpu.memory_space<vmem>> -> memref<200x64xf32, #tpu.memory_space<vmem>>
      %get3A_610 = arith.index_cast %add3A_605 : i32 to index
      %get3A_611 = arith.constant 0 : index
      %get3A_612 = tpu.vector_load %get3A_609[%get3A_610, %get3A_611] {strides = array<i32>} : memref<200x64xf32, #tpu.memory_space<vmem>>, vector<1x16xf32>,
      %get3A_613 = vector.shape_cast %get3A_612 : vector<1x16xf32> to vector<16xf32>
      %add3A_614 = arith.addf %add3A_570, %get3A_613 : vector<16xf32>
      %add3A_615 = arith.constant 5 : i32
      %add3A_616 = arith.addi %mul3A_384, %add3A_615 : i32
      %get3A_617 = arith.constant 0 : i32
      %get3A_618 = arith.constant 0 : i32
      %get3A_619 = tpu.memref_slice %arg6[%scan3A_266, %get3A_617, %get3A_618] : memref<4x200x64xf32, #tpu.memory_space<vmem>> -> memref<1x200x64xf32, #tpu.memory_space<vmem>>
      %get3A_620 = tpu.memref_squeeze %get3A_619 : memref<1x200x64xf32, #tpu.memory_space<vmem>> -> memref<200x64xf32, #tpu.memory_space<vmem>>
      %get3A_621 = arith.index_cast %add3A_616 : i32 to index
      %get3A_622 = arith.constant 16 : index
      %get3A_623 = tpu.vector_load %get3A_620[%get3A_621, %get3A_622] {strides = array<i32>} : memref<200x64xf32, #tpu.memory_space<vmem>>, vector<1x16xf32>,
      %get3A_624 = vector.shape_cast %get3A_623 : vector<1x16xf32> to vector<16xf32>
      %add3A_625 = arith.addf %add3A_581, %get3A_624 : vector<16xf32>
      %add3A_626 = arith.constant 5 : i32
      %add3A_627 = arith.addi %mul3A_384, %add3A_626 : i32
      %get3A_628 = arith.constant 0 : i32
      %get3A_629 = arith.constant 0 : i32
      %get3A_630 = tpu.memref_slice %arg6[%scan3A_266, %get3A_628, %get3A_629] : memref<4x200x64xf32, #tpu.memory_space<vmem>> -> memref<1x200x64xf32, #tpu.memory_space<vmem>>
      %get3A_631 = tpu.memref_squeeze %get3A_630 : memref<1x200x64xf32, #tpu.memory_space<vmem>> -> memref<200x64xf32, #tpu.memory_space<vmem>>
      %get3A_632 = arith.index_cast %add3A_627 : i32 to index
      %get3A_633 = arith.constant 32 : index
      %get3A_634 = tpu.vector_load %get3A_631[%get3A_632, %get3A_633] {strides = array<i32>} : memref<200x64xf32, #tpu.memory_space<vmem>>, vector<1x16xf32>,
      %get3A_635 = vector.shape_cast %get3A_634 : vector<1x16xf32> to vector<16xf32>
      %add3A_636 = arith.addf %add3A_592, %get3A_635 : vector<16xf32>
      %add3A_637 = arith.constant 5 : i32
      %add3A_638 = arith.addi %mul3A_384, %add3A_637 : i32
      %get3A_639 = arith.constant 0 : i32
      %get3A_640 = arith.constant 0 : i32
      %get3A_641 = tpu.memref_slice %arg6[%scan3A_266, %get3A_639, %get3A_640] : memref<4x200x64xf32, #tpu.memory_space<vmem>> -> memref<1x200x64xf32, #tpu.memory_space<vmem>>
      %get3A_642 = tpu.memref_squeeze %get3A_641 : memref<1x200x64xf32, #tpu.memory_space<vmem>> -> memref<200x64xf32, #tpu.memory_space<vmem>>
      %get3A_643 = arith.index_cast %add3A_638 : i32 to index
      %get3A_644 = arith.constant 48 : index
      %get3A_645 = tpu.vector_load %get3A_642[%get3A_643, %get3A_644] {strides = array<i32>} : memref<200x64xf32, #tpu.memory_space<vmem>>, vector<1x16xf32>,
      %get3A_646 = vector.shape_cast %get3A_645 : vector<1x16xf32> to vector<16xf32>
      %add3A_647 = arith.addf %add3A_603, %get3A_646 : vector<16xf32>
      %add3A_648 = arith.constant 6 : i32
      %add3A_649 = arith.addi %mul3A_384, %add3A_648 : i32
      %get3A_650 = arith.constant 0 : i32
      %get3A_651 = arith.constant 0 : i32
      %get3A_652 = tpu.memref_slice %arg6[%scan3A_266, %get3A_650, %get3A_651] : memref<4x200x64xf32, #tpu.memory_space<vmem>> -> memref<1x200x64xf32, #tpu.memory_space<vmem>>
      %get3A_653 = tpu.memref_squeeze %get3A_652 : memref<1x200x64xf32, #tpu.memory_space<vmem>> -> memref<200x64xf32, #tpu.memory_space<vmem>>
      %get3A_654 = arith.index_cast %add3A_649 : i32 to index
      %get3A_655 = arith.constant 0 : index
      %get3A_656 = tpu.vector_load %get3A_653[%get3A_654, %get3A_655] {strides = array<i32>} : memref<200x64xf32, #tpu.memory_space<vmem>>, vector<1x16xf32>,
      %get3A_657 = vector.shape_cast %get3A_656 : vector<1x16xf32> to vector<16xf32>
      %add3A_658 = arith.addf %add3A_614, %get3A_657 : vector<16xf32>
      %add3A_659 = arith.constant 6 : i32
      %add3A_660 = arith.addi %mul3A_384, %add3A_659 : i32
      %get3A_661 = arith.constant 0 : i32
      %get3A_662 = arith.constant 0 : i32
      %get3A_663 = tpu.memref_slice %arg6[%scan3A_266, %get3A_661, %get3A_662] : memref<4x200x64xf32, #tpu.memory_space<vmem>> -> memref<1x200x64xf32, #tpu.memory_space<vmem>>
      %get3A_664 = tpu.memref_squeeze %get3A_663 : memref<1x200x64xf32, #tpu.memory_space<vmem>> -> memref<200x64xf32, #tpu.memory_space<vmem>>
      %get3A_665 = arith.index_cast %add3A_660 : i32 to index
      %get3A_666 = arith.constant 16 : index
      %get3A_667 = tpu.vector_load %get3A_664[%get3A_665, %get3A_666] {strides = array<i32>} : memref<200x64xf32, #tpu.memory_space<vmem>>, vector<1x16xf32>,
      %get3A_668 = vector.shape_cast %get3A_667 : vector<1x16xf32> to vector<16xf32>
      %add3A_669 = arith.addf %add3A_625, %get3A_668 : vector<16xf32>
      %add3A_670 = arith.constant 6 : i32
      %add3A_671 = arith.addi %mul3A_384, %add3A_670 : i32
      %get3A_672 = arith.constant 0 : i32
      %get3A_673 = arith.constant 0 : i32
      %get3A_674 = tpu.memref_slice %arg6[%scan3A_266, %get3A_672, %get3A_673] : memref<4x200x64xf32, #tpu.memory_space<vmem>> -> memref<1x200x64xf32, #tpu.memory_space<vmem>>
      %get3A_675 = tpu.memref_squeeze %get3A_674 : memref<1x200x64xf32, #tpu.memory_space<vmem>> -> memref<200x64xf32, #tpu.memory_space<vmem>>
      %get3A_676 = arith.index_cast %add3A_671 : i32 to index
      %get3A_677 = arith.constant 32 : index
      %get3A_678 = tpu.vector_load %get3A_675[%get3A_676, %get3A_677] {strides = array<i32>} : memref<200x64xf32, #tpu.memory_space<vmem>>, vector<1x16xf32>,
      %get3A_679 = vector.shape_cast %get3A_678 : vector<1x16xf32> to vector<16xf32>
      %add3A_680 = arith.addf %add3A_636, %get3A_679 : vector<16xf32>
      %add3A_681 = arith.constant 6 : i32
      %add3A_682 = arith.addi %mul3A_384, %add3A_681 : i32
      %get3A_683 = arith.constant 0 : i32
      %get3A_684 = arith.constant 0 : i32
      %get3A_685 = tpu.memref_slice %arg6[%scan3A_266, %get3A_683, %get3A_684] : memref<4x200x64xf32, #tpu.memory_space<vmem>> -> memref<1x200x64xf32, #tpu.memory_space<vmem>>
      %get3A_686 = tpu.memref_squeeze %get3A_685 : memref<1x200x64xf32, #tpu.memory_space<vmem>> -> memref<200x64xf32, #tpu.memory_space<vmem>>
      %get3A_687 = arith.index_cast %add3A_682 : i32 to index
      %get3A_688 = arith.constant 48 : index
      %get3A_689 = tpu.vector_load %get3A_686[%get3A_687, %get3A_688] {strides = array<i32>} : memref<200x64xf32, #tpu.memory_space<vmem>>, vector<1x16xf32>,
      %get3A_690 = vector.shape_cast %get3A_689 : vector<1x16xf32> to vector<16xf32>
      %add3A_691 = arith.addf %add3A_647, %get3A_690 : vector<16xf32>
      %add3A_692 = arith.constant 7 : i32
      %add3A_693 = arith.addi %mul3A_384, %add3A_692 : i32
      %get3A_694 = arith.constant 0 : i32
      %get3A_695 = arith.constant 0 : i32
      %get3A_696 = tpu.memref_slice %arg6[%scan3A_266, %get3A_694, %get3A_695] : memref<4x200x64xf32, #tpu.memory_space<vmem>> -> memref<1x200x64xf32, #tpu.memory_space<vmem>>
      %get3A_697 = tpu.memref_squeeze %get3A_696 : memref<1x200x64xf32, #tpu.memory_space<vmem>> -> memref<200x64xf32, #tpu.memory_space<vmem>>
      %get3A_698 = arith.index_cast %add3A_693 : i32 to index
      %get3A_699 = arith.constant 0 : index
      %get3A_700 = tpu.vector_load %get3A_697[%get3A_698, %get3A_699] {strides = array<i32>} : memref<200x64xf32, #tpu.memory_space<vmem>>, vector<1x16xf32>,
      %get3A_701 = vector.shape_cast %get3A_700 : vector<1x16xf32> to vector<16xf32>
      %add3A_702 = arith.addf %add3A_658, %get3A_701 : vector<16xf32>
      %add3A_703 = arith.constant 7 : i32
      %add3A_704 = arith.addi %mul3A_384, %add3A_703 : i32
      %get3A_705 = arith.constant 0 : i32
      %get3A_706 = arith.constant 0 : i32
      %get3A_707 = tpu.memref_slice %arg6[%scan3A_266, %get3A_705, %get3A_706] : memref<4x200x64xf32, #tpu.memory_space<vmem>> -> memref<1x200x64xf32, #tpu.memory_space<vmem>>
      %get3A_708 = tpu.memref_squeeze %get3A_707 : memref<1x200x64xf32, #tpu.memory_space<vmem>> -> memref<200x64xf32, #tpu.memory_space<vmem>>
      %get3A_709 = arith.index_cast %add3A_704 : i32 to index
      %get3A_710 = arith.constant 16 : index
      %get3A_711 = tpu.vector_load %get3A_708[%get3A_709, %get3A_710] {strides = array<i32>} : memref<200x64xf32, #tpu.memory_space<vmem>>, vector<1x16xf32>,
      %get3A_712 = vector.shape_cast %get3A_711 : vector<1x16xf32> to vector<16xf32>
      %add3A_713 = arith.addf %add3A_669, %get3A_712 : vector<16xf32>
      %add3A_714 = arith.constant 7 : i32
      %add3A_715 = arith.addi %mul3A_384, %add3A_714 : i32
      %get3A_716 = arith.constant 0 : i32
      %get3A_717 = arith.constant 0 : i32
      %get3A_718 = tpu.memref_slice %arg6[%scan3A_266, %get3A_716, %get3A_717] : memref<4x200x64xf32, #tpu.memory_space<vmem>> -> memref<1x200x64xf32, #tpu.memory_space<vmem>>
      %get3A_719 = tpu.memref_squeeze %get3A_718 : memref<1x200x64xf32, #tpu.memory_space<vmem>> -> memref<200x64xf32, #tpu.memory_space<vmem>>
      %get3A_720 = arith.index_cast %add3A_715 : i32 to index
      %get3A_721 = arith.constant 32 : index
      %get3A_722 = tpu.vector_load %get3A_719[%get3A_720, %get3A_721] {strides = array<i32>} : memref<200x64xf32, #tpu.memory_space<vmem>>, vector<1x16xf32>,
      %get3A_723 = vector.shape_cast %get3A_722 : vector<1x16xf32> to vector<16xf32>
      %add3A_724 = arith.addf %add3A_680, %get3A_723 : vector<16xf32>
      %add3A_725 = arith.constant 7 : i32
      %add3A_726 = arith.addi %mul3A_384, %add3A_725 : i32
      %get3A_727 = arith.constant 0 : i32
      %get3A_728 = arith.constant 0 : i32
      %get3A_729 = tpu.memref_slice %arg6[%scan3A_266, %get3A_727, %get3A_728] : memref<4x200x64xf32, #tpu.memory_space<vmem>> -> memref<1x200x64xf32, #tpu.memory_space<vmem>>
      %get3A_730 = tpu.memref_squeeze %get3A_729 : memref<1x200x64xf32, #tpu.memory_space<vmem>> -> memref<200x64xf32, #tpu.memory_space<vmem>>
      %get3A_731 = arith.index_cast %add3A_726 : i32 to index
      %get3A_732 = arith.constant 48 : index
      %get3A_733 = tpu.vector_load %get3A_730[%get3A_731, %get3A_732] {strides = array<i32>} : memref<200x64xf32, #tpu.memory_space<vmem>>, vector<1x16xf32>,
      %get3A_734 = vector.shape_cast %get3A_733 : vector<1x16xf32> to vector<16xf32>
      %add3A_735 = arith.addf %add3A_691, %get3A_734 : vector<16xf32>
      scf.yield %add3A_702, %add3A_713, %add3A_724, %add3A_735 : vector<16xf32>, vector<16xf32>, vector<16xf32>, vector<16xf32>
    }
    %scan3A_272 = arith.constant 25 : i32
    %mul3A_273 = arith.constant 5.000000e-03 : f32
    %mul3A_274 = vector.broadcast %mul3A_273 : f32 to vector<16xf32>
    %mul3A_275 = arith.mulf %scan3A_271#0, %mul3A_274 : vector<16xf32>
    %swap3A_276 = arith.constant 126 : i32
    %swap3A_277 = arith.index_cast %swap3A_276 : i32 to index
    %swap3A_278 = arith.constant 0 : index
    %swap3A_279 = tpu.vector_load %arg7[%swap3A_277, %swap3A_278] {strides = array<i32>} : memref<128x64xf32, #tpu.memory_space<vmem>>, vector<1x16xf32>,
    %swap3A_280 = vector.shape_cast %swap3A_279 : vector<1x16xf32> to vector<16xf32>
    %swap3A_281 = vector.shape_cast %mul3A_275 : vector<16xf32> to vector<1x16xf32>
    tpu.vector_store %arg7[%swap3A_277, %swap3A_278], %swap3A_281 {strides = array<i32>} : memref<128x64xf32, #tpu.memory_space<vmem>>, vector<1x16xf32>,
    %mul3A_282 = arith.constant 5.000000e-03 : f32
    %mul3A_283 = vector.broadcast %mul3A_282 : f32 to vector<16xf32>
    %mul3A_284 = arith.mulf %scan3A_271#1, %mul3A_283 : vector<16xf32>
    %swap3A_285 = arith.constant 126 : i32
    %swap3A_286 = arith.index_cast %swap3A_285 : i32 to index
    %swap3A_287 = arith.constant 16 : index
    %swap3A_288 = tpu.vector_load %arg7[%swap3A_286, %swap3A_287] {strides = array<i32>} : memref<128x64xf32, #tpu.memory_space<vmem>>, vector<1x16xf32>,
    %swap3A_289 = vector.shape_cast %swap3A_288 : vector<1x16xf32> to vector<16xf32>
    %swap3A_290 = vector.shape_cast %mul3A_284 : vector<16xf32> to vector<1x16xf32>
    tpu.vector_store %arg7[%swap3A_286, %swap3A_287], %swap3A_290 {strides = array<i32>} : memref<128x64xf32, #tpu.memory_space<vmem>>, vector<1x16xf32>,
    %mul3A_291 = arith.constant 5.000000e-03 : f32
    %mul3A_292 = vector.broadcast %mul3A_291 : f32 to vector<16xf32>
    %mul3A_293 = arith.mulf %scan3A_271#2, %mul3A_292 : vector<16xf32>
    %swap3A_294 = arith.constant 126 : i32
    %swap3A_295 = arith.index_cast %swap3A_294 : i32 to index
    %swap3A_296 = arith.constant 32 : index
    %swap3A_297 = tpu.vector_load %arg7[%swap3A_295, %swap3A_296] {strides = array<i32>} : memref<128x64xf32, #tpu.memory_space<vmem>>, vector<1x16xf32>,
    %swap3A_298 = vector.shape_cast %swap3A_297 : vector<1x16xf32> to vector<16xf32>
    %swap3A_299 = vector.shape_cast %mul3A_293 : vector<16xf32> to vector<1x16xf32>
    tpu.vector_store %arg7[%swap3A_295, %swap3A_296], %swap3A_299 {strides = array<i32>} : memref<128x64xf32, #tpu.memory_space<vmem>>, vector<1x16xf32>,
    %mul3A_300 = arith.constant 5.000000e-03 : f32
    %mul3A_301 = vector.broadcast %mul3A_300 : f32 to vector<16xf32>
    %mul3A_302 = arith.mulf %scan3A_271#3, %mul3A_301 : vector<16xf32>
    %swap3A_303 = arith.constant 126 : i32
    %swap3A_304 = arith.index_cast %swap3A_303 : i32 to index
    %swap3A_305 = arith.constant 48 : index
    %swap3A_306 = tpu.vector_load %arg7[%swap3A_304, %swap3A_305] {strides = array<i32>} : memref<128x64xf32, #tpu.memory_space<vmem>>, vector<1x16xf32>,
    %swap3A_307 = vector.shape_cast %swap3A_306 : vector<1x16xf32> to vector<16xf32>
    %swap3A_308 = vector.shape_cast %mul3A_302 : vector<16xf32> to vector<1x16xf32>
    tpu.vector_store %arg7[%swap3A_304, %swap3A_305], %swap3A_308 {strides = array<i32>} : memref<128x64xf32, #tpu.memory_space<vmem>>, vector<1x16xf32>,
    %dma_wait3A_309 = arith.constant 0 : i32
    %dma_wait3A_310 = arith.constant 3 : i32
    %dma_wait3A_311 = arith.constant 0 : i32
    %dma_wait3A_312 = arith.constant 0 : i32
    %dma_wait3A_313 = tpu.memref_slice %arg6[%dma_wait3A_310, %dma_wait3A_311, %dma_wait3A_312] : memref<4x200x64xf32, #tpu.memory_space<vmem>> -> memref<1x128x64xf32, #tpu.memory_space<vmem>>
    %dma_wait3A_314 = tpu.memref_squeeze %dma_wait3A_313 : memref<1x128x64xf32, #tpu.memory_space<vmem>> -> memref<128x64xf32, #tpu.memory_space<vmem>>
    %dma_wait3A_315 = arith.constant 0 : i32
    %dma_wait3A_316 = tpu.memref_slice %arg5[%dma_wait3A_309, %dma_wait3A_315] : memref<128x200xi32, #tpu.memory_space<vmem>> -> memref<1x128xi32, #tpu.memory_space<vmem>>
    %dma_wait3A_317 = tpu.memref_squeeze %dma_wait3A_316 : memref<1x128xi32, #tpu.memory_space<vmem>> -> memref<128xi32, #tpu.memory_space<vmem>>
    %dma_wait3A_318 = arith.constant 0 : i32
    %dma_wait3A_319 = arith.constant 0 : i32
    %dma_wait3A_320 = tpu.memref_slice %arg3[%dma_wait3A_318, %dma_wait3A_319] : memref<1000000x64xf32, #tpu.memory_space<hbm>> -> memref<1000000x64xf32, #tpu.memory_space<hbm>>
    tpu.wait_indirect_dma semaphore(%arg11 : memref<!tpu.dma_semaphore, #tpu.memory_space<semaphore_mem>>) src(%dma_wait3A_320 : memref<1000000x64xf32, #tpu.memory_space<hbm>>) dst(%dma_wait3A_314 : memref<128x64xf32, #tpu.memory_space<vmem>>)
    %dma_wait3A_321 = arith.constant 0 : i32
    %dma_wait3A_322 = arith.constant 3 : i32
    %dma_wait3A_323 = arith.constant 128 : i32
    %dma_wait3A_324 = arith.constant 0 : i32
    %dma_wait3A_325 = tpu.memref_slice %arg6[%dma_wait3A_322, %dma_wait3A_323, %dma_wait3A_324] : memref<4x200x64xf32, #tpu.memory_space<vmem>> -> memref<1x72x64xf32, #tpu.memory_space<vmem>>
    %dma_wait3A_326 = tpu.memref_squeeze %dma_wait3A_325 : memref<1x72x64xf32, #tpu.memory_space<vmem>> -> memref<72x64xf32, #tpu.memory_space<vmem>>
    %dma_wait3A_327 = arith.constant 128 : i32
    %dma_wait3A_328 = tpu.memref_slice %arg5[%dma_wait3A_321, %dma_wait3A_327] : memref<128x200xi32, #tpu.memory_space<vmem>> -> memref<1x72xi32, #tpu.memory_space<vmem>>
    %dma_wait3A_329 = tpu.memref_squeeze %dma_wait3A_328 : memref<1x72xi32, #tpu.memory_space<vmem>> -> memref<72xi32, #tpu.memory_space<vmem>>
    %dma_wait3A_330 = arith.constant 0 : i32
    %dma_wait3A_331 = arith.constant 0 : i32
    %dma_wait3A_332 = tpu.memref_slice %arg3[%dma_wait3A_330, %dma_wait3A_331] : memref<1000000x64xf32, #tpu.memory_space<hbm>> -> memref<1000000x64xf32, #tpu.memory_space<hbm>>
    tpu.wait_indirect_dma semaphore(%arg11 : memref<!tpu.dma_semaphore, #tpu.memory_space<semaphore_mem>>) src(%dma_wait3A_332 : memref<1000000x64xf32, #tpu.memory_space<hbm>>) dst(%dma_wait3A_326 : memref<72x64xf32, #tpu.memory_space<vmem>>)
    %broadcast_in_dim3A_333 = arith.constant 0.000000e+00 : f32
    %broadcast_in_dim3A_334 = vector.broadcast %broadcast_in_dim3A_333 : f32 to vector<16xf32>
    %scan3A_335 = arith.constant 3 : i32
    %scan3A_336 = arith.constant 0 : i32
    %scan3A_337 = arith.constant 25 : i32
    %scan3A_338 = arith.addi %scan3A_336, %scan3A_337 : i32
    %scan3A_339 = arith.constant 1 : i32
    %scan3A_340:4 = scf.for %scan3A_378 = %scan3A_336 to %scan3A_338 step %scan3A_339 iter_args(%scan3A_379 = %broadcast_in_dim3A_334, %scan3A_380 = %broadcast_in_dim3A_334, %scan3A_381 = %broadcast_in_dim3A_334, %scan3A_382 = %broadcast_in_dim3A_334) -> (vector<16xf32>, vector<16xf32>, vector<16xf32>, vector<16xf32>)  : i32 {
      %mul3A_383 = arith.constant 8 : i32
      %mul3A_384 = arith.muli %scan3A_378, %mul3A_383 : i32
      %add3A_385 = arith.constant 0 : i32
      %add3A_386 = arith.addi %mul3A_384, %add3A_385 : i32
      %get3A = arith.constant 0 : i32
      %get3A_387 = arith.constant 0 : i32
      %get3A_388 = tpu.memref_slice %arg6[%scan3A_335, %get3A, %get3A_387] : memref<4x200x64xf32, #tpu.memory_space<vmem>> -> memref<1x200x64xf32, #tpu.memory_space<vmem>>
      %get3A_389 = tpu.memref_squeeze %get3A_388 : memref<1x200x64xf32, #tpu.memory_space<vmem>> -> memref<200x64xf32, #tpu.memory_space<vmem>>
      %get3A_390 = arith.index_cast %add3A_386 : i32 to index
      %get3A_391 = arith.constant 0 : index
      %get3A_392 = tpu.vector_load %get3A_389[%get3A_390, %get3A_391] {strides = array<i32>} : memref<200x64xf32, #tpu.memory_space<vmem>>, vector<1x16xf32>,
      %get3A_393 = vector.shape_cast %get3A_392 : vector<1x16xf32> to vector<16xf32>
      %add3A_394 = arith.addf %scan3A_379, %get3A_393 : vector<16xf32>
      %add3A_395 = arith.constant 0 : i32
      %add3A_396 = arith.addi %mul3A_384, %add3A_395 : i32
      %get3A_397 = arith.constant 0 : i32
      %get3A_398 = arith.constant 0 : i32
      %get3A_399 = tpu.memref_slice %arg6[%scan3A_335, %get3A_397, %get3A_398] : memref<4x200x64xf32, #tpu.memory_space<vmem>> -> memref<1x200x64xf32, #tpu.memory_space<vmem>>
      %get3A_400 = tpu.memref_squeeze %get3A_399 : memref<1x200x64xf32, #tpu.memory_space<vmem>> -> memref<200x64xf32, #tpu.memory_space<vmem>>
      %get3A_401 = arith.index_cast %add3A_396 : i32 to index
      %get3A_402 = arith.constant 16 : index
      %get3A_403 = tpu.vector_load %get3A_400[%get3A_401, %get3A_402] {strides = array<i32>} : memref<200x64xf32, #tpu.memory_space<vmem>>, vector<1x16xf32>,
      %get3A_404 = vector.shape_cast %get3A_403 : vector<1x16xf32> to vector<16xf32>
      %add3A_405 = arith.addf %scan3A_380, %get3A_404 : vector<16xf32>
      %add3A_406 = arith.constant 0 : i32
      %add3A_407 = arith.addi %mul3A_384, %add3A_406 : i32
      %get3A_408 = arith.constant 0 : i32
      %get3A_409 = arith.constant 0 : i32
      %get3A_410 = tpu.memref_slice %arg6[%scan3A_335, %get3A_408, %get3A_409] : memref<4x200x64xf32, #tpu.memory_space<vmem>> -> memref<1x200x64xf32, #tpu.memory_space<vmem>>
      %get3A_411 = tpu.memref_squeeze %get3A_410 : memref<1x200x64xf32, #tpu.memory_space<vmem>> -> memref<200x64xf32, #tpu.memory_space<vmem>>
      %get3A_412 = arith.index_cast %add3A_407 : i32 to index
      %get3A_413 = arith.constant 32 : index
      %get3A_414 = tpu.vector_load %get3A_411[%get3A_412, %get3A_413] {strides = array<i32>} : memref<200x64xf32, #tpu.memory_space<vmem>>, vector<1x16xf32>,
      %get3A_415 = vector.shape_cast %get3A_414 : vector<1x16xf32> to vector<16xf32>
      %add3A_416 = arith.addf %scan3A_381, %get3A_415 : vector<16xf32>
      %add3A_417 = arith.constant 0 : i32
      %add3A_418 = arith.addi %mul3A_384, %add3A_417 : i32
      %get3A_419 = arith.constant 0 : i32
      %get3A_420 = arith.constant 0 : i32
      %get3A_421 = tpu.memref_slice %arg6[%scan3A_335, %get3A_419, %get3A_420] : memref<4x200x64xf32, #tpu.memory_space<vmem>> -> memref<1x200x64xf32, #tpu.memory_space<vmem>>
      %get3A_422 = tpu.memref_squeeze %get3A_421 : memref<1x200x64xf32, #tpu.memory_space<vmem>> -> memref<200x64xf32, #tpu.memory_space<vmem>>
      %get3A_423 = arith.index_cast %add3A_418 : i32 to index
      %get3A_424 = arith.constant 48 : index
      %get3A_425 = tpu.vector_load %get3A_422[%get3A_423, %get3A_424] {strides = array<i32>} : memref<200x64xf32, #tpu.memory_space<vmem>>, vector<1x16xf32>,
      %get3A_426 = vector.shape_cast %get3A_425 : vector<1x16xf32> to vector<16xf32>
      %add3A_427 = arith.addf %scan3A_382, %get3A_426 : vector<16xf32>
      %add3A_428 = arith.constant 1 : i32
      %add3A_429 = arith.addi %mul3A_384, %add3A_428 : i32
      %get3A_430 = arith.constant 0 : i32
      %get3A_431 = arith.constant 0 : i32
      %get3A_432 = tpu.memref_slice %arg6[%scan3A_335, %get3A_430, %get3A_431] : memref<4x200x64xf32, #tpu.memory_space<vmem>> -> memref<1x200x64xf32, #tpu.memory_space<vmem>>
      %get3A_433 = tpu.memref_squeeze %get3A_432 : memref<1x200x64xf32, #tpu.memory_space<vmem>> -> memref<200x64xf32, #tpu.memory_space<vmem>>
      %get3A_434 = arith.index_cast %add3A_429 : i32 to index
      %get3A_435 = arith.constant 0 : index
      %get3A_436 = tpu.vector_load %get3A_433[%get3A_434, %get3A_435] {strides = array<i32>} : memref<200x64xf32, #tpu.memory_space<vmem>>, vector<1x16xf32>,
      %get3A_437 = vector.shape_cast %get3A_436 : vector<1x16xf32> to vector<16xf32>
      %add3A_438 = arith.addf %add3A_394, %get3A_437 : vector<16xf32>
      %add3A_439 = arith.constant 1 : i32
      %add3A_440 = arith.addi %mul3A_384, %add3A_439 : i32
      %get3A_441 = arith.constant 0 : i32
      %get3A_442 = arith.constant 0 : i32
      %get3A_443 = tpu.memref_slice %arg6[%scan3A_335, %get3A_441, %get3A_442] : memref<4x200x64xf32, #tpu.memory_space<vmem>> -> memref<1x200x64xf32, #tpu.memory_space<vmem>>
      %get3A_444 = tpu.memref_squeeze %get3A_443 : memref<1x200x64xf32, #tpu.memory_space<vmem>> -> memref<200x64xf32, #tpu.memory_space<vmem>>
      %get3A_445 = arith.index_cast %add3A_440 : i32 to index
      %get3A_446 = arith.constant 16 : index
      %get3A_447 = tpu.vector_load %get3A_444[%get3A_445, %get3A_446] {strides = array<i32>} : memref<200x64xf32, #tpu.memory_space<vmem>>, vector<1x16xf32>,
      %get3A_448 = vector.shape_cast %get3A_447 : vector<1x16xf32> to vector<16xf32>
      %add3A_449 = arith.addf %add3A_405, %get3A_448 : vector<16xf32>
      %add3A_450 = arith.constant 1 : i32
      %add3A_451 = arith.addi %mul3A_384, %add3A_450 : i32
      %get3A_452 = arith.constant 0 : i32
      %get3A_453 = arith.constant 0 : i32
      %get3A_454 = tpu.memref_slice %arg6[%scan3A_335, %get3A_452, %get3A_453] : memref<4x200x64xf32, #tpu.memory_space<vmem>> -> memref<1x200x64xf32, #tpu.memory_space<vmem>>
      %get3A_455 = tpu.memref_squeeze %get3A_454 : memref<1x200x64xf32, #tpu.memory_space<vmem>> -> memref<200x64xf32, #tpu.memory_space<vmem>>
      %get3A_456 = arith.index_cast %add3A_451 : i32 to index
      %get3A_457 = arith.constant 32 : index
      %get3A_458 = tpu.vector_load %get3A_455[%get3A_456, %get3A_457] {strides = array<i32>} : memref<200x64xf32, #tpu.memory_space<vmem>>, vector<1x16xf32>,
      %get3A_459 = vector.shape_cast %get3A_458 : vector<1x16xf32> to vector<16xf32>
      %add3A_460 = arith.addf %add3A_416, %get3A_459 : vector<16xf32>
      %add3A_461 = arith.constant 1 : i32
      %add3A_462 = arith.addi %mul3A_384, %add3A_461 : i32
      %get3A_463 = arith.constant 0 : i32
      %get3A_464 = arith.constant 0 : i32
      %get3A_465 = tpu.memref_slice %arg6[%scan3A_335, %get3A_463, %get3A_464] : memref<4x200x64xf32, #tpu.memory_space<vmem>> -> memref<1x200x64xf32, #tpu.memory_space<vmem>>
      %get3A_466 = tpu.memref_squeeze %get3A_465 : memref<1x200x64xf32, #tpu.memory_space<vmem>> -> memref<200x64xf32, #tpu.memory_space<vmem>>
      %get3A_467 = arith.index_cast %add3A_462 : i32 to index
      %get3A_468 = arith.constant 48 : index
      %get3A_469 = tpu.vector_load %get3A_466[%get3A_467, %get3A_468] {strides = array<i32>} : memref<200x64xf32, #tpu.memory_space<vmem>>, vector<1x16xf32>,
      %get3A_470 = vector.shape_cast %get3A_469 : vector<1x16xf32> to vector<16xf32>
      %add3A_471 = arith.addf %add3A_427, %get3A_470 : vector<16xf32>
      %add3A_472 = arith.constant 2 : i32
      %add3A_473 = arith.addi %mul3A_384, %add3A_472 : i32
      %get3A_474 = arith.constant 0 : i32
      %get3A_475 = arith.constant 0 : i32
      %get3A_476 = tpu.memref_slice %arg6[%scan3A_335, %get3A_474, %get3A_475] : memref<4x200x64xf32, #tpu.memory_space<vmem>> -> memref<1x200x64xf32, #tpu.memory_space<vmem>>
      %get3A_477 = tpu.memref_squeeze %get3A_476 : memref<1x200x64xf32, #tpu.memory_space<vmem>> -> memref<200x64xf32, #tpu.memory_space<vmem>>
      %get3A_478 = arith.index_cast %add3A_473 : i32 to index
      %get3A_479 = arith.constant 0 : index
      %get3A_480 = tpu.vector_load %get3A_477[%get3A_478, %get3A_479] {strides = array<i32>} : memref<200x64xf32, #tpu.memory_space<vmem>>, vector<1x16xf32>,
      %get3A_481 = vector.shape_cast %get3A_480 : vector<1x16xf32> to vector<16xf32>
      %add3A_482 = arith.addf %add3A_438, %get3A_481 : vector<16xf32>
      %add3A_483 = arith.constant 2 : i32
      %add3A_484 = arith.addi %mul3A_384, %add3A_483 : i32
      %get3A_485 = arith.constant 0 : i32
      %get3A_486 = arith.constant 0 : i32
      %get3A_487 = tpu.memref_slice %arg6[%scan3A_335, %get3A_485, %get3A_486] : memref<4x200x64xf32, #tpu.memory_space<vmem>> -> memref<1x200x64xf32, #tpu.memory_space<vmem>>
      %get3A_488 = tpu.memref_squeeze %get3A_487 : memref<1x200x64xf32, #tpu.memory_space<vmem>> -> memref<200x64xf32, #tpu.memory_space<vmem>>
      %get3A_489 = arith.index_cast %add3A_484 : i32 to index
      %get3A_490 = arith.constant 16 : index
      %get3A_491 = tpu.vector_load %get3A_488[%get3A_489, %get3A_490] {strides = array<i32>} : memref<200x64xf32, #tpu.memory_space<vmem>>, vector<1x16xf32>,
      %get3A_492 = vector.shape_cast %get3A_491 : vector<1x16xf32> to vector<16xf32>
      %add3A_493 = arith.addf %add3A_449, %get3A_492 : vector<16xf32>
      %add3A_494 = arith.constant 2 : i32
      %add3A_495 = arith.addi %mul3A_384, %add3A_494 : i32
      %get3A_496 = arith.constant 0 : i32
      %get3A_497 = arith.constant 0 : i32
      %get3A_498 = tpu.memref_slice %arg6[%scan3A_335, %get3A_496, %get3A_497] : memref<4x200x64xf32, #tpu.memory_space<vmem>> -> memref<1x200x64xf32, #tpu.memory_space<vmem>>
      %get3A_499 = tpu.memref_squeeze %get3A_498 : memref<1x200x64xf32, #tpu.memory_space<vmem>> -> memref<200x64xf32, #tpu.memory_space<vmem>>
      %get3A_500 = arith.index_cast %add3A_495 : i32 to index
      %get3A_501 = arith.constant 32 : index
      %get3A_502 = tpu.vector_load %get3A_499[%get3A_500, %get3A_501] {strides = array<i32>} : memref<200x64xf32, #tpu.memory_space<vmem>>, vector<1x16xf32>,
      %get3A_503 = vector.shape_cast %get3A_502 : vector<1x16xf32> to vector<16xf32>
      %add3A_504 = arith.addf %add3A_460, %get3A_503 : vector<16xf32>
      %add3A_505 = arith.constant 2 : i32
      %add3A_506 = arith.addi %mul3A_384, %add3A_505 : i32
      %get3A_507 = arith.constant 0 : i32
      %get3A_508 = arith.constant 0 : i32
      %get3A_509 = tpu.memref_slice %arg6[%scan3A_335, %get3A_507, %get3A_508] : memref<4x200x64xf32, #tpu.memory_space<vmem>> -> memref<1x200x64xf32, #tpu.memory_space<vmem>>
      %get3A_510 = tpu.memref_squeeze %get3A_509 : memref<1x200x64xf32, #tpu.memory_space<vmem>> -> memref<200x64xf32, #tpu.memory_space<vmem>>
      %get3A_511 = arith.index_cast %add3A_506 : i32 to index
      %get3A_512 = arith.constant 48 : index
      %get3A_513 = tpu.vector_load %get3A_510[%get3A_511, %get3A_512] {strides = array<i32>} : memref<200x64xf32, #tpu.memory_space<vmem>>, vector<1x16xf32>,
      %get3A_514 = vector.shape_cast %get3A_513 : vector<1x16xf32> to vector<16xf32>
      %add3A_515 = arith.addf %add3A_471, %get3A_514 : vector<16xf32>
      %add3A_516 = arith.constant 3 : i32
      %add3A_517 = arith.addi %mul3A_384, %add3A_516 : i32
      %get3A_518 = arith.constant 0 : i32
      %get3A_519 = arith.constant 0 : i32
      %get3A_520 = tpu.memref_slice %arg6[%scan3A_335, %get3A_518, %get3A_519] : memref<4x200x64xf32, #tpu.memory_space<vmem>> -> memref<1x200x64xf32, #tpu.memory_space<vmem>>
      %get3A_521 = tpu.memref_squeeze %get3A_520 : memref<1x200x64xf32, #tpu.memory_space<vmem>> -> memref<200x64xf32, #tpu.memory_space<vmem>>
      %get3A_522 = arith.index_cast %add3A_517 : i32 to index
      %get3A_523 = arith.constant 0 : index
      %get3A_524 = tpu.vector_load %get3A_521[%get3A_522, %get3A_523] {strides = array<i32>} : memref<200x64xf32, #tpu.memory_space<vmem>>, vector<1x16xf32>,
      %get3A_525 = vector.shape_cast %get3A_524 : vector<1x16xf32> to vector<16xf32>
      %add3A_526 = arith.addf %add3A_482, %get3A_525 : vector<16xf32>
      %add3A_527 = arith.constant 3 : i32
      %add3A_528 = arith.addi %mul3A_384, %add3A_527 : i32
      %get3A_529 = arith.constant 0 : i32
      %get3A_530 = arith.constant 0 : i32
      %get3A_531 = tpu.memref_slice %arg6[%scan3A_335, %get3A_529, %get3A_530] : memref<4x200x64xf32, #tpu.memory_space<vmem>> -> memref<1x200x64xf32, #tpu.memory_space<vmem>>
      %get3A_532 = tpu.memref_squeeze %get3A_531 : memref<1x200x64xf32, #tpu.memory_space<vmem>> -> memref<200x64xf32, #tpu.memory_space<vmem>>
      %get3A_533 = arith.index_cast %add3A_528 : i32 to index
      %get3A_534 = arith.constant 16 : index
      %get3A_535 = tpu.vector_load %get3A_532[%get3A_533, %get3A_534] {strides = array<i32>} : memref<200x64xf32, #tpu.memory_space<vmem>>, vector<1x16xf32>,
      %get3A_536 = vector.shape_cast %get3A_535 : vector<1x16xf32> to vector<16xf32>
      %add3A_537 = arith.addf %add3A_493, %get3A_536 : vector<16xf32>
      %add3A_538 = arith.constant 3 : i32
      %add3A_539 = arith.addi %mul3A_384, %add3A_538 : i32
      %get3A_540 = arith.constant 0 : i32
      %get3A_541 = arith.constant 0 : i32
      %get3A_542 = tpu.memref_slice %arg6[%scan3A_335, %get3A_540, %get3A_541] : memref<4x200x64xf32, #tpu.memory_space<vmem>> -> memref<1x200x64xf32, #tpu.memory_space<vmem>>
      %get3A_543 = tpu.memref_squeeze %get3A_542 : memref<1x200x64xf32, #tpu.memory_space<vmem>> -> memref<200x64xf32, #tpu.memory_space<vmem>>
      %get3A_544 = arith.index_cast %add3A_539 : i32 to index
      %get3A_545 = arith.constant 32 : index
      %get3A_546 = tpu.vector_load %get3A_543[%get3A_544, %get3A_545] {strides = array<i32>} : memref<200x64xf32, #tpu.memory_space<vmem>>, vector<1x16xf32>,
      %get3A_547 = vector.shape_cast %get3A_546 : vector<1x16xf32> to vector<16xf32>
      %add3A_548 = arith.addf %add3A_504, %get3A_547 : vector<16xf32>
      %add3A_549 = arith.constant 3 : i32
      %add3A_550 = arith.addi %mul3A_384, %add3A_549 : i32
      %get3A_551 = arith.constant 0 : i32
      %get3A_552 = arith.constant 0 : i32
      %get3A_553 = tpu.memref_slice %arg6[%scan3A_335, %get3A_551, %get3A_552] : memref<4x200x64xf32, #tpu.memory_space<vmem>> -> memref<1x200x64xf32, #tpu.memory_space<vmem>>
      %get3A_554 = tpu.memref_squeeze %get3A_553 : memref<1x200x64xf32, #tpu.memory_space<vmem>> -> memref<200x64xf32, #tpu.memory_space<vmem>>
      %get3A_555 = arith.index_cast %add3A_550 : i32 to index
      %get3A_556 = arith.constant 48 : index
      %get3A_557 = tpu.vector_load %get3A_554[%get3A_555, %get3A_556] {strides = array<i32>} : memref<200x64xf32, #tpu.memory_space<vmem>>, vector<1x16xf32>,
      %get3A_558 = vector.shape_cast %get3A_557 : vector<1x16xf32> to vector<16xf32>
      %add3A_559 = arith.addf %add3A_515, %get3A_558 : vector<16xf32>
      %add3A_560 = arith.constant 4 : i32
      %add3A_561 = arith.addi %mul3A_384, %add3A_560 : i32
      %get3A_562 = arith.constant 0 : i32
      %get3A_563 = arith.constant 0 : i32
      %get3A_564 = tpu.memref_slice %arg6[%scan3A_335, %get3A_562, %get3A_563] : memref<4x200x64xf32, #tpu.memory_space<vmem>> -> memref<1x200x64xf32, #tpu.memory_space<vmem>>
      %get3A_565 = tpu.memref_squeeze %get3A_564 : memref<1x200x64xf32, #tpu.memory_space<vmem>> -> memref<200x64xf32, #tpu.memory_space<vmem>>
      %get3A_566 = arith.index_cast %add3A_561 : i32 to index
      %get3A_567 = arith.constant 0 : index
      %get3A_568 = tpu.vector_load %get3A_565[%get3A_566, %get3A_567] {strides = array<i32>} : memref<200x64xf32, #tpu.memory_space<vmem>>, vector<1x16xf32>,
      %get3A_569 = vector.shape_cast %get3A_568 : vector<1x16xf32> to vector<16xf32>
      %add3A_570 = arith.addf %add3A_526, %get3A_569 : vector<16xf32>
      %add3A_571 = arith.constant 4 : i32
      %add3A_572 = arith.addi %mul3A_384, %add3A_571 : i32
      %get3A_573 = arith.constant 0 : i32
      %get3A_574 = arith.constant 0 : i32
      %get3A_575 = tpu.memref_slice %arg6[%scan3A_335, %get3A_573, %get3A_574] : memref<4x200x64xf32, #tpu.memory_space<vmem>> -> memref<1x200x64xf32, #tpu.memory_space<vmem>>
      %get3A_576 = tpu.memref_squeeze %get3A_575 : memref<1x200x64xf32, #tpu.memory_space<vmem>> -> memref<200x64xf32, #tpu.memory_space<vmem>>
      %get3A_577 = arith.index_cast %add3A_572 : i32 to index
      %get3A_578 = arith.constant 16 : index
      %get3A_579 = tpu.vector_load %get3A_576[%get3A_577, %get3A_578] {strides = array<i32>} : memref<200x64xf32, #tpu.memory_space<vmem>>, vector<1x16xf32>,
      %get3A_580 = vector.shape_cast %get3A_579 : vector<1x16xf32> to vector<16xf32>
      %add3A_581 = arith.addf %add3A_537, %get3A_580 : vector<16xf32>
      %add3A_582 = arith.constant 4 : i32
      %add3A_583 = arith.addi %mul3A_384, %add3A_582 : i32
      %get3A_584 = arith.constant 0 : i32
      %get3A_585 = arith.constant 0 : i32
      %get3A_586 = tpu.memref_slice %arg6[%scan3A_335, %get3A_584, %get3A_585] : memref<4x200x64xf32, #tpu.memory_space<vmem>> -> memref<1x200x64xf32, #tpu.memory_space<vmem>>
      %get3A_587 = tpu.memref_squeeze %get3A_586 : memref<1x200x64xf32, #tpu.memory_space<vmem>> -> memref<200x64xf32, #tpu.memory_space<vmem>>
      %get3A_588 = arith.index_cast %add3A_583 : i32 to index
      %get3A_589 = arith.constant 32 : index
      %get3A_590 = tpu.vector_load %get3A_587[%get3A_588, %get3A_589] {strides = array<i32>} : memref<200x64xf32, #tpu.memory_space<vmem>>, vector<1x16xf32>,
      %get3A_591 = vector.shape_cast %get3A_590 : vector<1x16xf32> to vector<16xf32>
      %add3A_592 = arith.addf %add3A_548, %get3A_591 : vector<16xf32>
      %add3A_593 = arith.constant 4 : i32
      %add3A_594 = arith.addi %mul3A_384, %add3A_593 : i32
      %get3A_595 = arith.constant 0 : i32
      %get3A_596 = arith.constant 0 : i32
      %get3A_597 = tpu.memref_slice %arg6[%scan3A_335, %get3A_595, %get3A_596] : memref<4x200x64xf32, #tpu.memory_space<vmem>> -> memref<1x200x64xf32, #tpu.memory_space<vmem>>
      %get3A_598 = tpu.memref_squeeze %get3A_597 : memref<1x200x64xf32, #tpu.memory_space<vmem>> -> memref<200x64xf32, #tpu.memory_space<vmem>>
      %get3A_599 = arith.index_cast %add3A_594 : i32 to index
      %get3A_600 = arith.constant 48 : index
      %get3A_601 = tpu.vector_load %get3A_598[%get3A_599, %get3A_600] {strides = array<i32>} : memref<200x64xf32, #tpu.memory_space<vmem>>, vector<1x16xf32>,
      %get3A_602 = vector.shape_cast %get3A_601 : vector<1x16xf32> to vector<16xf32>
      %add3A_603 = arith.addf %add3A_559, %get3A_602 : vector<16xf32>
      %add3A_604 = arith.constant 5 : i32
      %add3A_605 = arith.addi %mul3A_384, %add3A_604 : i32
      %get3A_606 = arith.constant 0 : i32
      %get3A_607 = arith.constant 0 : i32
      %get3A_608 = tpu.memref_slice %arg6[%scan3A_335, %get3A_606, %get3A_607] : memref<4x200x64xf32, #tpu.memory_space<vmem>> -> memref<1x200x64xf32, #tpu.memory_space<vmem>>
      %get3A_609 = tpu.memref_squeeze %get3A_608 : memref<1x200x64xf32, #tpu.memory_space<vmem>> -> memref<200x64xf32, #tpu.memory_space<vmem>>
      %get3A_610 = arith.index_cast %add3A_605 : i32 to index
      %get3A_611 = arith.constant 0 : index
      %get3A_612 = tpu.vector_load %get3A_609[%get3A_610, %get3A_611] {strides = array<i32>} : memref<200x64xf32, #tpu.memory_space<vmem>>, vector<1x16xf32>,
      %get3A_613 = vector.shape_cast %get3A_612 : vector<1x16xf32> to vector<16xf32>
      %add3A_614 = arith.addf %add3A_570, %get3A_613 : vector<16xf32>
      %add3A_615 = arith.constant 5 : i32
      %add3A_616 = arith.addi %mul3A_384, %add3A_615 : i32
      %get3A_617 = arith.constant 0 : i32
      %get3A_618 = arith.constant 0 : i32
      %get3A_619 = tpu.memref_slice %arg6[%scan3A_335, %get3A_617, %get3A_618] : memref<4x200x64xf32, #tpu.memory_space<vmem>> -> memref<1x200x64xf32, #tpu.memory_space<vmem>>
      %get3A_620 = tpu.memref_squeeze %get3A_619 : memref<1x200x64xf32, #tpu.memory_space<vmem>> -> memref<200x64xf32, #tpu.memory_space<vmem>>
      %get3A_621 = arith.index_cast %add3A_616 : i32 to index
      %get3A_622 = arith.constant 16 : index
      %get3A_623 = tpu.vector_load %get3A_620[%get3A_621, %get3A_622] {strides = array<i32>} : memref<200x64xf32, #tpu.memory_space<vmem>>, vector<1x16xf32>,
      %get3A_624 = vector.shape_cast %get3A_623 : vector<1x16xf32> to vector<16xf32>
      %add3A_625 = arith.addf %add3A_581, %get3A_624 : vector<16xf32>
      %add3A_626 = arith.constant 5 : i32
      %add3A_627 = arith.addi %mul3A_384, %add3A_626 : i32
      %get3A_628 = arith.constant 0 : i32
      %get3A_629 = arith.constant 0 : i32
      %get3A_630 = tpu.memref_slice %arg6[%scan3A_335, %get3A_628, %get3A_629] : memref<4x200x64xf32, #tpu.memory_space<vmem>> -> memref<1x200x64xf32, #tpu.memory_space<vmem>>
      %get3A_631 = tpu.memref_squeeze %get3A_630 : memref<1x200x64xf32, #tpu.memory_space<vmem>> -> memref<200x64xf32, #tpu.memory_space<vmem>>
      %get3A_632 = arith.index_cast %add3A_627 : i32 to index
      %get3A_633 = arith.constant 32 : index
      %get3A_634 = tpu.vector_load %get3A_631[%get3A_632, %get3A_633] {strides = array<i32>} : memref<200x64xf32, #tpu.memory_space<vmem>>, vector<1x16xf32>,
      %get3A_635 = vector.shape_cast %get3A_634 : vector<1x16xf32> to vector<16xf32>
      %add3A_636 = arith.addf %add3A_592, %get3A_635 : vector<16xf32>
      %add3A_637 = arith.constant 5 : i32
      %add3A_638 = arith.addi %mul3A_384, %add3A_637 : i32
      %get3A_639 = arith.constant 0 : i32
      %get3A_640 = arith.constant 0 : i32
      %get3A_641 = tpu.memref_slice %arg6[%scan3A_335, %get3A_639, %get3A_640] : memref<4x200x64xf32, #tpu.memory_space<vmem>> -> memref<1x200x64xf32, #tpu.memory_space<vmem>>
      %get3A_642 = tpu.memref_squeeze %get3A_641 : memref<1x200x64xf32, #tpu.memory_space<vmem>> -> memref<200x64xf32, #tpu.memory_space<vmem>>
      %get3A_643 = arith.index_cast %add3A_638 : i32 to index
      %get3A_644 = arith.constant 48 : index
      %get3A_645 = tpu.vector_load %get3A_642[%get3A_643, %get3A_644] {strides = array<i32>} : memref<200x64xf32, #tpu.memory_space<vmem>>, vector<1x16xf32>,
      %get3A_646 = vector.shape_cast %get3A_645 : vector<1x16xf32> to vector<16xf32>
      %add3A_647 = arith.addf %add3A_603, %get3A_646 : vector<16xf32>
      %add3A_648 = arith.constant 6 : i32
      %add3A_649 = arith.addi %mul3A_384, %add3A_648 : i32
      %get3A_650 = arith.constant 0 : i32
      %get3A_651 = arith.constant 0 : i32
      %get3A_652 = tpu.memref_slice %arg6[%scan3A_335, %get3A_650, %get3A_651] : memref<4x200x64xf32, #tpu.memory_space<vmem>> -> memref<1x200x64xf32, #tpu.memory_space<vmem>>
      %get3A_653 = tpu.memref_squeeze %get3A_652 : memref<1x200x64xf32, #tpu.memory_space<vmem>> -> memref<200x64xf32, #tpu.memory_space<vmem>>
      %get3A_654 = arith.index_cast %add3A_649 : i32 to index
      %get3A_655 = arith.constant 0 : index
      %get3A_656 = tpu.vector_load %get3A_653[%get3A_654, %get3A_655] {strides = array<i32>} : memref<200x64xf32, #tpu.memory_space<vmem>>, vector<1x16xf32>,
      %get3A_657 = vector.shape_cast %get3A_656 : vector<1x16xf32> to vector<16xf32>
      %add3A_658 = arith.addf %add3A_614, %get3A_657 : vector<16xf32>
      %add3A_659 = arith.constant 6 : i32
      %add3A_660 = arith.addi %mul3A_384, %add3A_659 : i32
      %get3A_661 = arith.constant 0 : i32
      %get3A_662 = arith.constant 0 : i32
      %get3A_663 = tpu.memref_slice %arg6[%scan3A_335, %get3A_661, %get3A_662] : memref<4x200x64xf32, #tpu.memory_space<vmem>> -> memref<1x200x64xf32, #tpu.memory_space<vmem>>
      %get3A_664 = tpu.memref_squeeze %get3A_663 : memref<1x200x64xf32, #tpu.memory_space<vmem>> -> memref<200x64xf32, #tpu.memory_space<vmem>>
      %get3A_665 = arith.index_cast %add3A_660 : i32 to index
      %get3A_666 = arith.constant 16 : index
      %get3A_667 = tpu.vector_load %get3A_664[%get3A_665, %get3A_666] {strides = array<i32>} : memref<200x64xf32, #tpu.memory_space<vmem>>, vector<1x16xf32>,
      %get3A_668 = vector.shape_cast %get3A_667 : vector<1x16xf32> to vector<16xf32>
      %add3A_669 = arith.addf %add3A_625, %get3A_668 : vector<16xf32>
      %add3A_670 = arith.constant 6 : i32
      %add3A_671 = arith.addi %mul3A_384, %add3A_670 : i32
      %get3A_672 = arith.constant 0 : i32
      %get3A_673 = arith.constant 0 : i32
      %get3A_674 = tpu.memref_slice %arg6[%scan3A_335, %get3A_672, %get3A_673] : memref<4x200x64xf32, #tpu.memory_space<vmem>> -> memref<1x200x64xf32, #tpu.memory_space<vmem>>
      %get3A_675 = tpu.memref_squeeze %get3A_674 : memref<1x200x64xf32, #tpu.memory_space<vmem>> -> memref<200x64xf32, #tpu.memory_space<vmem>>
      %get3A_676 = arith.index_cast %add3A_671 : i32 to index
      %get3A_677 = arith.constant 32 : index
      %get3A_678 = tpu.vector_load %get3A_675[%get3A_676, %get3A_677] {strides = array<i32>} : memref<200x64xf32, #tpu.memory_space<vmem>>, vector<1x16xf32>,
      %get3A_679 = vector.shape_cast %get3A_678 : vector<1x16xf32> to vector<16xf32>
      %add3A_680 = arith.addf %add3A_636, %get3A_679 : vector<16xf32>
      %add3A_681 = arith.constant 6 : i32
      %add3A_682 = arith.addi %mul3A_384, %add3A_681 : i32
      %get3A_683 = arith.constant 0 : i32
      %get3A_684 = arith.constant 0 : i32
      %get3A_685 = tpu.memref_slice %arg6[%scan3A_335, %get3A_683, %get3A_684] : memref<4x200x64xf32, #tpu.memory_space<vmem>> -> memref<1x200x64xf32, #tpu.memory_space<vmem>>
      %get3A_686 = tpu.memref_squeeze %get3A_685 : memref<1x200x64xf32, #tpu.memory_space<vmem>> -> memref<200x64xf32, #tpu.memory_space<vmem>>
      %get3A_687 = arith.index_cast %add3A_682 : i32 to index
      %get3A_688 = arith.constant 48 : index
      %get3A_689 = tpu.vector_load %get3A_686[%get3A_687, %get3A_688] {strides = array<i32>} : memref<200x64xf32, #tpu.memory_space<vmem>>, vector<1x16xf32>,
      %get3A_690 = vector.shape_cast %get3A_689 : vector<1x16xf32> to vector<16xf32>
      %add3A_691 = arith.addf %add3A_647, %get3A_690 : vector<16xf32>
      %add3A_692 = arith.constant 7 : i32
      %add3A_693 = arith.addi %mul3A_384, %add3A_692 : i32
      %get3A_694 = arith.constant 0 : i32
      %get3A_695 = arith.constant 0 : i32
      %get3A_696 = tpu.memref_slice %arg6[%scan3A_335, %get3A_694, %get3A_695] : memref<4x200x64xf32, #tpu.memory_space<vmem>> -> memref<1x200x64xf32, #tpu.memory_space<vmem>>
      %get3A_697 = tpu.memref_squeeze %get3A_696 : memref<1x200x64xf32, #tpu.memory_space<vmem>> -> memref<200x64xf32, #tpu.memory_space<vmem>>
      %get3A_698 = arith.index_cast %add3A_693 : i32 to index
      %get3A_699 = arith.constant 0 : index
      %get3A_700 = tpu.vector_load %get3A_697[%get3A_698, %get3A_699] {strides = array<i32>} : memref<200x64xf32, #tpu.memory_space<vmem>>, vector<1x16xf32>,
      %get3A_701 = vector.shape_cast %get3A_700 : vector<1x16xf32> to vector<16xf32>
      %add3A_702 = arith.addf %add3A_658, %get3A_701 : vector<16xf32>
      %add3A_703 = arith.constant 7 : i32
      %add3A_704 = arith.addi %mul3A_384, %add3A_703 : i32
      %get3A_705 = arith.constant 0 : i32
      %get3A_706 = arith.constant 0 : i32
      %get3A_707 = tpu.memref_slice %arg6[%scan3A_335, %get3A_705, %get3A_706] : memref<4x200x64xf32, #tpu.memory_space<vmem>> -> memref<1x200x64xf32, #tpu.memory_space<vmem>>
      %get3A_708 = tpu.memref_squeeze %get3A_707 : memref<1x200x64xf32, #tpu.memory_space<vmem>> -> memref<200x64xf32, #tpu.memory_space<vmem>>
      %get3A_709 = arith.index_cast %add3A_704 : i32 to index
      %get3A_710 = arith.constant 16 : index
      %get3A_711 = tpu.vector_load %get3A_708[%get3A_709, %get3A_710] {strides = array<i32>} : memref<200x64xf32, #tpu.memory_space<vmem>>, vector<1x16xf32>,
      %get3A_712 = vector.shape_cast %get3A_711 : vector<1x16xf32> to vector<16xf32>
      %add3A_713 = arith.addf %add3A_669, %get3A_712 : vector<16xf32>
      %add3A_714 = arith.constant 7 : i32
      %add3A_715 = arith.addi %mul3A_384, %add3A_714 : i32
      %get3A_716 = arith.constant 0 : i32
      %get3A_717 = arith.constant 0 : i32
      %get3A_718 = tpu.memref_slice %arg6[%scan3A_335, %get3A_716, %get3A_717] : memref<4x200x64xf32, #tpu.memory_space<vmem>> -> memref<1x200x64xf32, #tpu.memory_space<vmem>>
      %get3A_719 = tpu.memref_squeeze %get3A_718 : memref<1x200x64xf32, #tpu.memory_space<vmem>> -> memref<200x64xf32, #tpu.memory_space<vmem>>
      %get3A_720 = arith.index_cast %add3A_715 : i32 to index
      %get3A_721 = arith.constant 32 : index
      %get3A_722 = tpu.vector_load %get3A_719[%get3A_720, %get3A_721] {strides = array<i32>} : memref<200x64xf32, #tpu.memory_space<vmem>>, vector<1x16xf32>,
      %get3A_723 = vector.shape_cast %get3A_722 : vector<1x16xf32> to vector<16xf32>
      %add3A_724 = arith.addf %add3A_680, %get3A_723 : vector<16xf32>
      %add3A_725 = arith.constant 7 : i32
      %add3A_726 = arith.addi %mul3A_384, %add3A_725 : i32
      %get3A_727 = arith.constant 0 : i32
      %get3A_728 = arith.constant 0 : i32
      %get3A_729 = tpu.memref_slice %arg6[%scan3A_335, %get3A_727, %get3A_728] : memref<4x200x64xf32, #tpu.memory_space<vmem>> -> memref<1x200x64xf32, #tpu.memory_space<vmem>>
      %get3A_730 = tpu.memref_squeeze %get3A_729 : memref<1x200x64xf32, #tpu.memory_space<vmem>> -> memref<200x64xf32, #tpu.memory_space<vmem>>
      %get3A_731 = arith.index_cast %add3A_726 : i32 to index
      %get3A_732 = arith.constant 48 : index
      %get3A_733 = tpu.vector_load %get3A_730[%get3A_731, %get3A_732] {strides = array<i32>} : memref<200x64xf32, #tpu.memory_space<vmem>>, vector<1x16xf32>,
      %get3A_734 = vector.shape_cast %get3A_733 : vector<1x16xf32> to vector<16xf32>
      %add3A_735 = arith.addf %add3A_691, %get3A_734 : vector<16xf32>
      scf.yield %add3A_702, %add3A_713, %add3A_724, %add3A_735 : vector<16xf32>, vector<16xf32>, vector<16xf32>, vector<16xf32>
    }
    %scan3A_341 = arith.constant 25 : i32
    %mul3A_342 = arith.constant 5.000000e-03 : f32
    %mul3A_343 = vector.broadcast %mul3A_342 : f32 to vector<16xf32>
    %mul3A_344 = arith.mulf %scan3A_340#0, %mul3A_343 : vector<16xf32>
    %swap3A_345 = arith.constant 127 : i32
    %swap3A_346 = arith.index_cast %swap3A_345 : i32 to index
    %swap3A_347 = arith.constant 0 : index
    %swap3A_348 = tpu.vector_load %arg7[%swap3A_346, %swap3A_347] {strides = array<i32>} : memref<128x64xf32, #tpu.memory_space<vmem>>, vector<1x16xf32>,
    %swap3A_349 = vector.shape_cast %swap3A_348 : vector<1x16xf32> to vector<16xf32>
    %swap3A_350 = vector.shape_cast %mul3A_344 : vector<16xf32> to vector<1x16xf32>
    tpu.vector_store %arg7[%swap3A_346, %swap3A_347], %swap3A_350 {strides = array<i32>} : memref<128x64xf32, #tpu.memory_space<vmem>>, vector<1x16xf32>,
    %mul3A_351 = arith.constant 5.000000e-03 : f32
    %mul3A_352 = vector.broadcast %mul3A_351 : f32 to vector<16xf32>
    %mul3A_353 = arith.mulf %scan3A_340#1, %mul3A_352 : vector<16xf32>
    %swap3A_354 = arith.constant 127 : i32
    %swap3A_355 = arith.index_cast %swap3A_354 : i32 to index
    %swap3A_356 = arith.constant 16 : index
    %swap3A_357 = tpu.vector_load %arg7[%swap3A_355, %swap3A_356] {strides = array<i32>} : memref<128x64xf32, #tpu.memory_space<vmem>>, vector<1x16xf32>,
    %swap3A_358 = vector.shape_cast %swap3A_357 : vector<1x16xf32> to vector<16xf32>
    %swap3A_359 = vector.shape_cast %mul3A_353 : vector<16xf32> to vector<1x16xf32>
    tpu.vector_store %arg7[%swap3A_355, %swap3A_356], %swap3A_359 {strides = array<i32>} : memref<128x64xf32, #tpu.memory_space<vmem>>, vector<1x16xf32>,
    %mul3A_360 = arith.constant 5.000000e-03 : f32
    %mul3A_361 = vector.broadcast %mul3A_360 : f32 to vector<16xf32>
    %mul3A_362 = arith.mulf %scan3A_340#2, %mul3A_361 : vector<16xf32>
    %swap3A_363 = arith.constant 127 : i32
    %swap3A_364 = arith.index_cast %swap3A_363 : i32 to index
    %swap3A_365 = arith.constant 32 : index
    %swap3A_366 = tpu.vector_load %arg7[%swap3A_364, %swap3A_365] {strides = array<i32>} : memref<128x64xf32, #tpu.memory_space<vmem>>, vector<1x16xf32>,
    %swap3A_367 = vector.shape_cast %swap3A_366 : vector<1x16xf32> to vector<16xf32>
    %swap3A_368 = vector.shape_cast %mul3A_362 : vector<16xf32> to vector<1x16xf32>
    tpu.vector_store %arg7[%swap3A_364, %swap3A_365], %swap3A_368 {strides = array<i32>} : memref<128x64xf32, #tpu.memory_space<vmem>>, vector<1x16xf32>,
    %mul3A_369 = arith.constant 5.000000e-03 : f32
    %mul3A_370 = vector.broadcast %mul3A_369 : f32 to vector<16xf32>
    %mul3A_371 = arith.mulf %scan3A_340#3, %mul3A_370 : vector<16xf32>
    %swap3A_372 = arith.constant 127 : i32
    %swap3A_373 = arith.index_cast %swap3A_372 : i32 to index
    %swap3A_374 = arith.constant 48 : index
    %swap3A_375 = tpu.vector_load %arg7[%swap3A_373, %swap3A_374] {strides = array<i32>} : memref<128x64xf32, #tpu.memory_space<vmem>>, vector<1x16xf32>,
    %swap3A_376 = vector.shape_cast %swap3A_375 : vector<1x16xf32> to vector<16xf32>
    %swap3A_377 = vector.shape_cast %mul3A_371 : vector<16xf32> to vector<1x16xf32>
    tpu.vector_store %arg7[%swap3A_373, %swap3A_374], %swap3A_377 {strides = array<i32>} : memref<128x64xf32, #tpu.memory_space<vmem>>, vector<1x16xf32>,
    "tpu.region"() ({
      %run_scoped3A = tpu.sem_alloc : memref<!tpu.dma_semaphore, #tpu.memory_space<semaphore_mem>>
      %dma_start3A_378 = arith.constant 0 : i32
      %dma_start3A_379 = tpu.memref_slice %arg4[%mul3A_2, %dma_start3A_378] : memref<4096x64xf32, #tpu.memory_space<hbm>> -> memref<128x64xf32, #tpu.memory_space<hbm>>
      %dma_start3A_380 = arith.constant 0 : i32
      %dma_start3A_381 = tpu.memref_slice %arg4[%mul3A_2, %dma_start3A_380] : memref<4096x64xf32, #tpu.memory_space<hbm>> -> memref<128x64xf32, #tpu.memory_space<hbm>>
      tpu.enqueue_dma source(%arg7 : memref<128x64xf32, #tpu.memory_space<vmem>>) target(%dma_start3A_381 : memref<128x64xf32, #tpu.memory_space<hbm>>) target_semaphore(%run_scoped3A : memref<!tpu.dma_semaphore, #tpu.memory_space<semaphore_mem>>)
      %dma_wait3A_382 = arith.constant 0 : i32
      %dma_wait3A_383 = tpu.memref_slice %arg4[%mul3A_2, %dma_wait3A_382] : memref<4096x64xf32, #tpu.memory_space<hbm>> -> memref<128x64xf32, #tpu.memory_space<hbm>>
      %dma_wait3A_384 = arith.constant 0 : i32
      %dma_wait3A_385 = tpu.memref_slice %arg4[%mul3A_2, %dma_wait3A_384] : memref<4096x64xf32, #tpu.memory_space<hbm>> -> memref<128x64xf32, #tpu.memory_space<hbm>>
      tpu.wait_dma2 semaphore(%run_scoped3A : memref<!tpu.dma_semaphore, #tpu.memory_space<semaphore_mem>>) src(%arg7 : memref<128x64xf32, #tpu.memory_space<vmem>>) dst(%dma_wait3A_385 : memref<128x64xf32, #tpu.memory_space<hbm>>)
      tpu.yield
    }) : () -> ()
    return
  }
}

</mosaic_0001>

<sc_bundles>
// kernel: kernel.3.cloned.1.call-start
scs
__scs_entry_jumppad:
0x0: {  	(pc) =	sbr.rel $0x88, $3  }
0x1: {  	(tag) =	ssettag $0x0;
	lr =	simm.s32 $0x1  }
0x2: {  	[smem:$0x3F9F] =	sst lr;
	_ =	strace $0xD0000000  }
0x3: {  	_ = 	snop  }
0x4: {  	_ = 	snop  }
0x5: {  	_ = 	snop  }
0x6: {  	_ = 	snop  }
0x7: {  	_ = 	snop  }
__scs_overlays_trampoline_lowered:
0x8: {  	[smem:$0x3FAE] =	sst s0  }
0x9: {  	[smem:$0x3FAF] =	sst s1  }
0xa: {  	[smem:$0x3FB0] =	sst s2  }
0xb: {  	[smem:$0x3FB1] =	sst s3  }
0xc: {  	[smem:$0x3FB2] =	sst s4  }
0xd: {  	[smem:$0x3FB3] =	sst s5  }
0xe: {  	[smem:$0x3FB4] =	sst s6  }
0xf: {  	[smem:$0x3FB5] =	sst s7  }
0x10: {  	[smem:$0x3FB6] =	sst s8  }
0x11: {  	[smem:$0x3FB7] =	sst s9;
	s0 =	simm.s32 @!p0 $0x0  }
0x12: {  	s1 =	sld [smem:$0x3F9D];
	s0 =	simm.s32 @p0 $0x1  }
0x13: {  	[smem:$0x3FB8] =	sst s0;
	s0 =	simm.s32 @!p1 $0x0  }
0x14: {  	s2 =	sld [smem:$0x3F9C];
	s0 =	simm.s32 @p1 $0x1  }
0x15: {  	[smem:$0x3FB9] =	sst s0;
	s0 =	simm.s32 @!p2 $0x0  }
0x16: {  	s3 =	sld [smem:$0x3FDB];
	s0 =	simm.s32 @p2 $0x1  }
0x17: {  	s4 =	simm.s32 $0x1BF5;
	[smem:$0x3FBB] =	sst s0  }
0x18: {  	s0 =	sld [smem:$0x3F9E];
	_ =	swait.ge [sflag:s4], $0x0  }
0x19: {  	s7 =	sld [smem:$0x3F9F]  }
0x1a: {  	s8 =	sadd.s32 $0xFFFFE003, lr  }
0x1b: {  	s9 =	sadd.s32 $0xFFFFFEF7, lr;
	s5 =	simm.s32 $0xFFFFFFFF;
	p2 =	slt.u32 s8, $0xFFFFF086  }
0x1c: {  	p1 =	slt.u32 s9, $0xF7A;
	s5 =	simm.s32 @!p2 $0x0  }
0x1d: {  	s5 =	simm.s32 @p1 $0x1;
	p0 =	seq.s32 s7, s2  }
0x1e: {  	s7 =	smul.u32 @!p0 $0xF7A, s2;
	p2 =	seq.s32 @!p0 s5, $0x0  }
0x1f: {  	s9 =	smul.u32 $0xF7A, s1;
	s8 =	simm.s32 @!p0 $0x1BF5;
	p2 =	por !p2, p0  }
0x20: {  	[sflag:s8] =	ssyncset.s32 @!p0 $0xFFFFF086;
	s6 =	sadd.s32 @!p0 s3, s7;
	s7 =	simm.s32 @!p0 $0x108  }
0x21: {  	s3 =	sadd.s32 s3, s9;
	s6 =	sadd.s32 @!p0 $0x88, s6;
	s7 =	simm.s32 @p2 $0x1082  }
0x22: {  	[simem:s7], [sflag:s8] =	dma.local @!p0 [hbm:s6], $0xF7A  }
0x23: {  	s9 =	sor.u32 $0xD0000000, s2;
	s6 =	simm.s32 $0x108;
	_ =	swait.ge @!p0 [sflag:s8], $0x0  }
0x24: {  	s3 =	sadd.s32 $0x88, s3;
	s6 =	simm.s32 @!p1 $0x1082;
	[sflag:s4] =	ssyncset.s32 $0xFFFFF086  }
0x25: {  	[simem:s6], [sflag:s4] =	dma.local [hbm:s3], $0xF7A  }
0x26: {  	[smem:$0x3F9F] =	sst s1;
	(tag) =	ssettag s2;
	_ =	strace s9  }
0x27: {  	s1 =	sld [smem:$0x3FAF]  }
0x28: {  	s2 =	sld [smem:$0x3FB0]  }
0x29: {  	s4 =	sld [smem:$0x3FB2]  }
0x2a: {  	p0 =	seq.s32 s5, $0x0;
	s5 =	sld [smem:$0x3FB3]  }
0x2b: {  	s6 =	sld [smem:$0x3FB4]  }
0x2c: {  	s7 =	sld [smem:$0x3FB5]  }
0x2d: {  	s3 =	simm.s32 $0x108;
	s8 =	sld [smem:$0x3FB6]  }
0x2e: {  	s3 =	simm.s32 @!p0 $0x1082;
	s9 =	sld [smem:$0x3FB7]  }
0x2f: {  	lr =	sadd.s32 s0, s3;
	s0 =	sld [smem:$0x3FAE]  }
0x30: {  	s3 =	sld [smem:$0x3FB1]  }
0x31: {  	[smem:$0x3FBA] =	sst s10  }
0x32: {  	s10 =	sld [smem:$0x3FB8];
	_ =	sdelay $0x3  }
0x33: {  	p0 =	seq.s32 s10, $0x1;
	s10 =	sld [smem:$0x3FBA];
	_ =	sdelay $0x3  }
0x34: {  	[smem:$0x3FBA] =	sst s10  }
0x35: {  	s10 =	sld [smem:$0x3FB9];
	_ =	sdelay $0x3  }
0x36: {  	p1 =	seq.s32 s10, $0x1;
	s10 =	sld [smem:$0x3FBA];
	_ =	sdelay $0x3  }
0x37: {  	[smem:$0x3FBA] =	sst s10  }
0x38: {  	s10 =	sld [smem:$0x3FBB]  }
0x39: {  	_ = 	snop;
	(pc) =	sbr.ind lr, $3  }
0x3a: {  	_ = 	snop  }
0x3b: {  	_ = 	snop  }
0x3c: {  	p2 =	seq.s32 s10, $0x1;
	s10 =	sld [smem:$0x3FBA]  }
0x3d: {  	_ =	shalt  }
0x3e: {  	_ =	shalt  }
0x3f: {  	_ =	shalt  }
0x40: {  	_ =	shalt  }
0x41: {  	_ =	shalt  }
0x42: {  	_ =	shalt  }
0x43: {  	_ =	shalt  }
0x44: {  	_ =	shalt  }
0x45: {  	_ =	shalt  }
0x46: {  	_ =	shalt  }
0x47: {  	_ =	shalt  }
0x48: {  	_ =	shalt  }
0x49: {  	_ =	shalt  }
0x4a: {  	_ =	shalt  }
0x4b: {  	_ =	shalt  }
0x4c: {  	_ =	shalt  }
0x4d: {  	_ =	shalt  }
0x4e: {  	_ =	shalt  }
0x4f: {  	_ =	shalt  }
0x50: {  	_ =	shalt  }
0x51: {  	_ =	shalt  }
0x52: {  	_ =	shalt  }
0x53: {  	_ =	shalt  }
0x54: {  	_ =	shalt  }
0x55: {  	_ =	shalt  }
0x56: {  	_ =	shalt  }
0x57: {  	_ =	shalt  }
0x58: {  	_ =	shalt  }
0x59: {  	_ =	shalt  }
0x5a: {  	_ =	shalt  }
0x5b: {  	_ =	shalt  }
0x5c: {  	_ =	shalt  }
0x5d: {  	_ =	shalt  }
0x5e: {  	_ =	shalt  }
0x5f: {  	_ =	shalt  }
0x60: {  	_ =	shalt  }
0x61: {  	_ =	shalt  }
0x62: {  	_ =	shalt  }
0x63: {  	_ =	shalt  }
0x64: {  	_ =	shalt  }
0x65: {  	_ =	shalt  }
0x66: {  	_ =	shalt  }
0x67: {  	_ =	shalt  }
0x68: {  	_ =	shalt  }
0x69: {  	_ =	shalt  }
0x6a: {  	_ =	shalt  }
0x6b: {  	_ =	shalt  }
0x6c: {  	_ =	shalt  }
0x6d: {  	_ =	shalt  }
0x6e: {  	_ =	shalt  }
0x6f: {  	_ =	shalt  }
0x70: {  	_ =	shalt  }
0x71: {  	_ =	shalt  }
0x72: {  	_ =	shalt  }
0x73: {  	_ =	shalt  }
0x74: {  	_ =	shalt  }
0x75: {  	_ =	shalt  }
0x76: {  	_ =	shalt  }
0x77: {  	_ =	shalt  }
0x78: {  	_ =	shalt  }
0x79: {  	_ =	shalt  }
0x7a: {  	_ =	shalt  }
0x7b: {  	_ =	shalt  }
0x7c: {  	_ =	shalt  }
0x7d: {  	_ =	shalt  }
0x7e: {  	_ =	shalt  }
0x7f: {  	_ =	shalt  }
0x80: {  	_ =	shalt  }
0x81: {  	_ =	shalt  }
0x82: {  	_ =	shalt  }
0x83: {  	_ =	shalt  }
0x84: {  	_ =	shalt  }
0x85: {  	_ =	shalt  }
0x86: {  	_ =	shalt  }
0x87: {  	_ =	shalt  }
.Lfunc_end0:
.L_simem_size_0:
called_computation_lowered:
.L_overlay_start_0:
0x88: {  	s2 =	sld [smem:$0x3FD9]  }
0x89: {  	s3 =	sld [smem:$0x3FFE];
	_ =	sdelay $0x1  }
0x8a: {  	s1 =	srdreg.scid  }
0x8b: {  	s0 =	sand.u32 $0x1, s1  }
0x8c: {  	s17 =	sshll.u32 s0, $0xA;
	s2 =	sadd.s32 s3, s2  }
0x8d: {  	s2 =	sadd.s32 s2, s17  }
0x8e: {  	[smem:$0x3FC6] =	sst s2  }
0x8f: {  	_ = 	snop  }
0x90: {  	s2 =	sld [smem:$0x3FD0];
	(tm) =	ssettm $0x1  }
0x91: {  	s18 =	sld [smem:$0x3FFB];
	_ =	sdelay $0x3  }
0x92: {  	_ =	strace s18  }
0x93: {  	s3 =	sld [smem:$0x3FFC];
	_ =	sdelay $0x3  }
0x94: {  	_ =	strace s3  }
0x95: {  	s3 =	sld [smem:$0x3FFD];
	_ =	sdelay $0x3  }
0x96: {  	_ =	strace s3  }
0x97: {  	_ =	strace $0x8FFFFFFF  }
0x98: {  	s19 =	sld [smem:$0x3FDB];
	_ =	sdelay $0x1  }
0x99: {  	s4 =	simm.s32 $_scs_section_size  }
0x9a: {  	s5 =	simm.s32 $_size__tile_overlayer_lowered;
	s6 =	simm.s32 $_tile_overlayer_lowered  }
0x9b: {  	s22 =	simm.s32 $0x1BFF;
	s21 =	sshll.u32 s6, $0x1;
	s3 =	sadd.s32 s4, s19  }
0x9c: {  	s7 =	simm.s32 $0x0;
	s20 =	sshll.u32 s5, $0x1;
	s5 =	sadd.s32 s21, s3  }
0x9d: {  	[timem:s7], [sflag:s22] =	dma.local [hbm:s5], s20  }
0x9e: {  	_ =	swait.ge [sflag:s22], s20  }
0x9f: {  	s4 =	ssub.s32 $0x0, s20;
	[sflag:s22] =	ssyncset.done $0x0  }
0xa0: {  	[sflag:s22] =	ssyncadd.s32 s4;
	_ =	sdelay $0x1  }
0xa1: {  	s23 =	simm.s32 $0x1B8B  }
0xa2: {  	_ =	swait.ge [sflag:s23], $0x1  }
0xa3: {  	[sflag:s23] =	ssyncset.done $0x0  }
0xa4: {  	s25 =	simm.s32 $0x1B8E;
	s24 =	sld [smem:$0x3FFE];
	[sflag:s23] =	ssyncadd.s32 $0xFFFFFFFF  }
0xa5: {  	s26 =	simm.s32 $execute0_lowered;
	[smem:$0x3FD2] =	sst s25  }
0xa6: {  	s5 =	sshll.u32 s26, $0x1;
	_ =	strace $0x80000046;
	[dreg:$0x1] =	wrdreg $0xFFFFFFFF  }
0xa7: {  	s28 =	simm.s32 $_size_execute0_lowered;
	s3 =	sadd.s32 s3, s5;
	[dreg:$0x0] =	wrdreg $0x0  }
0xa8: {  	s5 =	sshll.u32 s28, $0x1;
	[dreg:$0x2] =	wrdreg s3  }
0xa9: {  	[dreg:$0x3] =	wrdreg s5  }
0xaa: {  	[dreg:$0x4] =	wrdreg $0xC0  }
0xab: {  	_ =	task [dreg:s7], $0x5FFFF  }
0xac: {  	[dreg:$0x1] =	wrdreg $0xFFFFFFFF  }
0xad: {  	[dreg:$0x0] =	wrdreg $0x60  }
0xae: {  	[dreg:$0x2] =	wrdreg s24  }
0xaf: {  	[dreg:$0x3] =	wrdreg s2  }
0xb0: {  	[dreg:$0x4] =	wrdreg $0x9  }
0xb1: {  	_ =	task.clear_ibuf [dreg:s7], $0x5FFFF;
	_ =	strace $0x90000046  }
0xb2: {  	s29 =	simm.s32 $0x9;
	_ =	strace $0x80000048  }
0xb3: {  	_ =	swait.ge [sflag:s29], $0x1  }
0xb4: {  	[sflag:s29] =	ssyncadd.s32 $0xFFFFFFFF  }
0xb5: {  	_ =	strace $0x90000048  }
0xb6: {  	_ =	sfence  }
0xb7: {  	s30 =	sld [smem:$0x0];
	_ =	sdelay $0x2  }
0xb8: {  	s31 =	sshll.u32 s1, $0xD;
	s1 =	sshrl.u32 s1, $0x2  }
0xb9: {  	s3 =	sand.u32 $0x4000, s31;
	s1 =	sadd.s32 s1, s30  }
0xba: {  	s0 =	sor.u32 s3, s0;
	s1 =	sshll.u32 s1, $0x11  }
0xbb: {  	s0 =	sor.u32 s1, s0  }
0xbc: {  	s0 =	sadd.s32 $0x8F2B, s0  }
0xbd: {  	[sflag:s0] =	ssyncadd.remote.s32 $0x1  }
0xbe: {  	_ =	sfence.sel $0xFFFF  }
0xbf: {  	[dreg:$0x0] =	wrdreg $0xFFFFFFFF;
	(pc) =	sbr.abs _section_cstart, $3  }
0xc0: {  	[dreg:$0x1] =	wrdreg $0xFFFFFFFF  }
0xc1: {  	_ =	task.clear_ibuf [dreg:s7], $0x2FFFF;
	_ =	strace $0x9FFFFFFF  }
0xc2: {  	(tm) =	ssettm $0x7FFFFFFF  }
0xc3: {  	_ =	shalt  }
tec
execute0_lowered:
.L_overlay_start_1:
0x0: {  	(tag) =	ssettag $0x1  }
0x1: {  	s0 =	srdreg.scid  }
0x2: {  	s2 =	stileid.u32;
	s1 =	rddreg [dreg:$0x0]  }
0x3: {  	s5 =	rddreg [dreg:$0x1];
	s8 =	simm.s32 $0x80;
	s9 =	simm.s32 $0x6400  }
0x4: {  	s10 =	simm.s32 $0x48;
	s11 =	simm.s32 $0x8400;
	s13 =	simm.s32 $0x9600  }
0x5: {  	s15 =	simm.s32 $0xB600;
	s16 =	simm.s32 $0x190;
	s17 =	simm.s32 $0xC800  }
0x6: {  	s18 =	simm.s32 $0x210;
	s19 =	simm.s32 $0xE800;
	s20 =	simm.s32 $0x258  }
0x7: {  	s21 =	simm.s32 $0xFA00;
	s22 =	simm.s32 $0x2D8;
	s23 =	simm.s32 $0x11A00  }
0x8: {  	s24 =	simm.s32 $0x1;
	s25 =	simm.s32 $0x2;
	s26 =	simm.s32 $0x3  }
0x9: {  	s28 =	simm.s32 $0x4;
	s29 =	simm.s32 $0x12C00;
	s0 =	sand.u32 $0x1, s0  }
0xa: {  	s30 =	simm.s32 $0x0;
	s2 =	sshll.u32 s2, $0x8;
	s3 =	sshll.u32 s0, $0x7  }
0xb: {  	s0 =	ssub.s32 $0x2, s0;
	s4 =	sor.u32 s3, s2;
	s2 =	simm.s32 $0x0  }
0xc: {  	s31 =	sshrl.u32 s0, $0x1;
	s3 =	smul.u32 $0x19, s4;
	[smem:$0x7FF] =	sst s2  }
0xd: {  	s7 =	sshll.u32 s4, $0x3;
	s0 =	ssub.s32 s0, s31;
	_ =	strace $0x80000047  }
0xe: {  	s5 =	sadd.s32 s5, s7;
	s7 =	simm.s32 $0x5;
	s6 =	sadd.s32 s3, s1  }
0xf: {  	s3 =	sadd.s32 $0xF42A00, s1;
	s4 =	sadd.s32 $0x600, s6;
	s6 =	smax.u32 s0, $0x1  }
.LBB2_1:
0x10: {  	[tilespmem:s2], [sflag:$0x5] =	stream.linear.gather [hbm4b:s4+s2], $0x6400, $0x38;
	[tilespmem:$0x14C00] =	vst v63  }
0x11: {  	_ =	swait.ge [sflag:s7], $0x6400  }
0x12: {  	[sflag:s7] =	ssyncset.done $0x0  }
0x13: {  	[sflag:s7] =	ssyncadd.s32 $0xFFFF9C00  }
0x14: {  	[tilespmem:s9], [sflag:$0x1] =	stream.indirect.gather [hbm4b:s3+s8], $0x40, s2, s8, $0xb8;
	[tilespmem:$0x14C00] =	vst v63  }
0x15: {  	_ = 	snop  }
0x16: {  	[tilespmem:s11], [sflag:$0x1] =	stream.indirect.gather [hbm4b:s3+s10], $0x40, s8, s10, $0xb8;
	[tilespmem:$0x14C00] =	vst v63  }
0x17: {  	s0 =	simm.s32 $0xC8  }
0x18: {  	[tilespmem:s13], [sflag:$0x2] =	stream.indirect.gather [hbm4b:s3+s8], $0x40, s0, s8, $0xb8;
	[tilespmem:$0x14C00] =	vst v63  }
0x19: {  	s14 =	simm.s32 $0x148  }
0x1a: {  	[tilespmem:s15], [sflag:$0x2] =	stream.indirect.gather [hbm4b:s3+s10], $0x40, s14, s10, $0xb8;
	[tilespmem:$0x14C00] =	vst v63  }
0x1b: {  	_ = 	snop  }
0x1c: {  	[tilespmem:s17], [sflag:$0x3] =	stream.indirect.gather [hbm4b:s3+s8], $0x40, s16, s8, $0xb8;
	[tilespmem:$0x14C00] =	vst v63  }
0x1d: {  	_ = 	snop  }
0x1e: {  	[tilespmem:s19], [sflag:$0x3] =	stream.indirect.gather [hbm4b:s3+s10], $0x40, s18, s10, $0xb8;
	[tilespmem:$0x14C00] =	vst v63  }
0x1f: {  	_ = 	snop  }
0x20: {  	[tilespmem:s21], [sflag:$0x4] =	stream.indirect.gather [hbm4b:s3+s8], $0x40, s20, s8, $0xb8;
	[tilespmem:$0x14C00] =	vst v63  }
0x21: {  	s31 =	simm.s32 $0x0  }
0x22: {  	[tilespmem:s23], [sflag:$0x4] =	stream.indirect.gather [hbm4b:s3+s10], $0x40, s22, s10, $0xb8;
	[tilespmem:$0x14C00] =	vst v63  }
.LBB2_2:
0x23: {  	_ =	swait.ge [sflag:s24], $0x2000  }
0x24: {  	[sflag:s24] =	ssyncset.done $0x0  }
0x25: {  	[sflag:s24] =	ssyncadd.s32 $0xFFFFE000  }
0x26: {  	_ =	swait.ge [sflag:s24], $0x1200  }
0x27: {  	[sflag:s24] =	ssyncset.done $0x0  }
0x28: {  	s0 =	simm.s32 $0x0;
	[sflag:s24] =	ssyncadd.s32 $0xFFFFEE00  }
0x29: {  	v0 =	vld [tilespmem:s0+$0x65C0]  }
0x2a: {  	v1 =	vld [tilespmem:s0+$0x65D0]  }
0x2b: {  	v2 =	vld [tilespmem:s0+$0x6580]  }
0x2c: {  	v3 =	vld [tilespmem:s0+$0x6590]  }
0x2d: {  	v4 =	vld [tilespmem:s0+$0x6540]  }
0x2e: {  	v5 =	vld [tilespmem:s0+$0x6550]  }
0x2f: {  	v6 =	vld [tilespmem:s0+$0x6500]  }
0x30: {  	v7 =	vld [tilespmem:s0+$0x6510]  }
0x31: {  	v9 =	vld [tilespmem:s0+$0x64C0]  }
0x32: {  	v8 =	vld [tilespmem:s0+$0x64D0]  }
0x33: {  	v11 =	vld [tilespmem:s0+$0x6480]  }
0x34: {  	v10 =	vld [tilespmem:s0+$0x6490]  }
0x35: {  	v17 =	vld [tilespmem:s0+$0x6440]  }
0x36: {  	v16 =	vld [tilespmem:s0+$0x6450]  }
0x37: {  	v19 =	vld [tilespmem:s0+$0x6400]  }
0x38: {  	v12 =	vimm.f32 $0.0e+00;
	v20 =	vld [tilespmem:s0+$0x6410]  }
0x39: {  	s1 =	simm.s32 $0x800;
	v15 =	vimm.f32 $0.0e+00;
	v14 =	vimm.f32 $0.0e+00;
	v13 =	vimm.f32 $0.0e+00;
	v18 =	vld [tilespmem:s0+$0x6420]  }
.LBB2_3:
0x3a: {  	p0 =	sne.s32 s1, $0xC000;
	v21 =	vld [tilespmem:s0+$0x6430]  }
0x3b: {  	v22 =	vld [tilespmem:s0+$0x6460]  }
0x3c: {  	v23 =	vld [tilespmem:s0+$0x6470]  }
0x3d: {  	v24 =	vld [tilespmem:s0+$0x64A0]  }
0x3e: {  	v12 =	vadd.f32 v19, v12;
	v15 =	vadd.f32 v20, v15;
	v19 =	vld [tilespmem:s0+$0x64B0]  }
0x3f: {  	v14 =	vadd.f32 v18, v14;
	v13 =	vadd.f32 v21, v13;
	v18 =	vld [tilespmem:s0+$0x64E0]  }
0x40: {  	v12 =	vadd.f32 v17, v12;
	v15 =	vadd.f32 v16, v15;
	v16 =	vld [tilespmem:s0+$0x64F0]  }
0x41: {  	v14 =	vadd.f32 v22, v14;
	v13 =	vadd.f32 v23, v13;
	v17 =	vld [tilespmem:s0+$0x6520]  }
0x42: {  	v11 =	vadd.f32 v11, v12;
	v10 =	vadd.f32 v10, v15;
	v12 =	vld [tilespmem:s0+$0x6530]  }
0x43: {  	v14 =	vadd.f32 v24, v14;
	v13 =	vadd.f32 v19, v13;
	v15 =	vld [tilespmem:s0+$0x6560]  }
0x44: {  	v9 =	vadd.f32 v9, v11;
	v8 =	vadd.f32 v8, v10;
	v10 =	vld [tilespmem:s0+$0x6570]  }
0x45: {  	v11 =	vadd.f32 v18, v14;
	v13 =	vadd.f32 v16, v13;
	v14 =	vld [tilespmem:s0+$0x65A0]  }
0x46: {  	v6 =	vadd.f32 v6, v9;
	v7 =	vadd.f32 v7, v8;
	v8 =	vld [tilespmem:s0+$0x65B0]  }
0x47: {  	v9 =	vadd.f32 v17, v11;
	v11 =	vadd.f32 v12, v13;
	v13 =	vld [tilespmem:s0+$0x65E0]  }
0x48: {  	v4 =	vadd.f32 v4, v6;
	v5 =	vadd.f32 v5, v7;
	v6 =	vld [tilespmem:s0+$0x65F0];
	s0 =	sshra.s32 s1, $0x2  }
0x49: {  	v9 =	vadd.f32 v15, v9;
	v7 =	vld [tilespmem:s0+$0x65C0];
	v10 =	vadd.f32 v10, v11  }
0x4a: {  	v4 =	vadd.f32 v2, v4;
	v5 =	vadd.f32 v3, v5;
	v11 =	vld [tilespmem:s0+$0x65D0]  }
0x4b: {  	v9 =	vadd.f32 v14, v9;
	v2 =	vld [tilespmem:s0+$0x6580];
	v8 =	vadd.f32 v8, v10  }
0x4c: {  	v12 =	vadd.f32 v0, v4;
	v15 =	vadd.f32 v1, v5;
	v3 =	vld [tilespmem:s0+$0x6590]  }
0x4d: {  	v14 =	vadd.f32 v13, v9;
	v4 =	vld [tilespmem:s0+$0x6540];
	v13 =	vadd.f32 v6, v8  }
0x4e: {  	v5 =	vld [tilespmem:s0+$0x6550];
	v0 =	vmov v7  }
0x4f: {  	v6 =	vld [tilespmem:s0+$0x6500];
	v1 =	vmov v11  }
0x50: {  	v7 =	vld [tilespmem:s0+$0x6510]  }
0x51: {  	v9 =	vld [tilespmem:s0+$0x64C0]  }
0x52: {  	v8 =	vld [tilespmem:s0+$0x64D0]  }
0x53: {  	v11 =	vld [tilespmem:s0+$0x6480]  }
0x54: {  	v10 =	vld [tilespmem:s0+$0x6490]  }
.Ltmp0:
0x55: {  	v17 =	vld [tilespmem:s0+$0x6440];
	(pc) =	sbr.rel @p0 .LBB2_3-.Ltmp0, $4  }
0x56: {  	v16 =	vld [tilespmem:s0+$0x6450]  }
0x57: {  	v19 =	vld [tilespmem:s0+$0x6400]  }
0x58: {  	v20 =	vld [tilespmem:s0+$0x6410]  }
0x59: {  	s1 =	sadd.s32 $0x800, s1;
	v18 =	vld [tilespmem:s0+$0x6420]  }
0x5a: {  	v21 =	vld [tilespmem:s0+$0x6430]  }
0x5b: {  	v22 =	vld [tilespmem:s0+$0x6460]  }
0x5c: {  	v23 =	vld [tilespmem:s0+$0x6470];
	v12 =	vadd.f32 v19, v12  }
0x5d: {  	v19 =	vld [tilespmem:s0+$0x64A0];
	v15 =	vadd.f32 v20, v15  }
0x5e: {  	v20 =	vld [tilespmem:s0+$0x64B0];
	v14 =	vadd.f32 v18, v14;
	v12 =	vadd.f32 v17, v12  }
0x5f: {  	v17 =	vld [tilespmem:s0+$0x64E0];
	v13 =	vadd.f32 v21, v13;
	v15 =	vadd.f32 v16, v15  }
0x60: {  	v16 =	vld [tilespmem:s0+$0x64F0];
	v14 =	vadd.f32 v22, v14;
	v11 =	vadd.f32 v11, v12  }
0x61: {  	v12 =	vadd.f32 v23, v13;
	v13 =	vld [tilespmem:s0+$0x6520];
	v10 =	vadd.f32 v10, v15  }
0x62: {  	v15 =	vld [tilespmem:s0+$0x6530];
	v14 =	vadd.f32 v19, v14;
	v9 =	vadd.f32 v9, v11  }
0x63: {  	v11 =	vadd.f32 v20, v12;
	v12 =	vld [tilespmem:s0+$0x6560];
	v8 =	vadd.f32 v8, v10  }
0x64: {  	v10 =	vld [tilespmem:s0+$0x6570];
	v14 =	vadd.f32 v17, v14;
	v6 =	vadd.f32 v6, v9  }
0x65: {  	v9 =	vadd.f32 v16, v11;
	v11 =	vld [tilespmem:s0+$0x65A0];
	v7 =	vadd.f32 v7, v8  }
0x66: {  	s1 =	smul.u32 $0xC80, s31;
	v8 =	vld [tilespmem:s0+$0x65B0];
	v13 =	vadd.f32 v13, v14;
	v4 =	vadd.f32 v4, v6  }
0x67: {  	v6 =	vadd.f32 v15, v9;
	v9 =	vld [tilespmem:s0+$0x65E0];
	v5 =	vadd.f32 v5, v7  }
0x68: {  	s1 =	sshra.s32 s1, $0x2;
	v7 =	vld [tilespmem:s0+$0x65F0];
	v12 =	vadd.f32 v12, v13;
	v2 =	vadd.f32 v2, v4  }
0x69: {  	s14 =	sadd.s32 $0x320, s1;
	v4 =	vadd.f32 v10, v6;
	v3 =	vadd.f32 v3, v5  }
0x6a: {  	[tilespmem:s9], [sflag:$0x1] =	stream.indirect.gather [hbm4b:s3+s8], $0x40, s14, s8, $0xb8;
	v5 =	vadd.f32 v11, v12;
	v0 =	vadd.f32 v0, v2;
	[tilespmem:$0x14C00] =	vst v63  }
0x6b: {  	s14 =	sshll.u32 s31, $0x8;
	v2 =	vadd.f32 v8, v4;
	v1 =	vadd.f32 v1, v3  }
0x6c: {  	s12 =	sadd.s32 $0x3A0, s1;
	s0 =	sand.u32 $0x3FFFFF00, s14;
	v3 =	vadd.f32 v9, v5;
	v0 =	vmul.f32 $4.999999890e-03, v0  }
0x6d: {  	[tilespmem:s11], [sflag:$0x1] =	stream.indirect.gather [hbm4b:s3+s10], $0x40, s12, s10, $0xb8;
	v2 =	vadd.f32 v7, v2;
	v1 =	vmul.f32 $4.999999890e-03, v1;
	[tilespmem:$0x14C00] =	vst v63  }
0x6e: {  	[tilespmem:s0+$0x12C00] =	vst v0;
	v0 =	vmul.f32 $4.999999890e-03, v3  }
0x6f: {  	[tilespmem:s0+$0x12C10] =	vst v1;
	v1 =	vmul.f32 $4.999999890e-03, v2  }
0x70: {  	[tilespmem:s0+$0x12C20] =	vst v0  }
0x71: {  	[tilespmem:s0+$0x12C30] =	vst v1  }
0x72: {  	_ =	swait.ge [sflag:s25], $0x2000  }
0x73: {  	[sflag:s25] =	ssyncset.done $0x0  }
0x74: {  	[sflag:s25] =	ssyncadd.s32 $0xFFFFE000  }
0x75: {  	_ =	swait.ge [sflag:s25], $0x1200  }
0x76: {  	[sflag:s25] =	ssyncset.done $0x0  }
0x77: {  	s12 =	simm.s32 $0x0;
	[sflag:s25] =	ssyncadd.s32 $0xFFFFEE00  }
0x78: {  	v0 =	vld [tilespmem:s12+$0x97C0]  }
0x79: {  	v1 =	vld [tilespmem:s12+$0x97D0]  }
0x7a: {  	v2 =	vld [tilespmem:s12+$0x9780]  }
0x7b: {  	v3 =	vld [tilespmem:s12+$0x9790]  }
0x7c: {  	v4 =	vld [tilespmem:s12+$0x9740]  }
0x7d: {  	v5 =	vld [tilespmem:s12+$0x9750]  }
0x7e: {  	v6 =	vld [tilespmem:s12+$0x9700]  }
0x7f: {  	v7 =	vld [tilespmem:s12+$0x9710]  }
0x80: {  	v9 =	vld [tilespmem:s12+$0x96C0]  }
0x81: {  	v8 =	vld [tilespmem:s12+$0x96D0]  }
0x82: {  	v11 =	vld [tilespmem:s12+$0x9680]  }
0x83: {  	v10 =	vld [tilespmem:s12+$0x9690]  }
0x84: {  	v17 =	vld [tilespmem:s12+$0x9640]  }
0x85: {  	v16 =	vld [tilespmem:s12+$0x9650]  }
0x86: {  	v19 =	vld [tilespmem:s12+$0x9600]  }
0x87: {  	v14 =	vimm.f32 $0.0e+00;
	v20 =	vld [tilespmem:s12+$0x9610]  }
0x88: {  	v15 =	vimm.f32 $0.0e+00;
	s14 =	simm.s32 $0x800;
	v13 =	vimm.f32 $0.0e+00;
	v12 =	vimm.f32 $0.0e+00;
	v18 =	vld [tilespmem:s12+$0x9620]  }
.LBB2_5:
0x89: {  	p0 =	sne.s32 s14, $0xC000;
	v21 =	vld [tilespmem:s12+$0x9630]  }
0x8a: {  	v22 =	vld [tilespmem:s12+$0x9660]  }
0x8b: {  	v23 =	vld [tilespmem:s12+$0x9670]  }
0x8c: {  	v24 =	vld [tilespmem:s12+$0x96A0]  }
0x8d: {  	v12 =	vadd.f32 v19, v12;
	v15 =	vadd.f32 v20, v15;
	v19 =	vld [tilespmem:s12+$0x96B0]  }
0x8e: {  	v14 =	vadd.f32 v18, v14;
	v13 =	vadd.f32 v21, v13;
	v18 =	vld [tilespmem:s12+$0x96E0]  }
0x8f: {  	v12 =	vadd.f32 v17, v12;
	v15 =	vadd.f32 v16, v15;
	v16 =	vld [tilespmem:s12+$0x96F0]  }
0x90: {  	v14 =	vadd.f32 v22, v14;
	v13 =	vadd.f32 v23, v13;
	v17 =	vld [tilespmem:s12+$0x9720]  }
0x91: {  	v11 =	vadd.f32 v11, v12;
	v10 =	vadd.f32 v10, v15;
	v12 =	vld [tilespmem:s12+$0x9730]  }
0x92: {  	v14 =	vadd.f32 v24, v14;
	v13 =	vadd.f32 v19, v13;
	v15 =	vld [tilespmem:s12+$0x9760]  }
0x93: {  	v9 =	vadd.f32 v9, v11;
	v8 =	vadd.f32 v8, v10;
	v10 =	vld [tilespmem:s12+$0x9770]  }
0x94: {  	v11 =	vadd.f32 v18, v14;
	v13 =	vadd.f32 v16, v13;
	v14 =	vld [tilespmem:s12+$0x97A0]  }
0x95: {  	v6 =	vadd.f32 v6, v9;
	v7 =	vadd.f32 v7, v8;
	v8 =	vld [tilespmem:s12+$0x97B0]  }
0x96: {  	v9 =	vadd.f32 v17, v11;
	v11 =	vadd.f32 v12, v13;
	v13 =	vld [tilespmem:s12+$0x97E0]  }
0x97: {  	v4 =	vadd.f32 v4, v6;
	v5 =	vadd.f32 v5, v7;
	v6 =	vld [tilespmem:s12+$0x97F0];
	s12 =	sshra.s32 s14, $0x2  }
0x98: {  	v9 =	vadd.f32 v15, v9;
	v7 =	vld [tilespmem:s12+$0x97C0];
	v10 =	vadd.f32 v10, v11  }
0x99: {  	v4 =	vadd.f32 v2, v4;
	v5 =	vadd.f32 v3, v5;
	v11 =	vld [tilespmem:s12+$0x97D0]  }
0x9a: {  	v9 =	vadd.f32 v14, v9;
	v2 =	vld [tilespmem:s12+$0x9780];
	v8 =	vadd.f32 v8, v10  }
0x9b: {  	v12 =	vadd.f32 v0, v4;
	v15 =	vadd.f32 v1, v5;
	v3 =	vld [tilespmem:s12+$0x9790]  }
0x9c: {  	v14 =	vadd.f32 v13, v9;
	v4 =	vld [tilespmem:s12+$0x9740];
	v13 =	vadd.f32 v6, v8  }
0x9d: {  	v5 =	vld [tilespmem:s12+$0x9750];
	v0 =	vmov v7  }
0x9e: {  	v6 =	vld [tilespmem:s12+$0x9700];
	v1 =	vmov v11  }
0x9f: {  	v7 =	vld [tilespmem:s12+$0x9710]  }
0xa0: {  	v9 =	vld [tilespmem:s12+$0x96C0]  }
0xa1: {  	v8 =	vld [tilespmem:s12+$0x96D0]  }
0xa2: {  	v11 =	vld [tilespmem:s12+$0x9680]  }
0xa3: {  	v10 =	vld [tilespmem:s12+$0x9690]  }
.Ltmp1:
0xa4: {  	v17 =	vld [tilespmem:s12+$0x9640];
	(pc) =	sbr.rel @p0 .LBB2_5-.Ltmp1, $4  }
0xa5: {  	v16 =	vld [tilespmem:s12+$0x9650]  }
0xa6: {  	v19 =	vld [tilespmem:s12+$0x9600]  }
0xa7: {  	v20 =	vld [tilespmem:s12+$0x9610]  }
0xa8: {  	s14 =	sadd.s32 $0x800, s14;
	v18 =	vld [tilespmem:s12+$0x9620]  }
0xa9: {  	v21 =	vld [tilespmem:s12+$0x9630]  }
0xaa: {  	v22 =	vld [tilespmem:s12+$0x9660]  }
0xab: {  	v23 =	vld [tilespmem:s12+$0x9670];
	v12 =	vadd.f32 v19, v12  }
0xac: {  	v19 =	vld [tilespmem:s12+$0x96A0];
	v15 =	vadd.f32 v20, v15  }
0xad: {  	v20 =	vld [tilespmem:s12+$0x96B0];
	v14 =	vadd.f32 v18, v14;
	v12 =	vadd.f32 v17, v12  }
0xae: {  	v17 =	vld [tilespmem:s12+$0x96E0];
	v13 =	vadd.f32 v21, v13;
	v15 =	vadd.f32 v16, v15  }
0xaf: {  	v16 =	vld [tilespmem:s12+$0x96F0];
	v14 =	vadd.f32 v22, v14;
	v11 =	vadd.f32 v11, v12  }
0xb0: {  	v12 =	vadd.f32 v23, v13;
	v13 =	vld [tilespmem:s12+$0x9720];
	v10 =	vadd.f32 v10, v15  }
0xb1: {  	v15 =	vld [tilespmem:s12+$0x9730];
	v14 =	vadd.f32 v19, v14;
	v9 =	vadd.f32 v9, v11  }
0xb2: {  	v11 =	vadd.f32 v20, v12;
	v12 =	vld [tilespmem:s12+$0x9760];
	v8 =	vadd.f32 v8, v10  }
0xb3: {  	v10 =	vld [tilespmem:s12+$0x9770];
	v14 =	vadd.f32 v17, v14;
	v6 =	vadd.f32 v6, v9  }
0xb4: {  	v9 =	vadd.f32 v16, v11;
	v11 =	vld [tilespmem:s12+$0x97A0];
	v7 =	vadd.f32 v7, v8  }
0xb5: {  	v8 =	vld [tilespmem:s12+$0x97B0];
	v13 =	vadd.f32 v13, v14;
	v4 =	vadd.f32 v4, v6  }
0xb6: {  	v6 =	vadd.f32 v15, v9;
	v9 =	vld [tilespmem:s12+$0x97E0];
	v5 =	vadd.f32 v5, v7  }
0xb7: {  	v7 =	vld [tilespmem:s12+$0x97F0];
	v12 =	vadd.f32 v12, v13;
	v2 =	vadd.f32 v2, v4  }
0xb8: {  	v4 =	vadd.f32 v10, v6;
	v3 =	vadd.f32 v3, v5  }
0xb9: {  	s14 =	sadd.s32 $0x3E8, s1;
	v5 =	vadd.f32 v11, v12;
	v0 =	vadd.f32 v0, v2  }
0xba: {  	[tilespmem:s13], [sflag:$0x2] =	stream.indirect.gather [hbm4b:s3+s8], $0x40, s14, s8, $0xb8;
	v2 =	vadd.f32 v8, v4;
	v1 =	vadd.f32 v1, v3;
	[tilespmem:$0x14C00] =	vst v63  }
0xbb: {  	s14 =	sadd.s32 $0x468, s1;
	v3 =	vadd.f32 v9, v5;
	v0 =	vmul.f32 $4.999999890e-03, v0  }
0xbc: {  	[tilespmem:s15], [sflag:$0x2] =	stream.indirect.gather [hbm4b:s3+s10], $0x40, s14, s10, $0xb8;
	v2 =	vadd.f32 v7, v2;
	v1 =	vmul.f32 $4.999999890e-03, v1;
	[tilespmem:$0x14C00] =	vst v63  }
0xbd: {  	[tilespmem:s0+$0x12C40] =	vst v0;
	v0 =	vmul.f32 $4.999999890e-03, v3  }
0xbe: {  	[tilespmem:s0+$0x12C50] =	vst v1;
	v1 =	vmul.f32 $4.999999890e-03, v2  }
0xbf: {  	[tilespmem:s0+$0x12C60] =	vst v0  }
0xc0: {  	[tilespmem:s0+$0x12C70] =	vst v1  }
0xc1: {  	_ =	swait.ge [sflag:s26], $0x2000  }
0xc2: {  	[sflag:s26] =	ssyncset.done $0x0  }
0xc3: {  	[sflag:s26] =	ssyncadd.s32 $0xFFFFE000  }
0xc4: {  	_ =	swait.ge [sflag:s26], $0x1200  }
0xc5: {  	[sflag:s26] =	ssyncset.done $0x0  }
0xc6: {  	s12 =	simm.s32 $0x0;
	[sflag:s26] =	ssyncadd.s32 $0xFFFFEE00  }
0xc7: {  	v0 =	vld [tilespmem:s12+$0xC9C0]  }
0xc8: {  	v1 =	vld [tilespmem:s12+$0xC9D0]  }
0xc9: {  	v2 =	vld [tilespmem:s12+$0xC980]  }
0xca: {  	v3 =	vld [tilespmem:s12+$0xC990]  }
0xcb: {  	v4 =	vld [tilespmem:s12+$0xC940]  }
0xcc: {  	v5 =	vld [tilespmem:s12+$0xC950]  }
0xcd: {  	v6 =	vld [tilespmem:s12+$0xC900]  }
0xce: {  	v7 =	vld [tilespmem:s12+$0xC910]  }
0xcf: {  	v9 =	vld [tilespmem:s12+$0xC8C0]  }
0xd0: {  	v8 =	vld [tilespmem:s12+$0xC8D0]  }
0xd1: {  	v11 =	vld [tilespmem:s12+$0xC880]  }
0xd2: {  	v10 =	vld [tilespmem:s12+$0xC890]  }
0xd3: {  	v17 =	vld [tilespmem:s12+$0xC840]  }
0xd4: {  	v16 =	vld [tilespmem:s12+$0xC850]  }
0xd5: {  	v19 =	vld [tilespmem:s12+$0xC800]  }
0xd6: {  	v14 =	vimm.f32 $0.0e+00;
	v20 =	vld [tilespmem:s12+$0xC810]  }
0xd7: {  	v15 =	vimm.f32 $0.0e+00;
	v13 =	vimm.f32 $0.0e+00;
	s14 =	simm.s32 $0x800;
	v12 =	vimm.f32 $0.0e+00;
	v18 =	vld [tilespmem:s12+$0xC820]  }
.LBB2_7:
0xd8: {  	p0 =	sne.s32 s14, $0xC000;
	v21 =	vld [tilespmem:s12+$0xC830]  }
0xd9: {  	v22 =	vld [tilespmem:s12+$0xC860]  }
0xda: {  	v23 =	vld [tilespmem:s12+$0xC870]  }
0xdb: {  	v24 =	vld [tilespmem:s12+$0xC8A0]  }
0xdc: {  	v12 =	vadd.f32 v19, v12;
	v15 =	vadd.f32 v20, v15;
	v19 =	vld [tilespmem:s12+$0xC8B0]  }
0xdd: {  	v14 =	vadd.f32 v18, v14;
	v13 =	vadd.f32 v21, v13;
	v18 =	vld [tilespmem:s12+$0xC8E0]  }
0xde: {  	v12 =	vadd.f32 v17, v12;
	v15 =	vadd.f32 v16, v15;
	v16 =	vld [tilespmem:s12+$0xC8F0]  }
0xdf: {  	v14 =	vadd.f32 v22, v14;
	v13 =	vadd.f32 v23, v13;
	v17 =	vld [tilespmem:s12+$0xC920]  }
0xe0: {  	v11 =	vadd.f32 v11, v12;
	v10 =	vadd.f32 v10, v15;
	v12 =	vld [tilespmem:s12+$0xC930]  }
0xe1: {  	v14 =	vadd.f32 v24, v14;
	v13 =	vadd.f32 v19, v13;
	v15 =	vld [tilespmem:s12+$0xC960]  }
0xe2: {  	v9 =	vadd.f32 v9, v11;
	v8 =	vadd.f32 v8, v10;
	v10 =	vld [tilespmem:s12+$0xC970]  }
0xe3: {  	v11 =	vadd.f32 v18, v14;
	v13 =	vadd.f32 v16, v13;
	v14 =	vld [tilespmem:s12+$0xC9A0]  }
0xe4: {  	v6 =	vadd.f32 v6, v9;
	v7 =	vadd.f32 v7, v8;
	v8 =	vld [tilespmem:s12+$0xC9B0]  }
0xe5: {  	v9 =	vadd.f32 v17, v11;
	v11 =	vadd.f32 v12, v13;
	v13 =	vld [tilespmem:s12+$0xC9E0]  }
0xe6: {  	v4 =	vadd.f32 v4, v6;
	v5 =	vadd.f32 v5, v7;
	v6 =	vld [tilespmem:s12+$0xC9F0];
	s12 =	sshra.s32 s14, $0x2  }
0xe7: {  	v9 =	vadd.f32 v15, v9;
	v7 =	vld [tilespmem:s12+$0xC9C0];
	v10 =	vadd.f32 v10, v11  }
0xe8: {  	v4 =	vadd.f32 v2, v4;
	v5 =	vadd.f32 v3, v5;
	v11 =	vld [tilespmem:s12+$0xC9D0]  }
0xe9: {  	v9 =	vadd.f32 v14, v9;
	v2 =	vld [tilespmem:s12+$0xC980];
	v8 =	vadd.f32 v8, v10  }
0xea: {  	v12 =	vadd.f32 v0, v4;
	v15 =	vadd.f32 v1, v5;
	v3 =	vld [tilespmem:s12+$0xC990]  }
0xeb: {  	v14 =	vadd.f32 v13, v9;
	v4 =	vld [tilespmem:s12+$0xC940];
	v13 =	vadd.f32 v6, v8  }
0xec: {  	v5 =	vld [tilespmem:s12+$0xC950];
	v0 =	vmov v7  }
0xed: {  	v6 =	vld [tilespmem:s12+$0xC900];
	v1 =	vmov v11  }
0xee: {  	v7 =	vld [tilespmem:s12+$0xC910]  }
0xef: {  	v9 =	vld [tilespmem:s12+$0xC8C0]  }
0xf0: {  	v8 =	vld [tilespmem:s12+$0xC8D0]  }
0xf1: {  	v11 =	vld [tilespmem:s12+$0xC880]  }
0xf2: {  	v10 =	vld [tilespmem:s12+$0xC890]  }
.Ltmp2:
0xf3: {  	v17 =	vld [tilespmem:s12+$0xC840];
	(pc) =	sbr.rel @p0 .LBB2_7-.Ltmp2, $4  }
0xf4: {  	v16 =	vld [tilespmem:s12+$0xC850]  }
0xf5: {  	v19 =	vld [tilespmem:s12+$0xC800]  }
0xf6: {  	v20 =	vld [tilespmem:s12+$0xC810]  }
0xf7: {  	s14 =	sadd.s32 $0x800, s14;
	v18 =	vld [tilespmem:s12+$0xC820]  }
0xf8: {  	v21 =	vld [tilespmem:s12+$0xC830]  }
0xf9: {  	v22 =	vld [tilespmem:s12+$0xC860]  }
0xfa: {  	v23 =	vld [tilespmem:s12+$0xC870];
	v12 =	vadd.f32 v19, v12  }
0xfb: {  	v19 =	vld [tilespmem:s12+$0xC8A0];
	v15 =	vadd.f32 v20, v15  }
0xfc: {  	v20 =	vld [tilespmem:s12+$0xC8B0];
	v14 =	vadd.f32 v18, v14;
	v12 =	vadd.f32 v17, v12  }
0xfd: {  	v17 =	vld [tilespmem:s12+$0xC8E0];
	v13 =	vadd.f32 v21, v13;
	v15 =	vadd.f32 v16, v15  }
0xfe: {  	v16 =	vld [tilespmem:s12+$0xC8F0];
	v14 =	vadd.f32 v22, v14;
	v11 =	vadd.f32 v11, v12  }
0xff: {  	v12 =	vadd.f32 v23, v13;
	v13 =	vld [tilespmem:s12+$0xC920];
	v10 =	vadd.f32 v10, v15  }
0x100: {  	v15 =	vld [tilespmem:s12+$0xC930];
	v14 =	vadd.f32 v19, v14;
	v9 =	vadd.f32 v9, v11  }
0x101: {  	v11 =	vadd.f32 v20, v12;
	v12 =	vld [tilespmem:s12+$0xC960];
	v8 =	vadd.f32 v8, v10  }
0x102: {  	v10 =	vld [tilespmem:s12+$0xC970];
	v14 =	vadd.f32 v17, v14;
	v6 =	vadd.f32 v6, v9  }
0x103: {  	v9 =	vadd.f32 v16, v11;
	v11 =	vld [tilespmem:s12+$0xC9A0];
	v7 =	vadd.f32 v7, v8  }
0x104: {  	v8 =	vld [tilespmem:s12+$0xC9B0];
	v13 =	vadd.f32 v13, v14;
	v4 =	vadd.f32 v4, v6  }
0x105: {  	v6 =	vadd.f32 v15, v9;
	v9 =	vld [tilespmem:s12+$0xC9E0];
	v5 =	vadd.f32 v5, v7  }
0x106: {  	v7 =	vld [tilespmem:s12+$0xC9F0];
	v12 =	vadd.f32 v12, v13;
	v2 =	vadd.f32 v2, v4  }
0x107: {  	v4 =	vadd.f32 v10, v6;
	v3 =	vadd.f32 v3, v5  }
0x108: {  	s14 =	sadd.s32 $0x4B0, s1;
	v5 =	vadd.f32 v11, v12;
	v0 =	vadd.f32 v0, v2  }
0x109: {  	[tilespmem:s17], [sflag:$0x3] =	stream.indirect.gather [hbm4b:s3+s8], $0x40, s14, s8, $0xb8;
	v2 =	vadd.f32 v8, v4;
	v1 =	vadd.f32 v1, v3;
	[tilespmem:$0x14C00] =	vst v63  }
0x10a: {  	s14 =	sadd.s32 $0x530, s1;
	v3 =	vadd.f32 v9, v5;
	v0 =	vmul.f32 $4.999999890e-03, v0  }
0x10b: {  	[tilespmem:s19], [sflag:$0x3] =	stream.indirect.gather [hbm4b:s3+s10], $0x40, s14, s10, $0xb8;
	v2 =	vadd.f32 v7, v2;
	v1 =	vmul.f32 $4.999999890e-03, v1;
	[tilespmem:$0x14C00] =	vst v63  }
0x10c: {  	[tilespmem:s0+$0x12C80] =	vst v0;
	v0 =	vmul.f32 $4.999999890e-03, v3  }
0x10d: {  	[tilespmem:s0+$0x12C90] =	vst v1;
	v1 =	vmul.f32 $4.999999890e-03, v2  }
0x10e: {  	[tilespmem:s0+$0x12CA0] =	vst v0  }
0x10f: {  	[tilespmem:s0+$0x12CB0] =	vst v1  }
0x110: {  	_ =	swait.ge [sflag:s28], $0x2000  }
0x111: {  	[sflag:s28] =	ssyncset.done $0x0  }
0x112: {  	[sflag:s28] =	ssyncadd.s32 $0xFFFFE000  }
0x113: {  	_ =	swait.ge [sflag:s28], $0x1200  }
0x114: {  	[sflag:s28] =	ssyncset.done $0x0  }
0x115: {  	s12 =	simm.s32 $0x0;
	[sflag:s28] =	ssyncadd.s32 $0xFFFFEE00  }
0x116: {  	v0 =	vld [tilespmem:s12+$0xFBC0]  }
0x117: {  	v1 =	vld [tilespmem:s12+$0xFBD0]  }
0x118: {  	v2 =	vld [tilespmem:s12+$0xFB80]  }
0x119: {  	v3 =	vld [tilespmem:s12+$0xFB90]  }
0x11a: {  	v4 =	vld [tilespmem:s12+$0xFB40]  }
0x11b: {  	v5 =	vld [tilespmem:s12+$0xFB50]  }
0x11c: {  	v6 =	vld [tilespmem:s12+$0xFB00]  }
0x11d: {  	v7 =	vld [tilespmem:s12+$0xFB10]  }
0x11e: {  	v9 =	vld [tilespmem:s12+$0xFAC0]  }
0x11f: {  	v8 =	vld [tilespmem:s12+$0xFAD0]  }
0x120: {  	v11 =	vld [tilespmem:s12+$0xFA80]  }
0x121: {  	v10 =	vld [tilespmem:s12+$0xFA90]  }
0x122: {  	v17 =	vld [tilespmem:s12+$0xFA40]  }
0x123: {  	v16 =	vld [tilespmem:s12+$0xFA50]  }
0x124: {  	v19 =	vld [tilespmem:s12+$0xFA00]  }
0x125: {  	v14 =	vimm.f32 $0.0e+00;
	v20 =	vld [tilespmem:s12+$0xFA10]  }
0x126: {  	v15 =	vimm.f32 $0.0e+00;
	v13 =	vimm.f32 $0.0e+00;
	s14 =	simm.s32 $0x800;
	v12 =	vimm.f32 $0.0e+00;
	v18 =	vld [tilespmem:s12+$0xFA20]  }
.LBB2_9:
0x127: {  	p0 =	sne.s32 s14, $0xC000;
	v21 =	vld [tilespmem:s12+$0xFA30]  }
0x128: {  	v22 =	vld [tilespmem:s12+$0xFA60]  }
0x129: {  	v23 =	vld [tilespmem:s12+$0xFA70]  }
0x12a: {  	v24 =	vld [tilespmem:s12+$0xFAA0]  }
0x12b: {  	v12 =	vadd.f32 v19, v12;
	v15 =	vadd.f32 v20, v15;
	v19 =	vld [tilespmem:s12+$0xFAB0]  }
0x12c: {  	v14 =	vadd.f32 v18, v14;
	v13 =	vadd.f32 v21, v13;
	v18 =	vld [tilespmem:s12+$0xFAE0]  }
0x12d: {  	v12 =	vadd.f32 v17, v12;
	v15 =	vadd.f32 v16, v15;
	v16 =	vld [tilespmem:s12+$0xFAF0]  }
0x12e: {  	v14 =	vadd.f32 v22, v14;
	v13 =	vadd.f32 v23, v13;
	v17 =	vld [tilespmem:s12+$0xFB20]  }
0x12f: {  	v11 =	vadd.f32 v11, v12;
	v10 =	vadd.f32 v10, v15;
	v12 =	vld [tilespmem:s12+$0xFB30]  }
0x130: {  	v14 =	vadd.f32 v24, v14;
	v13 =	vadd.f32 v19, v13;
	v15 =	vld [tilespmem:s12+$0xFB60]  }
0x131: {  	v9 =	vadd.f32 v9, v11;
	v8 =	vadd.f32 v8, v10;
	v10 =	vld [tilespmem:s12+$0xFB70]  }
0x132: {  	v11 =	vadd.f32 v18, v14;
	v13 =	vadd.f32 v16, v13;
	v14 =	vld [tilespmem:s12+$0xFBA0]  }
0x133: {  	v6 =	vadd.f32 v6, v9;
	v7 =	vadd.f32 v7, v8;
	v8 =	vld [tilespmem:s12+$0xFBB0]  }
0x134: {  	v9 =	vadd.f32 v17, v11;
	v11 =	vadd.f32 v12, v13;
	v13 =	vld [tilespmem:s12+$0xFBE0]  }
0x135: {  	v4 =	vadd.f32 v4, v6;
	v5 =	vadd.f32 v5, v7;
	v6 =	vld [tilespmem:s12+$0xFBF0];
	s12 =	sshra.s32 s14, $0x2  }
0x136: {  	v9 =	vadd.f32 v15, v9;
	v7 =	vld [tilespmem:s12+$0xFBC0];
	v10 =	vadd.f32 v10, v11  }
0x137: {  	v4 =	vadd.f32 v2, v4;
	v5 =	vadd.f32 v3, v5;
	v11 =	vld [tilespmem:s12+$0xFBD0]  }
0x138: {  	v9 =	vadd.f32 v14, v9;
	v2 =	vld [tilespmem:s12+$0xFB80];
	v8 =	vadd.f32 v8, v10  }
0x139: {  	v12 =	vadd.f32 v0, v4;
	v15 =	vadd.f32 v1, v5;
	v3 =	vld [tilespmem:s12+$0xFB90]  }
0x13a: {  	v14 =	vadd.f32 v13, v9;
	v4 =	vld [tilespmem:s12+$0xFB40];
	v13 =	vadd.f32 v6, v8  }
0x13b: {  	v5 =	vld [tilespmem:s12+$0xFB50];
	v0 =	vmov v7  }
0x13c: {  	v6 =	vld [tilespmem:s12+$0xFB00];
	v1 =	vmov v11  }
0x13d: {  	v7 =	vld [tilespmem:s12+$0xFB10]  }
0x13e: {  	v9 =	vld [tilespmem:s12+$0xFAC0]  }
0x13f: {  	v8 =	vld [tilespmem:s12+$0xFAD0]  }
0x140: {  	v11 =	vld [tilespmem:s12+$0xFA80]  }
0x141: {  	v10 =	vld [tilespmem:s12+$0xFA90]  }
.Ltmp3:
0x142: {  	v17 =	vld [tilespmem:s12+$0xFA40];
	(pc) =	sbr.rel @p0 .LBB2_9-.Ltmp3, $4  }
0x143: {  	v16 =	vld [tilespmem:s12+$0xFA50]  }
0x144: {  	v19 =	vld [tilespmem:s12+$0xFA00]  }
0x145: {  	v20 =	vld [tilespmem:s12+$0xFA10]  }
0x146: {  	s14 =	sadd.s32 $0x800, s14;
	v18 =	vld [tilespmem:s12+$0xFA20]  }
0x147: {  	v21 =	vld [tilespmem:s12+$0xFA30]  }
0x148: {  	v22 =	vld [tilespmem:s12+$0xFA60]  }
0x149: {  	v23 =	vld [tilespmem:s12+$0xFA70];
	v12 =	vadd.f32 v19, v12  }
0x14a: {  	v42 =	vld [tilespmem:s12+$0xFAA0];
	v15 =	vadd.f32 v20, v15  }
0x14b: {  	v43 =	vld [tilespmem:s12+$0xFAB0];
	v14 =	vadd.f32 v18, v14;
	v12 =	vadd.f32 v17, v12  }
0x14c: {  	v44 =	vld [tilespmem:s12+$0xFAE0];
	v13 =	vadd.f32 v21, v13;
	v15 =	vadd.f32 v16, v15  }
0x14d: {  	v45 =	vld [tilespmem:s12+$0xFAF0];
	v14 =	vadd.f32 v22, v14;
	v11 =	vadd.f32 v11, v12  }
0x14e: {  	v47 =	vld [tilespmem:s12+$0xFB20];
	v46 =	vadd.f32 v23, v13;
	v10 =	vadd.f32 v10, v15  }
0x14f: {  	v48 =	vld [tilespmem:s12+$0xFB30];
	v14 =	vadd.f32 v42, v14;
	v9 =	vadd.f32 v9, v11  }
0x150: {  	v50 =	vld [tilespmem:s12+$0xFB60];
	v49 =	vadd.f32 v43, v46;
	v8 =	vadd.f32 v8, v10  }
0x151: {  	v51 =	vld [tilespmem:s12+$0xFB70];
	v14 =	vadd.f32 v44, v14;
	v6 =	vadd.f32 v6, v9  }
0x152: {  	v53 =	vld [tilespmem:s12+$0xFBA0];
	v52 =	vadd.f32 v45, v49;
	v7 =	vadd.f32 v7, v8  }
0x153: {  	v54 =	vld [tilespmem:s12+$0xFBB0];
	v13 =	vadd.f32 v47, v14;
	v4 =	vadd.f32 v4, v6  }
0x154: {  	v56 =	vld [tilespmem:s12+$0xFBE0];
	v55 =	vadd.f32 v48, v52;
	v5 =	vadd.f32 v5, v7  }
0x155: {  	v57 =	vld [tilespmem:s12+$0xFBF0];
	v12 =	vadd.f32 v50, v13;
	v2 =	vadd.f32 v2, v4  }
0x156: {  	s14 =	sadd.s32 $0x578, s1;
	s31 =	sadd.s32 $0x1, s31;
	v58 =	vadd.f32 v51, v55;
	v3 =	vadd.f32 v3, v5  }
0x157: {  	[tilespmem:s21], [sflag:$0x4] =	stream.indirect.gather [hbm4b:s3+s8], $0x40, s14, s8, $0xb8;
	v59 =	vadd.f32 v53, v12;
	v0 =	vadd.f32 v0, v2;
	[tilespmem:$0x14C00] =	vst v63  }
0x158: {  	s14 =	sadd.s32 $0x5F8, s1;
	p0 =	sne.s32 s31, $0x1F;
	v60 =	vadd.f32 v54, v58;
	v1 =	vadd.f32 v1, v3  }
0x159: {  	[tilespmem:s23], [sflag:$0x4] =	stream.indirect.gather [hbm4b:s3+s10], $0x40, s14, s10, $0xb8;
	v61 =	vadd.f32 v56, v59;
	v0 =	vmul.f32 $4.999999890e-03, v0;
	[tilespmem:$0x14C00] =	vst v63  }
.Ltmp4:
0x15a: {  	v2 =	vadd.f32 v57, v60;
	v1 =	vmul.f32 $4.999999890e-03, v1;
	(pc) =	sbr.rel @p0 .LBB2_2-.Ltmp4, $4  }
0x15b: {  	[tilespmem:s0+$0x12CC0] =	vst v0;
	v62 =	vmul.f32 $4.999999890e-03, v61  }
0x15c: {  	[tilespmem:s0+$0x12CD0] =	vst v1;
	v63 =	vmul.f32 $4.999999890e-03, v2  }
0x15d: {  	[tilespmem:s0+$0x12CE0] =	vst v62  }
0x15e: {  	[tilespmem:s0+$0x12CF0] =	vst v63  }
0x15f: {  	_ =	swait.ge [sflag:s24], $0x2000  }
0x160: {  	[sflag:s24] =	ssyncset.done $0x0  }
0x161: {  	[sflag:s24] =	ssyncadd.s32 $0xFFFFE000  }
0x162: {  	_ =	swait.ge [sflag:s24], $0x1200  }
0x163: {  	[sflag:s24] =	ssyncset.done $0x0  }
0x164: {  	s0 =	simm.s32 $0x0;
	[sflag:s24] =	ssyncadd.s32 $0xFFFFEE00  }
0x165: {  	v0 =	vld [tilespmem:s0+$0x65C0]  }
0x166: {  	v1 =	vld [tilespmem:s0+$0x65D0]  }
0x167: {  	v2 =	vld [tilespmem:s0+$0x6580]  }
0x168: {  	v3 =	vld [tilespmem:s0+$0x6590]  }
0x169: {  	v4 =	vld [tilespmem:s0+$0x6540]  }
0x16a: {  	v5 =	vld [tilespmem:s0+$0x6550]  }
0x16b: {  	v6 =	vld [tilespmem:s0+$0x6500]  }
0x16c: {  	v7 =	vld [tilespmem:s0+$0x6510]  }
0x16d: {  	v9 =	vld [tilespmem:s0+$0x64C0]  }
0x16e: {  	v8 =	vld [tilespmem:s0+$0x64D0]  }
0x16f: {  	v11 =	vld [tilespmem:s0+$0x6480]  }
0x170: {  	v10 =	vld [tilespmem:s0+$0x6490]  }
0x171: {  	v17 =	vld [tilespmem:s0+$0x6440]  }
0x172: {  	v16 =	vld [tilespmem:s0+$0x6450]  }
0x173: {  	v19 =	vld [tilespmem:s0+$0x6400]  }
0x174: {  	v12 =	vimm.f32 $0.0e+00;
	v20 =	vld [tilespmem:s0+$0x6410]  }
0x175: {  	s1 =	simm.s32 $0x800;
	v15 =	vimm.f32 $0.0e+00;
	v14 =	vimm.f32 $0.0e+00;
	v13 =	vimm.f32 $0.0e+00;
	v18 =	vld [tilespmem:s0+$0x6420]  }
.LBB2_12:
0x176: {  	p0 =	sne.s32 s1, $0xC000;
	v21 =	vld [tilespmem:s0+$0x6430]  }
0x177: {  	v22 =	vld [tilespmem:s0+$0x6460]  }
0x178: {  	v23 =	vld [tilespmem:s0+$0x6470]  }
0x179: {  	v24 =	vld [tilespmem:s0+$0x64A0]  }
0x17a: {  	v12 =	vadd.f32 v19, v12;
	v15 =	vadd.f32 v20, v15;
	v19 =	vld [tilespmem:s0+$0x64B0]  }
0x17b: {  	v14 =	vadd.f32 v18, v14;
	v13 =	vadd.f32 v21, v13;
	v18 =	vld [tilespmem:s0+$0x64E0]  }
0x17c: {  	v12 =	vadd.f32 v17, v12;
	v15 =	vadd.f32 v16, v15;
	v16 =	vld [tilespmem:s0+$0x64F0]  }
0x17d: {  	v14 =	vadd.f32 v22, v14;
	v13 =	vadd.f32 v23, v13;
	v17 =	vld [tilespmem:s0+$0x6520]  }
0x17e: {  	v11 =	vadd.f32 v11, v12;
	v10 =	vadd.f32 v10, v15;
	v12 =	vld [tilespmem:s0+$0x6530]  }
0x17f: {  	v14 =	vadd.f32 v24, v14;
	v13 =	vadd.f32 v19, v13;
	v15 =	vld [tilespmem:s0+$0x6560]  }
0x180: {  	v9 =	vadd.f32 v9, v11;
	v8 =	vadd.f32 v8, v10;
	v10 =	vld [tilespmem:s0+$0x6570]  }
0x181: {  	v11 =	vadd.f32 v18, v14;
	v13 =	vadd.f32 v16, v13;
	v14 =	vld [tilespmem:s0+$0x65A0]  }
0x182: {  	v6 =	vadd.f32 v6, v9;
	v7 =	vadd.f32 v7, v8;
	v8 =	vld [tilespmem:s0+$0x65B0]  }
0x183: {  	v9 =	vadd.f32 v17, v11;
	v11 =	vadd.f32 v12, v13;
	v13 =	vld [tilespmem:s0+$0x65E0]  }
0x184: {  	v4 =	vadd.f32 v4, v6;
	v5 =	vadd.f32 v5, v7;
	v6 =	vld [tilespmem:s0+$0x65F0];
	s0 =	sshra.s32 s1, $0x2  }
0x185: {  	v9 =	vadd.f32 v15, v9;
	v7 =	vld [tilespmem:s0+$0x65C0];
	v10 =	vadd.f32 v10, v11  }
0x186: {  	v4 =	vadd.f32 v2, v4;
	v5 =	vadd.f32 v3, v5;
	v11 =	vld [tilespmem:s0+$0x65D0]  }
0x187: {  	v9 =	vadd.f32 v14, v9;
	v2 =	vld [tilespmem:s0+$0x6580];
	v8 =	vadd.f32 v8, v10  }
0x188: {  	v12 =	vadd.f32 v0, v4;
	v15 =	vadd.f32 v1, v5;
	v3 =	vld [tilespmem:s0+$0x6590]  }
0x189: {  	v14 =	vadd.f32 v13, v9;
	v4 =	vld [tilespmem:s0+$0x6540];
	v13 =	vadd.f32 v6, v8  }
0x18a: {  	v5 =	vld [tilespmem:s0+$0x6550];
	v0 =	vmov v7  }
0x18b: {  	v6 =	vld [tilespmem:s0+$0x6500];
	v1 =	vmov v11  }
0x18c: {  	v7 =	vld [tilespmem:s0+$0x6510]  }
0x18d: {  	v9 =	vld [tilespmem:s0+$0x64C0]  }
0x18e: {  	v8 =	vld [tilespmem:s0+$0x64D0]  }
0x18f: {  	v11 =	vld [tilespmem:s0+$0x6480]  }
0x190: {  	v10 =	vld [tilespmem:s0+$0x6490]  }
.Ltmp5:
0x191: {  	v17 =	vld [tilespmem:s0+$0x6440];
	(pc) =	sbr.rel @p0 .LBB2_12-.Ltmp5, $4  }
0x192: {  	v16 =	vld [tilespmem:s0+$0x6450]  }
0x193: {  	v19 =	vld [tilespmem:s0+$0x6400]  }
0x194: {  	v20 =	vld [tilespmem:s0+$0x6410]  }
0x195: {  	s1 =	sadd.s32 $0x800, s1;
	v18 =	vld [tilespmem:s0+$0x6420]  }
0x196: {  	v21 =	vld [tilespmem:s0+$0x6430]  }
0x197: {  	v22 =	vld [tilespmem:s0+$0x6460]  }
0x198: {  	v23 =	vld [tilespmem:s0+$0x6470];
	v12 =	vadd.f32 v19, v12  }
0x199: {  	v19 =	vld [tilespmem:s0+$0x64A0];
	v15 =	vadd.f32 v20, v15  }
0x19a: {  	v20 =	vld [tilespmem:s0+$0x64B0];
	v14 =	vadd.f32 v18, v14;
	v12 =	vadd.f32 v17, v12  }
0x19b: {  	v17 =	vld [tilespmem:s0+$0x64E0];
	v13 =	vadd.f32 v21, v13;
	v15 =	vadd.f32 v16, v15  }
0x19c: {  	v16 =	vld [tilespmem:s0+$0x64F0];
	v14 =	vadd.f32 v22, v14;
	v11 =	vadd.f32 v11, v12  }
0x19d: {  	v12 =	vadd.f32 v23, v13;
	v13 =	vld [tilespmem:s0+$0x6520];
	v10 =	vadd.f32 v10, v15  }
0x19e: {  	v15 =	vld [tilespmem:s0+$0x6530];
	v14 =	vadd.f32 v19, v14;
	v9 =	vadd.f32 v9, v11  }
0x19f: {  	v11 =	vadd.f32 v20, v12;
	v12 =	vld [tilespmem:s0+$0x6560];
	v8 =	vadd.f32 v8, v10  }
0x1a0: {  	v10 =	vld [tilespmem:s0+$0x6570];
	v14 =	vadd.f32 v17, v14;
	v6 =	vadd.f32 v6, v9  }
0x1a1: {  	v9 =	vadd.f32 v16, v11;
	v11 =	vld [tilespmem:s0+$0x65A0];
	v7 =	vadd.f32 v7, v8  }
0x1a2: {  	v8 =	vld [tilespmem:s0+$0x65B0];
	v13 =	vadd.f32 v13, v14;
	v4 =	vadd.f32 v4, v6  }
0x1a3: {  	v6 =	vadd.f32 v15, v9;
	v9 =	vld [tilespmem:s0+$0x65E0];
	v5 =	vadd.f32 v5, v7  }
0x1a4: {  	v7 =	vld [tilespmem:s0+$0x65F0];
	v12 =	vadd.f32 v12, v13;
	v2 =	vadd.f32 v2, v4  }
0x1a5: {  	v4 =	vadd.f32 v10, v6;
	v3 =	vadd.f32 v3, v5  }
0x1a6: {  	v5 =	vadd.f32 v11, v12;
	v0 =	vadd.f32 v0, v2  }
0x1a7: {  	v2 =	vadd.f32 v8, v4;
	v1 =	vadd.f32 v1, v3  }
0x1a8: {  	v3 =	vadd.f32 v9, v5;
	v0 =	vmul.f32 $4.999999890e-03, v0  }
0x1a9: {  	v2 =	vadd.f32 v7, v2;
	v1 =	vmul.f32 $4.999999890e-03, v1  }
0x1aa: {  	[tilespmem:$0x14B00] =	vst v0;
	v0 =	vmul.f32 $4.999999890e-03, v3  }
0x1ab: {  	[tilespmem:$0x14B10] =	vst v1;
	v1 =	vmul.f32 $4.999999890e-03, v2  }
0x1ac: {  	[tilespmem:$0x14B20] =	vst v0  }
0x1ad: {  	[tilespmem:$0x14B30] =	vst v1  }
0x1ae: {  	_ =	swait.ge [sflag:s25], $0x2000  }
0x1af: {  	[sflag:s25] =	ssyncset.done $0x0  }
0x1b0: {  	[sflag:s25] =	ssyncadd.s32 $0xFFFFE000  }
0x1b1: {  	_ =	swait.ge [sflag:s25], $0x1200  }
0x1b2: {  	[sflag:s25] =	ssyncset.done $0x0  }
0x1b3: {  	s0 =	simm.s32 $0x0;
	[sflag:s25] =	ssyncadd.s32 $0xFFFFEE00  }
0x1b4: {  	v0 =	vld [tilespmem:s0+$0x97C0]  }
0x1b5: {  	v1 =	vld [tilespmem:s0+$0x97D0]  }
0x1b6: {  	v2 =	vld [tilespmem:s0+$0x9780]  }
0x1b7: {  	v3 =	vld [tilespmem:s0+$0x9790]  }
0x1b8: {  	v4 =	vld [tilespmem:s0+$0x9740]  }
0x1b9: {  	v5 =	vld [tilespmem:s0+$0x9750]  }
0x1ba: {  	v6 =	vld [tilespmem:s0+$0x9700]  }
0x1bb: {  	v7 =	vld [tilespmem:s0+$0x9710]  }
0x1bc: {  	v9 =	vld [tilespmem:s0+$0x96C0]  }
0x1bd: {  	v8 =	vld [tilespmem:s0+$0x96D0]  }
0x1be: {  	v11 =	vld [tilespmem:s0+$0x9680]  }
0x1bf: {  	v10 =	vld [tilespmem:s0+$0x9690]  }
0x1c0: {  	v17 =	vld [tilespmem:s0+$0x9640]  }
0x1c1: {  	v16 =	vld [tilespmem:s0+$0x9650]  }
0x1c2: {  	v19 =	vld [tilespmem:s0+$0x9600]  }
0x1c3: {  	v14 =	vimm.f32 $0.0e+00;
	v20 =	vld [tilespmem:s0+$0x9610]  }
0x1c4: {  	s1 =	simm.s32 $0x800;
	v15 =	vimm.f32 $0.0e+00;
	v13 =	vimm.f32 $0.0e+00;
	v12 =	vimm.f32 $0.0e+00;
	v18 =	vld [tilespmem:s0+$0x9620]  }
.LBB2_14:
0x1c5: {  	p0 =	sne.s32 s1, $0xC000;
	v21 =	vld [tilespmem:s0+$0x9630]  }
0x1c6: {  	v22 =	vld [tilespmem:s0+$0x9660]  }
0x1c7: {  	v23 =	vld [tilespmem:s0+$0x9670]  }
0x1c8: {  	v24 =	vld [tilespmem:s0+$0x96A0]  }
0x1c9: {  	v12 =	vadd.f32 v19, v12;
	v15 =	vadd.f32 v20, v15;
	v19 =	vld [tilespmem:s0+$0x96B0]  }
0x1ca: {  	v14 =	vadd.f32 v18, v14;
	v13 =	vadd.f32 v21, v13;
	v18 =	vld [tilespmem:s0+$0x96E0]  }
0x1cb: {  	v12 =	vadd.f32 v17, v12;
	v15 =	vadd.f32 v16, v15;
	v16 =	vld [tilespmem:s0+$0x96F0]  }
0x1cc: {  	v14 =	vadd.f32 v22, v14;
	v13 =	vadd.f32 v23, v13;
	v17 =	vld [tilespmem:s0+$0x9720]  }
0x1cd: {  	v11 =	vadd.f32 v11, v12;
	v10 =	vadd.f32 v10, v15;
	v12 =	vld [tilespmem:s0+$0x9730]  }
0x1ce: {  	v14 =	vadd.f32 v24, v14;
	v13 =	vadd.f32 v19, v13;
	v15 =	vld [tilespmem:s0+$0x9760]  }
0x1cf: {  	v9 =	vadd.f32 v9, v11;
	v8 =	vadd.f32 v8, v10;
	v10 =	vld [tilespmem:s0+$0x9770]  }
0x1d0: {  	v11 =	vadd.f32 v18, v14;
	v13 =	vadd.f32 v16, v13;
	v14 =	vld [tilespmem:s0+$0x97A0]  }
0x1d1: {  	v6 =	vadd.f32 v6, v9;
	v7 =	vadd.f32 v7, v8;
	v8 =	vld [tilespmem:s0+$0x97B0]  }
0x1d2: {  	v9 =	vadd.f32 v17, v11;
	v11 =	vadd.f32 v12, v13;
	v13 =	vld [tilespmem:s0+$0x97E0]  }
0x1d3: {  	v4 =	vadd.f32 v4, v6;
	v5 =	vadd.f32 v5, v7;
	v6 =	vld [tilespmem:s0+$0x97F0];
	s0 =	sshra.s32 s1, $0x2  }
0x1d4: {  	v9 =	vadd.f32 v15, v9;
	v7 =	vld [tilespmem:s0+$0x97C0];
	v10 =	vadd.f32 v10, v11  }
0x1d5: {  	v4 =	vadd.f32 v2, v4;
	v5 =	vadd.f32 v3, v5;
	v11 =	vld [tilespmem:s0+$0x97D0]  }
0x1d6: {  	v9 =	vadd.f32 v14, v9;
	v2 =	vld [tilespmem:s0+$0x9780];
	v8 =	vadd.f32 v8, v10  }
0x1d7: {  	v12 =	vadd.f32 v0, v4;
	v15 =	vadd.f32 v1, v5;
	v3 =	vld [tilespmem:s0+$0x9790]  }
0x1d8: {  	v14 =	vadd.f32 v13, v9;
	v4 =	vld [tilespmem:s0+$0x9740];
	v13 =	vadd.f32 v6, v8  }
0x1d9: {  	v5 =	vld [tilespmem:s0+$0x9750];
	v0 =	vmov v7  }
0x1da: {  	v6 =	vld [tilespmem:s0+$0x9700];
	v1 =	vmov v11  }
0x1db: {  	v7 =	vld [tilespmem:s0+$0x9710]  }
0x1dc: {  	v9 =	vld [tilespmem:s0+$0x96C0]  }
0x1dd: {  	v8 =	vld [tilespmem:s0+$0x96D0]  }
0x1de: {  	v11 =	vld [tilespmem:s0+$0x9680]  }
0x1df: {  	v10 =	vld [tilespmem:s0+$0x9690]  }
.Ltmp6:
0x1e0: {  	v17 =	vld [tilespmem:s0+$0x9640];
	(pc) =	sbr.rel @p0 .LBB2_14-.Ltmp6, $4  }
0x1e1: {  	v16 =	vld [tilespmem:s0+$0x9650]  }
0x1e2: {  	v19 =	vld [tilespmem:s0+$0x9600]  }
0x1e3: {  	v20 =	vld [tilespmem:s0+$0x9610]  }
0x1e4: {  	s1 =	sadd.s32 $0x800, s1;
	v18 =	vld [tilespmem:s0+$0x9620]  }
0x1e5: {  	v21 =	vld [tilespmem:s0+$0x9630]  }
0x1e6: {  	v22 =	vld [tilespmem:s0+$0x9660]  }
0x1e7: {  	v23 =	vld [tilespmem:s0+$0x9670];
	v12 =	vadd.f32 v19, v12  }
0x1e8: {  	v19 =	vld [tilespmem:s0+$0x96A0];
	v15 =	vadd.f32 v20, v15  }
0x1e9: {  	v20 =	vld [tilespmem:s0+$0x96B0];
	v14 =	vadd.f32 v18, v14;
	v12 =	vadd.f32 v17, v12  }
0x1ea: {  	v17 =	vld [tilespmem:s0+$0x96E0];
	v13 =	vadd.f32 v21, v13;
	v15 =	vadd.f32 v16, v15  }
0x1eb: {  	v16 =	vld [tilespmem:s0+$0x96F0];
	v14 =	vadd.f32 v22, v14;
	v11 =	vadd.f32 v11, v12  }
0x1ec: {  	v12 =	vadd.f32 v23, v13;
	v13 =	vld [tilespmem:s0+$0x9720];
	v10 =	vadd.f32 v10, v15  }
0x1ed: {  	v15 =	vld [tilespmem:s0+$0x9730];
	v14 =	vadd.f32 v19, v14;
	v9 =	vadd.f32 v9, v11  }
0x1ee: {  	v11 =	vadd.f32 v20, v12;
	v12 =	vld [tilespmem:s0+$0x9760];
	v8 =	vadd.f32 v8, v10  }
0x1ef: {  	v10 =	vld [tilespmem:s0+$0x9770];
	v14 =	vadd.f32 v17, v14;
	v6 =	vadd.f32 v6, v9  }
0x1f0: {  	v9 =	vadd.f32 v16, v11;
	v11 =	vld [tilespmem:s0+$0x97A0];
	v7 =	vadd.f32 v7, v8  }
0x1f1: {  	v8 =	vld [tilespmem:s0+$0x97B0];
	v13 =	vadd.f32 v13, v14;
	v4 =	vadd.f32 v4, v6  }
0x1f2: {  	v6 =	vadd.f32 v15, v9;
	v9 =	vld [tilespmem:s0+$0x97E0];
	v5 =	vadd.f32 v5, v7  }
0x1f3: {  	v7 =	vld [tilespmem:s0+$0x97F0];
	v12 =	vadd.f32 v12, v13;
	v2 =	vadd.f32 v2, v4  }
0x1f4: {  	v4 =	vadd.f32 v10, v6;
	v3 =	vadd.f32 v3, v5  }
0x1f5: {  	v5 =	vadd.f32 v11, v12;
	v0 =	vadd.f32 v0, v2  }
0x1f6: {  	v2 =	vadd.f32 v8, v4;
	v1 =	vadd.f32 v1, v3  }
0x1f7: {  	v3 =	vadd.f32 v9, v5;
	v0 =	vmul.f32 $4.999999890e-03, v0  }
0x1f8: {  	v2 =	vadd.f32 v7, v2;
	v1 =	vmul.f32 $4.999999890e-03, v1  }
0x1f9: {  	[tilespmem:$0x14B40] =	vst v0;
	v0 =	vmul.f32 $4.999999890e-03, v3  }
0x1fa: {  	[tilespmem:$0x14B50] =	vst v1;
	v1 =	vmul.f32 $4.999999890e-03, v2  }
0x1fb: {  	[tilespmem:$0x14B60] =	vst v0  }
0x1fc: {  	[tilespmem:$0x14B70] =	vst v1  }
0x1fd: {  	_ =	swait.ge [sflag:s26], $0x2000  }
0x1fe: {  	[sflag:s26] =	ssyncset.done $0x0  }
0x1ff: {  	[sflag:s26] =	ssyncadd.s32 $0xFFFFE000  }
0x200: {  	_ =	swait.ge [sflag:s26], $0x1200  }
0x201: {  	[sflag:s26] =	ssyncset.done $0x0  }
0x202: {  	s0 =	simm.s32 $0x0;
	[sflag:s26] =	ssyncadd.s32 $0xFFFFEE00  }
0x203: {  	v0 =	vld [tilespmem:s0+$0xC9C0]  }
0x204: {  	v1 =	vld [tilespmem:s0+$0xC9D0]  }
0x205: {  	v2 =	vld [tilespmem:s0+$0xC980]  }
0x206: {  	v3 =	vld [tilespmem:s0+$0xC990]  }
0x207: {  	v4 =	vld [tilespmem:s0+$0xC940]  }
0x208: {  	v5 =	vld [tilespmem:s0+$0xC950]  }
0x209: {  	v6 =	vld [tilespmem:s0+$0xC900]  }
0x20a: {  	v7 =	vld [tilespmem:s0+$0xC910]  }
0x20b: {  	v9 =	vld [tilespmem:s0+$0xC8C0]  }
0x20c: {  	v8 =	vld [tilespmem:s0+$0xC8D0]  }
0x20d: {  	v11 =	vld [tilespmem:s0+$0xC880]  }
0x20e: {  	v10 =	vld [tilespmem:s0+$0xC890]  }
0x20f: {  	v17 =	vld [tilespmem:s0+$0xC840]  }
0x210: {  	v16 =	vld [tilespmem:s0+$0xC850]  }
0x211: {  	v19 =	vld [tilespmem:s0+$0xC800]  }
0x212: {  	v14 =	vimm.f32 $0.0e+00;
	v20 =	vld [tilespmem:s0+$0xC810]  }
0x213: {  	s1 =	simm.s32 $0x800;
	v15 =	vimm.f32 $0.0e+00;
	v13 =	vimm.f32 $0.0e+00;
	v12 =	vimm.f32 $0.0e+00;
	v18 =	vld [tilespmem:s0+$0xC820]  }
.LBB2_16:
0x214: {  	p0 =	sne.s32 s1, $0xC000;
	v21 =	vld [tilespmem:s0+$0xC830]  }
0x215: {  	v22 =	vld [tilespmem:s0+$0xC860]  }
0x216: {  	v23 =	vld [tilespmem:s0+$0xC870]  }
0x217: {  	v24 =	vld [tilespmem:s0+$0xC8A0]  }
0x218: {  	v12 =	vadd.f32 v19, v12;
	v15 =	vadd.f32 v20, v15;
	v19 =	vld [tilespmem:s0+$0xC8B0]  }
0x219: {  	v14 =	vadd.f32 v18, v14;
	v13 =	vadd.f32 v21, v13;
	v18 =	vld [tilespmem:s0+$0xC8E0]  }
0x21a: {  	v12 =	vadd.f32 v17, v12;
	v15 =	vadd.f32 v16, v15;
	v16 =	vld [tilespmem:s0+$0xC8F0]  }
0x21b: {  	v14 =	vadd.f32 v22, v14;
	v13 =	vadd.f32 v23, v13;
	v17 =	vld [tilespmem:s0+$0xC920]  }
0x21c: {  	v11 =	vadd.f32 v11, v12;
	v10 =	vadd.f32 v10, v15;
	v12 =	vld [tilespmem:s0+$0xC930]  }
0x21d: {  	v14 =	vadd.f32 v24, v14;
	v13 =	vadd.f32 v19, v13;
	v15 =	vld [tilespmem:s0+$0xC960]  }
0x21e: {  	v9 =	vadd.f32 v9, v11;
	v8 =	vadd.f32 v8, v10;
	v10 =	vld [tilespmem:s0+$0xC970]  }
0x21f: {  	v11 =	vadd.f32 v18, v14;
	v13 =	vadd.f32 v16, v13;
	v14 =	vld [tilespmem:s0+$0xC9A0]  }
0x220: {  	v6 =	vadd.f32 v6, v9;
	v7 =	vadd.f32 v7, v8;
	v8 =	vld [tilespmem:s0+$0xC9B0]  }
0x221: {  	v9 =	vadd.f32 v17, v11;
	v11 =	vadd.f32 v12, v13;
	v13 =	vld [tilespmem:s0+$0xC9E0]  }
0x222: {  	v4 =	vadd.f32 v4, v6;
	v5 =	vadd.f32 v5, v7;
	v6 =	vld [tilespmem:s0+$0xC9F0];
	s0 =	sshra.s32 s1, $0x2  }
0x223: {  	v9 =	vadd.f32 v15, v9;
	v7 =	vld [tilespmem:s0+$0xC9C0];
	v10 =	vadd.f32 v10, v11  }
0x224: {  	v4 =	vadd.f32 v2, v4;
	v5 =	vadd.f32 v3, v5;
	v11 =	vld [tilespmem:s0+$0xC9D0]  }
0x225: {  	v9 =	vadd.f32 v14, v9;
	v2 =	vld [tilespmem:s0+$0xC980];
	v8 =	vadd.f32 v8, v10  }
0x226: {  	v12 =	vadd.f32 v0, v4;
	v15 =	vadd.f32 v1, v5;
	v3 =	vld [tilespmem:s0+$0xC990]  }
0x227: {  	v14 =	vadd.f32 v13, v9;
	v4 =	vld [tilespmem:s0+$0xC940];
	v13 =	vadd.f32 v6, v8  }
0x228: {  	v5 =	vld [tilespmem:s0+$0xC950];
	v0 =	vmov v7  }
0x229: {  	v6 =	vld [tilespmem:s0+$0xC900];
	v1 =	vmov v11  }
0x22a: {  	v7 =	vld [tilespmem:s0+$0xC910]  }
0x22b: {  	v9 =	vld [tilespmem:s0+$0xC8C0]  }
0x22c: {  	v8 =	vld [tilespmem:s0+$0xC8D0]  }
0x22d: {  	v11 =	vld [tilespmem:s0+$0xC880]  }
0x22e: {  	v10 =	vld [tilespmem:s0+$0xC890]  }
.Ltmp7:
0x22f: {  	v17 =	vld [tilespmem:s0+$0xC840];
	(pc) =	sbr.rel @p0 .LBB2_16-.Ltmp7, $4  }
0x230: {  	v16 =	vld [tilespmem:s0+$0xC850]  }
0x231: {  	v19 =	vld [tilespmem:s0+$0xC800]  }
0x232: {  	v20 =	vld [tilespmem:s0+$0xC810]  }
0x233: {  	s1 =	sadd.s32 $0x800, s1;
	v18 =	vld [tilespmem:s0+$0xC820]  }
0x234: {  	v21 =	vld [tilespmem:s0+$0xC830]  }
0x235: {  	v22 =	vld [tilespmem:s0+$0xC860]  }
0x236: {  	v23 =	vld [tilespmem:s0+$0xC870];
	v12 =	vadd.f32 v19, v12  }
0x237: {  	v19 =	vld [tilespmem:s0+$0xC8A0];
	v15 =	vadd.f32 v20, v15  }
0x238: {  	v20 =	vld [tilespmem:s0+$0xC8B0];
	v14 =	vadd.f32 v18, v14;
	v12 =	vadd.f32 v17, v12  }
0x239: {  	v17 =	vld [tilespmem:s0+$0xC8E0];
	v13 =	vadd.f32 v21, v13;
	v15 =	vadd.f32 v16, v15  }
0x23a: {  	v16 =	vld [tilespmem:s0+$0xC8F0];
	v14 =	vadd.f32 v22, v14;
	v11 =	vadd.f32 v11, v12  }
0x23b: {  	v12 =	vadd.f32 v23, v13;
	v13 =	vld [tilespmem:s0+$0xC920];
	v10 =	vadd.f32 v10, v15  }
0x23c: {  	v15 =	vld [tilespmem:s0+$0xC930];
	v14 =	vadd.f32 v19, v14;
	v9 =	vadd.f32 v9, v11  }
0x23d: {  	v11 =	vadd.f32 v20, v12;
	v12 =	vld [tilespmem:s0+$0xC960];
	v8 =	vadd.f32 v8, v10  }
0x23e: {  	v10 =	vld [tilespmem:s0+$0xC970];
	v14 =	vadd.f32 v17, v14;
	v6 =	vadd.f32 v6, v9  }
0x23f: {  	v9 =	vadd.f32 v16, v11;
	v11 =	vld [tilespmem:s0+$0xC9A0];
	v7 =	vadd.f32 v7, v8  }
0x240: {  	v8 =	vld [tilespmem:s0+$0xC9B0];
	v13 =	vadd.f32 v13, v14;
	v4 =	vadd.f32 v4, v6  }
0x241: {  	v6 =	vadd.f32 v15, v9;
	v9 =	vld [tilespmem:s0+$0xC9E0];
	v5 =	vadd.f32 v5, v7  }
0x242: {  	v7 =	vld [tilespmem:s0+$0xC9F0];
	v12 =	vadd.f32 v12, v13;
	v2 =	vadd.f32 v2, v4  }
0x243: {  	v4 =	vadd.f32 v10, v6;
	v3 =	vadd.f32 v3, v5  }
0x244: {  	v5 =	vadd.f32 v11, v12;
	v0 =	vadd.f32 v0, v2  }
0x245: {  	v2 =	vadd.f32 v8, v4;
	v1 =	vadd.f32 v1, v3  }
0x246: {  	v3 =	vadd.f32 v9, v5;
	v0 =	vmul.f32 $4.999999890e-03, v0  }
0x247: {  	v2 =	vadd.f32 v7, v2;
	v1 =	vmul.f32 $4.999999890e-03, v1  }
0x248: {  	[tilespmem:$0x14B80] =	vst v0;
	v0 =	vmul.f32 $4.999999890e-03, v3  }
0x249: {  	[tilespmem:$0x14B90] =	vst v1;
	v1 =	vmul.f32 $4.999999890e-03, v2  }
0x24a: {  	[tilespmem:$0x14BA0] =	vst v0  }
0x24b: {  	[tilespmem:$0x14BB0] =	vst v1  }
0x24c: {  	_ =	swait.ge [sflag:s28], $0x2000  }
0x24d: {  	[sflag:s28] =	ssyncset.done $0x0  }
0x24e: {  	[sflag:s28] =	ssyncadd.s32 $0xFFFFE000  }
0x24f: {  	_ =	swait.ge [sflag:s28], $0x1200  }
0x250: {  	[sflag:s28] =	ssyncset.done $0x0  }
0x251: {  	s0 =	simm.s32 $0x0;
	[sflag:s28] =	ssyncadd.s32 $0xFFFFEE00  }
0x252: {  	v0 =	vld [tilespmem:s0+$0xFBC0]  }
0x253: {  	v1 =	vld [tilespmem:s0+$0xFBD0]  }
0x254: {  	v2 =	vld [tilespmem:s0+$0xFB80]  }
0x255: {  	v3 =	vld [tilespmem:s0+$0xFB90]  }
0x256: {  	v4 =	vld [tilespmem:s0+$0xFB40]  }
0x257: {  	v5 =	vld [tilespmem:s0+$0xFB50]  }
0x258: {  	v6 =	vld [tilespmem:s0+$0xFB00]  }
0x259: {  	v7 =	vld [tilespmem:s0+$0xFB10]  }
0x25a: {  	v9 =	vld [tilespmem:s0+$0xFAC0]  }
0x25b: {  	v8 =	vld [tilespmem:s0+$0xFAD0]  }
0x25c: {  	v11 =	vld [tilespmem:s0+$0xFA80]  }
0x25d: {  	v10 =	vld [tilespmem:s0+$0xFA90]  }
0x25e: {  	v17 =	vld [tilespmem:s0+$0xFA40]  }
0x25f: {  	v16 =	vld [tilespmem:s0+$0xFA50]  }
0x260: {  	v19 =	vld [tilespmem:s0+$0xFA00]  }
0x261: {  	v14 =	vimm.f32 $0.0e+00;
	v20 =	vld [tilespmem:s0+$0xFA10]  }
0x262: {  	s1 =	simm.s32 $0x800;
	v15 =	vimm.f32 $0.0e+00;
	v13 =	vimm.f32 $0.0e+00;
	v12 =	vimm.f32 $0.0e+00;
	v18 =	vld [tilespmem:s0+$0xFA20]  }
.LBB2_18:
0x263: {  	p0 =	sne.s32 s1, $0xC000;
	v21 =	vld [tilespmem:s0+$0xFA30]  }
0x264: {  	v22 =	vld [tilespmem:s0+$0xFA60]  }
0x265: {  	v23 =	vld [tilespmem:s0+$0xFA70]  }
0x266: {  	v24 =	vld [tilespmem:s0+$0xFAA0]  }
0x267: {  	v12 =	vadd.f32 v19, v12;
	v15 =	vadd.f32 v20, v15;
	v19 =	vld [tilespmem:s0+$0xFAB0]  }
0x268: {  	v14 =	vadd.f32 v18, v14;
	v13 =	vadd.f32 v21, v13;
	v18 =	vld [tilespmem:s0+$0xFAE0]  }
0x269: {  	v12 =	vadd.f32 v17, v12;
	v15 =	vadd.f32 v16, v15;
	v16 =	vld [tilespmem:s0+$0xFAF0]  }
0x26a: {  	v14 =	vadd.f32 v22, v14;
	v13 =	vadd.f32 v23, v13;
	v17 =	vld [tilespmem:s0+$0xFB20]  }
0x26b: {  	v11 =	vadd.f32 v11, v12;
	v10 =	vadd.f32 v10, v15;
	v12 =	vld [tilespmem:s0+$0xFB30]  }
0x26c: {  	v14 =	vadd.f32 v24, v14;
	v13 =	vadd.f32 v19, v13;
	v15 =	vld [tilespmem:s0+$0xFB60]  }
0x26d: {  	v9 =	vadd.f32 v9, v11;
	v8 =	vadd.f32 v8, v10;
	v10 =	vld [tilespmem:s0+$0xFB70]  }
0x26e: {  	v11 =	vadd.f32 v18, v14;
	v13 =	vadd.f32 v16, v13;
	v14 =	vld [tilespmem:s0+$0xFBA0]  }
0x26f: {  	v6 =	vadd.f32 v6, v9;
	v7 =	vadd.f32 v7, v8;
	v8 =	vld [tilespmem:s0+$0xFBB0]  }
0x270: {  	v9 =	vadd.f32 v17, v11;
	v11 =	vadd.f32 v12, v13;
	v13 =	vld [tilespmem:s0+$0xFBE0]  }
0x271: {  	v4 =	vadd.f32 v4, v6;
	v5 =	vadd.f32 v5, v7;
	v6 =	vld [tilespmem:s0+$0xFBF0];
	s0 =	sshra.s32 s1, $0x2  }
0x272: {  	v9 =	vadd.f32 v15, v9;
	v7 =	vld [tilespmem:s0+$0xFBC0];
	v10 =	vadd.f32 v10, v11  }
0x273: {  	v4 =	vadd.f32 v2, v4;
	v5 =	vadd.f32 v3, v5;
	v11 =	vld [tilespmem:s0+$0xFBD0]  }
0x274: {  	v9 =	vadd.f32 v14, v9;
	v2 =	vld [tilespmem:s0+$0xFB80];
	v8 =	vadd.f32 v8, v10  }
0x275: {  	v12 =	vadd.f32 v0, v4;
	v15 =	vadd.f32 v1, v5;
	v3 =	vld [tilespmem:s0+$0xFB90]  }
0x276: {  	v14 =	vadd.f32 v13, v9;
	v4 =	vld [tilespmem:s0+$0xFB40];
	v13 =	vadd.f32 v6, v8  }
0x277: {  	v5 =	vld [tilespmem:s0+$0xFB50];
	v0 =	vmov v7  }
0x278: {  	v6 =	vld [tilespmem:s0+$0xFB00];
	v1 =	vmov v11  }
0x279: {  	v7 =	vld [tilespmem:s0+$0xFB10]  }
0x27a: {  	v9 =	vld [tilespmem:s0+$0xFAC0]  }
0x27b: {  	v8 =	vld [tilespmem:s0+$0xFAD0]  }
0x27c: {  	v11 =	vld [tilespmem:s0+$0xFA80]  }
0x27d: {  	v10 =	vld [tilespmem:s0+$0xFA90]  }
.Ltmp8:
0x27e: {  	v17 =	vld [tilespmem:s0+$0xFA40];
	(pc) =	sbr.rel @p0 .LBB2_18-.Ltmp8, $4  }
0x27f: {  	v16 =	vld [tilespmem:s0+$0xFA50]  }
0x280: {  	v19 =	vld [tilespmem:s0+$0xFA00]  }
0x281: {  	v20 =	vld [tilespmem:s0+$0xFA10]  }
0x282: {  	s1 =	sadd.s32 $0x800, s1;
	v18 =	vld [tilespmem:s0+$0xFA20]  }
0x283: {  	v21 =	vld [tilespmem:s0+$0xFA30]  }
0x284: {  	v22 =	vld [tilespmem:s0+$0xFA60]  }
0x285: {  	v23 =	vld [tilespmem:s0+$0xFA70];
	v12 =	vadd.f32 v19, v12  }
0x286: {  	v42 =	vld [tilespmem:s0+$0xFAA0];
	v15 =	vadd.f32 v20, v15  }
0x287: {  	v43 =	vld [tilespmem:s0+$0xFAB0];
	v14 =	vadd.f32 v18, v14;
	v12 =	vadd.f32 v17, v12  }
0x288: {  	v44 =	vld [tilespmem:s0+$0xFAE0];
	v13 =	vadd.f32 v21, v13;
	v15 =	vadd.f32 v16, v15  }
0x289: {  	v45 =	vld [tilespmem:s0+$0xFAF0];
	v14 =	vadd.f32 v22, v14;
	v11 =	vadd.f32 v11, v12  }
0x28a: {  	v47 =	vld [tilespmem:s0+$0xFB20];
	v46 =	vadd.f32 v23, v13;
	v10 =	vadd.f32 v10, v15  }
0x28b: {  	v48 =	vld [tilespmem:s0+$0xFB30];
	v14 =	vadd.f32 v42, v14;
	v9 =	vadd.f32 v9, v11  }
0x28c: {  	v50 =	vld [tilespmem:s0+$0xFB60];
	v49 =	vadd.f32 v43, v46;
	v8 =	vadd.f32 v8, v10  }
0x28d: {  	v51 =	vld [tilespmem:s0+$0xFB70];
	v14 =	vadd.f32 v44, v14;
	v6 =	vadd.f32 v6, v9  }
0x28e: {  	v53 =	vld [tilespmem:s0+$0xFBA0];
	v52 =	vadd.f32 v45, v49;
	v7 =	vadd.f32 v7, v8  }
0x28f: {  	v54 =	vld [tilespmem:s0+$0xFBB0];
	v13 =	vadd.f32 v47, v14;
	v4 =	vadd.f32 v4, v6  }
0x290: {  	v56 =	vld [tilespmem:s0+$0xFBE0];
	v55 =	vadd.f32 v48, v52;
	v5 =	vadd.f32 v5, v7  }
0x291: {  	v57 =	vld [tilespmem:s0+$0xFBF0];
	v12 =	vadd.f32 v50, v13;
	v2 =	vadd.f32 v2, v4  }
0x292: {  	v58 =	vadd.f32 v51, v55;
	v3 =	vadd.f32 v3, v5  }
0x293: {  	v59 =	vadd.f32 v53, v12;
	v0 =	vadd.f32 v0, v2  }
0x294: {  	v60 =	vadd.f32 v54, v58;
	v1 =	vadd.f32 v1, v3  }
0x295: {  	v61 =	vadd.f32 v56, v59;
	v0 =	vmul.f32 $4.999999890e-03, v0  }
0x296: {  	v2 =	vadd.f32 v57, v60;
	v1 =	vmul.f32 $4.999999890e-03, v1  }
0x297: {  	[tilespmem:$0x14BC0] =	vst v0;
	v62 =	vmul.f32 $4.999999890e-03, v61  }
0x298: {  	s30 =	sadd.s32 $0x1, s30;
	[tilespmem:$0x14BD0] =	vst v1;
	v63 =	vmul.f32 $4.999999890e-03, v2  }
0x299: {  	p0 =	sne.s32 s30, s6;
	[tilespmem:$0x14BE0] =	vst v62  }
.Ltmp9:
0x29a: {  	[tilespmem:$0x14BF0] =	vst v63;
	(pc) =	sbr.rel @p0 .LBB2_1-.Ltmp9, $4  }
0x29b: {  	[hbm4b:s5+s2] =	stream.linear.scatter [tilespmem:s29], [sflag:$0x5], $0x2000, $0x38;
	[tilespmem:$0x14C00] =	vst v63  }
0x29c: {  	_ =	swait.ge [sflag:s7], $0x2000  }
0x29d: {  	[sflag:s7] =	ssyncset.done $0x0  }
0x29e: {  	[sflag:s7] =	ssyncadd.s32 $0xFFFFE000  }
0x29f: {  	_ =	sfence.sel $0x180000  }
0x2a0: {  	[bflag:$0x0] =	sbarrier.arrive $0xFFFF  }
0x2a1: {  	_ =	strace $0x90000047  }
0x2a2: {  	s0 =	stileid.u32;
	[bflag:$0x2] =	sbarrier.arrive $0xFFFF  }
0x2a3: {  	p0 =	sne.s32 s0, $0x0;
	s0 =	rddreg [dreg:$0x2]  }
0x2a4: {  	s0 =	sadd.s32 @!p0 $0x100000, s0  }
0x2a5: {  	[sflag:s0] =	ssyncadd.tile.s32 @!p0 $0x1;
	_ =	shalt  }
.Lfunc_end2:
_tile_overlayer_lowered:
.L_overlay_start_2:
0x2a6: {  	(tag) =	ssettag $0x2  }
0x2a7: {  	s0 =	rddreg [dreg:$0x0];
	s2 =	stileid.u32  }
0x2a8: {  	s1 =	rddreg [dreg:$0x1];
	p0 =	sne.s32 s2, $0x0  }
0x2a9: {  	s3 =	rddreg [dreg:$0x2];
	[bflag:$0x3] =	sbarrier.arrive $0xFFFF;
	s2 =	simm.s32 @!p0 $0x1C05  }
0x2aa: {  	[timem:s3], [sflag:s2] =	dma.local @!p0 [hbm:s0], s1  }
0x2ab: {  	s0 =	simm.s32 @!p0 $0x5  }
0x2ac: {  	_ =	swait.ge @!p0 [sflag:s0], s1  }
0x2ad: {  	s1 =	ssub.s32 @!p0 $0x0, s1;
	[sflag:s0] =	ssyncset.done @!p0 $0x0  }
0x2ae: {  	[sflag:s0] =	ssyncadd.s32 @!p0 s1  }
0x2af: {  	[bflag:$0x3] =	sbarrier.arrive $0xFFFF  }
0x2b0: {  	_ =	shalt  }

</sc_bundles>
